<compile_context>
chip_gen: v7x
topology: tpu7x:2x2x1
jax: 0.10.2.dev20260603
libtpu: 0.0.44.dev20260713+nightly
codegen_flags: <defaults>
</compile_context>

<pallas_src>
import functools

import jax
import jax.numpy as jnp
import numpy as np
from jax import lax
from jax.experimental import pallas as pl
from jax.experimental.pallas import tpu as pltpu
from jax.experimental.pallas import tpu_sc as plsc

_B, _T = 4096, 20
_NC, _NS = 2, 16
_NW = _NC * _NS
_BPW = _B // _NW
_NG = _BPW // 16

_RAW_DIAB, _RAW_HR, _RAW_SB, _RAW_GL, _RAW_PO = 0, 2, 8, 14, 24
_LS_OFF = 28


def _gumbel_packed():
    def gum(key, shape):
        u = jax.random.uniform(key, shape, minval=1e-6, maxval=1.0 - 1e-6)
        return -jnp.log(-jnp.log(u))

    skey = jax.random.key(42)
    cols = [gum(jax.random.fold_in(skey, i), (_B, n))
            for i, n in enumerate((2, 3, 3, 5, 2))]
    g = jnp.concatenate(cols, axis=1)
    return g.T.reshape(15, _NW, _BPW).transpose(1, 0, 2)


def _ls_body(x_ref, o_ref):
    x = x_ref[...]
    m = jnp.max(x, axis=1, keepdims=True)
    e = jnp.exp(x - m)
    s = jnp.sum(e, axis=1, keepdims=True)
    o_ref[...] = x - (jnp.log(s) + m)


@functools.lru_cache(maxsize=1)
def _build_sc_kernel():
    mesh = plsc.VectorSubcoreMesh(
        core_axis_name="c", subcore_axis_name="s",
        num_cores=_NC, num_subcores=_NS)

    @functools.partial(
        pl.kernel,
        out_type=jax.ShapeDtypeStruct((_B,), jnp.float32),
        mesh=mesh,
        compiler_params=pltpu.CompilerParams(needs_layout_passes=False),
        scratch_types=[
            pltpu.VMEM((11520,), jnp.float32),
            pltpu.VMEM((128,), jnp.float32),
            pltpu.VMEM((15, _BPW), jnp.float32),
            pltpu.VMEM((_T - 1, _BPW), jnp.int32),
            pltpu.VMEM((_T, _BPW), jnp.float32),
            pltpu.VMEM((_BPW,), jnp.float32),
            pltpu.VMEM((16,), jnp.int32),
        ],
    )
    def _sc_kernel(ls_hbm, small_hbm, g_hbm, act_hbm, mask_hbm, avv_hbm,
                   out_hbm, ls_v, small_v, g_v, act_v, mask_v, lp_v, avv_v):
        wid = lax.axis_index("s") * _NC + lax.axis_index("c")
        pltpu.sync_copy(ls_hbm, ls_v)
        pltpu.sync_copy(small_hbm, small_v)
        pltpu.sync_copy(g_hbm.at[wid], g_v)
        pltpu.sync_copy(act_hbm.at[wid], act_v)
        pltpu.sync_copy(mask_hbm.at[wid], mask_v)
        pltpu.sync_copy(avv_hbm, avv_v)

        def cvec(v):
            return jnp.full((16,), v, jnp.int32)

        def gsm(idx):
            return plsc.load_gather(small_v, [idx])

        for grp in range(_NG):
            sl = pl.ds(grp * 16, 16)

            def gv(r):
                return g_v[r, sl]

            v0 = gsm(cvec(_RAW_DIAB)) + gv(0)
            v1 = gsm(cvec(_RAW_DIAB + 1)) + gv(1)
            sd = jnp.where(v0 >= v1, cvec(0), cvec(1))
            lp = gsm(cvec(_RAW_DIAB + _LS_OFF) + sd)

            def samp(raw_base, ncat, grow):
                off = sd * ncat
                best = gsm(cvec(raw_base) + off) + gv(grow)
                bi = cvec(0)
                for k in range(1, ncat):
                    vk = gsm(cvec(raw_base + k) + off) + gv(grow + k)
                    cond = vk > best
                    best = jnp.where(cond, vk, best)
                    bi = jnp.where(cond, cvec(k), bi)
                return bi, gsm(cvec(raw_base + _LS_OFF) + off + bi)

            hr, l1 = samp(_RAW_HR, 3, 2)
            sb, l2 = samp(_RAW_SB, 3, 5)
            gl, l3 = samp(_RAW_GL, 5, 8)
            po, l4 = samp(_RAW_PO, 2, 13)
            lp = (lp + l1 + l2 + l3 + l4) * mask_v[0, sl]

            basef = ((((sd * 3 + hr) * 3 + sb) * 2 + po) * 5 + gl) * 64
            avv = cvec(0)
            for t in range(_T - 1):
                at = act_v[t, sl]
                val = plsc.load_gather(ls_v, [basef + avv + at])
                lp = lp + val * mask_v[t + 1, sl]
                avv = plsc.load_gather(avv_v, [at])
            lp_v[sl] = lp

        pltpu.sync_copy(lp_v, out_hbm.at[pl.ds(wid * _BPW, _BPW)])

    return _sc_kernel


def kernel(mini_batch, actions_obs, mini_batch_mask, mini_batch_seq_lengths,
           mini_batch_reversed, s0_diab_logits, s0_hr, s0_sysbp, s0_glucose,
           s0_percoxyg, policy):
    f32 = jnp.float32
    neg = jnp.float32(-1e30)

    def pad8(a):
        return jnp.pad(a, ((0, 0), (0, 8 - a.shape[1])), constant_values=neg)

    pol2 = policy.reshape(180 * 8, 8)
    small_rows = jnp.concatenate(
        [pad8(s0_diab_logits[None, :]), pad8(s0_hr), pad8(s0_sysbp),
         pad8(s0_glucose), pad8(s0_percoxyg)], axis=0)
    packed = jnp.concatenate(
        [pol2, small_rows, jnp.zeros((7, 8), f32)], axis=0)

    ls_all = pl.pallas_call(
        _ls_body,
        out_shape=jax.ShapeDtypeStruct((1456, 8), f32),
    )(packed)

    ls_pol = ls_all[:1440].reshape(11520)
    S = ls_all[1440:1449]
    ls_small = jnp.concatenate(
        [S[0, :2], S[1, :3], S[2, :3], S[3, :3], S[4, :3],
         S[5, :5], S[6, :5], S[7, :2], S[8, :2]])
    raw_small = jnp.concatenate(
        [s0_diab_logits, s0_hr.ravel(), s0_sysbp.ravel(),
         s0_glucose.ravel(), s0_percoxyg.ravel()])
    small = jnp.concatenate([raw_small, ls_small, jnp.zeros((72,), f32)])

    acts = actions_obs.astype(jnp.int32).T[:_T - 1]
    acts = acts.reshape(_T - 1, _NW, _BPW).transpose(1, 0, 2)
    maskp = mini_batch_mask.T.reshape(_T, _NW, _BPW).transpose(1, 0, 2)

    gvals = _gumbel_packed()
    avvtbl = jnp.array([0, 32, 16, 48, 8, 40, 24, 56,
                        0, 0, 0, 0, 0, 0, 0, 0], jnp.int32)

    return _build_sc_kernel()(ls_pol, small, gvals, acts, maskp, avvtbl)

# --- scband reference (transcript-rebuilt; emitter-appended) ---
"""Pipeline reference for scband-gumbel-max-model-64768106823694 (READ-ONLY COPY).

The authoritative reference and input builder live on the scoring server;
editing this copy changes nothing except your own understanding.
"""

import jax, jax.numpy as jnp
import numpy as np


def _gumbel(key, shape):
    u = jax.random.uniform(key, shape, minval=1e-6, maxval=1.0 - 1e-6)
    return -jnp.log(-jnp.log(u))


def setup_inputs(seed: int = 0):
    key = jax.random.key(seed)
    ks = jax.random.split(key, 12)
    B, T, D = 4096, 20, 8
    inp = {}
    inp["mini_batch"] = jax.random.normal(ks[0], (B, T, D), dtype=jnp.float32)
    inp["actions_obs"] = jax.random.randint(ks[1], (B, T), 0, 8, dtype=jnp.int32)
    inp["mini_batch_mask"] = jnp.ones((B, T), dtype=jnp.float32)
    inp["mini_batch_seq_lengths"] = jax.random.randint(ks[2], (B,), 1, T + 1, dtype=jnp.int32)
    inp["mini_batch_reversed"] = jax.random.normal(ks[3], (B, T, D), dtype=jnp.float32)
    inp["s0_diab_logits"] = 0.1 * jax.random.normal(ks[4], (2,), dtype=jnp.float32)
    inp["s0_hr"] = 0.1 * jax.random.normal(ks[5], (2, 3), dtype=jnp.float32)
    inp["s0_sysbp"] = 0.1 * jax.random.normal(ks[6], (2, 3), dtype=jnp.float32)
    inp["s0_glucose"] = 0.1 * jax.random.normal(ks[7], (2, 5), dtype=jnp.float32)
    inp["s0_percoxyg"] = 0.1 * jax.random.normal(ks[8], (2, 2), dtype=jnp.float32)
    inp["policy"] = 0.1 * jax.random.normal(ks[9], (2, 3, 3, 2, 5, 2, 2, 2, 8), dtype=jnp.float32)
    return inp


def reference(mini_batch, actions_obs, mini_batch_mask, mini_batch_seq_lengths, mini_batch_reversed, s0_diab_logits, s0_hr, s0_sysbp, s0_glucose, s0_percoxyg, policy):
    B = mini_batch.shape[0]
    T = mini_batch.shape[1]
    ar = jnp.arange(B)
    skey = jax.random.key(42)
    m0 = mini_batch_mask[:, 0]
    # s0_diab ~ Categorical(s0_diab_logits) via Gumbel-max
    g = _gumbel(jax.random.fold_in(skey, 0), (B, 2))
    s_diab = jnp.argmax(s0_diab_logits[None, :] + g, axis=-1)
    lp = jax.nn.log_softmax(s0_diab_logits)[s_diab] * m0
    # s0_hr ~ Categorical(Vindex(s0_hr)[s_diab, :])
    hr_log = s0_hr[s_diab]
    hr = jnp.argmax(hr_log + _gumbel(jax.random.fold_in(skey, 1), (B, 3)), axis=-1)
    lp = lp + jax.nn.log_softmax(hr_log, axis=-1)[ar, hr] * m0
    sb_log = s0_sysbp[s_diab]
    sysbp = jnp.argmax(sb_log + _gumbel(jax.random.fold_in(skey, 2), (B, 3)), axis=-1)
    lp = lp + jax.nn.log_softmax(sb_log, axis=-1)[ar, sysbp] * m0
    gl_log = s0_glucose[s_diab]
    glucose = jnp.argmax(gl_log + _gumbel(jax.random.fold_in(skey, 3), (B, 5)), axis=-1)
    lp = lp + jax.nn.log_softmax(gl_log, axis=-1)[ar, glucose] * m0
    po_log = s0_percoxyg[s_diab]
    percoxyg = jnp.argmax(po_log + _gumbel(jax.random.fold_in(skey, 4), (B, 2)), axis=-1)
    lp = lp + jax.nn.log_softmax(po_log, axis=-1)[ar, percoxyg] * m0
    anti = jnp.zeros((B,), dtype=jnp.int32)
    vaso = jnp.zeros((B,), dtype=jnp.int32)
    vent = jnp.zeros((B,), dtype=jnp.int32)
    for t in range(T - 1):
        # Vindex(policy)[diab, hr, sysbp, percoxyg, glucose, anti, vaso, vent, :] -> [B, 8]
        pol = policy[s_diab, hr, sysbp, percoxyg, glucose, anti, vaso, vent]
        at = actions_obs[:, t].astype(jnp.int32)
        # observed action scored under masked Categorical
        lp = lp + jax.nn.log_softmax(pol, axis=-1)[ar, at] * mini_batch_mask[:, t + 1]
        # action decomposes into 3 binary treatment flags that feed the next-step state index
        anti = at % 2
        vaso = (at // 2) % 2
        vent = (at // 4) % 2
    return lp

if __name__ == "__main__":
    import jax
    _d = setup_inputs()
    print(jax.jit(kernel)(*tuple(_d.values())))

</pallas_src>

<mosaic_0001>
#map = affine_map<(d0, d1) -> (0)>
#map1 = affine_map<(d0, d1) -> (0, 0, 0)>
module attributes {stable_mosaic.version = 14 : i64} {
  func.func @_sc_kernel(%arg0: i32, %arg1: i32, %arg2: memref<11520xf32, #tpu.memory_space<hbm>>, %arg3: memref<128xf32, #tpu.memory_space<hbm>>, %arg4: memref<32x15x128xf32, #tpu.memory_space<hbm>>, %arg5: memref<32x19x128xi32, #tpu.memory_space<hbm>>, %arg6: memref<32x20x128xf32, #tpu.memory_space<hbm>>, %arg7: memref<16xi32, #tpu.memory_space<hbm>>, %arg8: memref<4096xf32, #tpu.memory_space<hbm>>, %arg9: memref<11520xf32, #tpu.memory_space<vmem>>, %arg10: memref<128xf32, #tpu.memory_space<vmem>>, %arg11: memref<15x128xf32, #tpu.memory_space<vmem>>, %arg12: memref<19x128xi32, #tpu.memory_space<vmem>>, %arg13: memref<20x128xf32, #tpu.memory_space<vmem>>, %arg14: memref<128xf32, #tpu.memory_space<vmem>>, %arg15: memref<16xi32, #tpu.memory_space<vmem>>) attributes {dimension_semantics = [#tpu.dimension_semantics<core_parallel>, #tpu.dimension_semantics<subcore_parallel>], iteration_bounds = array<i64: 2, 16>, scalar_prefetch = 0 : i64, scratch_operands = 7 : i64, tpu.core_type = #tpu.core_type<sc_vector_subcore>, window_params = [{transform_indices = #map}, {transform_indices = #map}, {transform_indices = #map1}, {transform_indices = #map1}, {transform_indices = #map1}, {transform_indices = #map}, {transform_indices = #map}]} {
    %mul3A = arith.constant 2 : i32
    %mul3A_0 = arith.muli %arg1, %mul3A : i32
    %add3A = arith.addi %mul3A_0, %arg0 : i32
    "tpu.region"() ({
      %run_scoped3A = tpu.sem_alloc : memref<!tpu.dma_semaphore, #tpu.memory_space<semaphore_mem>>
      tpu.enqueue_dma source(%arg2 : memref<11520xf32, #tpu.memory_space<hbm>>) target(%arg9 : memref<11520xf32, #tpu.memory_space<vmem>>) target_semaphore(%run_scoped3A : memref<!tpu.dma_semaphore, #tpu.memory_space<semaphore_mem>>)
      tpu.wait_dma2 semaphore(%run_scoped3A : memref<!tpu.dma_semaphore, #tpu.memory_space<semaphore_mem>>) src(%arg2 : memref<11520xf32, #tpu.memory_space<hbm>>) dst(%arg9 : memref<11520xf32, #tpu.memory_space<vmem>>)
      tpu.yield
    }) : () -> ()
    "tpu.region"() ({
      %run_scoped3A = tpu.sem_alloc : memref<!tpu.dma_semaphore, #tpu.memory_space<semaphore_mem>>
      tpu.enqueue_dma source(%arg3 : memref<128xf32, #tpu.memory_space<hbm>>) target(%arg10 : memref<128xf32, #tpu.memory_space<vmem>>) target_semaphore(%run_scoped3A : memref<!tpu.dma_semaphore, #tpu.memory_space<semaphore_mem>>)
      tpu.wait_dma2 semaphore(%run_scoped3A : memref<!tpu.dma_semaphore, #tpu.memory_space<semaphore_mem>>) src(%arg3 : memref<128xf32, #tpu.memory_space<hbm>>) dst(%arg10 : memref<128xf32, #tpu.memory_space<vmem>>)
      tpu.yield
    }) : () -> ()
    "tpu.region"() ({
      %run_scoped3A = tpu.sem_alloc : memref<!tpu.dma_semaphore, #tpu.memory_space<semaphore_mem>>
      %dma_start3A = arith.constant 0 : i32
      %dma_start3A_4204 = arith.constant 0 : i32
      %dma_start3A_4205 = tpu.memref_slice %arg4[%add3A, %dma_start3A, %dma_start3A_4204] : memref<32x15x128xf32, #tpu.memory_space<hbm>> -> memref<1x15x128xf32, #tpu.memory_space<hbm>>
      %dma_start3A_4206 = tpu.memref_squeeze %dma_start3A_4205 : memref<1x15x128xf32, #tpu.memory_space<hbm>> -> memref<15x128xf32, #tpu.memory_space<hbm>>
      %dma_start3A_4207 = arith.constant 0 : i32
      %dma_start3A_4208 = arith.constant 0 : i32
      %dma_start3A_4209 = tpu.memref_slice %arg4[%add3A, %dma_start3A_4207, %dma_start3A_4208] : memref<32x15x128xf32, #tpu.memory_space<hbm>> -> memref<1x15x128xf32, #tpu.memory_space<hbm>>
      %dma_start3A_4210 = tpu.memref_squeeze %dma_start3A_4209 : memref<1x15x128xf32, #tpu.memory_space<hbm>> -> memref<15x128xf32, #tpu.memory_space<hbm>>
      tpu.enqueue_dma source(%dma_start3A_4210 : memref<15x128xf32, #tpu.memory_space<hbm>>) target(%arg11 : memref<15x128xf32, #tpu.memory_space<vmem>>) target_semaphore(%run_scoped3A : memref<!tpu.dma_semaphore, #tpu.memory_space<semaphore_mem>>)
      %dma_wait3A = arith.constant 0 : i32
      %dma_wait3A_4211 = arith.constant 0 : i32
      %dma_wait3A_4212 = tpu.memref_slice %arg4[%add3A, %dma_wait3A, %dma_wait3A_4211] : memref<32x15x128xf32, #tpu.memory_space<hbm>> -> memref<1x15x128xf32, #tpu.memory_space<hbm>>
      %dma_wait3A_4213 = tpu.memref_squeeze %dma_wait3A_4212 : memref<1x15x128xf32, #tpu.memory_space<hbm>> -> memref<15x128xf32, #tpu.memory_space<hbm>>
      %dma_wait3A_4214 = arith.constant 0 : i32
      %dma_wait3A_4215 = arith.constant 0 : i32
      %dma_wait3A_4216 = tpu.memref_slice %arg4[%add3A, %dma_wait3A_4214, %dma_wait3A_4215] : memref<32x15x128xf32, #tpu.memory_space<hbm>> -> memref<1x15x128xf32, #tpu.memory_space<hbm>>
      %dma_wait3A_4217 = tpu.memref_squeeze %dma_wait3A_4216 : memref<1x15x128xf32, #tpu.memory_space<hbm>> -> memref<15x128xf32, #tpu.memory_space<hbm>>
      tpu.wait_dma2 semaphore(%run_scoped3A : memref<!tpu.dma_semaphore, #tpu.memory_space<semaphore_mem>>) src(%dma_wait3A_4217 : memref<15x128xf32, #tpu.memory_space<hbm>>) dst(%arg11 : memref<15x128xf32, #tpu.memory_space<vmem>>)
      tpu.yield
    }) : () -> ()
    "tpu.region"() ({
      %run_scoped3A = tpu.sem_alloc : memref<!tpu.dma_semaphore, #tpu.memory_space<semaphore_mem>>
      %dma_start3A = arith.constant 0 : i32
      %dma_start3A_4204 = arith.constant 0 : i32
      %dma_start3A_4205 = tpu.memref_slice %arg5[%add3A, %dma_start3A, %dma_start3A_4204] : memref<32x19x128xi32, #tpu.memory_space<hbm>> -> memref<1x19x128xi32, #tpu.memory_space<hbm>>
      %dma_start3A_4206 = tpu.memref_squeeze %dma_start3A_4205 : memref<1x19x128xi32, #tpu.memory_space<hbm>> -> memref<19x128xi32, #tpu.memory_space<hbm>>
      %dma_start3A_4207 = arith.constant 0 : i32
      %dma_start3A_4208 = arith.constant 0 : i32
      %dma_start3A_4209 = tpu.memref_slice %arg5[%add3A, %dma_start3A_4207, %dma_start3A_4208] : memref<32x19x128xi32, #tpu.memory_space<hbm>> -> memref<1x19x128xi32, #tpu.memory_space<hbm>>
      %dma_start3A_4210 = tpu.memref_squeeze %dma_start3A_4209 : memref<1x19x128xi32, #tpu.memory_space<hbm>> -> memref<19x128xi32, #tpu.memory_space<hbm>>
      tpu.enqueue_dma source(%dma_start3A_4210 : memref<19x128xi32, #tpu.memory_space<hbm>>) target(%arg12 : memref<19x128xi32, #tpu.memory_space<vmem>>) target_semaphore(%run_scoped3A : memref<!tpu.dma_semaphore, #tpu.memory_space<semaphore_mem>>)
      %dma_wait3A = arith.constant 0 : i32
      %dma_wait3A_4211 = arith.constant 0 : i32
      %dma_wait3A_4212 = tpu.memref_slice %arg5[%add3A, %dma_wait3A, %dma_wait3A_4211] : memref<32x19x128xi32, #tpu.memory_space<hbm>> -> memref<1x19x128xi32, #tpu.memory_space<hbm>>
      %dma_wait3A_4213 = tpu.memref_squeeze %dma_wait3A_4212 : memref<1x19x128xi32, #tpu.memory_space<hbm>> -> memref<19x128xi32, #tpu.memory_space<hbm>>
      %dma_wait3A_4214 = arith.constant 0 : i32
      %dma_wait3A_4215 = arith.constant 0 : i32
      %dma_wait3A_4216 = tpu.memref_slice %arg5[%add3A, %dma_wait3A_4214, %dma_wait3A_4215] : memref<32x19x128xi32, #tpu.memory_space<hbm>> -> memref<1x19x128xi32, #tpu.memory_space<hbm>>
      %dma_wait3A_4217 = tpu.memref_squeeze %dma_wait3A_4216 : memref<1x19x128xi32, #tpu.memory_space<hbm>> -> memref<19x128xi32, #tpu.memory_space<hbm>>
      tpu.wait_dma2 semaphore(%run_scoped3A : memref<!tpu.dma_semaphore, #tpu.memory_space<semaphore_mem>>) src(%dma_wait3A_4217 : memref<19x128xi32, #tpu.memory_space<hbm>>) dst(%arg12 : memref<19x128xi32, #tpu.memory_space<vmem>>)
      tpu.yield
    }) : () -> ()
    "tpu.region"() ({
      %run_scoped3A = tpu.sem_alloc : memref<!tpu.dma_semaphore, #tpu.memory_space<semaphore_mem>>
      %dma_start3A = arith.constant 0 : i32
      %dma_start3A_4204 = arith.constant 0 : i32
      %dma_start3A_4205 = tpu.memref_slice %arg6[%add3A, %dma_start3A, %dma_start3A_4204] : memref<32x20x128xf32, #tpu.memory_space<hbm>> -> memref<1x20x128xf32, #tpu.memory_space<hbm>>
      %dma_start3A_4206 = tpu.memref_squeeze %dma_start3A_4205 : memref<1x20x128xf32, #tpu.memory_space<hbm>> -> memref<20x128xf32, #tpu.memory_space<hbm>>
      %dma_start3A_4207 = arith.constant 0 : i32
      %dma_start3A_4208 = arith.constant 0 : i32
      %dma_start3A_4209 = tpu.memref_slice %arg6[%add3A, %dma_start3A_4207, %dma_start3A_4208] : memref<32x20x128xf32, #tpu.memory_space<hbm>> -> memref<1x20x128xf32, #tpu.memory_space<hbm>>
      %dma_start3A_4210 = tpu.memref_squeeze %dma_start3A_4209 : memref<1x20x128xf32, #tpu.memory_space<hbm>> -> memref<20x128xf32, #tpu.memory_space<hbm>>
      tpu.enqueue_dma source(%dma_start3A_4210 : memref<20x128xf32, #tpu.memory_space<hbm>>) target(%arg13 : memref<20x128xf32, #tpu.memory_space<vmem>>) target_semaphore(%run_scoped3A : memref<!tpu.dma_semaphore, #tpu.memory_space<semaphore_mem>>)
      %dma_wait3A = arith.constant 0 : i32
      %dma_wait3A_4211 = arith.constant 0 : i32
      %dma_wait3A_4212 = tpu.memref_slice %arg6[%add3A, %dma_wait3A, %dma_wait3A_4211] : memref<32x20x128xf32, #tpu.memory_space<hbm>> -> memref<1x20x128xf32, #tpu.memory_space<hbm>>
      %dma_wait3A_4213 = tpu.memref_squeeze %dma_wait3A_4212 : memref<1x20x128xf32, #tpu.memory_space<hbm>> -> memref<20x128xf32, #tpu.memory_space<hbm>>
      %dma_wait3A_4214 = arith.constant 0 : i32
      %dma_wait3A_4215 = arith.constant 0 : i32
      %dma_wait3A_4216 = tpu.memref_slice %arg6[%add3A, %dma_wait3A_4214, %dma_wait3A_4215] : memref<32x20x128xf32, #tpu.memory_space<hbm>> -> memref<1x20x128xf32, #tpu.memory_space<hbm>>
      %dma_wait3A_4217 = tpu.memref_squeeze %dma_wait3A_4216 : memref<1x20x128xf32, #tpu.memory_space<hbm>> -> memref<20x128xf32, #tpu.memory_space<hbm>>
      tpu.wait_dma2 semaphore(%run_scoped3A : memref<!tpu.dma_semaphore, #tpu.memory_space<semaphore_mem>>) src(%dma_wait3A_4217 : memref<20x128xf32, #tpu.memory_space<hbm>>) dst(%arg13 : memref<20x128xf32, #tpu.memory_space<vmem>>)
      tpu.yield
    }) : () -> ()
    "tpu.region"() ({
      %run_scoped3A = tpu.sem_alloc : memref<!tpu.dma_semaphore, #tpu.memory_space<semaphore_mem>>
      tpu.enqueue_dma source(%arg7 : memref<16xi32, #tpu.memory_space<hbm>>) target(%arg15 : memref<16xi32, #tpu.memory_space<vmem>>) target_semaphore(%run_scoped3A : memref<!tpu.dma_semaphore, #tpu.memory_space<semaphore_mem>>)
      tpu.wait_dma2 semaphore(%run_scoped3A : memref<!tpu.dma_semaphore, #tpu.memory_space<semaphore_mem>>) src(%arg7 : memref<16xi32, #tpu.memory_space<hbm>>) dst(%arg15 : memref<16xi32, #tpu.memory_space<vmem>>)
      tpu.yield
    }) : () -> ()
    %broadcast_in_dim3A = arith.constant 0 : i32
    %broadcast_in_dim3A_1 = vector.broadcast %broadcast_in_dim3A : i32 to vector<16xi32>
    %gather3A = tpu.vector_load_idx %arg10[%broadcast_in_dim3A_1] : memref<128xf32, #tpu.memory_space<vmem>>[vector<16xi32>], vector<16xf32>,
    %get3A = arith.constant 0 : i32
    %get3A_2 = arith.index_cast %get3A : i32 to index
    %get3A_3 = arith.constant 0 : index
    %get3A_4 = tpu.vector_load %arg11[%get3A_2, %get3A_3] {strides = array<i32>} : memref<15x128xf32, #tpu.memory_space<vmem>>, vector<16xf32>,
    %add3A_5 = arith.addf %gather3A, %get3A_4 : vector<16xf32>
    %broadcast_in_dim3A_6 = arith.constant 1 : i32
    %broadcast_in_dim3A_7 = vector.broadcast %broadcast_in_dim3A_6 : i32 to vector<16xi32>
    %gather3A_8 = tpu.vector_load_idx %arg10[%broadcast_in_dim3A_7] : memref<128xf32, #tpu.memory_space<vmem>>[vector<16xi32>], vector<16xf32>,
    %get3A_9 = arith.constant 1 : i32
    %get3A_10 = arith.index_cast %get3A_9 : i32 to index
    %get3A_11 = arith.constant 0 : index
    %get3A_12 = tpu.vector_load %arg11[%get3A_10, %get3A_11] {strides = array<i32>} : memref<15x128xf32, #tpu.memory_space<vmem>>, vector<16xf32>,
    %add3A_13 = arith.addf %gather3A_8, %get3A_12 : vector<16xf32>
    %ge3A = arith.cmpf oge, %add3A_5, %add3A_13 : vector<16xf32>
    %broadcast_in_dim3A_14 = arith.constant 0 : i32
    %broadcast_in_dim3A_15 = vector.broadcast %broadcast_in_dim3A_14 : i32 to vector<16xi32>
    %broadcast_in_dim3A_16 = arith.constant 1 : i32
    %broadcast_in_dim3A_17 = vector.broadcast %broadcast_in_dim3A_16 : i32 to vector<16xi32>
    %select_n3A = arith.select %ge3A, %broadcast_in_dim3A_15, %broadcast_in_dim3A_17 : vector<16xi1>, vector<16xi32>
    %broadcast_in_dim3A_18 = arith.constant 28 : i32
    %broadcast_in_dim3A_19 = vector.broadcast %broadcast_in_dim3A_18 : i32 to vector<16xi32>
    %add3A_20 = arith.addi %broadcast_in_dim3A_19, %select_n3A : vector<16xi32>
    %gather3A_21 = tpu.vector_load_idx %arg10[%add3A_20] : memref<128xf32, #tpu.memory_space<vmem>>[vector<16xi32>], vector<16xf32>,
    %mul3A_22 = arith.constant 3 : i32
    %mul3A_23 = vector.broadcast %mul3A_22 : i32 to vector<16xi32>
    %mul3A_24 = arith.muli %select_n3A, %mul3A_23 : vector<16xi32>
    %broadcast_in_dim3A_25 = arith.constant 2 : i32
    %broadcast_in_dim3A_26 = vector.broadcast %broadcast_in_dim3A_25 : i32 to vector<16xi32>
    %add3A_27 = arith.addi %broadcast_in_dim3A_26, %mul3A_24 : vector<16xi32>
    %gather3A_28 = tpu.vector_load_idx %arg10[%add3A_27] : memref<128xf32, #tpu.memory_space<vmem>>[vector<16xi32>], vector<16xf32>,
    %get3A_29 = arith.constant 2 : i32
    %get3A_30 = arith.index_cast %get3A_29 : i32 to index
    %get3A_31 = arith.constant 0 : index
    %get3A_32 = tpu.vector_load %arg11[%get3A_30, %get3A_31] {strides = array<i32>} : memref<15x128xf32, #tpu.memory_space<vmem>>, vector<16xf32>,
    %add3A_33 = arith.addf %gather3A_28, %get3A_32 : vector<16xf32>
    %broadcast_in_dim3A_34 = arith.constant 0 : i32
    %broadcast_in_dim3A_35 = vector.broadcast %broadcast_in_dim3A_34 : i32 to vector<16xi32>
    %broadcast_in_dim3A_36 = arith.constant 3 : i32
    %broadcast_in_dim3A_37 = vector.broadcast %broadcast_in_dim3A_36 : i32 to vector<16xi32>
    %add3A_38 = arith.addi %broadcast_in_dim3A_37, %mul3A_24 : vector<16xi32>
    %gather3A_39 = tpu.vector_load_idx %arg10[%add3A_38] : memref<128xf32, #tpu.memory_space<vmem>>[vector<16xi32>], vector<16xf32>,
    %get3A_40 = arith.constant 3 : i32
    %get3A_41 = arith.index_cast %get3A_40 : i32 to index
    %get3A_42 = arith.constant 0 : index
    %get3A_43 = tpu.vector_load %arg11[%get3A_41, %get3A_42] {strides = array<i32>} : memref<15x128xf32, #tpu.memory_space<vmem>>, vector<16xf32>,
    %add3A_44 = arith.addf %gather3A_39, %get3A_43 : vector<16xf32>
    %gt3A = arith.cmpf ogt, %add3A_44, %add3A_33 : vector<16xf32>
    %select_n3A_45 = arith.select %gt3A, %add3A_44, %add3A_33 : vector<16xi1>, vector<16xf32>
    %broadcast_in_dim3A_46 = arith.constant 1 : i32
    %broadcast_in_dim3A_47 = vector.broadcast %broadcast_in_dim3A_46 : i32 to vector<16xi32>
    %select_n3A_48 = arith.select %gt3A, %broadcast_in_dim3A_47, %broadcast_in_dim3A_35 : vector<16xi1>, vector<16xi32>
    %broadcast_in_dim3A_49 = arith.constant 4 : i32
    %broadcast_in_dim3A_50 = vector.broadcast %broadcast_in_dim3A_49 : i32 to vector<16xi32>
    %add3A_51 = arith.addi %broadcast_in_dim3A_50, %mul3A_24 : vector<16xi32>
    %gather3A_52 = tpu.vector_load_idx %arg10[%add3A_51] : memref<128xf32, #tpu.memory_space<vmem>>[vector<16xi32>], vector<16xf32>,
    %get3A_53 = arith.constant 4 : i32
    %get3A_54 = arith.index_cast %get3A_53 : i32 to index
    %get3A_55 = arith.constant 0 : index
    %get3A_56 = tpu.vector_load %arg11[%get3A_54, %get3A_55] {strides = array<i32>} : memref<15x128xf32, #tpu.memory_space<vmem>>, vector<16xf32>,
    %add3A_57 = arith.addf %gather3A_52, %get3A_56 : vector<16xf32>
    %gt3A_58 = arith.cmpf ogt, %add3A_57, %select_n3A_45 : vector<16xf32>
    %select_n3A_59 = arith.select %gt3A_58, %add3A_57, %select_n3A_45 : vector<16xi1>, vector<16xf32>
    %broadcast_in_dim3A_60 = arith.constant 2 : i32
    %broadcast_in_dim3A_61 = vector.broadcast %broadcast_in_dim3A_60 : i32 to vector<16xi32>
    %select_n3A_62 = arith.select %gt3A_58, %broadcast_in_dim3A_61, %select_n3A_48 : vector<16xi1>, vector<16xi32>
    %broadcast_in_dim3A_63 = arith.constant 30 : i32
    %broadcast_in_dim3A_64 = vector.broadcast %broadcast_in_dim3A_63 : i32 to vector<16xi32>
    %add3A_65 = arith.addi %broadcast_in_dim3A_64, %mul3A_24 : vector<16xi32>
    %add3A_66 = arith.addi %add3A_65, %select_n3A_62 : vector<16xi32>
    %gather3A_67 = tpu.vector_load_idx %arg10[%add3A_66] : memref<128xf32, #tpu.memory_space<vmem>>[vector<16xi32>], vector<16xf32>,
    %mul3A_68 = arith.constant 3 : i32
    %mul3A_69 = vector.broadcast %mul3A_68 : i32 to vector<16xi32>
    %mul3A_70 = arith.muli %select_n3A, %mul3A_69 : vector<16xi32>
    %broadcast_in_dim3A_71 = arith.constant 8 : i32
    %broadcast_in_dim3A_72 = vector.broadcast %broadcast_in_dim3A_71 : i32 to vector<16xi32>
    %add3A_73 = arith.addi %broadcast_in_dim3A_72, %mul3A_70 : vector<16xi32>
    %gather3A_74 = tpu.vector_load_idx %arg10[%add3A_73] : memref<128xf32, #tpu.memory_space<vmem>>[vector<16xi32>], vector<16xf32>,
    %get3A_75 = arith.constant 5 : i32
    %get3A_76 = arith.index_cast %get3A_75 : i32 to index
    %get3A_77 = arith.constant 0 : index
    %get3A_78 = tpu.vector_load %arg11[%get3A_76, %get3A_77] {strides = array<i32>} : memref<15x128xf32, #tpu.memory_space<vmem>>, vector<16xf32>,
    %add3A_79 = arith.addf %gather3A_74, %get3A_78 : vector<16xf32>
    %broadcast_in_dim3A_80 = arith.constant 0 : i32
    %broadcast_in_dim3A_81 = vector.broadcast %broadcast_in_dim3A_80 : i32 to vector<16xi32>
    %broadcast_in_dim3A_82 = arith.constant 9 : i32
    %broadcast_in_dim3A_83 = vector.broadcast %broadcast_in_dim3A_82 : i32 to vector<16xi32>
    %add3A_84 = arith.addi %broadcast_in_dim3A_83, %mul3A_70 : vector<16xi32>
    %gather3A_85 = tpu.vector_load_idx %arg10[%add3A_84] : memref<128xf32, #tpu.memory_space<vmem>>[vector<16xi32>], vector<16xf32>,
    %get3A_86 = arith.constant 6 : i32
    %get3A_87 = arith.index_cast %get3A_86 : i32 to index
    %get3A_88 = arith.constant 0 : index
    %get3A_89 = tpu.vector_load %arg11[%get3A_87, %get3A_88] {strides = array<i32>} : memref<15x128xf32, #tpu.memory_space<vmem>>, vector<16xf32>,
    %add3A_90 = arith.addf %gather3A_85, %get3A_89 : vector<16xf32>
    %gt3A_91 = arith.cmpf ogt, %add3A_90, %add3A_79 : vector<16xf32>
    %select_n3A_92 = arith.select %gt3A_91, %add3A_90, %add3A_79 : vector<16xi1>, vector<16xf32>
    %broadcast_in_dim3A_93 = arith.constant 1 : i32
    %broadcast_in_dim3A_94 = vector.broadcast %broadcast_in_dim3A_93 : i32 to vector<16xi32>
    %select_n3A_95 = arith.select %gt3A_91, %broadcast_in_dim3A_94, %broadcast_in_dim3A_81 : vector<16xi1>, vector<16xi32>
    %broadcast_in_dim3A_96 = arith.constant 10 : i32
    %broadcast_in_dim3A_97 = vector.broadcast %broadcast_in_dim3A_96 : i32 to vector<16xi32>
    %add3A_98 = arith.addi %broadcast_in_dim3A_97, %mul3A_70 : vector<16xi32>
    %gather3A_99 = tpu.vector_load_idx %arg10[%add3A_98] : memref<128xf32, #tpu.memory_space<vmem>>[vector<16xi32>], vector<16xf32>,
    %get3A_100 = arith.constant 7 : i32
    %get3A_101 = arith.index_cast %get3A_100 : i32 to index
    %get3A_102 = arith.constant 0 : index
    %get3A_103 = tpu.vector_load %arg11[%get3A_101, %get3A_102] {strides = array<i32>} : memref<15x128xf32, #tpu.memory_space<vmem>>, vector<16xf32>,
    %add3A_104 = arith.addf %gather3A_99, %get3A_103 : vector<16xf32>
    %gt3A_105 = arith.cmpf ogt, %add3A_104, %select_n3A_92 : vector<16xf32>
    %select_n3A_106 = arith.select %gt3A_105, %add3A_104, %select_n3A_92 : vector<16xi1>, vector<16xf32>
    %broadcast_in_dim3A_107 = arith.constant 2 : i32
    %broadcast_in_dim3A_108 = vector.broadcast %broadcast_in_dim3A_107 : i32 to vector<16xi32>
    %select_n3A_109 = arith.select %gt3A_105, %broadcast_in_dim3A_108, %select_n3A_95 : vector<16xi1>, vector<16xi32>
    %broadcast_in_dim3A_110 = arith.constant 36 : i32
    %broadcast_in_dim3A_111 = vector.broadcast %broadcast_in_dim3A_110 : i32 to vector<16xi32>
    %add3A_112 = arith.addi %broadcast_in_dim3A_111, %mul3A_70 : vector<16xi32>
    %add3A_113 = arith.addi %add3A_112, %select_n3A_109 : vector<16xi32>
    %gather3A_114 = tpu.vector_load_idx %arg10[%add3A_113] : memref<128xf32, #tpu.memory_space<vmem>>[vector<16xi32>], vector<16xf32>,
    %mul3A_115 = arith.constant 5 : i32
    %mul3A_116 = vector.broadcast %mul3A_115 : i32 to vector<16xi32>
    %mul3A_117 = arith.muli %select_n3A, %mul3A_116 : vector<16xi32>
    %broadcast_in_dim3A_118 = arith.constant 14 : i32
    %broadcast_in_dim3A_119 = vector.broadcast %broadcast_in_dim3A_118 : i32 to vector<16xi32>
    %add3A_120 = arith.addi %broadcast_in_dim3A_119, %mul3A_117 : vector<16xi32>
    %gather3A_121 = tpu.vector_load_idx %arg10[%add3A_120] : memref<128xf32, #tpu.memory_space<vmem>>[vector<16xi32>], vector<16xf32>,
    %get3A_122 = arith.constant 8 : i32
    %get3A_123 = arith.index_cast %get3A_122 : i32 to index
    %get3A_124 = arith.constant 0 : index
    %get3A_125 = tpu.vector_load %arg11[%get3A_123, %get3A_124] {strides = array<i32>} : memref<15x128xf32, #tpu.memory_space<vmem>>, vector<16xf32>,
    %add3A_126 = arith.addf %gather3A_121, %get3A_125 : vector<16xf32>
    %broadcast_in_dim3A_127 = arith.constant 0 : i32
    %broadcast_in_dim3A_128 = vector.broadcast %broadcast_in_dim3A_127 : i32 to vector<16xi32>
    %broadcast_in_dim3A_129 = arith.constant 15 : i32
    %broadcast_in_dim3A_130 = vector.broadcast %broadcast_in_dim3A_129 : i32 to vector<16xi32>
    %add3A_131 = arith.addi %broadcast_in_dim3A_130, %mul3A_117 : vector<16xi32>
    %gather3A_132 = tpu.vector_load_idx %arg10[%add3A_131] : memref<128xf32, #tpu.memory_space<vmem>>[vector<16xi32>], vector<16xf32>,
    %get3A_133 = arith.constant 9 : i32
    %get3A_134 = arith.index_cast %get3A_133 : i32 to index
    %get3A_135 = arith.constant 0 : index
    %get3A_136 = tpu.vector_load %arg11[%get3A_134, %get3A_135] {strides = array<i32>} : memref<15x128xf32, #tpu.memory_space<vmem>>, vector<16xf32>,
    %add3A_137 = arith.addf %gather3A_132, %get3A_136 : vector<16xf32>
    %gt3A_138 = arith.cmpf ogt, %add3A_137, %add3A_126 : vector<16xf32>
    %select_n3A_139 = arith.select %gt3A_138, %add3A_137, %add3A_126 : vector<16xi1>, vector<16xf32>
    %broadcast_in_dim3A_140 = arith.constant 1 : i32
    %broadcast_in_dim3A_141 = vector.broadcast %broadcast_in_dim3A_140 : i32 to vector<16xi32>
    %select_n3A_142 = arith.select %gt3A_138, %broadcast_in_dim3A_141, %broadcast_in_dim3A_128 : vector<16xi1>, vector<16xi32>
    %broadcast_in_dim3A_143 = arith.constant 16 : i32
    %broadcast_in_dim3A_144 = vector.broadcast %broadcast_in_dim3A_143 : i32 to vector<16xi32>
    %add3A_145 = arith.addi %broadcast_in_dim3A_144, %mul3A_117 : vector<16xi32>
    %gather3A_146 = tpu.vector_load_idx %arg10[%add3A_145] : memref<128xf32, #tpu.memory_space<vmem>>[vector<16xi32>], vector<16xf32>,
    %get3A_147 = arith.constant 10 : i32
    %get3A_148 = arith.index_cast %get3A_147 : i32 to index
    %get3A_149 = arith.constant 0 : index
    %get3A_150 = tpu.vector_load %arg11[%get3A_148, %get3A_149] {strides = array<i32>} : memref<15x128xf32, #tpu.memory_space<vmem>>, vector<16xf32>,
    %add3A_151 = arith.addf %gather3A_146, %get3A_150 : vector<16xf32>
    %gt3A_152 = arith.cmpf ogt, %add3A_151, %select_n3A_139 : vector<16xf32>
    %select_n3A_153 = arith.select %gt3A_152, %add3A_151, %select_n3A_139 : vector<16xi1>, vector<16xf32>
    %broadcast_in_dim3A_154 = arith.constant 2 : i32
    %broadcast_in_dim3A_155 = vector.broadcast %broadcast_in_dim3A_154 : i32 to vector<16xi32>
    %select_n3A_156 = arith.select %gt3A_152, %broadcast_in_dim3A_155, %select_n3A_142 : vector<16xi1>, vector<16xi32>
    %broadcast_in_dim3A_157 = arith.constant 17 : i32
    %broadcast_in_dim3A_158 = vector.broadcast %broadcast_in_dim3A_157 : i32 to vector<16xi32>
    %add3A_159 = arith.addi %broadcast_in_dim3A_158, %mul3A_117 : vector<16xi32>
    %gather3A_160 = tpu.vector_load_idx %arg10[%add3A_159] : memref<128xf32, #tpu.memory_space<vmem>>[vector<16xi32>], vector<16xf32>,
    %get3A_161 = arith.constant 11 : i32
    %get3A_162 = arith.index_cast %get3A_161 : i32 to index
    %get3A_163 = arith.constant 0 : index
    %get3A_164 = tpu.vector_load %arg11[%get3A_162, %get3A_163] {strides = array<i32>} : memref<15x128xf32, #tpu.memory_space<vmem>>, vector<16xf32>,
    %add3A_165 = arith.addf %gather3A_160, %get3A_164 : vector<16xf32>
    %gt3A_166 = arith.cmpf ogt, %add3A_165, %select_n3A_153 : vector<16xf32>
    %select_n3A_167 = arith.select %gt3A_166, %add3A_165, %select_n3A_153 : vector<16xi1>, vector<16xf32>
    %broadcast_in_dim3A_168 = arith.constant 3 : i32
    %broadcast_in_dim3A_169 = vector.broadcast %broadcast_in_dim3A_168 : i32 to vector<16xi32>
    %select_n3A_170 = arith.select %gt3A_166, %broadcast_in_dim3A_169, %select_n3A_156 : vector<16xi1>, vector<16xi32>
    %broadcast_in_dim3A_171 = arith.constant 18 : i32
    %broadcast_in_dim3A_172 = vector.broadcast %broadcast_in_dim3A_171 : i32 to vector<16xi32>
    %add3A_173 = arith.addi %broadcast_in_dim3A_172, %mul3A_117 : vector<16xi32>
    %gather3A_174 = tpu.vector_load_idx %arg10[%add3A_173] : memref<128xf32, #tpu.memory_space<vmem>>[vector<16xi32>], vector<16xf32>,
    %get3A_175 = arith.constant 12 : i32
    %get3A_176 = arith.index_cast %get3A_175 : i32 to index
    %get3A_177 = arith.constant 0 : index
    %get3A_178 = tpu.vector_load %arg11[%get3A_176, %get3A_177] {strides = array<i32>} : memref<15x128xf32, #tpu.memory_space<vmem>>, vector<16xf32>,
    %add3A_179 = arith.addf %gather3A_174, %get3A_178 : vector<16xf32>
    %gt3A_180 = arith.cmpf ogt, %add3A_179, %select_n3A_167 : vector<16xf32>
    %select_n3A_181 = arith.select %gt3A_180, %add3A_179, %select_n3A_167 : vector<16xi1>, vector<16xf32>
    %broadcast_in_dim3A_182 = arith.constant 4 : i32
    %broadcast_in_dim3A_183 = vector.broadcast %broadcast_in_dim3A_182 : i32 to vector<16xi32>
    %select_n3A_184 = arith.select %gt3A_180, %broadcast_in_dim3A_183, %select_n3A_170 : vector<16xi1>, vector<16xi32>
    %broadcast_in_dim3A_185 = arith.constant 42 : i32
    %broadcast_in_dim3A_186 = vector.broadcast %broadcast_in_dim3A_185 : i32 to vector<16xi32>
    %add3A_187 = arith.addi %broadcast_in_dim3A_186, %mul3A_117 : vector<16xi32>
    %add3A_188 = arith.addi %add3A_187, %select_n3A_184 : vector<16xi32>
    %gather3A_189 = tpu.vector_load_idx %arg10[%add3A_188] : memref<128xf32, #tpu.memory_space<vmem>>[vector<16xi32>], vector<16xf32>,
    %mul3A_190 = arith.constant 2 : i32
    %mul3A_191 = vector.broadcast %mul3A_190 : i32 to vector<16xi32>
    %mul3A_192 = arith.muli %select_n3A, %mul3A_191 : vector<16xi32>
    %broadcast_in_dim3A_193 = arith.constant 24 : i32
    %broadcast_in_dim3A_194 = vector.broadcast %broadcast_in_dim3A_193 : i32 to vector<16xi32>
    %add3A_195 = arith.addi %broadcast_in_dim3A_194, %mul3A_192 : vector<16xi32>
    %gather3A_196 = tpu.vector_load_idx %arg10[%add3A_195] : memref<128xf32, #tpu.memory_space<vmem>>[vector<16xi32>], vector<16xf32>,
    %get3A_197 = arith.constant 13 : i32
    %get3A_198 = arith.index_cast %get3A_197 : i32 to index
    %get3A_199 = arith.constant 0 : index
    %get3A_200 = tpu.vector_load %arg11[%get3A_198, %get3A_199] {strides = array<i32>} : memref<15x128xf32, #tpu.memory_space<vmem>>, vector<16xf32>,
    %add3A_201 = arith.addf %gather3A_196, %get3A_200 : vector<16xf32>
    %broadcast_in_dim3A_202 = arith.constant 0 : i32
    %broadcast_in_dim3A_203 = vector.broadcast %broadcast_in_dim3A_202 : i32 to vector<16xi32>
    %broadcast_in_dim3A_204 = arith.constant 25 : i32
    %broadcast_in_dim3A_205 = vector.broadcast %broadcast_in_dim3A_204 : i32 to vector<16xi32>
    %add3A_206 = arith.addi %broadcast_in_dim3A_205, %mul3A_192 : vector<16xi32>
    %gather3A_207 = tpu.vector_load_idx %arg10[%add3A_206] : memref<128xf32, #tpu.memory_space<vmem>>[vector<16xi32>], vector<16xf32>,
    %get3A_208 = arith.constant 14 : i32
    %get3A_209 = arith.index_cast %get3A_208 : i32 to index
    %get3A_210 = arith.constant 0 : index
    %get3A_211 = tpu.vector_load %arg11[%get3A_209, %get3A_210] {strides = array<i32>} : memref<15x128xf32, #tpu.memory_space<vmem>>, vector<16xf32>,
    %add3A_212 = arith.addf %gather3A_207, %get3A_211 : vector<16xf32>
    %gt3A_213 = arith.cmpf ogt, %add3A_212, %add3A_201 : vector<16xf32>
    %select_n3A_214 = arith.select %gt3A_213, %add3A_212, %add3A_201 : vector<16xi1>, vector<16xf32>
    %broadcast_in_dim3A_215 = arith.constant 1 : i32
    %broadcast_in_dim3A_216 = vector.broadcast %broadcast_in_dim3A_215 : i32 to vector<16xi32>
    %select_n3A_217 = arith.select %gt3A_213, %broadcast_in_dim3A_216, %broadcast_in_dim3A_203 : vector<16xi1>, vector<16xi32>
    %broadcast_in_dim3A_218 = arith.constant 52 : i32
    %broadcast_in_dim3A_219 = vector.broadcast %broadcast_in_dim3A_218 : i32 to vector<16xi32>
    %add3A_220 = arith.addi %broadcast_in_dim3A_219, %mul3A_192 : vector<16xi32>
    %add3A_221 = arith.addi %add3A_220, %select_n3A_217 : vector<16xi32>
    %gather3A_222 = tpu.vector_load_idx %arg10[%add3A_221] : memref<128xf32, #tpu.memory_space<vmem>>[vector<16xi32>], vector<16xf32>,
    %add3A_223 = arith.addf %gather3A_21, %gather3A_67 : vector<16xf32>
    %add3A_224 = arith.addf %add3A_223, %gather3A_114 : vector<16xf32>
    %add3A_225 = arith.addf %add3A_224, %gather3A_189 : vector<16xf32>
    %add3A_226 = arith.addf %add3A_225, %gather3A_222 : vector<16xf32>
    %get3A_227 = arith.constant 0 : i32
    %get3A_228 = arith.index_cast %get3A_227 : i32 to index
    %get3A_229 = arith.constant 0 : index
    %get3A_230 = tpu.vector_load %arg13[%get3A_228, %get3A_229] {strides = array<i32>} : memref<20x128xf32, #tpu.memory_space<vmem>>, vector<16xf32>,
    %mul3A_231 = arith.mulf %add3A_226, %get3A_230 : vector<16xf32>
    %mul3A_232 = arith.constant 3 : i32
    %mul3A_233 = vector.broadcast %mul3A_232 : i32 to vector<16xi32>
    %mul3A_234 = arith.muli %select_n3A, %mul3A_233 : vector<16xi32>
    %add3A_235 = arith.addi %mul3A_234, %select_n3A_62 : vector<16xi32>
    %mul3A_236 = arith.constant 3 : i32
    %mul3A_237 = vector.broadcast %mul3A_236 : i32 to vector<16xi32>
    %mul3A_238 = arith.muli %add3A_235, %mul3A_237 : vector<16xi32>
    %add3A_239 = arith.addi %mul3A_238, %select_n3A_109 : vector<16xi32>
    %mul3A_240 = arith.constant 2 : i32
    %mul3A_241 = vector.broadcast %mul3A_240 : i32 to vector<16xi32>
    %mul3A_242 = arith.muli %add3A_239, %mul3A_241 : vector<16xi32>
    %add3A_243 = arith.addi %mul3A_242, %select_n3A_217 : vector<16xi32>
    %mul3A_244 = arith.constant 5 : i32
    %mul3A_245 = vector.broadcast %mul3A_244 : i32 to vector<16xi32>
    %mul3A_246 = arith.muli %add3A_243, %mul3A_245 : vector<16xi32>
    %add3A_247 = arith.addi %mul3A_246, %select_n3A_184 : vector<16xi32>
    %mul3A_248 = arith.constant 64 : i32
    %mul3A_249 = vector.broadcast %mul3A_248 : i32 to vector<16xi32>
    %mul3A_250 = arith.muli %add3A_247, %mul3A_249 : vector<16xi32>
    %broadcast_in_dim3A_251 = arith.constant 0 : i32
    %broadcast_in_dim3A_252 = vector.broadcast %broadcast_in_dim3A_251 : i32 to vector<16xi32>
    %get3A_253 = arith.constant 0 : i32
    %get3A_254 = arith.index_cast %get3A_253 : i32 to index
    %get3A_255 = arith.constant 0 : index
    %get3A_256 = tpu.vector_load %arg12[%get3A_254, %get3A_255] {strides = array<i32>} : memref<19x128xi32, #tpu.memory_space<vmem>>, vector<16xi32>,
    %add3A_257 = arith.addi %mul3A_250, %broadcast_in_dim3A_252 : vector<16xi32>
    %add3A_258 = arith.addi %add3A_257, %get3A_256 : vector<16xi32>
    %gather3A_259 = tpu.vector_load_idx %arg9[%add3A_258] : memref<11520xf32, #tpu.memory_space<vmem>>[vector<16xi32>], vector<16xf32>,
    %get3A_260 = arith.constant 1 : i32
    %get3A_261 = arith.index_cast %get3A_260 : i32 to index
    %get3A_262 = arith.constant 0 : index
    %get3A_263 = tpu.vector_load %arg13[%get3A_261, %get3A_262] {strides = array<i32>} : memref<20x128xf32, #tpu.memory_space<vmem>>, vector<16xf32>,
    %mul3A_264 = arith.mulf %gather3A_259, %get3A_263 : vector<16xf32>
    %add3A_265 = arith.addf %mul3A_231, %mul3A_264 : vector<16xf32>
    %gather3A_266 = tpu.vector_load_idx %arg15[%get3A_256] : memref<16xi32, #tpu.memory_space<vmem>>[vector<16xi32>], vector<16xi32>,
    %get3A_267 = arith.constant 1 : i32
    %get3A_268 = arith.index_cast %get3A_267 : i32 to index
    %get3A_269 = arith.constant 0 : index
    %get3A_270 = tpu.vector_load %arg12[%get3A_268, %get3A_269] {strides = array<i32>} : memref<19x128xi32, #tpu.memory_space<vmem>>, vector<16xi32>,
    %add3A_271 = arith.addi %mul3A_250, %gather3A_266 : vector<16xi32>
    %add3A_272 = arith.addi %add3A_271, %get3A_270 : vector<16xi32>
    %gather3A_273 = tpu.vector_load_idx %arg9[%add3A_272] : memref<11520xf32, #tpu.memory_space<vmem>>[vector<16xi32>], vector<16xf32>,
    %get3A_274 = arith.constant 2 : i32
    %get3A_275 = arith.index_cast %get3A_274 : i32 to index
    %get3A_276 = arith.constant 0 : index
    %get3A_277 = tpu.vector_load %arg13[%get3A_275, %get3A_276] {strides = array<i32>} : memref<20x128xf32, #tpu.memory_space<vmem>>, vector<16xf32>,
    %mul3A_278 = arith.mulf %gather3A_273, %get3A_277 : vector<16xf32>
    %add3A_279 = arith.addf %add3A_265, %mul3A_278 : vector<16xf32>
    %gather3A_280 = tpu.vector_load_idx %arg15[%get3A_270] : memref<16xi32, #tpu.memory_space<vmem>>[vector<16xi32>], vector<16xi32>,
    %get3A_281 = arith.constant 2 : i32
    %get3A_282 = arith.index_cast %get3A_281 : i32 to index
    %get3A_283 = arith.constant 0 : index
    %get3A_284 = tpu.vector_load %arg12[%get3A_282, %get3A_283] {strides = array<i32>} : memref<19x128xi32, #tpu.memory_space<vmem>>, vector<16xi32>,
    %add3A_285 = arith.addi %mul3A_250, %gather3A_280 : vector<16xi32>
    %add3A_286 = arith.addi %add3A_285, %get3A_284 : vector<16xi32>
    %gather3A_287 = tpu.vector_load_idx %arg9[%add3A_286] : memref<11520xf32, #tpu.memory_space<vmem>>[vector<16xi32>], vector<16xf32>,
    %get3A_288 = arith.constant 3 : i32
    %get3A_289 = arith.index_cast %get3A_288 : i32 to index
    %get3A_290 = arith.constant 0 : index
    %get3A_291 = tpu.vector_load %arg13[%get3A_289, %get3A_290] {strides = array<i32>} : memref<20x128xf32, #tpu.memory_space<vmem>>, vector<16xf32>,
    %mul3A_292 = arith.mulf %gather3A_287, %get3A_291 : vector<16xf32>
    %add3A_293 = arith.addf %add3A_279, %mul3A_292 : vector<16xf32>
    %gather3A_294 = tpu.vector_load_idx %arg15[%get3A_284] : memref<16xi32, #tpu.memory_space<vmem>>[vector<16xi32>], vector<16xi32>,
    %get3A_295 = arith.constant 3 : i32
    %get3A_296 = arith.index_cast %get3A_295 : i32 to index
    %get3A_297 = arith.constant 0 : index
    %get3A_298 = tpu.vector_load %arg12[%get3A_296, %get3A_297] {strides = array<i32>} : memref<19x128xi32, #tpu.memory_space<vmem>>, vector<16xi32>,
    %add3A_299 = arith.addi %mul3A_250, %gather3A_294 : vector<16xi32>
    %add3A_300 = arith.addi %add3A_299, %get3A_298 : vector<16xi32>
    %gather3A_301 = tpu.vector_load_idx %arg9[%add3A_300] : memref<11520xf32, #tpu.memory_space<vmem>>[vector<16xi32>], vector<16xf32>,
    %get3A_302 = arith.constant 4 : i32
    %get3A_303 = arith.index_cast %get3A_302 : i32 to index
    %get3A_304 = arith.constant 0 : index
    %get3A_305 = tpu.vector_load %arg13[%get3A_303, %get3A_304] {strides = array<i32>} : memref<20x128xf32, #tpu.memory_space<vmem>>, vector<16xf32>,
    %mul3A_306 = arith.mulf %gather3A_301, %get3A_305 : vector<16xf32>
    %add3A_307 = arith.addf %add3A_293, %mul3A_306 : vector<16xf32>
    %gather3A_308 = tpu.vector_load_idx %arg15[%get3A_298] : memref<16xi32, #tpu.memory_space<vmem>>[vector<16xi32>], vector<16xi32>,
    %get3A_309 = arith.constant 4 : i32
    %get3A_310 = arith.index_cast %get3A_309 : i32 to index
    %get3A_311 = arith.constant 0 : index
    %get3A_312 = tpu.vector_load %arg12[%get3A_310, %get3A_311] {strides = array<i32>} : memref<19x128xi32, #tpu.memory_space<vmem>>, vector<16xi32>,
    %add3A_313 = arith.addi %mul3A_250, %gather3A_308 : vector<16xi32>
    %add3A_314 = arith.addi %add3A_313, %get3A_312 : vector<16xi32>
    %gather3A_315 = tpu.vector_load_idx %arg9[%add3A_314] : memref<11520xf32, #tpu.memory_space<vmem>>[vector<16xi32>], vector<16xf32>,
    %get3A_316 = arith.constant 5 : i32
    %get3A_317 = arith.index_cast %get3A_316 : i32 to index
    %get3A_318 = arith.constant 0 : index
    %get3A_319 = tpu.vector_load %arg13[%get3A_317, %get3A_318] {strides = array<i32>} : memref<20x128xf32, #tpu.memory_space<vmem>>, vector<16xf32>,
    %mul3A_320 = arith.mulf %gather3A_315, %get3A_319 : vector<16xf32>
    %add3A_321 = arith.addf %add3A_307, %mul3A_320 : vector<16xf32>
    %gather3A_322 = tpu.vector_load_idx %arg15[%get3A_312] : memref<16xi32, #tpu.memory_space<vmem>>[vector<16xi32>], vector<16xi32>,
    %get3A_323 = arith.constant 5 : i32
    %get3A_324 = arith.index_cast %get3A_323 : i32 to index
    %get3A_325 = arith.constant 0 : index
    %get3A_326 = tpu.vector_load %arg12[%get3A_324, %get3A_325] {strides = array<i32>} : memref<19x128xi32, #tpu.memory_space<vmem>>, vector<16xi32>,
    %add3A_327 = arith.addi %mul3A_250, %gather3A_322 : vector<16xi32>
    %add3A_328 = arith.addi %add3A_327, %get3A_326 : vector<16xi32>
    %gather3A_329 = tpu.vector_load_idx %arg9[%add3A_328] : memref<11520xf32, #tpu.memory_space<vmem>>[vector<16xi32>], vector<16xf32>,
    %get3A_330 = arith.constant 6 : i32
    %get3A_331 = arith.index_cast %get3A_330 : i32 to index
    %get3A_332 = arith.constant 0 : index
    %get3A_333 = tpu.vector_load %arg13[%get3A_331, %get3A_332] {strides = array<i32>} : memref<20x128xf32, #tpu.memory_space<vmem>>, vector<16xf32>,
    %mul3A_334 = arith.mulf %gather3A_329, %get3A_333 : vector<16xf32>
    %add3A_335 = arith.addf %add3A_321, %mul3A_334 : vector<16xf32>
    %gather3A_336 = tpu.vector_load_idx %arg15[%get3A_326] : memref<16xi32, #tpu.memory_space<vmem>>[vector<16xi32>], vector<16xi32>,
    %get3A_337 = arith.constant 6 : i32
    %get3A_338 = arith.index_cast %get3A_337 : i32 to index
    %get3A_339 = arith.constant 0 : index
    %get3A_340 = tpu.vector_load %arg12[%get3A_338, %get3A_339] {strides = array<i32>} : memref<19x128xi32, #tpu.memory_space<vmem>>, vector<16xi32>,
    %add3A_341 = arith.addi %mul3A_250, %gather3A_336 : vector<16xi32>
    %add3A_342 = arith.addi %add3A_341, %get3A_340 : vector<16xi32>
    %gather3A_343 = tpu.vector_load_idx %arg9[%add3A_342] : memref<11520xf32, #tpu.memory_space<vmem>>[vector<16xi32>], vector<16xf32>,
    %get3A_344 = arith.constant 7 : i32
    %get3A_345 = arith.index_cast %get3A_344 : i32 to index
    %get3A_346 = arith.constant 0 : index
    %get3A_347 = tpu.vector_load %arg13[%get3A_345, %get3A_346] {strides = array<i32>} : memref<20x128xf32, #tpu.memory_space<vmem>>, vector<16xf32>,
    %mul3A_348 = arith.mulf %gather3A_343, %get3A_347 : vector<16xf32>
    %add3A_349 = arith.addf %add3A_335, %mul3A_348 : vector<16xf32>
    %gather3A_350 = tpu.vector_load_idx %arg15[%get3A_340] : memref<16xi32, #tpu.memory_space<vmem>>[vector<16xi32>], vector<16xi32>,
    %get3A_351 = arith.constant 7 : i32
    %get3A_352 = arith.index_cast %get3A_351 : i32 to index
    %get3A_353 = arith.constant 0 : index
    %get3A_354 = tpu.vector_load %arg12[%get3A_352, %get3A_353] {strides = array<i32>} : memref<19x128xi32, #tpu.memory_space<vmem>>, vector<16xi32>,
    %add3A_355 = arith.addi %mul3A_250, %gather3A_350 : vector<16xi32>
    %add3A_356 = arith.addi %add3A_355, %get3A_354 : vector<16xi32>
    %gather3A_357 = tpu.vector_load_idx %arg9[%add3A_356] : memref<11520xf32, #tpu.memory_space<vmem>>[vector<16xi32>], vector<16xf32>,
    %get3A_358 = arith.constant 8 : i32
    %get3A_359 = arith.index_cast %get3A_358 : i32 to index
    %get3A_360 = arith.constant 0 : index
    %get3A_361 = tpu.vector_load %arg13[%get3A_359, %get3A_360] {strides = array<i32>} : memref<20x128xf32, #tpu.memory_space<vmem>>, vector<16xf32>,
    %mul3A_362 = arith.mulf %gather3A_357, %get3A_361 : vector<16xf32>
    %add3A_363 = arith.addf %add3A_349, %mul3A_362 : vector<16xf32>
    %gather3A_364 = tpu.vector_load_idx %arg15[%get3A_354] : memref<16xi32, #tpu.memory_space<vmem>>[vector<16xi32>], vector<16xi32>,
    %get3A_365 = arith.constant 8 : i32
    %get3A_366 = arith.index_cast %get3A_365 : i32 to index
    %get3A_367 = arith.constant 0 : index
    %get3A_368 = tpu.vector_load %arg12[%get3A_366, %get3A_367] {strides = array<i32>} : memref<19x128xi32, #tpu.memory_space<vmem>>, vector<16xi32>,
    %add3A_369 = arith.addi %mul3A_250, %gather3A_364 : vector<16xi32>
    %add3A_370 = arith.addi %add3A_369, %get3A_368 : vector<16xi32>
    %gather3A_371 = tpu.vector_load_idx %arg9[%add3A_370] : memref<11520xf32, #tpu.memory_space<vmem>>[vector<16xi32>], vector<16xf32>,
    %get3A_372 = arith.constant 9 : i32
    %get3A_373 = arith.index_cast %get3A_372 : i32 to index
    %get3A_374 = arith.constant 0 : index
    %get3A_375 = tpu.vector_load %arg13[%get3A_373, %get3A_374] {strides = array<i32>} : memref<20x128xf32, #tpu.memory_space<vmem>>, vector<16xf32>,
    %mul3A_376 = arith.mulf %gather3A_371, %get3A_375 : vector<16xf32>
    %add3A_377 = arith.addf %add3A_363, %mul3A_376 : vector<16xf32>
    %gather3A_378 = tpu.vector_load_idx %arg15[%get3A_368] : memref<16xi32, #tpu.memory_space<vmem>>[vector<16xi32>], vector<16xi32>,
    %get3A_379 = arith.constant 9 : i32
    %get3A_380 = arith.index_cast %get3A_379 : i32 to index
    %get3A_381 = arith.constant 0 : index
    %get3A_382 = tpu.vector_load %arg12[%get3A_380, %get3A_381] {strides = array<i32>} : memref<19x128xi32, #tpu.memory_space<vmem>>, vector<16xi32>,
    %add3A_383 = arith.addi %mul3A_250, %gather3A_378 : vector<16xi32>
    %add3A_384 = arith.addi %add3A_383, %get3A_382 : vector<16xi32>
    %gather3A_385 = tpu.vector_load_idx %arg9[%add3A_384] : memref<11520xf32, #tpu.memory_space<vmem>>[vector<16xi32>], vector<16xf32>,
    %get3A_386 = arith.constant 10 : i32
    %get3A_387 = arith.index_cast %get3A_386 : i32 to index
    %get3A_388 = arith.constant 0 : index
    %get3A_389 = tpu.vector_load %arg13[%get3A_387, %get3A_388] {strides = array<i32>} : memref<20x128xf32, #tpu.memory_space<vmem>>, vector<16xf32>,
    %mul3A_390 = arith.mulf %gather3A_385, %get3A_389 : vector<16xf32>
    %add3A_391 = arith.addf %add3A_377, %mul3A_390 : vector<16xf32>
    %gather3A_392 = tpu.vector_load_idx %arg15[%get3A_382] : memref<16xi32, #tpu.memory_space<vmem>>[vector<16xi32>], vector<16xi32>,
    %get3A_393 = arith.constant 10 : i32
    %get3A_394 = arith.index_cast %get3A_393 : i32 to index
    %get3A_395 = arith.constant 0 : index
    %get3A_396 = tpu.vector_load %arg12[%get3A_394, %get3A_395] {strides = array<i32>} : memref<19x128xi32, #tpu.memory_space<vmem>>, vector<16xi32>,
    %add3A_397 = arith.addi %mul3A_250, %gather3A_392 : vector<16xi32>
    %add3A_398 = arith.addi %add3A_397, %get3A_396 : vector<16xi32>
    %gather3A_399 = tpu.vector_load_idx %arg9[%add3A_398] : memref<11520xf32, #tpu.memory_space<vmem>>[vector<16xi32>], vector<16xf32>,
    %get3A_400 = arith.constant 11 : i32
    %get3A_401 = arith.index_cast %get3A_400 : i32 to index
    %get3A_402 = arith.constant 0 : index
    %get3A_403 = tpu.vector_load %arg13[%get3A_401, %get3A_402] {strides = array<i32>} : memref<20x128xf32, #tpu.memory_space<vmem>>, vector<16xf32>,
    %mul3A_404 = arith.mulf %gather3A_399, %get3A_403 : vector<16xf32>
    %add3A_405 = arith.addf %add3A_391, %mul3A_404 : vector<16xf32>
    %gather3A_406 = tpu.vector_load_idx %arg15[%get3A_396] : memref<16xi32, #tpu.memory_space<vmem>>[vector<16xi32>], vector<16xi32>,
    %get3A_407 = arith.constant 11 : i32
    %get3A_408 = arith.index_cast %get3A_407 : i32 to index
    %get3A_409 = arith.constant 0 : index
    %get3A_410 = tpu.vector_load %arg12[%get3A_408, %get3A_409] {strides = array<i32>} : memref<19x128xi32, #tpu.memory_space<vmem>>, vector<16xi32>,
    %add3A_411 = arith.addi %mul3A_250, %gather3A_406 : vector<16xi32>
    %add3A_412 = arith.addi %add3A_411, %get3A_410 : vector<16xi32>
    %gather3A_413 = tpu.vector_load_idx %arg9[%add3A_412] : memref<11520xf32, #tpu.memory_space<vmem>>[vector<16xi32>], vector<16xf32>,
    %get3A_414 = arith.constant 12 : i32
    %get3A_415 = arith.index_cast %get3A_414 : i32 to index
    %get3A_416 = arith.constant 0 : index
    %get3A_417 = tpu.vector_load %arg13[%get3A_415, %get3A_416] {strides = array<i32>} : memref<20x128xf32, #tpu.memory_space<vmem>>, vector<16xf32>,
    %mul3A_418 = arith.mulf %gather3A_413, %get3A_417 : vector<16xf32>
    %add3A_419 = arith.addf %add3A_405, %mul3A_418 : vector<16xf32>
    %gather3A_420 = tpu.vector_load_idx %arg15[%get3A_410] : memref<16xi32, #tpu.memory_space<vmem>>[vector<16xi32>], vector<16xi32>,
    %get3A_421 = arith.constant 12 : i32
    %get3A_422 = arith.index_cast %get3A_421 : i32 to index
    %get3A_423 = arith.constant 0 : index
    %get3A_424 = tpu.vector_load %arg12[%get3A_422, %get3A_423] {strides = array<i32>} : memref<19x128xi32, #tpu.memory_space<vmem>>, vector<16xi32>,
    %add3A_425 = arith.addi %mul3A_250, %gather3A_420 : vector<16xi32>
    %add3A_426 = arith.addi %add3A_425, %get3A_424 : vector<16xi32>
    %gather3A_427 = tpu.vector_load_idx %arg9[%add3A_426] : memref<11520xf32, #tpu.memory_space<vmem>>[vector<16xi32>], vector<16xf32>,
    %get3A_428 = arith.constant 13 : i32
    %get3A_429 = arith.index_cast %get3A_428 : i32 to index
    %get3A_430 = arith.constant 0 : index
    %get3A_431 = tpu.vector_load %arg13[%get3A_429, %get3A_430] {strides = array<i32>} : memref<20x128xf32, #tpu.memory_space<vmem>>, vector<16xf32>,
    %mul3A_432 = arith.mulf %gather3A_427, %get3A_431 : vector<16xf32>
    %add3A_433 = arith.addf %add3A_419, %mul3A_432 : vector<16xf32>
    %gather3A_434 = tpu.vector_load_idx %arg15[%get3A_424] : memref<16xi32, #tpu.memory_space<vmem>>[vector<16xi32>], vector<16xi32>,
    %get3A_435 = arith.constant 13 : i32
    %get3A_436 = arith.index_cast %get3A_435 : i32 to index
    %get3A_437 = arith.constant 0 : index
    %get3A_438 = tpu.vector_load %arg12[%get3A_436, %get3A_437] {strides = array<i32>} : memref<19x128xi32, #tpu.memory_space<vmem>>, vector<16xi32>,
    %add3A_439 = arith.addi %mul3A_250, %gather3A_434 : vector<16xi32>
    %add3A_440 = arith.addi %add3A_439, %get3A_438 : vector<16xi32>
    %gather3A_441 = tpu.vector_load_idx %arg9[%add3A_440] : memref<11520xf32, #tpu.memory_space<vmem>>[vector<16xi32>], vector<16xf32>,
    %get3A_442 = arith.constant 14 : i32
    %get3A_443 = arith.index_cast %get3A_442 : i32 to index
    %get3A_444 = arith.constant 0 : index
    %get3A_445 = tpu.vector_load %arg13[%get3A_443, %get3A_444] {strides = array<i32>} : memref<20x128xf32, #tpu.memory_space<vmem>>, vector<16xf32>,
    %mul3A_446 = arith.mulf %gather3A_441, %get3A_445 : vector<16xf32>
    %add3A_447 = arith.addf %add3A_433, %mul3A_446 : vector<16xf32>
    %gather3A_448 = tpu.vector_load_idx %arg15[%get3A_438] : memref<16xi32, #tpu.memory_space<vmem>>[vector<16xi32>], vector<16xi32>,
    %get3A_449 = arith.constant 14 : i32
    %get3A_450 = arith.index_cast %get3A_449 : i32 to index
    %get3A_451 = arith.constant 0 : index
    %get3A_452 = tpu.vector_load %arg12[%get3A_450, %get3A_451] {strides = array<i32>} : memref<19x128xi32, #tpu.memory_space<vmem>>, vector<16xi32>,
    %add3A_453 = arith.addi %mul3A_250, %gather3A_448 : vector<16xi32>
    %add3A_454 = arith.addi %add3A_453, %get3A_452 : vector<16xi32>
    %gather3A_455 = tpu.vector_load_idx %arg9[%add3A_454] : memref<11520xf32, #tpu.memory_space<vmem>>[vector<16xi32>], vector<16xf32>,
    %get3A_456 = arith.constant 15 : i32
    %get3A_457 = arith.index_cast %get3A_456 : i32 to index
    %get3A_458 = arith.constant 0 : index
    %get3A_459 = tpu.vector_load %arg13[%get3A_457, %get3A_458] {strides = array<i32>} : memref<20x128xf32, #tpu.memory_space<vmem>>, vector<16xf32>,
    %mul3A_460 = arith.mulf %gather3A_455, %get3A_459 : vector<16xf32>
    %add3A_461 = arith.addf %add3A_447, %mul3A_460 : vector<16xf32>
    %gather3A_462 = tpu.vector_load_idx %arg15[%get3A_452] : memref<16xi32, #tpu.memory_space<vmem>>[vector<16xi32>], vector<16xi32>,
    %get3A_463 = arith.constant 15 : i32
    %get3A_464 = arith.index_cast %get3A_463 : i32 to index
    %get3A_465 = arith.constant 0 : index
    %get3A_466 = tpu.vector_load %arg12[%get3A_464, %get3A_465] {strides = array<i32>} : memref<19x128xi32, #tpu.memory_space<vmem>>, vector<16xi32>,
    %add3A_467 = arith.addi %mul3A_250, %gather3A_462 : vector<16xi32>
    %add3A_468 = arith.addi %add3A_467, %get3A_466 : vector<16xi32>
    %gather3A_469 = tpu.vector_load_idx %arg9[%add3A_468] : memref<11520xf32, #tpu.memory_space<vmem>>[vector<16xi32>], vector<16xf32>,
    %get3A_470 = arith.constant 16 : i32
    %get3A_471 = arith.index_cast %get3A_470 : i32 to index
    %get3A_472 = arith.constant 0 : index
    %get3A_473 = tpu.vector_load %arg13[%get3A_471, %get3A_472] {strides = array<i32>} : memref<20x128xf32, #tpu.memory_space<vmem>>, vector<16xf32>,
    %mul3A_474 = arith.mulf %gather3A_469, %get3A_473 : vector<16xf32>
    %add3A_475 = arith.addf %add3A_461, %mul3A_474 : vector<16xf32>
    %gather3A_476 = tpu.vector_load_idx %arg15[%get3A_466] : memref<16xi32, #tpu.memory_space<vmem>>[vector<16xi32>], vector<16xi32>,
    %get3A_477 = arith.constant 16 : i32
    %get3A_478 = arith.index_cast %get3A_477 : i32 to index
    %get3A_479 = arith.constant 0 : index
    %get3A_480 = tpu.vector_load %arg12[%get3A_478, %get3A_479] {strides = array<i32>} : memref<19x128xi32, #tpu.memory_space<vmem>>, vector<16xi32>,
    %add3A_481 = arith.addi %mul3A_250, %gather3A_476 : vector<16xi32>
    %add3A_482 = arith.addi %add3A_481, %get3A_480 : vector<16xi32>
    %gather3A_483 = tpu.vector_load_idx %arg9[%add3A_482] : memref<11520xf32, #tpu.memory_space<vmem>>[vector<16xi32>], vector<16xf32>,
    %get3A_484 = arith.constant 17 : i32
    %get3A_485 = arith.index_cast %get3A_484 : i32 to index
    %get3A_486 = arith.constant 0 : index
    %get3A_487 = tpu.vector_load %arg13[%get3A_485, %get3A_486] {strides = array<i32>} : memref<20x128xf32, #tpu.memory_space<vmem>>, vector<16xf32>,
    %mul3A_488 = arith.mulf %gather3A_483, %get3A_487 : vector<16xf32>
    %add3A_489 = arith.addf %add3A_475, %mul3A_488 : vector<16xf32>
    %gather3A_490 = tpu.vector_load_idx %arg15[%get3A_480] : memref<16xi32, #tpu.memory_space<vmem>>[vector<16xi32>], vector<16xi32>,
    %get3A_491 = arith.constant 17 : i32
    %get3A_492 = arith.index_cast %get3A_491 : i32 to index
    %get3A_493 = arith.constant 0 : index
    %get3A_494 = tpu.vector_load %arg12[%get3A_492, %get3A_493] {strides = array<i32>} : memref<19x128xi32, #tpu.memory_space<vmem>>, vector<16xi32>,
    %add3A_495 = arith.addi %mul3A_250, %gather3A_490 : vector<16xi32>
    %add3A_496 = arith.addi %add3A_495, %get3A_494 : vector<16xi32>
    %gather3A_497 = tpu.vector_load_idx %arg9[%add3A_496] : memref<11520xf32, #tpu.memory_space<vmem>>[vector<16xi32>], vector<16xf32>,
    %get3A_498 = arith.constant 18 : i32
    %get3A_499 = arith.index_cast %get3A_498 : i32 to index
    %get3A_500 = arith.constant 0 : index
    %get3A_501 = tpu.vector_load %arg13[%get3A_499, %get3A_500] {strides = array<i32>} : memref<20x128xf32, #tpu.memory_space<vmem>>, vector<16xf32>,
    %mul3A_502 = arith.mulf %gather3A_497, %get3A_501 : vector<16xf32>
    %add3A_503 = arith.addf %add3A_489, %mul3A_502 : vector<16xf32>
    %gather3A_504 = tpu.vector_load_idx %arg15[%get3A_494] : memref<16xi32, #tpu.memory_space<vmem>>[vector<16xi32>], vector<16xi32>,
    %get3A_505 = arith.constant 18 : i32
    %get3A_506 = arith.index_cast %get3A_505 : i32 to index
    %get3A_507 = arith.constant 0 : index
    %get3A_508 = tpu.vector_load %arg12[%get3A_506, %get3A_507] {strides = array<i32>} : memref<19x128xi32, #tpu.memory_space<vmem>>, vector<16xi32>,
    %add3A_509 = arith.addi %mul3A_250, %gather3A_504 : vector<16xi32>
    %add3A_510 = arith.addi %add3A_509, %get3A_508 : vector<16xi32>
    %gather3A_511 = tpu.vector_load_idx %arg9[%add3A_510] : memref<11520xf32, #tpu.memory_space<vmem>>[vector<16xi32>], vector<16xf32>,
    %get3A_512 = arith.constant 19 : i32
    %get3A_513 = arith.index_cast %get3A_512 : i32 to index
    %get3A_514 = arith.constant 0 : index
    %get3A_515 = tpu.vector_load %arg13[%get3A_513, %get3A_514] {strides = array<i32>} : memref<20x128xf32, #tpu.memory_space<vmem>>, vector<16xf32>,
    %mul3A_516 = arith.mulf %gather3A_511, %get3A_515 : vector<16xf32>
    %add3A_517 = arith.addf %add3A_503, %mul3A_516 : vector<16xf32>
    %gather3A_518 = tpu.vector_load_idx %arg15[%get3A_508] : memref<16xi32, #tpu.memory_space<vmem>>[vector<16xi32>], vector<16xi32>,
    %swap3A = arith.constant 0 : index
    %swap3A_519 = tpu.vector_load %arg14[%swap3A] {strides = array<i32>} : memref<128xf32, #tpu.memory_space<vmem>>, vector<16xf32>,
    tpu.vector_store %arg14[%swap3A], %add3A_517 {strides = array<i32>} : memref<128xf32, #tpu.memory_space<vmem>>, vector<16xf32>,
    %broadcast_in_dim3A_520 = arith.constant 0 : i32
    %broadcast_in_dim3A_521 = vector.broadcast %broadcast_in_dim3A_520 : i32 to vector<16xi32>
    %gather3A_522 = tpu.vector_load_idx %arg10[%broadcast_in_dim3A_521] : memref<128xf32, #tpu.memory_space<vmem>>[vector<16xi32>], vector<16xf32>,
    %get3A_523 = arith.constant 0 : i32
    %get3A_524 = arith.index_cast %get3A_523 : i32 to index
    %get3A_525 = arith.constant 16 : index
    %get3A_526 = tpu.vector_load %arg11[%get3A_524, %get3A_525] {strides = array<i32>} : memref<15x128xf32, #tpu.memory_space<vmem>>, vector<16xf32>,
    %add3A_527 = arith.addf %gather3A_522, %get3A_526 : vector<16xf32>
    %broadcast_in_dim3A_528 = arith.constant 1 : i32
    %broadcast_in_dim3A_529 = vector.broadcast %broadcast_in_dim3A_528 : i32 to vector<16xi32>
    %gather3A_530 = tpu.vector_load_idx %arg10[%broadcast_in_dim3A_529] : memref<128xf32, #tpu.memory_space<vmem>>[vector<16xi32>], vector<16xf32>,
    %get3A_531 = arith.constant 1 : i32
    %get3A_532 = arith.index_cast %get3A_531 : i32 to index
    %get3A_533 = arith.constant 16 : index
    %get3A_534 = tpu.vector_load %arg11[%get3A_532, %get3A_533] {strides = array<i32>} : memref<15x128xf32, #tpu.memory_space<vmem>>, vector<16xf32>,
    %add3A_535 = arith.addf %gather3A_530, %get3A_534 : vector<16xf32>
    %ge3A_536 = arith.cmpf oge, %add3A_527, %add3A_535 : vector<16xf32>
    %broadcast_in_dim3A_537 = arith.constant 0 : i32
    %broadcast_in_dim3A_538 = vector.broadcast %broadcast_in_dim3A_537 : i32 to vector<16xi32>
    %broadcast_in_dim3A_539 = arith.constant 1 : i32
    %broadcast_in_dim3A_540 = vector.broadcast %broadcast_in_dim3A_539 : i32 to vector<16xi32>
    %select_n3A_541 = arith.select %ge3A_536, %broadcast_in_dim3A_538, %broadcast_in_dim3A_540 : vector<16xi1>, vector<16xi32>
    %broadcast_in_dim3A_542 = arith.constant 28 : i32
    %broadcast_in_dim3A_543 = vector.broadcast %broadcast_in_dim3A_542 : i32 to vector<16xi32>
    %add3A_544 = arith.addi %broadcast_in_dim3A_543, %select_n3A_541 : vector<16xi32>
    %gather3A_545 = tpu.vector_load_idx %arg10[%add3A_544] : memref<128xf32, #tpu.memory_space<vmem>>[vector<16xi32>], vector<16xf32>,
    %mul3A_546 = arith.constant 3 : i32
    %mul3A_547 = vector.broadcast %mul3A_546 : i32 to vector<16xi32>
    %mul3A_548 = arith.muli %select_n3A_541, %mul3A_547 : vector<16xi32>
    %broadcast_in_dim3A_549 = arith.constant 2 : i32
    %broadcast_in_dim3A_550 = vector.broadcast %broadcast_in_dim3A_549 : i32 to vector<16xi32>
    %add3A_551 = arith.addi %broadcast_in_dim3A_550, %mul3A_548 : vector<16xi32>
    %gather3A_552 = tpu.vector_load_idx %arg10[%add3A_551] : memref<128xf32, #tpu.memory_space<vmem>>[vector<16xi32>], vector<16xf32>,
    %get3A_553 = arith.constant 2 : i32
    %get3A_554 = arith.index_cast %get3A_553 : i32 to index
    %get3A_555 = arith.constant 16 : index
    %get3A_556 = tpu.vector_load %arg11[%get3A_554, %get3A_555] {strides = array<i32>} : memref<15x128xf32, #tpu.memory_space<vmem>>, vector<16xf32>,
    %add3A_557 = arith.addf %gather3A_552, %get3A_556 : vector<16xf32>
    %broadcast_in_dim3A_558 = arith.constant 0 : i32
    %broadcast_in_dim3A_559 = vector.broadcast %broadcast_in_dim3A_558 : i32 to vector<16xi32>
    %broadcast_in_dim3A_560 = arith.constant 3 : i32
    %broadcast_in_dim3A_561 = vector.broadcast %broadcast_in_dim3A_560 : i32 to vector<16xi32>
    %add3A_562 = arith.addi %broadcast_in_dim3A_561, %mul3A_548 : vector<16xi32>
    %gather3A_563 = tpu.vector_load_idx %arg10[%add3A_562] : memref<128xf32, #tpu.memory_space<vmem>>[vector<16xi32>], vector<16xf32>,
    %get3A_564 = arith.constant 3 : i32
    %get3A_565 = arith.index_cast %get3A_564 : i32 to index
    %get3A_566 = arith.constant 16 : index
    %get3A_567 = tpu.vector_load %arg11[%get3A_565, %get3A_566] {strides = array<i32>} : memref<15x128xf32, #tpu.memory_space<vmem>>, vector<16xf32>,
    %add3A_568 = arith.addf %gather3A_563, %get3A_567 : vector<16xf32>
    %gt3A_569 = arith.cmpf ogt, %add3A_568, %add3A_557 : vector<16xf32>
    %select_n3A_570 = arith.select %gt3A_569, %add3A_568, %add3A_557 : vector<16xi1>, vector<16xf32>
    %broadcast_in_dim3A_571 = arith.constant 1 : i32
    %broadcast_in_dim3A_572 = vector.broadcast %broadcast_in_dim3A_571 : i32 to vector<16xi32>
    %select_n3A_573 = arith.select %gt3A_569, %broadcast_in_dim3A_572, %broadcast_in_dim3A_559 : vector<16xi1>, vector<16xi32>
    %broadcast_in_dim3A_574 = arith.constant 4 : i32
    %broadcast_in_dim3A_575 = vector.broadcast %broadcast_in_dim3A_574 : i32 to vector<16xi32>
    %add3A_576 = arith.addi %broadcast_in_dim3A_575, %mul3A_548 : vector<16xi32>
    %gather3A_577 = tpu.vector_load_idx %arg10[%add3A_576] : memref<128xf32, #tpu.memory_space<vmem>>[vector<16xi32>], vector<16xf32>,
    %get3A_578 = arith.constant 4 : i32
    %get3A_579 = arith.index_cast %get3A_578 : i32 to index
    %get3A_580 = arith.constant 16 : index
    %get3A_581 = tpu.vector_load %arg11[%get3A_579, %get3A_580] {strides = array<i32>} : memref<15x128xf32, #tpu.memory_space<vmem>>, vector<16xf32>,
    %add3A_582 = arith.addf %gather3A_577, %get3A_581 : vector<16xf32>
    %gt3A_583 = arith.cmpf ogt, %add3A_582, %select_n3A_570 : vector<16xf32>
    %select_n3A_584 = arith.select %gt3A_583, %add3A_582, %select_n3A_570 : vector<16xi1>, vector<16xf32>
    %broadcast_in_dim3A_585 = arith.constant 2 : i32
    %broadcast_in_dim3A_586 = vector.broadcast %broadcast_in_dim3A_585 : i32 to vector<16xi32>
    %select_n3A_587 = arith.select %gt3A_583, %broadcast_in_dim3A_586, %select_n3A_573 : vector<16xi1>, vector<16xi32>
    %broadcast_in_dim3A_588 = arith.constant 30 : i32
    %broadcast_in_dim3A_589 = vector.broadcast %broadcast_in_dim3A_588 : i32 to vector<16xi32>
    %add3A_590 = arith.addi %broadcast_in_dim3A_589, %mul3A_548 : vector<16xi32>
    %add3A_591 = arith.addi %add3A_590, %select_n3A_587 : vector<16xi32>
    %gather3A_592 = tpu.vector_load_idx %arg10[%add3A_591] : memref<128xf32, #tpu.memory_space<vmem>>[vector<16xi32>], vector<16xf32>,
    %mul3A_593 = arith.constant 3 : i32
    %mul3A_594 = vector.broadcast %mul3A_593 : i32 to vector<16xi32>
    %mul3A_595 = arith.muli %select_n3A_541, %mul3A_594 : vector<16xi32>
    %broadcast_in_dim3A_596 = arith.constant 8 : i32
    %broadcast_in_dim3A_597 = vector.broadcast %broadcast_in_dim3A_596 : i32 to vector<16xi32>
    %add3A_598 = arith.addi %broadcast_in_dim3A_597, %mul3A_595 : vector<16xi32>
    %gather3A_599 = tpu.vector_load_idx %arg10[%add3A_598] : memref<128xf32, #tpu.memory_space<vmem>>[vector<16xi32>], vector<16xf32>,
    %get3A_600 = arith.constant 5 : i32
    %get3A_601 = arith.index_cast %get3A_600 : i32 to index
    %get3A_602 = arith.constant 16 : index
    %get3A_603 = tpu.vector_load %arg11[%get3A_601, %get3A_602] {strides = array<i32>} : memref<15x128xf32, #tpu.memory_space<vmem>>, vector<16xf32>,
    %add3A_604 = arith.addf %gather3A_599, %get3A_603 : vector<16xf32>
    %broadcast_in_dim3A_605 = arith.constant 0 : i32
    %broadcast_in_dim3A_606 = vector.broadcast %broadcast_in_dim3A_605 : i32 to vector<16xi32>
    %broadcast_in_dim3A_607 = arith.constant 9 : i32
    %broadcast_in_dim3A_608 = vector.broadcast %broadcast_in_dim3A_607 : i32 to vector<16xi32>
    %add3A_609 = arith.addi %broadcast_in_dim3A_608, %mul3A_595 : vector<16xi32>
    %gather3A_610 = tpu.vector_load_idx %arg10[%add3A_609] : memref<128xf32, #tpu.memory_space<vmem>>[vector<16xi32>], vector<16xf32>,
    %get3A_611 = arith.constant 6 : i32
    %get3A_612 = arith.index_cast %get3A_611 : i32 to index
    %get3A_613 = arith.constant 16 : index
    %get3A_614 = tpu.vector_load %arg11[%get3A_612, %get3A_613] {strides = array<i32>} : memref<15x128xf32, #tpu.memory_space<vmem>>, vector<16xf32>,
    %add3A_615 = arith.addf %gather3A_610, %get3A_614 : vector<16xf32>
    %gt3A_616 = arith.cmpf ogt, %add3A_615, %add3A_604 : vector<16xf32>
    %select_n3A_617 = arith.select %gt3A_616, %add3A_615, %add3A_604 : vector<16xi1>, vector<16xf32>
    %broadcast_in_dim3A_618 = arith.constant 1 : i32
    %broadcast_in_dim3A_619 = vector.broadcast %broadcast_in_dim3A_618 : i32 to vector<16xi32>
    %select_n3A_620 = arith.select %gt3A_616, %broadcast_in_dim3A_619, %broadcast_in_dim3A_606 : vector<16xi1>, vector<16xi32>
    %broadcast_in_dim3A_621 = arith.constant 10 : i32
    %broadcast_in_dim3A_622 = vector.broadcast %broadcast_in_dim3A_621 : i32 to vector<16xi32>
    %add3A_623 = arith.addi %broadcast_in_dim3A_622, %mul3A_595 : vector<16xi32>
    %gather3A_624 = tpu.vector_load_idx %arg10[%add3A_623] : memref<128xf32, #tpu.memory_space<vmem>>[vector<16xi32>], vector<16xf32>,
    %get3A_625 = arith.constant 7 : i32
    %get3A_626 = arith.index_cast %get3A_625 : i32 to index
    %get3A_627 = arith.constant 16 : index
    %get3A_628 = tpu.vector_load %arg11[%get3A_626, %get3A_627] {strides = array<i32>} : memref<15x128xf32, #tpu.memory_space<vmem>>, vector<16xf32>,
    %add3A_629 = arith.addf %gather3A_624, %get3A_628 : vector<16xf32>
    %gt3A_630 = arith.cmpf ogt, %add3A_629, %select_n3A_617 : vector<16xf32>
    %select_n3A_631 = arith.select %gt3A_630, %add3A_629, %select_n3A_617 : vector<16xi1>, vector<16xf32>
    %broadcast_in_dim3A_632 = arith.constant 2 : i32
    %broadcast_in_dim3A_633 = vector.broadcast %broadcast_in_dim3A_632 : i32 to vector<16xi32>
    %select_n3A_634 = arith.select %gt3A_630, %broadcast_in_dim3A_633, %select_n3A_620 : vector<16xi1>, vector<16xi32>
    %broadcast_in_dim3A_635 = arith.constant 36 : i32
    %broadcast_in_dim3A_636 = vector.broadcast %broadcast_in_dim3A_635 : i32 to vector<16xi32>
    %add3A_637 = arith.addi %broadcast_in_dim3A_636, %mul3A_595 : vector<16xi32>
    %add3A_638 = arith.addi %add3A_637, %select_n3A_634 : vector<16xi32>
    %gather3A_639 = tpu.vector_load_idx %arg10[%add3A_638] : memref<128xf32, #tpu.memory_space<vmem>>[vector<16xi32>], vector<16xf32>,
    %mul3A_640 = arith.constant 5 : i32
    %mul3A_641 = vector.broadcast %mul3A_640 : i32 to vector<16xi32>
    %mul3A_642 = arith.muli %select_n3A_541, %mul3A_641 : vector<16xi32>
    %broadcast_in_dim3A_643 = arith.constant 14 : i32
    %broadcast_in_dim3A_644 = vector.broadcast %broadcast_in_dim3A_643 : i32 to vector<16xi32>
    %add3A_645 = arith.addi %broadcast_in_dim3A_644, %mul3A_642 : vector<16xi32>
    %gather3A_646 = tpu.vector_load_idx %arg10[%add3A_645] : memref<128xf32, #tpu.memory_space<vmem>>[vector<16xi32>], vector<16xf32>,
    %get3A_647 = arith.constant 8 : i32
    %get3A_648 = arith.index_cast %get3A_647 : i32 to index
    %get3A_649 = arith.constant 16 : index
    %get3A_650 = tpu.vector_load %arg11[%get3A_648, %get3A_649] {strides = array<i32>} : memref<15x128xf32, #tpu.memory_space<vmem>>, vector<16xf32>,
    %add3A_651 = arith.addf %gather3A_646, %get3A_650 : vector<16xf32>
    %broadcast_in_dim3A_652 = arith.constant 0 : i32
    %broadcast_in_dim3A_653 = vector.broadcast %broadcast_in_dim3A_652 : i32 to vector<16xi32>
    %broadcast_in_dim3A_654 = arith.constant 15 : i32
    %broadcast_in_dim3A_655 = vector.broadcast %broadcast_in_dim3A_654 : i32 to vector<16xi32>
    %add3A_656 = arith.addi %broadcast_in_dim3A_655, %mul3A_642 : vector<16xi32>
    %gather3A_657 = tpu.vector_load_idx %arg10[%add3A_656] : memref<128xf32, #tpu.memory_space<vmem>>[vector<16xi32>], vector<16xf32>,
    %get3A_658 = arith.constant 9 : i32
    %get3A_659 = arith.index_cast %get3A_658 : i32 to index
    %get3A_660 = arith.constant 16 : index
    %get3A_661 = tpu.vector_load %arg11[%get3A_659, %get3A_660] {strides = array<i32>} : memref<15x128xf32, #tpu.memory_space<vmem>>, vector<16xf32>,
    %add3A_662 = arith.addf %gather3A_657, %get3A_661 : vector<16xf32>
    %gt3A_663 = arith.cmpf ogt, %add3A_662, %add3A_651 : vector<16xf32>
    %select_n3A_664 = arith.select %gt3A_663, %add3A_662, %add3A_651 : vector<16xi1>, vector<16xf32>
    %broadcast_in_dim3A_665 = arith.constant 1 : i32
    %broadcast_in_dim3A_666 = vector.broadcast %broadcast_in_dim3A_665 : i32 to vector<16xi32>
    %select_n3A_667 = arith.select %gt3A_663, %broadcast_in_dim3A_666, %broadcast_in_dim3A_653 : vector<16xi1>, vector<16xi32>
    %broadcast_in_dim3A_668 = arith.constant 16 : i32
    %broadcast_in_dim3A_669 = vector.broadcast %broadcast_in_dim3A_668 : i32 to vector<16xi32>
    %add3A_670 = arith.addi %broadcast_in_dim3A_669, %mul3A_642 : vector<16xi32>
    %gather3A_671 = tpu.vector_load_idx %arg10[%add3A_670] : memref<128xf32, #tpu.memory_space<vmem>>[vector<16xi32>], vector<16xf32>,
    %get3A_672 = arith.constant 10 : i32
    %get3A_673 = arith.index_cast %get3A_672 : i32 to index
    %get3A_674 = arith.constant 16 : index
    %get3A_675 = tpu.vector_load %arg11[%get3A_673, %get3A_674] {strides = array<i32>} : memref<15x128xf32, #tpu.memory_space<vmem>>, vector<16xf32>,
    %add3A_676 = arith.addf %gather3A_671, %get3A_675 : vector<16xf32>
    %gt3A_677 = arith.cmpf ogt, %add3A_676, %select_n3A_664 : vector<16xf32>
    %select_n3A_678 = arith.select %gt3A_677, %add3A_676, %select_n3A_664 : vector<16xi1>, vector<16xf32>
    %broadcast_in_dim3A_679 = arith.constant 2 : i32
    %broadcast_in_dim3A_680 = vector.broadcast %broadcast_in_dim3A_679 : i32 to vector<16xi32>
    %select_n3A_681 = arith.select %gt3A_677, %broadcast_in_dim3A_680, %select_n3A_667 : vector<16xi1>, vector<16xi32>
    %broadcast_in_dim3A_682 = arith.constant 17 : i32
    %broadcast_in_dim3A_683 = vector.broadcast %broadcast_in_dim3A_682 : i32 to vector<16xi32>
    %add3A_684 = arith.addi %broadcast_in_dim3A_683, %mul3A_642 : vector<16xi32>
    %gather3A_685 = tpu.vector_load_idx %arg10[%add3A_684] : memref<128xf32, #tpu.memory_space<vmem>>[vector<16xi32>], vector<16xf32>,
    %get3A_686 = arith.constant 11 : i32
    %get3A_687 = arith.index_cast %get3A_686 : i32 to index
    %get3A_688 = arith.constant 16 : index
    %get3A_689 = tpu.vector_load %arg11[%get3A_687, %get3A_688] {strides = array<i32>} : memref<15x128xf32, #tpu.memory_space<vmem>>, vector<16xf32>,
    %add3A_690 = arith.addf %gather3A_685, %get3A_689 : vector<16xf32>
    %gt3A_691 = arith.cmpf ogt, %add3A_690, %select_n3A_678 : vector<16xf32>
    %select_n3A_692 = arith.select %gt3A_691, %add3A_690, %select_n3A_678 : vector<16xi1>, vector<16xf32>
    %broadcast_in_dim3A_693 = arith.constant 3 : i32
    %broadcast_in_dim3A_694 = vector.broadcast %broadcast_in_dim3A_693 : i32 to vector<16xi32>
    %select_n3A_695 = arith.select %gt3A_691, %broadcast_in_dim3A_694, %select_n3A_681 : vector<16xi1>, vector<16xi32>
    %broadcast_in_dim3A_696 = arith.constant 18 : i32
    %broadcast_in_dim3A_697 = vector.broadcast %broadcast_in_dim3A_696 : i32 to vector<16xi32>
    %add3A_698 = arith.addi %broadcast_in_dim3A_697, %mul3A_642 : vector<16xi32>
    %gather3A_699 = tpu.vector_load_idx %arg10[%add3A_698] : memref<128xf32, #tpu.memory_space<vmem>>[vector<16xi32>], vector<16xf32>,
    %get3A_700 = arith.constant 12 : i32
    %get3A_701 = arith.index_cast %get3A_700 : i32 to index
    %get3A_702 = arith.constant 16 : index
    %get3A_703 = tpu.vector_load %arg11[%get3A_701, %get3A_702] {strides = array<i32>} : memref<15x128xf32, #tpu.memory_space<vmem>>, vector<16xf32>,
    %add3A_704 = arith.addf %gather3A_699, %get3A_703 : vector<16xf32>
    %gt3A_705 = arith.cmpf ogt, %add3A_704, %select_n3A_692 : vector<16xf32>
    %select_n3A_706 = arith.select %gt3A_705, %add3A_704, %select_n3A_692 : vector<16xi1>, vector<16xf32>
    %broadcast_in_dim3A_707 = arith.constant 4 : i32
    %broadcast_in_dim3A_708 = vector.broadcast %broadcast_in_dim3A_707 : i32 to vector<16xi32>
    %select_n3A_709 = arith.select %gt3A_705, %broadcast_in_dim3A_708, %select_n3A_695 : vector<16xi1>, vector<16xi32>
    %broadcast_in_dim3A_710 = arith.constant 42 : i32
    %broadcast_in_dim3A_711 = vector.broadcast %broadcast_in_dim3A_710 : i32 to vector<16xi32>
    %add3A_712 = arith.addi %broadcast_in_dim3A_711, %mul3A_642 : vector<16xi32>
    %add3A_713 = arith.addi %add3A_712, %select_n3A_709 : vector<16xi32>
    %gather3A_714 = tpu.vector_load_idx %arg10[%add3A_713] : memref<128xf32, #tpu.memory_space<vmem>>[vector<16xi32>], vector<16xf32>,
    %mul3A_715 = arith.constant 2 : i32
    %mul3A_716 = vector.broadcast %mul3A_715 : i32 to vector<16xi32>
    %mul3A_717 = arith.muli %select_n3A_541, %mul3A_716 : vector<16xi32>
    %broadcast_in_dim3A_718 = arith.constant 24 : i32
    %broadcast_in_dim3A_719 = vector.broadcast %broadcast_in_dim3A_718 : i32 to vector<16xi32>
    %add3A_720 = arith.addi %broadcast_in_dim3A_719, %mul3A_717 : vector<16xi32>
    %gather3A_721 = tpu.vector_load_idx %arg10[%add3A_720] : memref<128xf32, #tpu.memory_space<vmem>>[vector<16xi32>], vector<16xf32>,
    %get3A_722 = arith.constant 13 : i32
    %get3A_723 = arith.index_cast %get3A_722 : i32 to index
    %get3A_724 = arith.constant 16 : index
    %get3A_725 = tpu.vector_load %arg11[%get3A_723, %get3A_724] {strides = array<i32>} : memref<15x128xf32, #tpu.memory_space<vmem>>, vector<16xf32>,
    %add3A_726 = arith.addf %gather3A_721, %get3A_725 : vector<16xf32>
    %broadcast_in_dim3A_727 = arith.constant 0 : i32
    %broadcast_in_dim3A_728 = vector.broadcast %broadcast_in_dim3A_727 : i32 to vector<16xi32>
    %broadcast_in_dim3A_729 = arith.constant 25 : i32
    %broadcast_in_dim3A_730 = vector.broadcast %broadcast_in_dim3A_729 : i32 to vector<16xi32>
    %add3A_731 = arith.addi %broadcast_in_dim3A_730, %mul3A_717 : vector<16xi32>
    %gather3A_732 = tpu.vector_load_idx %arg10[%add3A_731] : memref<128xf32, #tpu.memory_space<vmem>>[vector<16xi32>], vector<16xf32>,
    %get3A_733 = arith.constant 14 : i32
    %get3A_734 = arith.index_cast %get3A_733 : i32 to index
    %get3A_735 = arith.constant 16 : index
    %get3A_736 = tpu.vector_load %arg11[%get3A_734, %get3A_735] {strides = array<i32>} : memref<15x128xf32, #tpu.memory_space<vmem>>, vector<16xf32>,
    %add3A_737 = arith.addf %gather3A_732, %get3A_736 : vector<16xf32>
    %gt3A_738 = arith.cmpf ogt, %add3A_737, %add3A_726 : vector<16xf32>
    %select_n3A_739 = arith.select %gt3A_738, %add3A_737, %add3A_726 : vector<16xi1>, vector<16xf32>
    %broadcast_in_dim3A_740 = arith.constant 1 : i32
    %broadcast_in_dim3A_741 = vector.broadcast %broadcast_in_dim3A_740 : i32 to vector<16xi32>
    %select_n3A_742 = arith.select %gt3A_738, %broadcast_in_dim3A_741, %broadcast_in_dim3A_728 : vector<16xi1>, vector<16xi32>
    %broadcast_in_dim3A_743 = arith.constant 52 : i32
    %broadcast_in_dim3A_744 = vector.broadcast %broadcast_in_dim3A_743 : i32 to vector<16xi32>
    %add3A_745 = arith.addi %broadcast_in_dim3A_744, %mul3A_717 : vector<16xi32>
    %add3A_746 = arith.addi %add3A_745, %select_n3A_742 : vector<16xi32>
    %gather3A_747 = tpu.vector_load_idx %arg10[%add3A_746] : memref<128xf32, #tpu.memory_space<vmem>>[vector<16xi32>], vector<16xf32>,
    %add3A_748 = arith.addf %gather3A_545, %gather3A_592 : vector<16xf32>
    %add3A_749 = arith.addf %add3A_748, %gather3A_639 : vector<16xf32>
    %add3A_750 = arith.addf %add3A_749, %gather3A_714 : vector<16xf32>
    %add3A_751 = arith.addf %add3A_750, %gather3A_747 : vector<16xf32>
    %get3A_752 = arith.constant 0 : i32
    %get3A_753 = arith.index_cast %get3A_752 : i32 to index
    %get3A_754 = arith.constant 16 : index
    %get3A_755 = tpu.vector_load %arg13[%get3A_753, %get3A_754] {strides = array<i32>} : memref<20x128xf32, #tpu.memory_space<vmem>>, vector<16xf32>,
    %mul3A_756 = arith.mulf %add3A_751, %get3A_755 : vector<16xf32>
    %mul3A_757 = arith.constant 3 : i32
    %mul3A_758 = vector.broadcast %mul3A_757 : i32 to vector<16xi32>
    %mul3A_759 = arith.muli %select_n3A_541, %mul3A_758 : vector<16xi32>
    %add3A_760 = arith.addi %mul3A_759, %select_n3A_587 : vector<16xi32>
    %mul3A_761 = arith.constant 3 : i32
    %mul3A_762 = vector.broadcast %mul3A_761 : i32 to vector<16xi32>
    %mul3A_763 = arith.muli %add3A_760, %mul3A_762 : vector<16xi32>
    %add3A_764 = arith.addi %mul3A_763, %select_n3A_634 : vector<16xi32>
    %mul3A_765 = arith.constant 2 : i32
    %mul3A_766 = vector.broadcast %mul3A_765 : i32 to vector<16xi32>
    %mul3A_767 = arith.muli %add3A_764, %mul3A_766 : vector<16xi32>
    %add3A_768 = arith.addi %mul3A_767, %select_n3A_742 : vector<16xi32>
    %mul3A_769 = arith.constant 5 : i32
    %mul3A_770 = vector.broadcast %mul3A_769 : i32 to vector<16xi32>
    %mul3A_771 = arith.muli %add3A_768, %mul3A_770 : vector<16xi32>
    %add3A_772 = arith.addi %mul3A_771, %select_n3A_709 : vector<16xi32>
    %mul3A_773 = arith.constant 64 : i32
    %mul3A_774 = vector.broadcast %mul3A_773 : i32 to vector<16xi32>
    %mul3A_775 = arith.muli %add3A_772, %mul3A_774 : vector<16xi32>
    %broadcast_in_dim3A_776 = arith.constant 0 : i32
    %broadcast_in_dim3A_777 = vector.broadcast %broadcast_in_dim3A_776 : i32 to vector<16xi32>
    %get3A_778 = arith.constant 0 : i32
    %get3A_779 = arith.index_cast %get3A_778 : i32 to index
    %get3A_780 = arith.constant 16 : index
    %get3A_781 = tpu.vector_load %arg12[%get3A_779, %get3A_780] {strides = array<i32>} : memref<19x128xi32, #tpu.memory_space<vmem>>, vector<16xi32>,
    %add3A_782 = arith.addi %mul3A_775, %broadcast_in_dim3A_777 : vector<16xi32>
    %add3A_783 = arith.addi %add3A_782, %get3A_781 : vector<16xi32>
    %gather3A_784 = tpu.vector_load_idx %arg9[%add3A_783] : memref<11520xf32, #tpu.memory_space<vmem>>[vector<16xi32>], vector<16xf32>,
    %get3A_785 = arith.constant 1 : i32
    %get3A_786 = arith.index_cast %get3A_785 : i32 to index
    %get3A_787 = arith.constant 16 : index
    %get3A_788 = tpu.vector_load %arg13[%get3A_786, %get3A_787] {strides = array<i32>} : memref<20x128xf32, #tpu.memory_space<vmem>>, vector<16xf32>,
    %mul3A_789 = arith.mulf %gather3A_784, %get3A_788 : vector<16xf32>
    %add3A_790 = arith.addf %mul3A_756, %mul3A_789 : vector<16xf32>
    %gather3A_791 = tpu.vector_load_idx %arg15[%get3A_781] : memref<16xi32, #tpu.memory_space<vmem>>[vector<16xi32>], vector<16xi32>,
    %get3A_792 = arith.constant 1 : i32
    %get3A_793 = arith.index_cast %get3A_792 : i32 to index
    %get3A_794 = arith.constant 16 : index
    %get3A_795 = tpu.vector_load %arg12[%get3A_793, %get3A_794] {strides = array<i32>} : memref<19x128xi32, #tpu.memory_space<vmem>>, vector<16xi32>,
    %add3A_796 = arith.addi %mul3A_775, %gather3A_791 : vector<16xi32>
    %add3A_797 = arith.addi %add3A_796, %get3A_795 : vector<16xi32>
    %gather3A_798 = tpu.vector_load_idx %arg9[%add3A_797] : memref<11520xf32, #tpu.memory_space<vmem>>[vector<16xi32>], vector<16xf32>,
    %get3A_799 = arith.constant 2 : i32
    %get3A_800 = arith.index_cast %get3A_799 : i32 to index
    %get3A_801 = arith.constant 16 : index
    %get3A_802 = tpu.vector_load %arg13[%get3A_800, %get3A_801] {strides = array<i32>} : memref<20x128xf32, #tpu.memory_space<vmem>>, vector<16xf32>,
    %mul3A_803 = arith.mulf %gather3A_798, %get3A_802 : vector<16xf32>
    %add3A_804 = arith.addf %add3A_790, %mul3A_803 : vector<16xf32>
    %gather3A_805 = tpu.vector_load_idx %arg15[%get3A_795] : memref<16xi32, #tpu.memory_space<vmem>>[vector<16xi32>], vector<16xi32>,
    %get3A_806 = arith.constant 2 : i32
    %get3A_807 = arith.index_cast %get3A_806 : i32 to index
    %get3A_808 = arith.constant 16 : index
    %get3A_809 = tpu.vector_load %arg12[%get3A_807, %get3A_808] {strides = array<i32>} : memref<19x128xi32, #tpu.memory_space<vmem>>, vector<16xi32>,
    %add3A_810 = arith.addi %mul3A_775, %gather3A_805 : vector<16xi32>
    %add3A_811 = arith.addi %add3A_810, %get3A_809 : vector<16xi32>
    %gather3A_812 = tpu.vector_load_idx %arg9[%add3A_811] : memref<11520xf32, #tpu.memory_space<vmem>>[vector<16xi32>], vector<16xf32>,
    %get3A_813 = arith.constant 3 : i32
    %get3A_814 = arith.index_cast %get3A_813 : i32 to index
    %get3A_815 = arith.constant 16 : index
    %get3A_816 = tpu.vector_load %arg13[%get3A_814, %get3A_815] {strides = array<i32>} : memref<20x128xf32, #tpu.memory_space<vmem>>, vector<16xf32>,
    %mul3A_817 = arith.mulf %gather3A_812, %get3A_816 : vector<16xf32>
    %add3A_818 = arith.addf %add3A_804, %mul3A_817 : vector<16xf32>
    %gather3A_819 = tpu.vector_load_idx %arg15[%get3A_809] : memref<16xi32, #tpu.memory_space<vmem>>[vector<16xi32>], vector<16xi32>,
    %get3A_820 = arith.constant 3 : i32
    %get3A_821 = arith.index_cast %get3A_820 : i32 to index
    %get3A_822 = arith.constant 16 : index
    %get3A_823 = tpu.vector_load %arg12[%get3A_821, %get3A_822] {strides = array<i32>} : memref<19x128xi32, #tpu.memory_space<vmem>>, vector<16xi32>,
    %add3A_824 = arith.addi %mul3A_775, %gather3A_819 : vector<16xi32>
    %add3A_825 = arith.addi %add3A_824, %get3A_823 : vector<16xi32>
    %gather3A_826 = tpu.vector_load_idx %arg9[%add3A_825] : memref<11520xf32, #tpu.memory_space<vmem>>[vector<16xi32>], vector<16xf32>,
    %get3A_827 = arith.constant 4 : i32
    %get3A_828 = arith.index_cast %get3A_827 : i32 to index
    %get3A_829 = arith.constant 16 : index
    %get3A_830 = tpu.vector_load %arg13[%get3A_828, %get3A_829] {strides = array<i32>} : memref<20x128xf32, #tpu.memory_space<vmem>>, vector<16xf32>,
    %mul3A_831 = arith.mulf %gather3A_826, %get3A_830 : vector<16xf32>
    %add3A_832 = arith.addf %add3A_818, %mul3A_831 : vector<16xf32>
    %gather3A_833 = tpu.vector_load_idx %arg15[%get3A_823] : memref<16xi32, #tpu.memory_space<vmem>>[vector<16xi32>], vector<16xi32>,
    %get3A_834 = arith.constant 4 : i32
    %get3A_835 = arith.index_cast %get3A_834 : i32 to index
    %get3A_836 = arith.constant 16 : index
    %get3A_837 = tpu.vector_load %arg12[%get3A_835, %get3A_836] {strides = array<i32>} : memref<19x128xi32, #tpu.memory_space<vmem>>, vector<16xi32>,
    %add3A_838 = arith.addi %mul3A_775, %gather3A_833 : vector<16xi32>
    %add3A_839 = arith.addi %add3A_838, %get3A_837 : vector<16xi32>
    %gather3A_840 = tpu.vector_load_idx %arg9[%add3A_839] : memref<11520xf32, #tpu.memory_space<vmem>>[vector<16xi32>], vector<16xf32>,
    %get3A_841 = arith.constant 5 : i32
    %get3A_842 = arith.index_cast %get3A_841 : i32 to index
    %get3A_843 = arith.constant 16 : index
    %get3A_844 = tpu.vector_load %arg13[%get3A_842, %get3A_843] {strides = array<i32>} : memref<20x128xf32, #tpu.memory_space<vmem>>, vector<16xf32>,
    %mul3A_845 = arith.mulf %gather3A_840, %get3A_844 : vector<16xf32>
    %add3A_846 = arith.addf %add3A_832, %mul3A_845 : vector<16xf32>
    %gather3A_847 = tpu.vector_load_idx %arg15[%get3A_837] : memref<16xi32, #tpu.memory_space<vmem>>[vector<16xi32>], vector<16xi32>,
    %get3A_848 = arith.constant 5 : i32
    %get3A_849 = arith.index_cast %get3A_848 : i32 to index
    %get3A_850 = arith.constant 16 : index
    %get3A_851 = tpu.vector_load %arg12[%get3A_849, %get3A_850] {strides = array<i32>} : memref<19x128xi32, #tpu.memory_space<vmem>>, vector<16xi32>,
    %add3A_852 = arith.addi %mul3A_775, %gather3A_847 : vector<16xi32>
    %add3A_853 = arith.addi %add3A_852, %get3A_851 : vector<16xi32>
    %gather3A_854 = tpu.vector_load_idx %arg9[%add3A_853] : memref<11520xf32, #tpu.memory_space<vmem>>[vector<16xi32>], vector<16xf32>,
    %get3A_855 = arith.constant 6 : i32
    %get3A_856 = arith.index_cast %get3A_855 : i32 to index
    %get3A_857 = arith.constant 16 : index
    %get3A_858 = tpu.vector_load %arg13[%get3A_856, %get3A_857] {strides = array<i32>} : memref<20x128xf32, #tpu.memory_space<vmem>>, vector<16xf32>,
    %mul3A_859 = arith.mulf %gather3A_854, %get3A_858 : vector<16xf32>
    %add3A_860 = arith.addf %add3A_846, %mul3A_859 : vector<16xf32>
    %gather3A_861 = tpu.vector_load_idx %arg15[%get3A_851] : memref<16xi32, #tpu.memory_space<vmem>>[vector<16xi32>], vector<16xi32>,
    %get3A_862 = arith.constant 6 : i32
    %get3A_863 = arith.index_cast %get3A_862 : i32 to index
    %get3A_864 = arith.constant 16 : index
    %get3A_865 = tpu.vector_load %arg12[%get3A_863, %get3A_864] {strides = array<i32>} : memref<19x128xi32, #tpu.memory_space<vmem>>, vector<16xi32>,
    %add3A_866 = arith.addi %mul3A_775, %gather3A_861 : vector<16xi32>
    %add3A_867 = arith.addi %add3A_866, %get3A_865 : vector<16xi32>
    %gather3A_868 = tpu.vector_load_idx %arg9[%add3A_867] : memref<11520xf32, #tpu.memory_space<vmem>>[vector<16xi32>], vector<16xf32>,
    %get3A_869 = arith.constant 7 : i32
    %get3A_870 = arith.index_cast %get3A_869 : i32 to index
    %get3A_871 = arith.constant 16 : index
    %get3A_872 = tpu.vector_load %arg13[%get3A_870, %get3A_871] {strides = array<i32>} : memref<20x128xf32, #tpu.memory_space<vmem>>, vector<16xf32>,
    %mul3A_873 = arith.mulf %gather3A_868, %get3A_872 : vector<16xf32>
    %add3A_874 = arith.addf %add3A_860, %mul3A_873 : vector<16xf32>
    %gather3A_875 = tpu.vector_load_idx %arg15[%get3A_865] : memref<16xi32, #tpu.memory_space<vmem>>[vector<16xi32>], vector<16xi32>,
    %get3A_876 = arith.constant 7 : i32
    %get3A_877 = arith.index_cast %get3A_876 : i32 to index
    %get3A_878 = arith.constant 16 : index
    %get3A_879 = tpu.vector_load %arg12[%get3A_877, %get3A_878] {strides = array<i32>} : memref<19x128xi32, #tpu.memory_space<vmem>>, vector<16xi32>,
    %add3A_880 = arith.addi %mul3A_775, %gather3A_875 : vector<16xi32>
    %add3A_881 = arith.addi %add3A_880, %get3A_879 : vector<16xi32>
    %gather3A_882 = tpu.vector_load_idx %arg9[%add3A_881] : memref<11520xf32, #tpu.memory_space<vmem>>[vector<16xi32>], vector<16xf32>,
    %get3A_883 = arith.constant 8 : i32
    %get3A_884 = arith.index_cast %get3A_883 : i32 to index
    %get3A_885 = arith.constant 16 : index
    %get3A_886 = tpu.vector_load %arg13[%get3A_884, %get3A_885] {strides = array<i32>} : memref<20x128xf32, #tpu.memory_space<vmem>>, vector<16xf32>,
    %mul3A_887 = arith.mulf %gather3A_882, %get3A_886 : vector<16xf32>
    %add3A_888 = arith.addf %add3A_874, %mul3A_887 : vector<16xf32>
    %gather3A_889 = tpu.vector_load_idx %arg15[%get3A_879] : memref<16xi32, #tpu.memory_space<vmem>>[vector<16xi32>], vector<16xi32>,
    %get3A_890 = arith.constant 8 : i32
    %get3A_891 = arith.index_cast %get3A_890 : i32 to index
    %get3A_892 = arith.constant 16 : index
    %get3A_893 = tpu.vector_load %arg12[%get3A_891, %get3A_892] {strides = array<i32>} : memref<19x128xi32, #tpu.memory_space<vmem>>, vector<16xi32>,
    %add3A_894 = arith.addi %mul3A_775, %gather3A_889 : vector<16xi32>
    %add3A_895 = arith.addi %add3A_894, %get3A_893 : vector<16xi32>
    %gather3A_896 = tpu.vector_load_idx %arg9[%add3A_895] : memref<11520xf32, #tpu.memory_space<vmem>>[vector<16xi32>], vector<16xf32>,
    %get3A_897 = arith.constant 9 : i32
    %get3A_898 = arith.index_cast %get3A_897 : i32 to index
    %get3A_899 = arith.constant 16 : index
    %get3A_900 = tpu.vector_load %arg13[%get3A_898, %get3A_899] {strides = array<i32>} : memref<20x128xf32, #tpu.memory_space<vmem>>, vector<16xf32>,
    %mul3A_901 = arith.mulf %gather3A_896, %get3A_900 : vector<16xf32>
    %add3A_902 = arith.addf %add3A_888, %mul3A_901 : vector<16xf32>
    %gather3A_903 = tpu.vector_load_idx %arg15[%get3A_893] : memref<16xi32, #tpu.memory_space<vmem>>[vector<16xi32>], vector<16xi32>,
    %get3A_904 = arith.constant 9 : i32
    %get3A_905 = arith.index_cast %get3A_904 : i32 to index
    %get3A_906 = arith.constant 16 : index
    %get3A_907 = tpu.vector_load %arg12[%get3A_905, %get3A_906] {strides = array<i32>} : memref<19x128xi32, #tpu.memory_space<vmem>>, vector<16xi32>,
    %add3A_908 = arith.addi %mul3A_775, %gather3A_903 : vector<16xi32>
    %add3A_909 = arith.addi %add3A_908, %get3A_907 : vector<16xi32>
    %gather3A_910 = tpu.vector_load_idx %arg9[%add3A_909] : memref<11520xf32, #tpu.memory_space<vmem>>[vector<16xi32>], vector<16xf32>,
    %get3A_911 = arith.constant 10 : i32
    %get3A_912 = arith.index_cast %get3A_911 : i32 to index
    %get3A_913 = arith.constant 16 : index
    %get3A_914 = tpu.vector_load %arg13[%get3A_912, %get3A_913] {strides = array<i32>} : memref<20x128xf32, #tpu.memory_space<vmem>>, vector<16xf32>,
    %mul3A_915 = arith.mulf %gather3A_910, %get3A_914 : vector<16xf32>
    %add3A_916 = arith.addf %add3A_902, %mul3A_915 : vector<16xf32>
    %gather3A_917 = tpu.vector_load_idx %arg15[%get3A_907] : memref<16xi32, #tpu.memory_space<vmem>>[vector<16xi32>], vector<16xi32>,
    %get3A_918 = arith.constant 10 : i32
    %get3A_919 = arith.index_cast %get3A_918 : i32 to index
    %get3A_920 = arith.constant 16 : index
    %get3A_921 = tpu.vector_load %arg12[%get3A_919, %get3A_920] {strides = array<i32>} : memref<19x128xi32, #tpu.memory_space<vmem>>, vector<16xi32>,
    %add3A_922 = arith.addi %mul3A_775, %gather3A_917 : vector<16xi32>
    %add3A_923 = arith.addi %add3A_922, %get3A_921 : vector<16xi32>
    %gather3A_924 = tpu.vector_load_idx %arg9[%add3A_923] : memref<11520xf32, #tpu.memory_space<vmem>>[vector<16xi32>], vector<16xf32>,
    %get3A_925 = arith.constant 11 : i32
    %get3A_926 = arith.index_cast %get3A_925 : i32 to index
    %get3A_927 = arith.constant 16 : index
    %get3A_928 = tpu.vector_load %arg13[%get3A_926, %get3A_927] {strides = array<i32>} : memref<20x128xf32, #tpu.memory_space<vmem>>, vector<16xf32>,
    %mul3A_929 = arith.mulf %gather3A_924, %get3A_928 : vector<16xf32>
    %add3A_930 = arith.addf %add3A_916, %mul3A_929 : vector<16xf32>
    %gather3A_931 = tpu.vector_load_idx %arg15[%get3A_921] : memref<16xi32, #tpu.memory_space<vmem>>[vector<16xi32>], vector<16xi32>,
    %get3A_932 = arith.constant 11 : i32
    %get3A_933 = arith.index_cast %get3A_932 : i32 to index
    %get3A_934 = arith.constant 16 : index
    %get3A_935 = tpu.vector_load %arg12[%get3A_933, %get3A_934] {strides = array<i32>} : memref<19x128xi32, #tpu.memory_space<vmem>>, vector<16xi32>,
    %add3A_936 = arith.addi %mul3A_775, %gather3A_931 : vector<16xi32>
    %add3A_937 = arith.addi %add3A_936, %get3A_935 : vector<16xi32>
    %gather3A_938 = tpu.vector_load_idx %arg9[%add3A_937] : memref<11520xf32, #tpu.memory_space<vmem>>[vector<16xi32>], vector<16xf32>,
    %get3A_939 = arith.constant 12 : i32
    %get3A_940 = arith.index_cast %get3A_939 : i32 to index
    %get3A_941 = arith.constant 16 : index
    %get3A_942 = tpu.vector_load %arg13[%get3A_940, %get3A_941] {strides = array<i32>} : memref<20x128xf32, #tpu.memory_space<vmem>>, vector<16xf32>,
    %mul3A_943 = arith.mulf %gather3A_938, %get3A_942 : vector<16xf32>
    %add3A_944 = arith.addf %add3A_930, %mul3A_943 : vector<16xf32>
    %gather3A_945 = tpu.vector_load_idx %arg15[%get3A_935] : memref<16xi32, #tpu.memory_space<vmem>>[vector<16xi32>], vector<16xi32>,
    %get3A_946 = arith.constant 12 : i32
    %get3A_947 = arith.index_cast %get3A_946 : i32 to index
    %get3A_948 = arith.constant 16 : index
    %get3A_949 = tpu.vector_load %arg12[%get3A_947, %get3A_948] {strides = array<i32>} : memref<19x128xi32, #tpu.memory_space<vmem>>, vector<16xi32>,
    %add3A_950 = arith.addi %mul3A_775, %gather3A_945 : vector<16xi32>
    %add3A_951 = arith.addi %add3A_950, %get3A_949 : vector<16xi32>
    %gather3A_952 = tpu.vector_load_idx %arg9[%add3A_951] : memref<11520xf32, #tpu.memory_space<vmem>>[vector<16xi32>], vector<16xf32>,
    %get3A_953 = arith.constant 13 : i32
    %get3A_954 = arith.index_cast %get3A_953 : i32 to index
    %get3A_955 = arith.constant 16 : index
    %get3A_956 = tpu.vector_load %arg13[%get3A_954, %get3A_955] {strides = array<i32>} : memref<20x128xf32, #tpu.memory_space<vmem>>, vector<16xf32>,
    %mul3A_957 = arith.mulf %gather3A_952, %get3A_956 : vector<16xf32>
    %add3A_958 = arith.addf %add3A_944, %mul3A_957 : vector<16xf32>
    %gather3A_959 = tpu.vector_load_idx %arg15[%get3A_949] : memref<16xi32, #tpu.memory_space<vmem>>[vector<16xi32>], vector<16xi32>,
    %get3A_960 = arith.constant 13 : i32
    %get3A_961 = arith.index_cast %get3A_960 : i32 to index
    %get3A_962 = arith.constant 16 : index
    %get3A_963 = tpu.vector_load %arg12[%get3A_961, %get3A_962] {strides = array<i32>} : memref<19x128xi32, #tpu.memory_space<vmem>>, vector<16xi32>,
    %add3A_964 = arith.addi %mul3A_775, %gather3A_959 : vector<16xi32>
    %add3A_965 = arith.addi %add3A_964, %get3A_963 : vector<16xi32>
    %gather3A_966 = tpu.vector_load_idx %arg9[%add3A_965] : memref<11520xf32, #tpu.memory_space<vmem>>[vector<16xi32>], vector<16xf32>,
    %get3A_967 = arith.constant 14 : i32
    %get3A_968 = arith.index_cast %get3A_967 : i32 to index
    %get3A_969 = arith.constant 16 : index
    %get3A_970 = tpu.vector_load %arg13[%get3A_968, %get3A_969] {strides = array<i32>} : memref<20x128xf32, #tpu.memory_space<vmem>>, vector<16xf32>,
    %mul3A_971 = arith.mulf %gather3A_966, %get3A_970 : vector<16xf32>
    %add3A_972 = arith.addf %add3A_958, %mul3A_971 : vector<16xf32>
    %gather3A_973 = tpu.vector_load_idx %arg15[%get3A_963] : memref<16xi32, #tpu.memory_space<vmem>>[vector<16xi32>], vector<16xi32>,
    %get3A_974 = arith.constant 14 : i32
    %get3A_975 = arith.index_cast %get3A_974 : i32 to index
    %get3A_976 = arith.constant 16 : index
    %get3A_977 = tpu.vector_load %arg12[%get3A_975, %get3A_976] {strides = array<i32>} : memref<19x128xi32, #tpu.memory_space<vmem>>, vector<16xi32>,
    %add3A_978 = arith.addi %mul3A_775, %gather3A_973 : vector<16xi32>
    %add3A_979 = arith.addi %add3A_978, %get3A_977 : vector<16xi32>
    %gather3A_980 = tpu.vector_load_idx %arg9[%add3A_979] : memref<11520xf32, #tpu.memory_space<vmem>>[vector<16xi32>], vector<16xf32>,
    %get3A_981 = arith.constant 15 : i32
    %get3A_982 = arith.index_cast %get3A_981 : i32 to index
    %get3A_983 = arith.constant 16 : index
    %get3A_984 = tpu.vector_load %arg13[%get3A_982, %get3A_983] {strides = array<i32>} : memref<20x128xf32, #tpu.memory_space<vmem>>, vector<16xf32>,
    %mul3A_985 = arith.mulf %gather3A_980, %get3A_984 : vector<16xf32>
    %add3A_986 = arith.addf %add3A_972, %mul3A_985 : vector<16xf32>
    %gather3A_987 = tpu.vector_load_idx %arg15[%get3A_977] : memref<16xi32, #tpu.memory_space<vmem>>[vector<16xi32>], vector<16xi32>,
    %get3A_988 = arith.constant 15 : i32
    %get3A_989 = arith.index_cast %get3A_988 : i32 to index
    %get3A_990 = arith.constant 16 : index
    %get3A_991 = tpu.vector_load %arg12[%get3A_989, %get3A_990] {strides = array<i32>} : memref<19x128xi32, #tpu.memory_space<vmem>>, vector<16xi32>,
    %add3A_992 = arith.addi %mul3A_775, %gather3A_987 : vector<16xi32>
    %add3A_993 = arith.addi %add3A_992, %get3A_991 : vector<16xi32>
    %gather3A_994 = tpu.vector_load_idx %arg9[%add3A_993] : memref<11520xf32, #tpu.memory_space<vmem>>[vector<16xi32>], vector<16xf32>,
    %get3A_995 = arith.constant 16 : i32
    %get3A_996 = arith.index_cast %get3A_995 : i32 to index
    %get3A_997 = arith.constant 16 : index
    %get3A_998 = tpu.vector_load %arg13[%get3A_996, %get3A_997] {strides = array<i32>} : memref<20x128xf32, #tpu.memory_space<vmem>>, vector<16xf32>,
    %mul3A_999 = arith.mulf %gather3A_994, %get3A_998 : vector<16xf32>
    %add3A_1000 = arith.addf %add3A_986, %mul3A_999 : vector<16xf32>
    %gather3A_1001 = tpu.vector_load_idx %arg15[%get3A_991] : memref<16xi32, #tpu.memory_space<vmem>>[vector<16xi32>], vector<16xi32>,
    %get3A_1002 = arith.constant 16 : i32
    %get3A_1003 = arith.index_cast %get3A_1002 : i32 to index
    %get3A_1004 = arith.constant 16 : index
    %get3A_1005 = tpu.vector_load %arg12[%get3A_1003, %get3A_1004] {strides = array<i32>} : memref<19x128xi32, #tpu.memory_space<vmem>>, vector<16xi32>,
    %add3A_1006 = arith.addi %mul3A_775, %gather3A_1001 : vector<16xi32>
    %add3A_1007 = arith.addi %add3A_1006, %get3A_1005 : vector<16xi32>
    %gather3A_1008 = tpu.vector_load_idx %arg9[%add3A_1007] : memref<11520xf32, #tpu.memory_space<vmem>>[vector<16xi32>], vector<16xf32>,
    %get3A_1009 = arith.constant 17 : i32
    %get3A_1010 = arith.index_cast %get3A_1009 : i32 to index
    %get3A_1011 = arith.constant 16 : index
    %get3A_1012 = tpu.vector_load %arg13[%get3A_1010, %get3A_1011] {strides = array<i32>} : memref<20x128xf32, #tpu.memory_space<vmem>>, vector<16xf32>,
    %mul3A_1013 = arith.mulf %gather3A_1008, %get3A_1012 : vector<16xf32>
    %add3A_1014 = arith.addf %add3A_1000, %mul3A_1013 : vector<16xf32>
    %gather3A_1015 = tpu.vector_load_idx %arg15[%get3A_1005] : memref<16xi32, #tpu.memory_space<vmem>>[vector<16xi32>], vector<16xi32>,
    %get3A_1016 = arith.constant 17 : i32
    %get3A_1017 = arith.index_cast %get3A_1016 : i32 to index
    %get3A_1018 = arith.constant 16 : index
    %get3A_1019 = tpu.vector_load %arg12[%get3A_1017, %get3A_1018] {strides = array<i32>} : memref<19x128xi32, #tpu.memory_space<vmem>>, vector<16xi32>,
    %add3A_1020 = arith.addi %mul3A_775, %gather3A_1015 : vector<16xi32>
    %add3A_1021 = arith.addi %add3A_1020, %get3A_1019 : vector<16xi32>
    %gather3A_1022 = tpu.vector_load_idx %arg9[%add3A_1021] : memref<11520xf32, #tpu.memory_space<vmem>>[vector<16xi32>], vector<16xf32>,
    %get3A_1023 = arith.constant 18 : i32
    %get3A_1024 = arith.index_cast %get3A_1023 : i32 to index
    %get3A_1025 = arith.constant 16 : index
    %get3A_1026 = tpu.vector_load %arg13[%get3A_1024, %get3A_1025] {strides = array<i32>} : memref<20x128xf32, #tpu.memory_space<vmem>>, vector<16xf32>,
    %mul3A_1027 = arith.mulf %gather3A_1022, %get3A_1026 : vector<16xf32>
    %add3A_1028 = arith.addf %add3A_1014, %mul3A_1027 : vector<16xf32>
    %gather3A_1029 = tpu.vector_load_idx %arg15[%get3A_1019] : memref<16xi32, #tpu.memory_space<vmem>>[vector<16xi32>], vector<16xi32>,
    %get3A_1030 = arith.constant 18 : i32
    %get3A_1031 = arith.index_cast %get3A_1030 : i32 to index
    %get3A_1032 = arith.constant 16 : index
    %get3A_1033 = tpu.vector_load %arg12[%get3A_1031, %get3A_1032] {strides = array<i32>} : memref<19x128xi32, #tpu.memory_space<vmem>>, vector<16xi32>,
    %add3A_1034 = arith.addi %mul3A_775, %gather3A_1029 : vector<16xi32>
    %add3A_1035 = arith.addi %add3A_1034, %get3A_1033 : vector<16xi32>
    %gather3A_1036 = tpu.vector_load_idx %arg9[%add3A_1035] : memref<11520xf32, #tpu.memory_space<vmem>>[vector<16xi32>], vector<16xf32>,
    %get3A_1037 = arith.constant 19 : i32
    %get3A_1038 = arith.index_cast %get3A_1037 : i32 to index
    %get3A_1039 = arith.constant 16 : index
    %get3A_1040 = tpu.vector_load %arg13[%get3A_1038, %get3A_1039] {strides = array<i32>} : memref<20x128xf32, #tpu.memory_space<vmem>>, vector<16xf32>,
    %mul3A_1041 = arith.mulf %gather3A_1036, %get3A_1040 : vector<16xf32>
    %add3A_1042 = arith.addf %add3A_1028, %mul3A_1041 : vector<16xf32>
    %gather3A_1043 = tpu.vector_load_idx %arg15[%get3A_1033] : memref<16xi32, #tpu.memory_space<vmem>>[vector<16xi32>], vector<16xi32>,
    %swap3A_1044 = arith.constant 16 : index
    %swap3A_1045 = tpu.vector_load %arg14[%swap3A_1044] {strides = array<i32>} : memref<128xf32, #tpu.memory_space<vmem>>, vector<16xf32>,
    tpu.vector_store %arg14[%swap3A_1044], %add3A_1042 {strides = array<i32>} : memref<128xf32, #tpu.memory_space<vmem>>, vector<16xf32>,
    %broadcast_in_dim3A_1046 = arith.constant 0 : i32
    %broadcast_in_dim3A_1047 = vector.broadcast %broadcast_in_dim3A_1046 : i32 to vector<16xi32>
    %gather3A_1048 = tpu.vector_load_idx %arg10[%broadcast_in_dim3A_1047] : memref<128xf32, #tpu.memory_space<vmem>>[vector<16xi32>], vector<16xf32>,
    %get3A_1049 = arith.constant 0 : i32
    %get3A_1050 = arith.index_cast %get3A_1049 : i32 to index
    %get3A_1051 = arith.constant 32 : index
    %get3A_1052 = tpu.vector_load %arg11[%get3A_1050, %get3A_1051] {strides = array<i32>} : memref<15x128xf32, #tpu.memory_space<vmem>>, vector<16xf32>,
    %add3A_1053 = arith.addf %gather3A_1048, %get3A_1052 : vector<16xf32>
    %broadcast_in_dim3A_1054 = arith.constant 1 : i32
    %broadcast_in_dim3A_1055 = vector.broadcast %broadcast_in_dim3A_1054 : i32 to vector<16xi32>
    %gather3A_1056 = tpu.vector_load_idx %arg10[%broadcast_in_dim3A_1055] : memref<128xf32, #tpu.memory_space<vmem>>[vector<16xi32>], vector<16xf32>,
    %get3A_1057 = arith.constant 1 : i32
    %get3A_1058 = arith.index_cast %get3A_1057 : i32 to index
    %get3A_1059 = arith.constant 32 : index
    %get3A_1060 = tpu.vector_load %arg11[%get3A_1058, %get3A_1059] {strides = array<i32>} : memref<15x128xf32, #tpu.memory_space<vmem>>, vector<16xf32>,
    %add3A_1061 = arith.addf %gather3A_1056, %get3A_1060 : vector<16xf32>
    %ge3A_1062 = arith.cmpf oge, %add3A_1053, %add3A_1061 : vector<16xf32>
    %broadcast_in_dim3A_1063 = arith.constant 0 : i32
    %broadcast_in_dim3A_1064 = vector.broadcast %broadcast_in_dim3A_1063 : i32 to vector<16xi32>
    %broadcast_in_dim3A_1065 = arith.constant 1 : i32
    %broadcast_in_dim3A_1066 = vector.broadcast %broadcast_in_dim3A_1065 : i32 to vector<16xi32>
    %select_n3A_1067 = arith.select %ge3A_1062, %broadcast_in_dim3A_1064, %broadcast_in_dim3A_1066 : vector<16xi1>, vector<16xi32>
    %broadcast_in_dim3A_1068 = arith.constant 28 : i32
    %broadcast_in_dim3A_1069 = vector.broadcast %broadcast_in_dim3A_1068 : i32 to vector<16xi32>
    %add3A_1070 = arith.addi %broadcast_in_dim3A_1069, %select_n3A_1067 : vector<16xi32>
    %gather3A_1071 = tpu.vector_load_idx %arg10[%add3A_1070] : memref<128xf32, #tpu.memory_space<vmem>>[vector<16xi32>], vector<16xf32>,
    %mul3A_1072 = arith.constant 3 : i32
    %mul3A_1073 = vector.broadcast %mul3A_1072 : i32 to vector<16xi32>
    %mul3A_1074 = arith.muli %select_n3A_1067, %mul3A_1073 : vector<16xi32>
    %broadcast_in_dim3A_1075 = arith.constant 2 : i32
    %broadcast_in_dim3A_1076 = vector.broadcast %broadcast_in_dim3A_1075 : i32 to vector<16xi32>
    %add3A_1077 = arith.addi %broadcast_in_dim3A_1076, %mul3A_1074 : vector<16xi32>
    %gather3A_1078 = tpu.vector_load_idx %arg10[%add3A_1077] : memref<128xf32, #tpu.memory_space<vmem>>[vector<16xi32>], vector<16xf32>,
    %get3A_1079 = arith.constant 2 : i32
    %get3A_1080 = arith.index_cast %get3A_1079 : i32 to index
    %get3A_1081 = arith.constant 32 : index
    %get3A_1082 = tpu.vector_load %arg11[%get3A_1080, %get3A_1081] {strides = array<i32>} : memref<15x128xf32, #tpu.memory_space<vmem>>, vector<16xf32>,
    %add3A_1083 = arith.addf %gather3A_1078, %get3A_1082 : vector<16xf32>
    %broadcast_in_dim3A_1084 = arith.constant 0 : i32
    %broadcast_in_dim3A_1085 = vector.broadcast %broadcast_in_dim3A_1084 : i32 to vector<16xi32>
    %broadcast_in_dim3A_1086 = arith.constant 3 : i32
    %broadcast_in_dim3A_1087 = vector.broadcast %broadcast_in_dim3A_1086 : i32 to vector<16xi32>
    %add3A_1088 = arith.addi %broadcast_in_dim3A_1087, %mul3A_1074 : vector<16xi32>
    %gather3A_1089 = tpu.vector_load_idx %arg10[%add3A_1088] : memref<128xf32, #tpu.memory_space<vmem>>[vector<16xi32>], vector<16xf32>,
    %get3A_1090 = arith.constant 3 : i32
    %get3A_1091 = arith.index_cast %get3A_1090 : i32 to index
    %get3A_1092 = arith.constant 32 : index
    %get3A_1093 = tpu.vector_load %arg11[%get3A_1091, %get3A_1092] {strides = array<i32>} : memref<15x128xf32, #tpu.memory_space<vmem>>, vector<16xf32>,
    %add3A_1094 = arith.addf %gather3A_1089, %get3A_1093 : vector<16xf32>
    %gt3A_1095 = arith.cmpf ogt, %add3A_1094, %add3A_1083 : vector<16xf32>
    %select_n3A_1096 = arith.select %gt3A_1095, %add3A_1094, %add3A_1083 : vector<16xi1>, vector<16xf32>
    %broadcast_in_dim3A_1097 = arith.constant 1 : i32
    %broadcast_in_dim3A_1098 = vector.broadcast %broadcast_in_dim3A_1097 : i32 to vector<16xi32>
    %select_n3A_1099 = arith.select %gt3A_1095, %broadcast_in_dim3A_1098, %broadcast_in_dim3A_1085 : vector<16xi1>, vector<16xi32>
    %broadcast_in_dim3A_1100 = arith.constant 4 : i32
    %broadcast_in_dim3A_1101 = vector.broadcast %broadcast_in_dim3A_1100 : i32 to vector<16xi32>
    %add3A_1102 = arith.addi %broadcast_in_dim3A_1101, %mul3A_1074 : vector<16xi32>
    %gather3A_1103 = tpu.vector_load_idx %arg10[%add3A_1102] : memref<128xf32, #tpu.memory_space<vmem>>[vector<16xi32>], vector<16xf32>,
    %get3A_1104 = arith.constant 4 : i32
    %get3A_1105 = arith.index_cast %get3A_1104 : i32 to index
    %get3A_1106 = arith.constant 32 : index
    %get3A_1107 = tpu.vector_load %arg11[%get3A_1105, %get3A_1106] {strides = array<i32>} : memref<15x128xf32, #tpu.memory_space<vmem>>, vector<16xf32>,
    %add3A_1108 = arith.addf %gather3A_1103, %get3A_1107 : vector<16xf32>
    %gt3A_1109 = arith.cmpf ogt, %add3A_1108, %select_n3A_1096 : vector<16xf32>
    %select_n3A_1110 = arith.select %gt3A_1109, %add3A_1108, %select_n3A_1096 : vector<16xi1>, vector<16xf32>
    %broadcast_in_dim3A_1111 = arith.constant 2 : i32
    %broadcast_in_dim3A_1112 = vector.broadcast %broadcast_in_dim3A_1111 : i32 to vector<16xi32>
    %select_n3A_1113 = arith.select %gt3A_1109, %broadcast_in_dim3A_1112, %select_n3A_1099 : vector<16xi1>, vector<16xi32>
    %broadcast_in_dim3A_1114 = arith.constant 30 : i32
    %broadcast_in_dim3A_1115 = vector.broadcast %broadcast_in_dim3A_1114 : i32 to vector<16xi32>
    %add3A_1116 = arith.addi %broadcast_in_dim3A_1115, %mul3A_1074 : vector<16xi32>
    %add3A_1117 = arith.addi %add3A_1116, %select_n3A_1113 : vector<16xi32>
    %gather3A_1118 = tpu.vector_load_idx %arg10[%add3A_1117] : memref<128xf32, #tpu.memory_space<vmem>>[vector<16xi32>], vector<16xf32>,
    %mul3A_1119 = arith.constant 3 : i32
    %mul3A_1120 = vector.broadcast %mul3A_1119 : i32 to vector<16xi32>
    %mul3A_1121 = arith.muli %select_n3A_1067, %mul3A_1120 : vector<16xi32>
    %broadcast_in_dim3A_1122 = arith.constant 8 : i32
    %broadcast_in_dim3A_1123 = vector.broadcast %broadcast_in_dim3A_1122 : i32 to vector<16xi32>
    %add3A_1124 = arith.addi %broadcast_in_dim3A_1123, %mul3A_1121 : vector<16xi32>
    %gather3A_1125 = tpu.vector_load_idx %arg10[%add3A_1124] : memref<128xf32, #tpu.memory_space<vmem>>[vector<16xi32>], vector<16xf32>,
    %get3A_1126 = arith.constant 5 : i32
    %get3A_1127 = arith.index_cast %get3A_1126 : i32 to index
    %get3A_1128 = arith.constant 32 : index
    %get3A_1129 = tpu.vector_load %arg11[%get3A_1127, %get3A_1128] {strides = array<i32>} : memref<15x128xf32, #tpu.memory_space<vmem>>, vector<16xf32>,
    %add3A_1130 = arith.addf %gather3A_1125, %get3A_1129 : vector<16xf32>
    %broadcast_in_dim3A_1131 = arith.constant 0 : i32
    %broadcast_in_dim3A_1132 = vector.broadcast %broadcast_in_dim3A_1131 : i32 to vector<16xi32>
    %broadcast_in_dim3A_1133 = arith.constant 9 : i32
    %broadcast_in_dim3A_1134 = vector.broadcast %broadcast_in_dim3A_1133 : i32 to vector<16xi32>
    %add3A_1135 = arith.addi %broadcast_in_dim3A_1134, %mul3A_1121 : vector<16xi32>
    %gather3A_1136 = tpu.vector_load_idx %arg10[%add3A_1135] : memref<128xf32, #tpu.memory_space<vmem>>[vector<16xi32>], vector<16xf32>,
    %get3A_1137 = arith.constant 6 : i32
    %get3A_1138 = arith.index_cast %get3A_1137 : i32 to index
    %get3A_1139 = arith.constant 32 : index
    %get3A_1140 = tpu.vector_load %arg11[%get3A_1138, %get3A_1139] {strides = array<i32>} : memref<15x128xf32, #tpu.memory_space<vmem>>, vector<16xf32>,
    %add3A_1141 = arith.addf %gather3A_1136, %get3A_1140 : vector<16xf32>
    %gt3A_1142 = arith.cmpf ogt, %add3A_1141, %add3A_1130 : vector<16xf32>
    %select_n3A_1143 = arith.select %gt3A_1142, %add3A_1141, %add3A_1130 : vector<16xi1>, vector<16xf32>
    %broadcast_in_dim3A_1144 = arith.constant 1 : i32
    %broadcast_in_dim3A_1145 = vector.broadcast %broadcast_in_dim3A_1144 : i32 to vector<16xi32>
    %select_n3A_1146 = arith.select %gt3A_1142, %broadcast_in_dim3A_1145, %broadcast_in_dim3A_1132 : vector<16xi1>, vector<16xi32>
    %broadcast_in_dim3A_1147 = arith.constant 10 : i32
    %broadcast_in_dim3A_1148 = vector.broadcast %broadcast_in_dim3A_1147 : i32 to vector<16xi32>
    %add3A_1149 = arith.addi %broadcast_in_dim3A_1148, %mul3A_1121 : vector<16xi32>
    %gather3A_1150 = tpu.vector_load_idx %arg10[%add3A_1149] : memref<128xf32, #tpu.memory_space<vmem>>[vector<16xi32>], vector<16xf32>,
    %get3A_1151 = arith.constant 7 : i32
    %get3A_1152 = arith.index_cast %get3A_1151 : i32 to index
    %get3A_1153 = arith.constant 32 : index
    %get3A_1154 = tpu.vector_load %arg11[%get3A_1152, %get3A_1153] {strides = array<i32>} : memref<15x128xf32, #tpu.memory_space<vmem>>, vector<16xf32>,
    %add3A_1155 = arith.addf %gather3A_1150, %get3A_1154 : vector<16xf32>
    %gt3A_1156 = arith.cmpf ogt, %add3A_1155, %select_n3A_1143 : vector<16xf32>
    %select_n3A_1157 = arith.select %gt3A_1156, %add3A_1155, %select_n3A_1143 : vector<16xi1>, vector<16xf32>
    %broadcast_in_dim3A_1158 = arith.constant 2 : i32
    %broadcast_in_dim3A_1159 = vector.broadcast %broadcast_in_dim3A_1158 : i32 to vector<16xi32>
    %select_n3A_1160 = arith.select %gt3A_1156, %broadcast_in_dim3A_1159, %select_n3A_1146 : vector<16xi1>, vector<16xi32>
    %broadcast_in_dim3A_1161 = arith.constant 36 : i32
    %broadcast_in_dim3A_1162 = vector.broadcast %broadcast_in_dim3A_1161 : i32 to vector<16xi32>
    %add3A_1163 = arith.addi %broadcast_in_dim3A_1162, %mul3A_1121 : vector<16xi32>
    %add3A_1164 = arith.addi %add3A_1163, %select_n3A_1160 : vector<16xi32>
    %gather3A_1165 = tpu.vector_load_idx %arg10[%add3A_1164] : memref<128xf32, #tpu.memory_space<vmem>>[vector<16xi32>], vector<16xf32>,
    %mul3A_1166 = arith.constant 5 : i32
    %mul3A_1167 = vector.broadcast %mul3A_1166 : i32 to vector<16xi32>
    %mul3A_1168 = arith.muli %select_n3A_1067, %mul3A_1167 : vector<16xi32>
    %broadcast_in_dim3A_1169 = arith.constant 14 : i32
    %broadcast_in_dim3A_1170 = vector.broadcast %broadcast_in_dim3A_1169 : i32 to vector<16xi32>
    %add3A_1171 = arith.addi %broadcast_in_dim3A_1170, %mul3A_1168 : vector<16xi32>
    %gather3A_1172 = tpu.vector_load_idx %arg10[%add3A_1171] : memref<128xf32, #tpu.memory_space<vmem>>[vector<16xi32>], vector<16xf32>,
    %get3A_1173 = arith.constant 8 : i32
    %get3A_1174 = arith.index_cast %get3A_1173 : i32 to index
    %get3A_1175 = arith.constant 32 : index
    %get3A_1176 = tpu.vector_load %arg11[%get3A_1174, %get3A_1175] {strides = array<i32>} : memref<15x128xf32, #tpu.memory_space<vmem>>, vector<16xf32>,
    %add3A_1177 = arith.addf %gather3A_1172, %get3A_1176 : vector<16xf32>
    %broadcast_in_dim3A_1178 = arith.constant 0 : i32
    %broadcast_in_dim3A_1179 = vector.broadcast %broadcast_in_dim3A_1178 : i32 to vector<16xi32>
    %broadcast_in_dim3A_1180 = arith.constant 15 : i32
    %broadcast_in_dim3A_1181 = vector.broadcast %broadcast_in_dim3A_1180 : i32 to vector<16xi32>
    %add3A_1182 = arith.addi %broadcast_in_dim3A_1181, %mul3A_1168 : vector<16xi32>
    %gather3A_1183 = tpu.vector_load_idx %arg10[%add3A_1182] : memref<128xf32, #tpu.memory_space<vmem>>[vector<16xi32>], vector<16xf32>,
    %get3A_1184 = arith.constant 9 : i32
    %get3A_1185 = arith.index_cast %get3A_1184 : i32 to index
    %get3A_1186 = arith.constant 32 : index
    %get3A_1187 = tpu.vector_load %arg11[%get3A_1185, %get3A_1186] {strides = array<i32>} : memref<15x128xf32, #tpu.memory_space<vmem>>, vector<16xf32>,
    %add3A_1188 = arith.addf %gather3A_1183, %get3A_1187 : vector<16xf32>
    %gt3A_1189 = arith.cmpf ogt, %add3A_1188, %add3A_1177 : vector<16xf32>
    %select_n3A_1190 = arith.select %gt3A_1189, %add3A_1188, %add3A_1177 : vector<16xi1>, vector<16xf32>
    %broadcast_in_dim3A_1191 = arith.constant 1 : i32
    %broadcast_in_dim3A_1192 = vector.broadcast %broadcast_in_dim3A_1191 : i32 to vector<16xi32>
    %select_n3A_1193 = arith.select %gt3A_1189, %broadcast_in_dim3A_1192, %broadcast_in_dim3A_1179 : vector<16xi1>, vector<16xi32>
    %broadcast_in_dim3A_1194 = arith.constant 16 : i32
    %broadcast_in_dim3A_1195 = vector.broadcast %broadcast_in_dim3A_1194 : i32 to vector<16xi32>
    %add3A_1196 = arith.addi %broadcast_in_dim3A_1195, %mul3A_1168 : vector<16xi32>
    %gather3A_1197 = tpu.vector_load_idx %arg10[%add3A_1196] : memref<128xf32, #tpu.memory_space<vmem>>[vector<16xi32>], vector<16xf32>,
    %get3A_1198 = arith.constant 10 : i32
    %get3A_1199 = arith.index_cast %get3A_1198 : i32 to index
    %get3A_1200 = arith.constant 32 : index
    %get3A_1201 = tpu.vector_load %arg11[%get3A_1199, %get3A_1200] {strides = array<i32>} : memref<15x128xf32, #tpu.memory_space<vmem>>, vector<16xf32>,
    %add3A_1202 = arith.addf %gather3A_1197, %get3A_1201 : vector<16xf32>
    %gt3A_1203 = arith.cmpf ogt, %add3A_1202, %select_n3A_1190 : vector<16xf32>
    %select_n3A_1204 = arith.select %gt3A_1203, %add3A_1202, %select_n3A_1190 : vector<16xi1>, vector<16xf32>
    %broadcast_in_dim3A_1205 = arith.constant 2 : i32
    %broadcast_in_dim3A_1206 = vector.broadcast %broadcast_in_dim3A_1205 : i32 to vector<16xi32>
    %select_n3A_1207 = arith.select %gt3A_1203, %broadcast_in_dim3A_1206, %select_n3A_1193 : vector<16xi1>, vector<16xi32>
    %broadcast_in_dim3A_1208 = arith.constant 17 : i32
    %broadcast_in_dim3A_1209 = vector.broadcast %broadcast_in_dim3A_1208 : i32 to vector<16xi32>
    %add3A_1210 = arith.addi %broadcast_in_dim3A_1209, %mul3A_1168 : vector<16xi32>
    %gather3A_1211 = tpu.vector_load_idx %arg10[%add3A_1210] : memref<128xf32, #tpu.memory_space<vmem>>[vector<16xi32>], vector<16xf32>,
    %get3A_1212 = arith.constant 11 : i32
    %get3A_1213 = arith.index_cast %get3A_1212 : i32 to index
    %get3A_1214 = arith.constant 32 : index
    %get3A_1215 = tpu.vector_load %arg11[%get3A_1213, %get3A_1214] {strides = array<i32>} : memref<15x128xf32, #tpu.memory_space<vmem>>, vector<16xf32>,
    %add3A_1216 = arith.addf %gather3A_1211, %get3A_1215 : vector<16xf32>
    %gt3A_1217 = arith.cmpf ogt, %add3A_1216, %select_n3A_1204 : vector<16xf32>
    %select_n3A_1218 = arith.select %gt3A_1217, %add3A_1216, %select_n3A_1204 : vector<16xi1>, vector<16xf32>
    %broadcast_in_dim3A_1219 = arith.constant 3 : i32
    %broadcast_in_dim3A_1220 = vector.broadcast %broadcast_in_dim3A_1219 : i32 to vector<16xi32>
    %select_n3A_1221 = arith.select %gt3A_1217, %broadcast_in_dim3A_1220, %select_n3A_1207 : vector<16xi1>, vector<16xi32>
    %broadcast_in_dim3A_1222 = arith.constant 18 : i32
    %broadcast_in_dim3A_1223 = vector.broadcast %broadcast_in_dim3A_1222 : i32 to vector<16xi32>
    %add3A_1224 = arith.addi %broadcast_in_dim3A_1223, %mul3A_1168 : vector<16xi32>
    %gather3A_1225 = tpu.vector_load_idx %arg10[%add3A_1224] : memref<128xf32, #tpu.memory_space<vmem>>[vector<16xi32>], vector<16xf32>,
    %get3A_1226 = arith.constant 12 : i32
    %get3A_1227 = arith.index_cast %get3A_1226 : i32 to index
    %get3A_1228 = arith.constant 32 : index
    %get3A_1229 = tpu.vector_load %arg11[%get3A_1227, %get3A_1228] {strides = array<i32>} : memref<15x128xf32, #tpu.memory_space<vmem>>, vector<16xf32>,
    %add3A_1230 = arith.addf %gather3A_1225, %get3A_1229 : vector<16xf32>
    %gt3A_1231 = arith.cmpf ogt, %add3A_1230, %select_n3A_1218 : vector<16xf32>
    %select_n3A_1232 = arith.select %gt3A_1231, %add3A_1230, %select_n3A_1218 : vector<16xi1>, vector<16xf32>
    %broadcast_in_dim3A_1233 = arith.constant 4 : i32
    %broadcast_in_dim3A_1234 = vector.broadcast %broadcast_in_dim3A_1233 : i32 to vector<16xi32>
    %select_n3A_1235 = arith.select %gt3A_1231, %broadcast_in_dim3A_1234, %select_n3A_1221 : vector<16xi1>, vector<16xi32>
    %broadcast_in_dim3A_1236 = arith.constant 42 : i32
    %broadcast_in_dim3A_1237 = vector.broadcast %broadcast_in_dim3A_1236 : i32 to vector<16xi32>
    %add3A_1238 = arith.addi %broadcast_in_dim3A_1237, %mul3A_1168 : vector<16xi32>
    %add3A_1239 = arith.addi %add3A_1238, %select_n3A_1235 : vector<16xi32>
    %gather3A_1240 = tpu.vector_load_idx %arg10[%add3A_1239] : memref<128xf32, #tpu.memory_space<vmem>>[vector<16xi32>], vector<16xf32>,
    %mul3A_1241 = arith.constant 2 : i32
    %mul3A_1242 = vector.broadcast %mul3A_1241 : i32 to vector<16xi32>
    %mul3A_1243 = arith.muli %select_n3A_1067, %mul3A_1242 : vector<16xi32>
    %broadcast_in_dim3A_1244 = arith.constant 24 : i32
    %broadcast_in_dim3A_1245 = vector.broadcast %broadcast_in_dim3A_1244 : i32 to vector<16xi32>
    %add3A_1246 = arith.addi %broadcast_in_dim3A_1245, %mul3A_1243 : vector<16xi32>
    %gather3A_1247 = tpu.vector_load_idx %arg10[%add3A_1246] : memref<128xf32, #tpu.memory_space<vmem>>[vector<16xi32>], vector<16xf32>,
    %get3A_1248 = arith.constant 13 : i32
    %get3A_1249 = arith.index_cast %get3A_1248 : i32 to index
    %get3A_1250 = arith.constant 32 : index
    %get3A_1251 = tpu.vector_load %arg11[%get3A_1249, %get3A_1250] {strides = array<i32>} : memref<15x128xf32, #tpu.memory_space<vmem>>, vector<16xf32>,
    %add3A_1252 = arith.addf %gather3A_1247, %get3A_1251 : vector<16xf32>
    %broadcast_in_dim3A_1253 = arith.constant 0 : i32
    %broadcast_in_dim3A_1254 = vector.broadcast %broadcast_in_dim3A_1253 : i32 to vector<16xi32>
    %broadcast_in_dim3A_1255 = arith.constant 25 : i32
    %broadcast_in_dim3A_1256 = vector.broadcast %broadcast_in_dim3A_1255 : i32 to vector<16xi32>
    %add3A_1257 = arith.addi %broadcast_in_dim3A_1256, %mul3A_1243 : vector<16xi32>
    %gather3A_1258 = tpu.vector_load_idx %arg10[%add3A_1257] : memref<128xf32, #tpu.memory_space<vmem>>[vector<16xi32>], vector<16xf32>,
    %get3A_1259 = arith.constant 14 : i32
    %get3A_1260 = arith.index_cast %get3A_1259 : i32 to index
    %get3A_1261 = arith.constant 32 : index
    %get3A_1262 = tpu.vector_load %arg11[%get3A_1260, %get3A_1261] {strides = array<i32>} : memref<15x128xf32, #tpu.memory_space<vmem>>, vector<16xf32>,
    %add3A_1263 = arith.addf %gather3A_1258, %get3A_1262 : vector<16xf32>
    %gt3A_1264 = arith.cmpf ogt, %add3A_1263, %add3A_1252 : vector<16xf32>
    %select_n3A_1265 = arith.select %gt3A_1264, %add3A_1263, %add3A_1252 : vector<16xi1>, vector<16xf32>
    %broadcast_in_dim3A_1266 = arith.constant 1 : i32
    %broadcast_in_dim3A_1267 = vector.broadcast %broadcast_in_dim3A_1266 : i32 to vector<16xi32>
    %select_n3A_1268 = arith.select %gt3A_1264, %broadcast_in_dim3A_1267, %broadcast_in_dim3A_1254 : vector<16xi1>, vector<16xi32>
    %broadcast_in_dim3A_1269 = arith.constant 52 : i32
    %broadcast_in_dim3A_1270 = vector.broadcast %broadcast_in_dim3A_1269 : i32 to vector<16xi32>
    %add3A_1271 = arith.addi %broadcast_in_dim3A_1270, %mul3A_1243 : vector<16xi32>
    %add3A_1272 = arith.addi %add3A_1271, %select_n3A_1268 : vector<16xi32>
    %gather3A_1273 = tpu.vector_load_idx %arg10[%add3A_1272] : memref<128xf32, #tpu.memory_space<vmem>>[vector<16xi32>], vector<16xf32>,
    %add3A_1274 = arith.addf %gather3A_1071, %gather3A_1118 : vector<16xf32>
    %add3A_1275 = arith.addf %add3A_1274, %gather3A_1165 : vector<16xf32>
    %add3A_1276 = arith.addf %add3A_1275, %gather3A_1240 : vector<16xf32>
    %add3A_1277 = arith.addf %add3A_1276, %gather3A_1273 : vector<16xf32>
    %get3A_1278 = arith.constant 0 : i32
    %get3A_1279 = arith.index_cast %get3A_1278 : i32 to index
    %get3A_1280 = arith.constant 32 : index
    %get3A_1281 = tpu.vector_load %arg13[%get3A_1279, %get3A_1280] {strides = array<i32>} : memref<20x128xf32, #tpu.memory_space<vmem>>, vector<16xf32>,
    %mul3A_1282 = arith.mulf %add3A_1277, %get3A_1281 : vector<16xf32>
    %mul3A_1283 = arith.constant 3 : i32
    %mul3A_1284 = vector.broadcast %mul3A_1283 : i32 to vector<16xi32>
    %mul3A_1285 = arith.muli %select_n3A_1067, %mul3A_1284 : vector<16xi32>
    %add3A_1286 = arith.addi %mul3A_1285, %select_n3A_1113 : vector<16xi32>
    %mul3A_1287 = arith.constant 3 : i32
    %mul3A_1288 = vector.broadcast %mul3A_1287 : i32 to vector<16xi32>
    %mul3A_1289 = arith.muli %add3A_1286, %mul3A_1288 : vector<16xi32>
    %add3A_1290 = arith.addi %mul3A_1289, %select_n3A_1160 : vector<16xi32>
    %mul3A_1291 = arith.constant 2 : i32
    %mul3A_1292 = vector.broadcast %mul3A_1291 : i32 to vector<16xi32>
    %mul3A_1293 = arith.muli %add3A_1290, %mul3A_1292 : vector<16xi32>
    %add3A_1294 = arith.addi %mul3A_1293, %select_n3A_1268 : vector<16xi32>
    %mul3A_1295 = arith.constant 5 : i32
    %mul3A_1296 = vector.broadcast %mul3A_1295 : i32 to vector<16xi32>
    %mul3A_1297 = arith.muli %add3A_1294, %mul3A_1296 : vector<16xi32>
    %add3A_1298 = arith.addi %mul3A_1297, %select_n3A_1235 : vector<16xi32>
    %mul3A_1299 = arith.constant 64 : i32
    %mul3A_1300 = vector.broadcast %mul3A_1299 : i32 to vector<16xi32>
    %mul3A_1301 = arith.muli %add3A_1298, %mul3A_1300 : vector<16xi32>
    %broadcast_in_dim3A_1302 = arith.constant 0 : i32
    %broadcast_in_dim3A_1303 = vector.broadcast %broadcast_in_dim3A_1302 : i32 to vector<16xi32>
    %get3A_1304 = arith.constant 0 : i32
    %get3A_1305 = arith.index_cast %get3A_1304 : i32 to index
    %get3A_1306 = arith.constant 32 : index
    %get3A_1307 = tpu.vector_load %arg12[%get3A_1305, %get3A_1306] {strides = array<i32>} : memref<19x128xi32, #tpu.memory_space<vmem>>, vector<16xi32>,
    %add3A_1308 = arith.addi %mul3A_1301, %broadcast_in_dim3A_1303 : vector<16xi32>
    %add3A_1309 = arith.addi %add3A_1308, %get3A_1307 : vector<16xi32>
    %gather3A_1310 = tpu.vector_load_idx %arg9[%add3A_1309] : memref<11520xf32, #tpu.memory_space<vmem>>[vector<16xi32>], vector<16xf32>,
    %get3A_1311 = arith.constant 1 : i32
    %get3A_1312 = arith.index_cast %get3A_1311 : i32 to index
    %get3A_1313 = arith.constant 32 : index
    %get3A_1314 = tpu.vector_load %arg13[%get3A_1312, %get3A_1313] {strides = array<i32>} : memref<20x128xf32, #tpu.memory_space<vmem>>, vector<16xf32>,
    %mul3A_1315 = arith.mulf %gather3A_1310, %get3A_1314 : vector<16xf32>
    %add3A_1316 = arith.addf %mul3A_1282, %mul3A_1315 : vector<16xf32>
    %gather3A_1317 = tpu.vector_load_idx %arg15[%get3A_1307] : memref<16xi32, #tpu.memory_space<vmem>>[vector<16xi32>], vector<16xi32>,
    %get3A_1318 = arith.constant 1 : i32
    %get3A_1319 = arith.index_cast %get3A_1318 : i32 to index
    %get3A_1320 = arith.constant 32 : index
    %get3A_1321 = tpu.vector_load %arg12[%get3A_1319, %get3A_1320] {strides = array<i32>} : memref<19x128xi32, #tpu.memory_space<vmem>>, vector<16xi32>,
    %add3A_1322 = arith.addi %mul3A_1301, %gather3A_1317 : vector<16xi32>
    %add3A_1323 = arith.addi %add3A_1322, %get3A_1321 : vector<16xi32>
    %gather3A_1324 = tpu.vector_load_idx %arg9[%add3A_1323] : memref<11520xf32, #tpu.memory_space<vmem>>[vector<16xi32>], vector<16xf32>,
    %get3A_1325 = arith.constant 2 : i32
    %get3A_1326 = arith.index_cast %get3A_1325 : i32 to index
    %get3A_1327 = arith.constant 32 : index
    %get3A_1328 = tpu.vector_load %arg13[%get3A_1326, %get3A_1327] {strides = array<i32>} : memref<20x128xf32, #tpu.memory_space<vmem>>, vector<16xf32>,
    %mul3A_1329 = arith.mulf %gather3A_1324, %get3A_1328 : vector<16xf32>
    %add3A_1330 = arith.addf %add3A_1316, %mul3A_1329 : vector<16xf32>
    %gather3A_1331 = tpu.vector_load_idx %arg15[%get3A_1321] : memref<16xi32, #tpu.memory_space<vmem>>[vector<16xi32>], vector<16xi32>,
    %get3A_1332 = arith.constant 2 : i32
    %get3A_1333 = arith.index_cast %get3A_1332 : i32 to index
    %get3A_1334 = arith.constant 32 : index
    %get3A_1335 = tpu.vector_load %arg12[%get3A_1333, %get3A_1334] {strides = array<i32>} : memref<19x128xi32, #tpu.memory_space<vmem>>, vector<16xi32>,
    %add3A_1336 = arith.addi %mul3A_1301, %gather3A_1331 : vector<16xi32>
    %add3A_1337 = arith.addi %add3A_1336, %get3A_1335 : vector<16xi32>
    %gather3A_1338 = tpu.vector_load_idx %arg9[%add3A_1337] : memref<11520xf32, #tpu.memory_space<vmem>>[vector<16xi32>], vector<16xf32>,
    %get3A_1339 = arith.constant 3 : i32
    %get3A_1340 = arith.index_cast %get3A_1339 : i32 to index
    %get3A_1341 = arith.constant 32 : index
    %get3A_1342 = tpu.vector_load %arg13[%get3A_1340, %get3A_1341] {strides = array<i32>} : memref<20x128xf32, #tpu.memory_space<vmem>>, vector<16xf32>,
    %mul3A_1343 = arith.mulf %gather3A_1338, %get3A_1342 : vector<16xf32>
    %add3A_1344 = arith.addf %add3A_1330, %mul3A_1343 : vector<16xf32>
    %gather3A_1345 = tpu.vector_load_idx %arg15[%get3A_1335] : memref<16xi32, #tpu.memory_space<vmem>>[vector<16xi32>], vector<16xi32>,
    %get3A_1346 = arith.constant 3 : i32
    %get3A_1347 = arith.index_cast %get3A_1346 : i32 to index
    %get3A_1348 = arith.constant 32 : index
    %get3A_1349 = tpu.vector_load %arg12[%get3A_1347, %get3A_1348] {strides = array<i32>} : memref<19x128xi32, #tpu.memory_space<vmem>>, vector<16xi32>,
    %add3A_1350 = arith.addi %mul3A_1301, %gather3A_1345 : vector<16xi32>
    %add3A_1351 = arith.addi %add3A_1350, %get3A_1349 : vector<16xi32>
    %gather3A_1352 = tpu.vector_load_idx %arg9[%add3A_1351] : memref<11520xf32, #tpu.memory_space<vmem>>[vector<16xi32>], vector<16xf32>,
    %get3A_1353 = arith.constant 4 : i32
    %get3A_1354 = arith.index_cast %get3A_1353 : i32 to index
    %get3A_1355 = arith.constant 32 : index
    %get3A_1356 = tpu.vector_load %arg13[%get3A_1354, %get3A_1355] {strides = array<i32>} : memref<20x128xf32, #tpu.memory_space<vmem>>, vector<16xf32>,
    %mul3A_1357 = arith.mulf %gather3A_1352, %get3A_1356 : vector<16xf32>
    %add3A_1358 = arith.addf %add3A_1344, %mul3A_1357 : vector<16xf32>
    %gather3A_1359 = tpu.vector_load_idx %arg15[%get3A_1349] : memref<16xi32, #tpu.memory_space<vmem>>[vector<16xi32>], vector<16xi32>,
    %get3A_1360 = arith.constant 4 : i32
    %get3A_1361 = arith.index_cast %get3A_1360 : i32 to index
    %get3A_1362 = arith.constant 32 : index
    %get3A_1363 = tpu.vector_load %arg12[%get3A_1361, %get3A_1362] {strides = array<i32>} : memref<19x128xi32, #tpu.memory_space<vmem>>, vector<16xi32>,
    %add3A_1364 = arith.addi %mul3A_1301, %gather3A_1359 : vector<16xi32>
    %add3A_1365 = arith.addi %add3A_1364, %get3A_1363 : vector<16xi32>
    %gather3A_1366 = tpu.vector_load_idx %arg9[%add3A_1365] : memref<11520xf32, #tpu.memory_space<vmem>>[vector<16xi32>], vector<16xf32>,
    %get3A_1367 = arith.constant 5 : i32
    %get3A_1368 = arith.index_cast %get3A_1367 : i32 to index
    %get3A_1369 = arith.constant 32 : index
    %get3A_1370 = tpu.vector_load %arg13[%get3A_1368, %get3A_1369] {strides = array<i32>} : memref<20x128xf32, #tpu.memory_space<vmem>>, vector<16xf32>,
    %mul3A_1371 = arith.mulf %gather3A_1366, %get3A_1370 : vector<16xf32>
    %add3A_1372 = arith.addf %add3A_1358, %mul3A_1371 : vector<16xf32>
    %gather3A_1373 = tpu.vector_load_idx %arg15[%get3A_1363] : memref<16xi32, #tpu.memory_space<vmem>>[vector<16xi32>], vector<16xi32>,
    %get3A_1374 = arith.constant 5 : i32
    %get3A_1375 = arith.index_cast %get3A_1374 : i32 to index
    %get3A_1376 = arith.constant 32 : index
    %get3A_1377 = tpu.vector_load %arg12[%get3A_1375, %get3A_1376] {strides = array<i32>} : memref<19x128xi32, #tpu.memory_space<vmem>>, vector<16xi32>,
    %add3A_1378 = arith.addi %mul3A_1301, %gather3A_1373 : vector<16xi32>
    %add3A_1379 = arith.addi %add3A_1378, %get3A_1377 : vector<16xi32>
    %gather3A_1380 = tpu.vector_load_idx %arg9[%add3A_1379] : memref<11520xf32, #tpu.memory_space<vmem>>[vector<16xi32>], vector<16xf32>,
    %get3A_1381 = arith.constant 6 : i32
    %get3A_1382 = arith.index_cast %get3A_1381 : i32 to index
    %get3A_1383 = arith.constant 32 : index
    %get3A_1384 = tpu.vector_load %arg13[%get3A_1382, %get3A_1383] {strides = array<i32>} : memref<20x128xf32, #tpu.memory_space<vmem>>, vector<16xf32>,
    %mul3A_1385 = arith.mulf %gather3A_1380, %get3A_1384 : vector<16xf32>
    %add3A_1386 = arith.addf %add3A_1372, %mul3A_1385 : vector<16xf32>
    %gather3A_1387 = tpu.vector_load_idx %arg15[%get3A_1377] : memref<16xi32, #tpu.memory_space<vmem>>[vector<16xi32>], vector<16xi32>,
    %get3A_1388 = arith.constant 6 : i32
    %get3A_1389 = arith.index_cast %get3A_1388 : i32 to index
    %get3A_1390 = arith.constant 32 : index
    %get3A_1391 = tpu.vector_load %arg12[%get3A_1389, %get3A_1390] {strides = array<i32>} : memref<19x128xi32, #tpu.memory_space<vmem>>, vector<16xi32>,
    %add3A_1392 = arith.addi %mul3A_1301, %gather3A_1387 : vector<16xi32>
    %add3A_1393 = arith.addi %add3A_1392, %get3A_1391 : vector<16xi32>
    %gather3A_1394 = tpu.vector_load_idx %arg9[%add3A_1393] : memref<11520xf32, #tpu.memory_space<vmem>>[vector<16xi32>], vector<16xf32>,
    %get3A_1395 = arith.constant 7 : i32
    %get3A_1396 = arith.index_cast %get3A_1395 : i32 to index
    %get3A_1397 = arith.constant 32 : index
    %get3A_1398 = tpu.vector_load %arg13[%get3A_1396, %get3A_1397] {strides = array<i32>} : memref<20x128xf32, #tpu.memory_space<vmem>>, vector<16xf32>,
    %mul3A_1399 = arith.mulf %gather3A_1394, %get3A_1398 : vector<16xf32>
    %add3A_1400 = arith.addf %add3A_1386, %mul3A_1399 : vector<16xf32>
    %gather3A_1401 = tpu.vector_load_idx %arg15[%get3A_1391] : memref<16xi32, #tpu.memory_space<vmem>>[vector<16xi32>], vector<16xi32>,
    %get3A_1402 = arith.constant 7 : i32
    %get3A_1403 = arith.index_cast %get3A_1402 : i32 to index
    %get3A_1404 = arith.constant 32 : index
    %get3A_1405 = tpu.vector_load %arg12[%get3A_1403, %get3A_1404] {strides = array<i32>} : memref<19x128xi32, #tpu.memory_space<vmem>>, vector<16xi32>,
    %add3A_1406 = arith.addi %mul3A_1301, %gather3A_1401 : vector<16xi32>
    %add3A_1407 = arith.addi %add3A_1406, %get3A_1405 : vector<16xi32>
    %gather3A_1408 = tpu.vector_load_idx %arg9[%add3A_1407] : memref<11520xf32, #tpu.memory_space<vmem>>[vector<16xi32>], vector<16xf32>,
    %get3A_1409 = arith.constant 8 : i32
    %get3A_1410 = arith.index_cast %get3A_1409 : i32 to index
    %get3A_1411 = arith.constant 32 : index
    %get3A_1412 = tpu.vector_load %arg13[%get3A_1410, %get3A_1411] {strides = array<i32>} : memref<20x128xf32, #tpu.memory_space<vmem>>, vector<16xf32>,
    %mul3A_1413 = arith.mulf %gather3A_1408, %get3A_1412 : vector<16xf32>
    %add3A_1414 = arith.addf %add3A_1400, %mul3A_1413 : vector<16xf32>
    %gather3A_1415 = tpu.vector_load_idx %arg15[%get3A_1405] : memref<16xi32, #tpu.memory_space<vmem>>[vector<16xi32>], vector<16xi32>,
    %get3A_1416 = arith.constant 8 : i32
    %get3A_1417 = arith.index_cast %get3A_1416 : i32 to index
    %get3A_1418 = arith.constant 32 : index
    %get3A_1419 = tpu.vector_load %arg12[%get3A_1417, %get3A_1418] {strides = array<i32>} : memref<19x128xi32, #tpu.memory_space<vmem>>, vector<16xi32>,
    %add3A_1420 = arith.addi %mul3A_1301, %gather3A_1415 : vector<16xi32>
    %add3A_1421 = arith.addi %add3A_1420, %get3A_1419 : vector<16xi32>
    %gather3A_1422 = tpu.vector_load_idx %arg9[%add3A_1421] : memref<11520xf32, #tpu.memory_space<vmem>>[vector<16xi32>], vector<16xf32>,
    %get3A_1423 = arith.constant 9 : i32
    %get3A_1424 = arith.index_cast %get3A_1423 : i32 to index
    %get3A_1425 = arith.constant 32 : index
    %get3A_1426 = tpu.vector_load %arg13[%get3A_1424, %get3A_1425] {strides = array<i32>} : memref<20x128xf32, #tpu.memory_space<vmem>>, vector<16xf32>,
    %mul3A_1427 = arith.mulf %gather3A_1422, %get3A_1426 : vector<16xf32>
    %add3A_1428 = arith.addf %add3A_1414, %mul3A_1427 : vector<16xf32>
    %gather3A_1429 = tpu.vector_load_idx %arg15[%get3A_1419] : memref<16xi32, #tpu.memory_space<vmem>>[vector<16xi32>], vector<16xi32>,
    %get3A_1430 = arith.constant 9 : i32
    %get3A_1431 = arith.index_cast %get3A_1430 : i32 to index
    %get3A_1432 = arith.constant 32 : index
    %get3A_1433 = tpu.vector_load %arg12[%get3A_1431, %get3A_1432] {strides = array<i32>} : memref<19x128xi32, #tpu.memory_space<vmem>>, vector<16xi32>,
    %add3A_1434 = arith.addi %mul3A_1301, %gather3A_1429 : vector<16xi32>
    %add3A_1435 = arith.addi %add3A_1434, %get3A_1433 : vector<16xi32>
    %gather3A_1436 = tpu.vector_load_idx %arg9[%add3A_1435] : memref<11520xf32, #tpu.memory_space<vmem>>[vector<16xi32>], vector<16xf32>,
    %get3A_1437 = arith.constant 10 : i32
    %get3A_1438 = arith.index_cast %get3A_1437 : i32 to index
    %get3A_1439 = arith.constant 32 : index
    %get3A_1440 = tpu.vector_load %arg13[%get3A_1438, %get3A_1439] {strides = array<i32>} : memref<20x128xf32, #tpu.memory_space<vmem>>, vector<16xf32>,
    %mul3A_1441 = arith.mulf %gather3A_1436, %get3A_1440 : vector<16xf32>
    %add3A_1442 = arith.addf %add3A_1428, %mul3A_1441 : vector<16xf32>
    %gather3A_1443 = tpu.vector_load_idx %arg15[%get3A_1433] : memref<16xi32, #tpu.memory_space<vmem>>[vector<16xi32>], vector<16xi32>,
    %get3A_1444 = arith.constant 10 : i32
    %get3A_1445 = arith.index_cast %get3A_1444 : i32 to index
    %get3A_1446 = arith.constant 32 : index
    %get3A_1447 = tpu.vector_load %arg12[%get3A_1445, %get3A_1446] {strides = array<i32>} : memref<19x128xi32, #tpu.memory_space<vmem>>, vector<16xi32>,
    %add3A_1448 = arith.addi %mul3A_1301, %gather3A_1443 : vector<16xi32>
    %add3A_1449 = arith.addi %add3A_1448, %get3A_1447 : vector<16xi32>
    %gather3A_1450 = tpu.vector_load_idx %arg9[%add3A_1449] : memref<11520xf32, #tpu.memory_space<vmem>>[vector<16xi32>], vector<16xf32>,
    %get3A_1451 = arith.constant 11 : i32
    %get3A_1452 = arith.index_cast %get3A_1451 : i32 to index
    %get3A_1453 = arith.constant 32 : index
    %get3A_1454 = tpu.vector_load %arg13[%get3A_1452, %get3A_1453] {strides = array<i32>} : memref<20x128xf32, #tpu.memory_space<vmem>>, vector<16xf32>,
    %mul3A_1455 = arith.mulf %gather3A_1450, %get3A_1454 : vector<16xf32>
    %add3A_1456 = arith.addf %add3A_1442, %mul3A_1455 : vector<16xf32>
    %gather3A_1457 = tpu.vector_load_idx %arg15[%get3A_1447] : memref<16xi32, #tpu.memory_space<vmem>>[vector<16xi32>], vector<16xi32>,
    %get3A_1458 = arith.constant 11 : i32
    %get3A_1459 = arith.index_cast %get3A_1458 : i32 to index
    %get3A_1460 = arith.constant 32 : index
    %get3A_1461 = tpu.vector_load %arg12[%get3A_1459, %get3A_1460] {strides = array<i32>} : memref<19x128xi32, #tpu.memory_space<vmem>>, vector<16xi32>,
    %add3A_1462 = arith.addi %mul3A_1301, %gather3A_1457 : vector<16xi32>
    %add3A_1463 = arith.addi %add3A_1462, %get3A_1461 : vector<16xi32>
    %gather3A_1464 = tpu.vector_load_idx %arg9[%add3A_1463] : memref<11520xf32, #tpu.memory_space<vmem>>[vector<16xi32>], vector<16xf32>,
    %get3A_1465 = arith.constant 12 : i32
    %get3A_1466 = arith.index_cast %get3A_1465 : i32 to index
    %get3A_1467 = arith.constant 32 : index
    %get3A_1468 = tpu.vector_load %arg13[%get3A_1466, %get3A_1467] {strides = array<i32>} : memref<20x128xf32, #tpu.memory_space<vmem>>, vector<16xf32>,
    %mul3A_1469 = arith.mulf %gather3A_1464, %get3A_1468 : vector<16xf32>
    %add3A_1470 = arith.addf %add3A_1456, %mul3A_1469 : vector<16xf32>
    %gather3A_1471 = tpu.vector_load_idx %arg15[%get3A_1461] : memref<16xi32, #tpu.memory_space<vmem>>[vector<16xi32>], vector<16xi32>,
    %get3A_1472 = arith.constant 12 : i32
    %get3A_1473 = arith.index_cast %get3A_1472 : i32 to index
    %get3A_1474 = arith.constant 32 : index
    %get3A_1475 = tpu.vector_load %arg12[%get3A_1473, %get3A_1474] {strides = array<i32>} : memref<19x128xi32, #tpu.memory_space<vmem>>, vector<16xi32>,
    %add3A_1476 = arith.addi %mul3A_1301, %gather3A_1471 : vector<16xi32>
    %add3A_1477 = arith.addi %add3A_1476, %get3A_1475 : vector<16xi32>
    %gather3A_1478 = tpu.vector_load_idx %arg9[%add3A_1477] : memref<11520xf32, #tpu.memory_space<vmem>>[vector<16xi32>], vector<16xf32>,
    %get3A_1479 = arith.constant 13 : i32
    %get3A_1480 = arith.index_cast %get3A_1479 : i32 to index
    %get3A_1481 = arith.constant 32 : index
    %get3A_1482 = tpu.vector_load %arg13[%get3A_1480, %get3A_1481] {strides = array<i32>} : memref<20x128xf32, #tpu.memory_space<vmem>>, vector<16xf32>,
    %mul3A_1483 = arith.mulf %gather3A_1478, %get3A_1482 : vector<16xf32>
    %add3A_1484 = arith.addf %add3A_1470, %mul3A_1483 : vector<16xf32>
    %gather3A_1485 = tpu.vector_load_idx %arg15[%get3A_1475] : memref<16xi32, #tpu.memory_space<vmem>>[vector<16xi32>], vector<16xi32>,
    %get3A_1486 = arith.constant 13 : i32
    %get3A_1487 = arith.index_cast %get3A_1486 : i32 to index
    %get3A_1488 = arith.constant 32 : index
    %get3A_1489 = tpu.vector_load %arg12[%get3A_1487, %get3A_1488] {strides = array<i32>} : memref<19x128xi32, #tpu.memory_space<vmem>>, vector<16xi32>,
    %add3A_1490 = arith.addi %mul3A_1301, %gather3A_1485 : vector<16xi32>
    %add3A_1491 = arith.addi %add3A_1490, %get3A_1489 : vector<16xi32>
    %gather3A_1492 = tpu.vector_load_idx %arg9[%add3A_1491] : memref<11520xf32, #tpu.memory_space<vmem>>[vector<16xi32>], vector<16xf32>,
    %get3A_1493 = arith.constant 14 : i32
    %get3A_1494 = arith.index_cast %get3A_1493 : i32 to index
    %get3A_1495 = arith.constant 32 : index
    %get3A_1496 = tpu.vector_load %arg13[%get3A_1494, %get3A_1495] {strides = array<i32>} : memref<20x128xf32, #tpu.memory_space<vmem>>, vector<16xf32>,
    %mul3A_1497 = arith.mulf %gather3A_1492, %get3A_1496 : vector<16xf32>
    %add3A_1498 = arith.addf %add3A_1484, %mul3A_1497 : vector<16xf32>
    %gather3A_1499 = tpu.vector_load_idx %arg15[%get3A_1489] : memref<16xi32, #tpu.memory_space<vmem>>[vector<16xi32>], vector<16xi32>,
    %get3A_1500 = arith.constant 14 : i32
    %get3A_1501 = arith.index_cast %get3A_1500 : i32 to index
    %get3A_1502 = arith.constant 32 : index
    %get3A_1503 = tpu.vector_load %arg12[%get3A_1501, %get3A_1502] {strides = array<i32>} : memref<19x128xi32, #tpu.memory_space<vmem>>, vector<16xi32>,
    %add3A_1504 = arith.addi %mul3A_1301, %gather3A_1499 : vector<16xi32>
    %add3A_1505 = arith.addi %add3A_1504, %get3A_1503 : vector<16xi32>
    %gather3A_1506 = tpu.vector_load_idx %arg9[%add3A_1505] : memref<11520xf32, #tpu.memory_space<vmem>>[vector<16xi32>], vector<16xf32>,
    %get3A_1507 = arith.constant 15 : i32
    %get3A_1508 = arith.index_cast %get3A_1507 : i32 to index
    %get3A_1509 = arith.constant 32 : index
    %get3A_1510 = tpu.vector_load %arg13[%get3A_1508, %get3A_1509] {strides = array<i32>} : memref<20x128xf32, #tpu.memory_space<vmem>>, vector<16xf32>,
    %mul3A_1511 = arith.mulf %gather3A_1506, %get3A_1510 : vector<16xf32>
    %add3A_1512 = arith.addf %add3A_1498, %mul3A_1511 : vector<16xf32>
    %gather3A_1513 = tpu.vector_load_idx %arg15[%get3A_1503] : memref<16xi32, #tpu.memory_space<vmem>>[vector<16xi32>], vector<16xi32>,
    %get3A_1514 = arith.constant 15 : i32
    %get3A_1515 = arith.index_cast %get3A_1514 : i32 to index
    %get3A_1516 = arith.constant 32 : index
    %get3A_1517 = tpu.vector_load %arg12[%get3A_1515, %get3A_1516] {strides = array<i32>} : memref<19x128xi32, #tpu.memory_space<vmem>>, vector<16xi32>,
    %add3A_1518 = arith.addi %mul3A_1301, %gather3A_1513 : vector<16xi32>
    %add3A_1519 = arith.addi %add3A_1518, %get3A_1517 : vector<16xi32>
    %gather3A_1520 = tpu.vector_load_idx %arg9[%add3A_1519] : memref<11520xf32, #tpu.memory_space<vmem>>[vector<16xi32>], vector<16xf32>,
    %get3A_1521 = arith.constant 16 : i32
    %get3A_1522 = arith.index_cast %get3A_1521 : i32 to index
    %get3A_1523 = arith.constant 32 : index
    %get3A_1524 = tpu.vector_load %arg13[%get3A_1522, %get3A_1523] {strides = array<i32>} : memref<20x128xf32, #tpu.memory_space<vmem>>, vector<16xf32>,
    %mul3A_1525 = arith.mulf %gather3A_1520, %get3A_1524 : vector<16xf32>
    %add3A_1526 = arith.addf %add3A_1512, %mul3A_1525 : vector<16xf32>
    %gather3A_1527 = tpu.vector_load_idx %arg15[%get3A_1517] : memref<16xi32, #tpu.memory_space<vmem>>[vector<16xi32>], vector<16xi32>,
    %get3A_1528 = arith.constant 16 : i32
    %get3A_1529 = arith.index_cast %get3A_1528 : i32 to index
    %get3A_1530 = arith.constant 32 : index
    %get3A_1531 = tpu.vector_load %arg12[%get3A_1529, %get3A_1530] {strides = array<i32>} : memref<19x128xi32, #tpu.memory_space<vmem>>, vector<16xi32>,
    %add3A_1532 = arith.addi %mul3A_1301, %gather3A_1527 : vector<16xi32>
    %add3A_1533 = arith.addi %add3A_1532, %get3A_1531 : vector<16xi32>
    %gather3A_1534 = tpu.vector_load_idx %arg9[%add3A_1533] : memref<11520xf32, #tpu.memory_space<vmem>>[vector<16xi32>], vector<16xf32>,
    %get3A_1535 = arith.constant 17 : i32
    %get3A_1536 = arith.index_cast %get3A_1535 : i32 to index
    %get3A_1537 = arith.constant 32 : index
    %get3A_1538 = tpu.vector_load %arg13[%get3A_1536, %get3A_1537] {strides = array<i32>} : memref<20x128xf32, #tpu.memory_space<vmem>>, vector<16xf32>,
    %mul3A_1539 = arith.mulf %gather3A_1534, %get3A_1538 : vector<16xf32>
    %add3A_1540 = arith.addf %add3A_1526, %mul3A_1539 : vector<16xf32>
    %gather3A_1541 = tpu.vector_load_idx %arg15[%get3A_1531] : memref<16xi32, #tpu.memory_space<vmem>>[vector<16xi32>], vector<16xi32>,
    %get3A_1542 = arith.constant 17 : i32
    %get3A_1543 = arith.index_cast %get3A_1542 : i32 to index
    %get3A_1544 = arith.constant 32 : index
    %get3A_1545 = tpu.vector_load %arg12[%get3A_1543, %get3A_1544] {strides = array<i32>} : memref<19x128xi32, #tpu.memory_space<vmem>>, vector<16xi32>,
    %add3A_1546 = arith.addi %mul3A_1301, %gather3A_1541 : vector<16xi32>
    %add3A_1547 = arith.addi %add3A_1546, %get3A_1545 : vector<16xi32>
    %gather3A_1548 = tpu.vector_load_idx %arg9[%add3A_1547] : memref<11520xf32, #tpu.memory_space<vmem>>[vector<16xi32>], vector<16xf32>,
    %get3A_1549 = arith.constant 18 : i32
    %get3A_1550 = arith.index_cast %get3A_1549 : i32 to index
    %get3A_1551 = arith.constant 32 : index
    %get3A_1552 = tpu.vector_load %arg13[%get3A_1550, %get3A_1551] {strides = array<i32>} : memref<20x128xf32, #tpu.memory_space<vmem>>, vector<16xf32>,
    %mul3A_1553 = arith.mulf %gather3A_1548, %get3A_1552 : vector<16xf32>
    %add3A_1554 = arith.addf %add3A_1540, %mul3A_1553 : vector<16xf32>
    %gather3A_1555 = tpu.vector_load_idx %arg15[%get3A_1545] : memref<16xi32, #tpu.memory_space<vmem>>[vector<16xi32>], vector<16xi32>,
    %get3A_1556 = arith.constant 18 : i32
    %get3A_1557 = arith.index_cast %get3A_1556 : i32 to index
    %get3A_1558 = arith.constant 32 : index
    %get3A_1559 = tpu.vector_load %arg12[%get3A_1557, %get3A_1558] {strides = array<i32>} : memref<19x128xi32, #tpu.memory_space<vmem>>, vector<16xi32>,
    %add3A_1560 = arith.addi %mul3A_1301, %gather3A_1555 : vector<16xi32>
    %add3A_1561 = arith.addi %add3A_1560, %get3A_1559 : vector<16xi32>
    %gather3A_1562 = tpu.vector_load_idx %arg9[%add3A_1561] : memref<11520xf32, #tpu.memory_space<vmem>>[vector<16xi32>], vector<16xf32>,
    %get3A_1563 = arith.constant 19 : i32
    %get3A_1564 = arith.index_cast %get3A_1563 : i32 to index
    %get3A_1565 = arith.constant 32 : index
    %get3A_1566 = tpu.vector_load %arg13[%get3A_1564, %get3A_1565] {strides = array<i32>} : memref<20x128xf32, #tpu.memory_space<vmem>>, vector<16xf32>,
    %mul3A_1567 = arith.mulf %gather3A_1562, %get3A_1566 : vector<16xf32>
    %add3A_1568 = arith.addf %add3A_1554, %mul3A_1567 : vector<16xf32>
    %gather3A_1569 = tpu.vector_load_idx %arg15[%get3A_1559] : memref<16xi32, #tpu.memory_space<vmem>>[vector<16xi32>], vector<16xi32>,
    %swap3A_1570 = arith.constant 32 : index
    %swap3A_1571 = tpu.vector_load %arg14[%swap3A_1570] {strides = array<i32>} : memref<128xf32, #tpu.memory_space<vmem>>, vector<16xf32>,
    tpu.vector_store %arg14[%swap3A_1570], %add3A_1568 {strides = array<i32>} : memref<128xf32, #tpu.memory_space<vmem>>, vector<16xf32>,
    %broadcast_in_dim3A_1572 = arith.constant 0 : i32
    %broadcast_in_dim3A_1573 = vector.broadcast %broadcast_in_dim3A_1572 : i32 to vector<16xi32>
    %gather3A_1574 = tpu.vector_load_idx %arg10[%broadcast_in_dim3A_1573] : memref<128xf32, #tpu.memory_space<vmem>>[vector<16xi32>], vector<16xf32>,
    %get3A_1575 = arith.constant 0 : i32
    %get3A_1576 = arith.index_cast %get3A_1575 : i32 to index
    %get3A_1577 = arith.constant 48 : index
    %get3A_1578 = tpu.vector_load %arg11[%get3A_1576, %get3A_1577] {strides = array<i32>} : memref<15x128xf32, #tpu.memory_space<vmem>>, vector<16xf32>,
    %add3A_1579 = arith.addf %gather3A_1574, %get3A_1578 : vector<16xf32>
    %broadcast_in_dim3A_1580 = arith.constant 1 : i32
    %broadcast_in_dim3A_1581 = vector.broadcast %broadcast_in_dim3A_1580 : i32 to vector<16xi32>
    %gather3A_1582 = tpu.vector_load_idx %arg10[%broadcast_in_dim3A_1581] : memref<128xf32, #tpu.memory_space<vmem>>[vector<16xi32>], vector<16xf32>,
    %get3A_1583 = arith.constant 1 : i32
    %get3A_1584 = arith.index_cast %get3A_1583 : i32 to index
    %get3A_1585 = arith.constant 48 : index
    %get3A_1586 = tpu.vector_load %arg11[%get3A_1584, %get3A_1585] {strides = array<i32>} : memref<15x128xf32, #tpu.memory_space<vmem>>, vector<16xf32>,
    %add3A_1587 = arith.addf %gather3A_1582, %get3A_1586 : vector<16xf32>
    %ge3A_1588 = arith.cmpf oge, %add3A_1579, %add3A_1587 : vector<16xf32>
    %broadcast_in_dim3A_1589 = arith.constant 0 : i32
    %broadcast_in_dim3A_1590 = vector.broadcast %broadcast_in_dim3A_1589 : i32 to vector<16xi32>
    %broadcast_in_dim3A_1591 = arith.constant 1 : i32
    %broadcast_in_dim3A_1592 = vector.broadcast %broadcast_in_dim3A_1591 : i32 to vector<16xi32>
    %select_n3A_1593 = arith.select %ge3A_1588, %broadcast_in_dim3A_1590, %broadcast_in_dim3A_1592 : vector<16xi1>, vector<16xi32>
    %broadcast_in_dim3A_1594 = arith.constant 28 : i32
    %broadcast_in_dim3A_1595 = vector.broadcast %broadcast_in_dim3A_1594 : i32 to vector<16xi32>
    %add3A_1596 = arith.addi %broadcast_in_dim3A_1595, %select_n3A_1593 : vector<16xi32>
    %gather3A_1597 = tpu.vector_load_idx %arg10[%add3A_1596] : memref<128xf32, #tpu.memory_space<vmem>>[vector<16xi32>], vector<16xf32>,
    %mul3A_1598 = arith.constant 3 : i32
    %mul3A_1599 = vector.broadcast %mul3A_1598 : i32 to vector<16xi32>
    %mul3A_1600 = arith.muli %select_n3A_1593, %mul3A_1599 : vector<16xi32>
    %broadcast_in_dim3A_1601 = arith.constant 2 : i32
    %broadcast_in_dim3A_1602 = vector.broadcast %broadcast_in_dim3A_1601 : i32 to vector<16xi32>
    %add3A_1603 = arith.addi %broadcast_in_dim3A_1602, %mul3A_1600 : vector<16xi32>
    %gather3A_1604 = tpu.vector_load_idx %arg10[%add3A_1603] : memref<128xf32, #tpu.memory_space<vmem>>[vector<16xi32>], vector<16xf32>,
    %get3A_1605 = arith.constant 2 : i32
    %get3A_1606 = arith.index_cast %get3A_1605 : i32 to index
    %get3A_1607 = arith.constant 48 : index
    %get3A_1608 = tpu.vector_load %arg11[%get3A_1606, %get3A_1607] {strides = array<i32>} : memref<15x128xf32, #tpu.memory_space<vmem>>, vector<16xf32>,
    %add3A_1609 = arith.addf %gather3A_1604, %get3A_1608 : vector<16xf32>
    %broadcast_in_dim3A_1610 = arith.constant 0 : i32
    %broadcast_in_dim3A_1611 = vector.broadcast %broadcast_in_dim3A_1610 : i32 to vector<16xi32>
    %broadcast_in_dim3A_1612 = arith.constant 3 : i32
    %broadcast_in_dim3A_1613 = vector.broadcast %broadcast_in_dim3A_1612 : i32 to vector<16xi32>
    %add3A_1614 = arith.addi %broadcast_in_dim3A_1613, %mul3A_1600 : vector<16xi32>
    %gather3A_1615 = tpu.vector_load_idx %arg10[%add3A_1614] : memref<128xf32, #tpu.memory_space<vmem>>[vector<16xi32>], vector<16xf32>,
    %get3A_1616 = arith.constant 3 : i32
    %get3A_1617 = arith.index_cast %get3A_1616 : i32 to index
    %get3A_1618 = arith.constant 48 : index
    %get3A_1619 = tpu.vector_load %arg11[%get3A_1617, %get3A_1618] {strides = array<i32>} : memref<15x128xf32, #tpu.memory_space<vmem>>, vector<16xf32>,
    %add3A_1620 = arith.addf %gather3A_1615, %get3A_1619 : vector<16xf32>
    %gt3A_1621 = arith.cmpf ogt, %add3A_1620, %add3A_1609 : vector<16xf32>
    %select_n3A_1622 = arith.select %gt3A_1621, %add3A_1620, %add3A_1609 : vector<16xi1>, vector<16xf32>
    %broadcast_in_dim3A_1623 = arith.constant 1 : i32
    %broadcast_in_dim3A_1624 = vector.broadcast %broadcast_in_dim3A_1623 : i32 to vector<16xi32>
    %select_n3A_1625 = arith.select %gt3A_1621, %broadcast_in_dim3A_1624, %broadcast_in_dim3A_1611 : vector<16xi1>, vector<16xi32>
    %broadcast_in_dim3A_1626 = arith.constant 4 : i32
    %broadcast_in_dim3A_1627 = vector.broadcast %broadcast_in_dim3A_1626 : i32 to vector<16xi32>
    %add3A_1628 = arith.addi %broadcast_in_dim3A_1627, %mul3A_1600 : vector<16xi32>
    %gather3A_1629 = tpu.vector_load_idx %arg10[%add3A_1628] : memref<128xf32, #tpu.memory_space<vmem>>[vector<16xi32>], vector<16xf32>,
    %get3A_1630 = arith.constant 4 : i32
    %get3A_1631 = arith.index_cast %get3A_1630 : i32 to index
    %get3A_1632 = arith.constant 48 : index
    %get3A_1633 = tpu.vector_load %arg11[%get3A_1631, %get3A_1632] {strides = array<i32>} : memref<15x128xf32, #tpu.memory_space<vmem>>, vector<16xf32>,
    %add3A_1634 = arith.addf %gather3A_1629, %get3A_1633 : vector<16xf32>
    %gt3A_1635 = arith.cmpf ogt, %add3A_1634, %select_n3A_1622 : vector<16xf32>
    %select_n3A_1636 = arith.select %gt3A_1635, %add3A_1634, %select_n3A_1622 : vector<16xi1>, vector<16xf32>
    %broadcast_in_dim3A_1637 = arith.constant 2 : i32
    %broadcast_in_dim3A_1638 = vector.broadcast %broadcast_in_dim3A_1637 : i32 to vector<16xi32>
    %select_n3A_1639 = arith.select %gt3A_1635, %broadcast_in_dim3A_1638, %select_n3A_1625 : vector<16xi1>, vector<16xi32>
    %broadcast_in_dim3A_1640 = arith.constant 30 : i32
    %broadcast_in_dim3A_1641 = vector.broadcast %broadcast_in_dim3A_1640 : i32 to vector<16xi32>
    %add3A_1642 = arith.addi %broadcast_in_dim3A_1641, %mul3A_1600 : vector<16xi32>
    %add3A_1643 = arith.addi %add3A_1642, %select_n3A_1639 : vector<16xi32>
    %gather3A_1644 = tpu.vector_load_idx %arg10[%add3A_1643] : memref<128xf32, #tpu.memory_space<vmem>>[vector<16xi32>], vector<16xf32>,
    %mul3A_1645 = arith.constant 3 : i32
    %mul3A_1646 = vector.broadcast %mul3A_1645 : i32 to vector<16xi32>
    %mul3A_1647 = arith.muli %select_n3A_1593, %mul3A_1646 : vector<16xi32>
    %broadcast_in_dim3A_1648 = arith.constant 8 : i32
    %broadcast_in_dim3A_1649 = vector.broadcast %broadcast_in_dim3A_1648 : i32 to vector<16xi32>
    %add3A_1650 = arith.addi %broadcast_in_dim3A_1649, %mul3A_1647 : vector<16xi32>
    %gather3A_1651 = tpu.vector_load_idx %arg10[%add3A_1650] : memref<128xf32, #tpu.memory_space<vmem>>[vector<16xi32>], vector<16xf32>,
    %get3A_1652 = arith.constant 5 : i32
    %get3A_1653 = arith.index_cast %get3A_1652 : i32 to index
    %get3A_1654 = arith.constant 48 : index
    %get3A_1655 = tpu.vector_load %arg11[%get3A_1653, %get3A_1654] {strides = array<i32>} : memref<15x128xf32, #tpu.memory_space<vmem>>, vector<16xf32>,
    %add3A_1656 = arith.addf %gather3A_1651, %get3A_1655 : vector<16xf32>
    %broadcast_in_dim3A_1657 = arith.constant 0 : i32
    %broadcast_in_dim3A_1658 = vector.broadcast %broadcast_in_dim3A_1657 : i32 to vector<16xi32>
    %broadcast_in_dim3A_1659 = arith.constant 9 : i32
    %broadcast_in_dim3A_1660 = vector.broadcast %broadcast_in_dim3A_1659 : i32 to vector<16xi32>
    %add3A_1661 = arith.addi %broadcast_in_dim3A_1660, %mul3A_1647 : vector<16xi32>
    %gather3A_1662 = tpu.vector_load_idx %arg10[%add3A_1661] : memref<128xf32, #tpu.memory_space<vmem>>[vector<16xi32>], vector<16xf32>,
    %get3A_1663 = arith.constant 6 : i32
    %get3A_1664 = arith.index_cast %get3A_1663 : i32 to index
    %get3A_1665 = arith.constant 48 : index
    %get3A_1666 = tpu.vector_load %arg11[%get3A_1664, %get3A_1665] {strides = array<i32>} : memref<15x128xf32, #tpu.memory_space<vmem>>, vector<16xf32>,
    %add3A_1667 = arith.addf %gather3A_1662, %get3A_1666 : vector<16xf32>
    %gt3A_1668 = arith.cmpf ogt, %add3A_1667, %add3A_1656 : vector<16xf32>
    %select_n3A_1669 = arith.select %gt3A_1668, %add3A_1667, %add3A_1656 : vector<16xi1>, vector<16xf32>
    %broadcast_in_dim3A_1670 = arith.constant 1 : i32
    %broadcast_in_dim3A_1671 = vector.broadcast %broadcast_in_dim3A_1670 : i32 to vector<16xi32>
    %select_n3A_1672 = arith.select %gt3A_1668, %broadcast_in_dim3A_1671, %broadcast_in_dim3A_1658 : vector<16xi1>, vector<16xi32>
    %broadcast_in_dim3A_1673 = arith.constant 10 : i32
    %broadcast_in_dim3A_1674 = vector.broadcast %broadcast_in_dim3A_1673 : i32 to vector<16xi32>
    %add3A_1675 = arith.addi %broadcast_in_dim3A_1674, %mul3A_1647 : vector<16xi32>
    %gather3A_1676 = tpu.vector_load_idx %arg10[%add3A_1675] : memref<128xf32, #tpu.memory_space<vmem>>[vector<16xi32>], vector<16xf32>,
    %get3A_1677 = arith.constant 7 : i32
    %get3A_1678 = arith.index_cast %get3A_1677 : i32 to index
    %get3A_1679 = arith.constant 48 : index
    %get3A_1680 = tpu.vector_load %arg11[%get3A_1678, %get3A_1679] {strides = array<i32>} : memref<15x128xf32, #tpu.memory_space<vmem>>, vector<16xf32>,
    %add3A_1681 = arith.addf %gather3A_1676, %get3A_1680 : vector<16xf32>
    %gt3A_1682 = arith.cmpf ogt, %add3A_1681, %select_n3A_1669 : vector<16xf32>
    %select_n3A_1683 = arith.select %gt3A_1682, %add3A_1681, %select_n3A_1669 : vector<16xi1>, vector<16xf32>
    %broadcast_in_dim3A_1684 = arith.constant 2 : i32
    %broadcast_in_dim3A_1685 = vector.broadcast %broadcast_in_dim3A_1684 : i32 to vector<16xi32>
    %select_n3A_1686 = arith.select %gt3A_1682, %broadcast_in_dim3A_1685, %select_n3A_1672 : vector<16xi1>, vector<16xi32>
    %broadcast_in_dim3A_1687 = arith.constant 36 : i32
    %broadcast_in_dim3A_1688 = vector.broadcast %broadcast_in_dim3A_1687 : i32 to vector<16xi32>
    %add3A_1689 = arith.addi %broadcast_in_dim3A_1688, %mul3A_1647 : vector<16xi32>
    %add3A_1690 = arith.addi %add3A_1689, %select_n3A_1686 : vector<16xi32>
    %gather3A_1691 = tpu.vector_load_idx %arg10[%add3A_1690] : memref<128xf32, #tpu.memory_space<vmem>>[vector<16xi32>], vector<16xf32>,
    %mul3A_1692 = arith.constant 5 : i32
    %mul3A_1693 = vector.broadcast %mul3A_1692 : i32 to vector<16xi32>
    %mul3A_1694 = arith.muli %select_n3A_1593, %mul3A_1693 : vector<16xi32>
    %broadcast_in_dim3A_1695 = arith.constant 14 : i32
    %broadcast_in_dim3A_1696 = vector.broadcast %broadcast_in_dim3A_1695 : i32 to vector<16xi32>
    %add3A_1697 = arith.addi %broadcast_in_dim3A_1696, %mul3A_1694 : vector<16xi32>
    %gather3A_1698 = tpu.vector_load_idx %arg10[%add3A_1697] : memref<128xf32, #tpu.memory_space<vmem>>[vector<16xi32>], vector<16xf32>,
    %get3A_1699 = arith.constant 8 : i32
    %get3A_1700 = arith.index_cast %get3A_1699 : i32 to index
    %get3A_1701 = arith.constant 48 : index
    %get3A_1702 = tpu.vector_load %arg11[%get3A_1700, %get3A_1701] {strides = array<i32>} : memref<15x128xf32, #tpu.memory_space<vmem>>, vector<16xf32>,
    %add3A_1703 = arith.addf %gather3A_1698, %get3A_1702 : vector<16xf32>
    %broadcast_in_dim3A_1704 = arith.constant 0 : i32
    %broadcast_in_dim3A_1705 = vector.broadcast %broadcast_in_dim3A_1704 : i32 to vector<16xi32>
    %broadcast_in_dim3A_1706 = arith.constant 15 : i32
    %broadcast_in_dim3A_1707 = vector.broadcast %broadcast_in_dim3A_1706 : i32 to vector<16xi32>
    %add3A_1708 = arith.addi %broadcast_in_dim3A_1707, %mul3A_1694 : vector<16xi32>
    %gather3A_1709 = tpu.vector_load_idx %arg10[%add3A_1708] : memref<128xf32, #tpu.memory_space<vmem>>[vector<16xi32>], vector<16xf32>,
    %get3A_1710 = arith.constant 9 : i32
    %get3A_1711 = arith.index_cast %get3A_1710 : i32 to index
    %get3A_1712 = arith.constant 48 : index
    %get3A_1713 = tpu.vector_load %arg11[%get3A_1711, %get3A_1712] {strides = array<i32>} : memref<15x128xf32, #tpu.memory_space<vmem>>, vector<16xf32>,
    %add3A_1714 = arith.addf %gather3A_1709, %get3A_1713 : vector<16xf32>
    %gt3A_1715 = arith.cmpf ogt, %add3A_1714, %add3A_1703 : vector<16xf32>
    %select_n3A_1716 = arith.select %gt3A_1715, %add3A_1714, %add3A_1703 : vector<16xi1>, vector<16xf32>
    %broadcast_in_dim3A_1717 = arith.constant 1 : i32
    %broadcast_in_dim3A_1718 = vector.broadcast %broadcast_in_dim3A_1717 : i32 to vector<16xi32>
    %select_n3A_1719 = arith.select %gt3A_1715, %broadcast_in_dim3A_1718, %broadcast_in_dim3A_1705 : vector<16xi1>, vector<16xi32>
    %broadcast_in_dim3A_1720 = arith.constant 16 : i32
    %broadcast_in_dim3A_1721 = vector.broadcast %broadcast_in_dim3A_1720 : i32 to vector<16xi32>
    %add3A_1722 = arith.addi %broadcast_in_dim3A_1721, %mul3A_1694 : vector<16xi32>
    %gather3A_1723 = tpu.vector_load_idx %arg10[%add3A_1722] : memref<128xf32, #tpu.memory_space<vmem>>[vector<16xi32>], vector<16xf32>,
    %get3A_1724 = arith.constant 10 : i32
    %get3A_1725 = arith.index_cast %get3A_1724 : i32 to index
    %get3A_1726 = arith.constant 48 : index
    %get3A_1727 = tpu.vector_load %arg11[%get3A_1725, %get3A_1726] {strides = array<i32>} : memref<15x128xf32, #tpu.memory_space<vmem>>, vector<16xf32>,
    %add3A_1728 = arith.addf %gather3A_1723, %get3A_1727 : vector<16xf32>
    %gt3A_1729 = arith.cmpf ogt, %add3A_1728, %select_n3A_1716 : vector<16xf32>
    %select_n3A_1730 = arith.select %gt3A_1729, %add3A_1728, %select_n3A_1716 : vector<16xi1>, vector<16xf32>
    %broadcast_in_dim3A_1731 = arith.constant 2 : i32
    %broadcast_in_dim3A_1732 = vector.broadcast %broadcast_in_dim3A_1731 : i32 to vector<16xi32>
    %select_n3A_1733 = arith.select %gt3A_1729, %broadcast_in_dim3A_1732, %select_n3A_1719 : vector<16xi1>, vector<16xi32>
    %broadcast_in_dim3A_1734 = arith.constant 17 : i32
    %broadcast_in_dim3A_1735 = vector.broadcast %broadcast_in_dim3A_1734 : i32 to vector<16xi32>
    %add3A_1736 = arith.addi %broadcast_in_dim3A_1735, %mul3A_1694 : vector<16xi32>
    %gather3A_1737 = tpu.vector_load_idx %arg10[%add3A_1736] : memref<128xf32, #tpu.memory_space<vmem>>[vector<16xi32>], vector<16xf32>,
    %get3A_1738 = arith.constant 11 : i32
    %get3A_1739 = arith.index_cast %get3A_1738 : i32 to index
    %get3A_1740 = arith.constant 48 : index
    %get3A_1741 = tpu.vector_load %arg11[%get3A_1739, %get3A_1740] {strides = array<i32>} : memref<15x128xf32, #tpu.memory_space<vmem>>, vector<16xf32>,
    %add3A_1742 = arith.addf %gather3A_1737, %get3A_1741 : vector<16xf32>
    %gt3A_1743 = arith.cmpf ogt, %add3A_1742, %select_n3A_1730 : vector<16xf32>
    %select_n3A_1744 = arith.select %gt3A_1743, %add3A_1742, %select_n3A_1730 : vector<16xi1>, vector<16xf32>
    %broadcast_in_dim3A_1745 = arith.constant 3 : i32
    %broadcast_in_dim3A_1746 = vector.broadcast %broadcast_in_dim3A_1745 : i32 to vector<16xi32>
    %select_n3A_1747 = arith.select %gt3A_1743, %broadcast_in_dim3A_1746, %select_n3A_1733 : vector<16xi1>, vector<16xi32>
    %broadcast_in_dim3A_1748 = arith.constant 18 : i32
    %broadcast_in_dim3A_1749 = vector.broadcast %broadcast_in_dim3A_1748 : i32 to vector<16xi32>
    %add3A_1750 = arith.addi %broadcast_in_dim3A_1749, %mul3A_1694 : vector<16xi32>
    %gather3A_1751 = tpu.vector_load_idx %arg10[%add3A_1750] : memref<128xf32, #tpu.memory_space<vmem>>[vector<16xi32>], vector<16xf32>,
    %get3A_1752 = arith.constant 12 : i32
    %get3A_1753 = arith.index_cast %get3A_1752 : i32 to index
    %get3A_1754 = arith.constant 48 : index
    %get3A_1755 = tpu.vector_load %arg11[%get3A_1753, %get3A_1754] {strides = array<i32>} : memref<15x128xf32, #tpu.memory_space<vmem>>, vector<16xf32>,
    %add3A_1756 = arith.addf %gather3A_1751, %get3A_1755 : vector<16xf32>
    %gt3A_1757 = arith.cmpf ogt, %add3A_1756, %select_n3A_1744 : vector<16xf32>
    %select_n3A_1758 = arith.select %gt3A_1757, %add3A_1756, %select_n3A_1744 : vector<16xi1>, vector<16xf32>
    %broadcast_in_dim3A_1759 = arith.constant 4 : i32
    %broadcast_in_dim3A_1760 = vector.broadcast %broadcast_in_dim3A_1759 : i32 to vector<16xi32>
    %select_n3A_1761 = arith.select %gt3A_1757, %broadcast_in_dim3A_1760, %select_n3A_1747 : vector<16xi1>, vector<16xi32>
    %broadcast_in_dim3A_1762 = arith.constant 42 : i32
    %broadcast_in_dim3A_1763 = vector.broadcast %broadcast_in_dim3A_1762 : i32 to vector<16xi32>
    %add3A_1764 = arith.addi %broadcast_in_dim3A_1763, %mul3A_1694 : vector<16xi32>
    %add3A_1765 = arith.addi %add3A_1764, %select_n3A_1761 : vector<16xi32>
    %gather3A_1766 = tpu.vector_load_idx %arg10[%add3A_1765] : memref<128xf32, #tpu.memory_space<vmem>>[vector<16xi32>], vector<16xf32>,
    %mul3A_1767 = arith.constant 2 : i32
    %mul3A_1768 = vector.broadcast %mul3A_1767 : i32 to vector<16xi32>
    %mul3A_1769 = arith.muli %select_n3A_1593, %mul3A_1768 : vector<16xi32>
    %broadcast_in_dim3A_1770 = arith.constant 24 : i32
    %broadcast_in_dim3A_1771 = vector.broadcast %broadcast_in_dim3A_1770 : i32 to vector<16xi32>
    %add3A_1772 = arith.addi %broadcast_in_dim3A_1771, %mul3A_1769 : vector<16xi32>
    %gather3A_1773 = tpu.vector_load_idx %arg10[%add3A_1772] : memref<128xf32, #tpu.memory_space<vmem>>[vector<16xi32>], vector<16xf32>,
    %get3A_1774 = arith.constant 13 : i32
    %get3A_1775 = arith.index_cast %get3A_1774 : i32 to index
    %get3A_1776 = arith.constant 48 : index
    %get3A_1777 = tpu.vector_load %arg11[%get3A_1775, %get3A_1776] {strides = array<i32>} : memref<15x128xf32, #tpu.memory_space<vmem>>, vector<16xf32>,
    %add3A_1778 = arith.addf %gather3A_1773, %get3A_1777 : vector<16xf32>
    %broadcast_in_dim3A_1779 = arith.constant 0 : i32
    %broadcast_in_dim3A_1780 = vector.broadcast %broadcast_in_dim3A_1779 : i32 to vector<16xi32>
    %broadcast_in_dim3A_1781 = arith.constant 25 : i32
    %broadcast_in_dim3A_1782 = vector.broadcast %broadcast_in_dim3A_1781 : i32 to vector<16xi32>
    %add3A_1783 = arith.addi %broadcast_in_dim3A_1782, %mul3A_1769 : vector<16xi32>
    %gather3A_1784 = tpu.vector_load_idx %arg10[%add3A_1783] : memref<128xf32, #tpu.memory_space<vmem>>[vector<16xi32>], vector<16xf32>,
    %get3A_1785 = arith.constant 14 : i32
    %get3A_1786 = arith.index_cast %get3A_1785 : i32 to index
    %get3A_1787 = arith.constant 48 : index
    %get3A_1788 = tpu.vector_load %arg11[%get3A_1786, %get3A_1787] {strides = array<i32>} : memref<15x128xf32, #tpu.memory_space<vmem>>, vector<16xf32>,
    %add3A_1789 = arith.addf %gather3A_1784, %get3A_1788 : vector<16xf32>
    %gt3A_1790 = arith.cmpf ogt, %add3A_1789, %add3A_1778 : vector<16xf32>
    %select_n3A_1791 = arith.select %gt3A_1790, %add3A_1789, %add3A_1778 : vector<16xi1>, vector<16xf32>
    %broadcast_in_dim3A_1792 = arith.constant 1 : i32
    %broadcast_in_dim3A_1793 = vector.broadcast %broadcast_in_dim3A_1792 : i32 to vector<16xi32>
    %select_n3A_1794 = arith.select %gt3A_1790, %broadcast_in_dim3A_1793, %broadcast_in_dim3A_1780 : vector<16xi1>, vector<16xi32>
    %broadcast_in_dim3A_1795 = arith.constant 52 : i32
    %broadcast_in_dim3A_1796 = vector.broadcast %broadcast_in_dim3A_1795 : i32 to vector<16xi32>
    %add3A_1797 = arith.addi %broadcast_in_dim3A_1796, %mul3A_1769 : vector<16xi32>
    %add3A_1798 = arith.addi %add3A_1797, %select_n3A_1794 : vector<16xi32>
    %gather3A_1799 = tpu.vector_load_idx %arg10[%add3A_1798] : memref<128xf32, #tpu.memory_space<vmem>>[vector<16xi32>], vector<16xf32>,
    %add3A_1800 = arith.addf %gather3A_1597, %gather3A_1644 : vector<16xf32>
    %add3A_1801 = arith.addf %add3A_1800, %gather3A_1691 : vector<16xf32>
    %add3A_1802 = arith.addf %add3A_1801, %gather3A_1766 : vector<16xf32>
    %add3A_1803 = arith.addf %add3A_1802, %gather3A_1799 : vector<16xf32>
    %get3A_1804 = arith.constant 0 : i32
    %get3A_1805 = arith.index_cast %get3A_1804 : i32 to index
    %get3A_1806 = arith.constant 48 : index
    %get3A_1807 = tpu.vector_load %arg13[%get3A_1805, %get3A_1806] {strides = array<i32>} : memref<20x128xf32, #tpu.memory_space<vmem>>, vector<16xf32>,
    %mul3A_1808 = arith.mulf %add3A_1803, %get3A_1807 : vector<16xf32>
    %mul3A_1809 = arith.constant 3 : i32
    %mul3A_1810 = vector.broadcast %mul3A_1809 : i32 to vector<16xi32>
    %mul3A_1811 = arith.muli %select_n3A_1593, %mul3A_1810 : vector<16xi32>
    %add3A_1812 = arith.addi %mul3A_1811, %select_n3A_1639 : vector<16xi32>
    %mul3A_1813 = arith.constant 3 : i32
    %mul3A_1814 = vector.broadcast %mul3A_1813 : i32 to vector<16xi32>
    %mul3A_1815 = arith.muli %add3A_1812, %mul3A_1814 : vector<16xi32>
    %add3A_1816 = arith.addi %mul3A_1815, %select_n3A_1686 : vector<16xi32>
    %mul3A_1817 = arith.constant 2 : i32
    %mul3A_1818 = vector.broadcast %mul3A_1817 : i32 to vector<16xi32>
    %mul3A_1819 = arith.muli %add3A_1816, %mul3A_1818 : vector<16xi32>
    %add3A_1820 = arith.addi %mul3A_1819, %select_n3A_1794 : vector<16xi32>
    %mul3A_1821 = arith.constant 5 : i32
    %mul3A_1822 = vector.broadcast %mul3A_1821 : i32 to vector<16xi32>
    %mul3A_1823 = arith.muli %add3A_1820, %mul3A_1822 : vector<16xi32>
    %add3A_1824 = arith.addi %mul3A_1823, %select_n3A_1761 : vector<16xi32>
    %mul3A_1825 = arith.constant 64 : i32
    %mul3A_1826 = vector.broadcast %mul3A_1825 : i32 to vector<16xi32>
    %mul3A_1827 = arith.muli %add3A_1824, %mul3A_1826 : vector<16xi32>
    %broadcast_in_dim3A_1828 = arith.constant 0 : i32
    %broadcast_in_dim3A_1829 = vector.broadcast %broadcast_in_dim3A_1828 : i32 to vector<16xi32>
    %get3A_1830 = arith.constant 0 : i32
    %get3A_1831 = arith.index_cast %get3A_1830 : i32 to index
    %get3A_1832 = arith.constant 48 : index
    %get3A_1833 = tpu.vector_load %arg12[%get3A_1831, %get3A_1832] {strides = array<i32>} : memref<19x128xi32, #tpu.memory_space<vmem>>, vector<16xi32>,
    %add3A_1834 = arith.addi %mul3A_1827, %broadcast_in_dim3A_1829 : vector<16xi32>
    %add3A_1835 = arith.addi %add3A_1834, %get3A_1833 : vector<16xi32>
    %gather3A_1836 = tpu.vector_load_idx %arg9[%add3A_1835] : memref<11520xf32, #tpu.memory_space<vmem>>[vector<16xi32>], vector<16xf32>,
    %get3A_1837 = arith.constant 1 : i32
    %get3A_1838 = arith.index_cast %get3A_1837 : i32 to index
    %get3A_1839 = arith.constant 48 : index
    %get3A_1840 = tpu.vector_load %arg13[%get3A_1838, %get3A_1839] {strides = array<i32>} : memref<20x128xf32, #tpu.memory_space<vmem>>, vector<16xf32>,
    %mul3A_1841 = arith.mulf %gather3A_1836, %get3A_1840 : vector<16xf32>
    %add3A_1842 = arith.addf %mul3A_1808, %mul3A_1841 : vector<16xf32>
    %gather3A_1843 = tpu.vector_load_idx %arg15[%get3A_1833] : memref<16xi32, #tpu.memory_space<vmem>>[vector<16xi32>], vector<16xi32>,
    %get3A_1844 = arith.constant 1 : i32
    %get3A_1845 = arith.index_cast %get3A_1844 : i32 to index
    %get3A_1846 = arith.constant 48 : index
    %get3A_1847 = tpu.vector_load %arg12[%get3A_1845, %get3A_1846] {strides = array<i32>} : memref<19x128xi32, #tpu.memory_space<vmem>>, vector<16xi32>,
    %add3A_1848 = arith.addi %mul3A_1827, %gather3A_1843 : vector<16xi32>
    %add3A_1849 = arith.addi %add3A_1848, %get3A_1847 : vector<16xi32>
    %gather3A_1850 = tpu.vector_load_idx %arg9[%add3A_1849] : memref<11520xf32, #tpu.memory_space<vmem>>[vector<16xi32>], vector<16xf32>,
    %get3A_1851 = arith.constant 2 : i32
    %get3A_1852 = arith.index_cast %get3A_1851 : i32 to index
    %get3A_1853 = arith.constant 48 : index
    %get3A_1854 = tpu.vector_load %arg13[%get3A_1852, %get3A_1853] {strides = array<i32>} : memref<20x128xf32, #tpu.memory_space<vmem>>, vector<16xf32>,
    %mul3A_1855 = arith.mulf %gather3A_1850, %get3A_1854 : vector<16xf32>
    %add3A_1856 = arith.addf %add3A_1842, %mul3A_1855 : vector<16xf32>
    %gather3A_1857 = tpu.vector_load_idx %arg15[%get3A_1847] : memref<16xi32, #tpu.memory_space<vmem>>[vector<16xi32>], vector<16xi32>,
    %get3A_1858 = arith.constant 2 : i32
    %get3A_1859 = arith.index_cast %get3A_1858 : i32 to index
    %get3A_1860 = arith.constant 48 : index
    %get3A_1861 = tpu.vector_load %arg12[%get3A_1859, %get3A_1860] {strides = array<i32>} : memref<19x128xi32, #tpu.memory_space<vmem>>, vector<16xi32>,
    %add3A_1862 = arith.addi %mul3A_1827, %gather3A_1857 : vector<16xi32>
    %add3A_1863 = arith.addi %add3A_1862, %get3A_1861 : vector<16xi32>
    %gather3A_1864 = tpu.vector_load_idx %arg9[%add3A_1863] : memref<11520xf32, #tpu.memory_space<vmem>>[vector<16xi32>], vector<16xf32>,
    %get3A_1865 = arith.constant 3 : i32
    %get3A_1866 = arith.index_cast %get3A_1865 : i32 to index
    %get3A_1867 = arith.constant 48 : index
    %get3A_1868 = tpu.vector_load %arg13[%get3A_1866, %get3A_1867] {strides = array<i32>} : memref<20x128xf32, #tpu.memory_space<vmem>>, vector<16xf32>,
    %mul3A_1869 = arith.mulf %gather3A_1864, %get3A_1868 : vector<16xf32>
    %add3A_1870 = arith.addf %add3A_1856, %mul3A_1869 : vector<16xf32>
    %gather3A_1871 = tpu.vector_load_idx %arg15[%get3A_1861] : memref<16xi32, #tpu.memory_space<vmem>>[vector<16xi32>], vector<16xi32>,
    %get3A_1872 = arith.constant 3 : i32
    %get3A_1873 = arith.index_cast %get3A_1872 : i32 to index
    %get3A_1874 = arith.constant 48 : index
    %get3A_1875 = tpu.vector_load %arg12[%get3A_1873, %get3A_1874] {strides = array<i32>} : memref<19x128xi32, #tpu.memory_space<vmem>>, vector<16xi32>,
    %add3A_1876 = arith.addi %mul3A_1827, %gather3A_1871 : vector<16xi32>
    %add3A_1877 = arith.addi %add3A_1876, %get3A_1875 : vector<16xi32>
    %gather3A_1878 = tpu.vector_load_idx %arg9[%add3A_1877] : memref<11520xf32, #tpu.memory_space<vmem>>[vector<16xi32>], vector<16xf32>,
    %get3A_1879 = arith.constant 4 : i32
    %get3A_1880 = arith.index_cast %get3A_1879 : i32 to index
    %get3A_1881 = arith.constant 48 : index
    %get3A_1882 = tpu.vector_load %arg13[%get3A_1880, %get3A_1881] {strides = array<i32>} : memref<20x128xf32, #tpu.memory_space<vmem>>, vector<16xf32>,
    %mul3A_1883 = arith.mulf %gather3A_1878, %get3A_1882 : vector<16xf32>
    %add3A_1884 = arith.addf %add3A_1870, %mul3A_1883 : vector<16xf32>
    %gather3A_1885 = tpu.vector_load_idx %arg15[%get3A_1875] : memref<16xi32, #tpu.memory_space<vmem>>[vector<16xi32>], vector<16xi32>,
    %get3A_1886 = arith.constant 4 : i32
    %get3A_1887 = arith.index_cast %get3A_1886 : i32 to index
    %get3A_1888 = arith.constant 48 : index
    %get3A_1889 = tpu.vector_load %arg12[%get3A_1887, %get3A_1888] {strides = array<i32>} : memref<19x128xi32, #tpu.memory_space<vmem>>, vector<16xi32>,
    %add3A_1890 = arith.addi %mul3A_1827, %gather3A_1885 : vector<16xi32>
    %add3A_1891 = arith.addi %add3A_1890, %get3A_1889 : vector<16xi32>
    %gather3A_1892 = tpu.vector_load_idx %arg9[%add3A_1891] : memref<11520xf32, #tpu.memory_space<vmem>>[vector<16xi32>], vector<16xf32>,
    %get3A_1893 = arith.constant 5 : i32
    %get3A_1894 = arith.index_cast %get3A_1893 : i32 to index
    %get3A_1895 = arith.constant 48 : index
    %get3A_1896 = tpu.vector_load %arg13[%get3A_1894, %get3A_1895] {strides = array<i32>} : memref<20x128xf32, #tpu.memory_space<vmem>>, vector<16xf32>,
    %mul3A_1897 = arith.mulf %gather3A_1892, %get3A_1896 : vector<16xf32>
    %add3A_1898 = arith.addf %add3A_1884, %mul3A_1897 : vector<16xf32>
    %gather3A_1899 = tpu.vector_load_idx %arg15[%get3A_1889] : memref<16xi32, #tpu.memory_space<vmem>>[vector<16xi32>], vector<16xi32>,
    %get3A_1900 = arith.constant 5 : i32
    %get3A_1901 = arith.index_cast %get3A_1900 : i32 to index
    %get3A_1902 = arith.constant 48 : index
    %get3A_1903 = tpu.vector_load %arg12[%get3A_1901, %get3A_1902] {strides = array<i32>} : memref<19x128xi32, #tpu.memory_space<vmem>>, vector<16xi32>,
    %add3A_1904 = arith.addi %mul3A_1827, %gather3A_1899 : vector<16xi32>
    %add3A_1905 = arith.addi %add3A_1904, %get3A_1903 : vector<16xi32>
    %gather3A_1906 = tpu.vector_load_idx %arg9[%add3A_1905] : memref<11520xf32, #tpu.memory_space<vmem>>[vector<16xi32>], vector<16xf32>,
    %get3A_1907 = arith.constant 6 : i32
    %get3A_1908 = arith.index_cast %get3A_1907 : i32 to index
    %get3A_1909 = arith.constant 48 : index
    %get3A_1910 = tpu.vector_load %arg13[%get3A_1908, %get3A_1909] {strides = array<i32>} : memref<20x128xf32, #tpu.memory_space<vmem>>, vector<16xf32>,
    %mul3A_1911 = arith.mulf %gather3A_1906, %get3A_1910 : vector<16xf32>
    %add3A_1912 = arith.addf %add3A_1898, %mul3A_1911 : vector<16xf32>
    %gather3A_1913 = tpu.vector_load_idx %arg15[%get3A_1903] : memref<16xi32, #tpu.memory_space<vmem>>[vector<16xi32>], vector<16xi32>,
    %get3A_1914 = arith.constant 6 : i32
    %get3A_1915 = arith.index_cast %get3A_1914 : i32 to index
    %get3A_1916 = arith.constant 48 : index
    %get3A_1917 = tpu.vector_load %arg12[%get3A_1915, %get3A_1916] {strides = array<i32>} : memref<19x128xi32, #tpu.memory_space<vmem>>, vector<16xi32>,
    %add3A_1918 = arith.addi %mul3A_1827, %gather3A_1913 : vector<16xi32>
    %add3A_1919 = arith.addi %add3A_1918, %get3A_1917 : vector<16xi32>
    %gather3A_1920 = tpu.vector_load_idx %arg9[%add3A_1919] : memref<11520xf32, #tpu.memory_space<vmem>>[vector<16xi32>], vector<16xf32>,
    %get3A_1921 = arith.constant 7 : i32
    %get3A_1922 = arith.index_cast %get3A_1921 : i32 to index
    %get3A_1923 = arith.constant 48 : index
    %get3A_1924 = tpu.vector_load %arg13[%get3A_1922, %get3A_1923] {strides = array<i32>} : memref<20x128xf32, #tpu.memory_space<vmem>>, vector<16xf32>,
    %mul3A_1925 = arith.mulf %gather3A_1920, %get3A_1924 : vector<16xf32>
    %add3A_1926 = arith.addf %add3A_1912, %mul3A_1925 : vector<16xf32>
    %gather3A_1927 = tpu.vector_load_idx %arg15[%get3A_1917] : memref<16xi32, #tpu.memory_space<vmem>>[vector<16xi32>], vector<16xi32>,
    %get3A_1928 = arith.constant 7 : i32
    %get3A_1929 = arith.index_cast %get3A_1928 : i32 to index
    %get3A_1930 = arith.constant 48 : index
    %get3A_1931 = tpu.vector_load %arg12[%get3A_1929, %get3A_1930] {strides = array<i32>} : memref<19x128xi32, #tpu.memory_space<vmem>>, vector<16xi32>,
    %add3A_1932 = arith.addi %mul3A_1827, %gather3A_1927 : vector<16xi32>
    %add3A_1933 = arith.addi %add3A_1932, %get3A_1931 : vector<16xi32>
    %gather3A_1934 = tpu.vector_load_idx %arg9[%add3A_1933] : memref<11520xf32, #tpu.memory_space<vmem>>[vector<16xi32>], vector<16xf32>,
    %get3A_1935 = arith.constant 8 : i32
    %get3A_1936 = arith.index_cast %get3A_1935 : i32 to index
    %get3A_1937 = arith.constant 48 : index
    %get3A_1938 = tpu.vector_load %arg13[%get3A_1936, %get3A_1937] {strides = array<i32>} : memref<20x128xf32, #tpu.memory_space<vmem>>, vector<16xf32>,
    %mul3A_1939 = arith.mulf %gather3A_1934, %get3A_1938 : vector<16xf32>
    %add3A_1940 = arith.addf %add3A_1926, %mul3A_1939 : vector<16xf32>
    %gather3A_1941 = tpu.vector_load_idx %arg15[%get3A_1931] : memref<16xi32, #tpu.memory_space<vmem>>[vector<16xi32>], vector<16xi32>,
    %get3A_1942 = arith.constant 8 : i32
    %get3A_1943 = arith.index_cast %get3A_1942 : i32 to index
    %get3A_1944 = arith.constant 48 : index
    %get3A_1945 = tpu.vector_load %arg12[%get3A_1943, %get3A_1944] {strides = array<i32>} : memref<19x128xi32, #tpu.memory_space<vmem>>, vector<16xi32>,
    %add3A_1946 = arith.addi %mul3A_1827, %gather3A_1941 : vector<16xi32>
    %add3A_1947 = arith.addi %add3A_1946, %get3A_1945 : vector<16xi32>
    %gather3A_1948 = tpu.vector_load_idx %arg9[%add3A_1947] : memref<11520xf32, #tpu.memory_space<vmem>>[vector<16xi32>], vector<16xf32>,
    %get3A_1949 = arith.constant 9 : i32
    %get3A_1950 = arith.index_cast %get3A_1949 : i32 to index
    %get3A_1951 = arith.constant 48 : index
    %get3A_1952 = tpu.vector_load %arg13[%get3A_1950, %get3A_1951] {strides = array<i32>} : memref<20x128xf32, #tpu.memory_space<vmem>>, vector<16xf32>,
    %mul3A_1953 = arith.mulf %gather3A_1948, %get3A_1952 : vector<16xf32>
    %add3A_1954 = arith.addf %add3A_1940, %mul3A_1953 : vector<16xf32>
    %gather3A_1955 = tpu.vector_load_idx %arg15[%get3A_1945] : memref<16xi32, #tpu.memory_space<vmem>>[vector<16xi32>], vector<16xi32>,
    %get3A_1956 = arith.constant 9 : i32
    %get3A_1957 = arith.index_cast %get3A_1956 : i32 to index
    %get3A_1958 = arith.constant 48 : index
    %get3A_1959 = tpu.vector_load %arg12[%get3A_1957, %get3A_1958] {strides = array<i32>} : memref<19x128xi32, #tpu.memory_space<vmem>>, vector<16xi32>,
    %add3A_1960 = arith.addi %mul3A_1827, %gather3A_1955 : vector<16xi32>
    %add3A_1961 = arith.addi %add3A_1960, %get3A_1959 : vector<16xi32>
    %gather3A_1962 = tpu.vector_load_idx %arg9[%add3A_1961] : memref<11520xf32, #tpu.memory_space<vmem>>[vector<16xi32>], vector<16xf32>,
    %get3A_1963 = arith.constant 10 : i32
    %get3A_1964 = arith.index_cast %get3A_1963 : i32 to index
    %get3A_1965 = arith.constant 48 : index
    %get3A_1966 = tpu.vector_load %arg13[%get3A_1964, %get3A_1965] {strides = array<i32>} : memref<20x128xf32, #tpu.memory_space<vmem>>, vector<16xf32>,
    %mul3A_1967 = arith.mulf %gather3A_1962, %get3A_1966 : vector<16xf32>
    %add3A_1968 = arith.addf %add3A_1954, %mul3A_1967 : vector<16xf32>
    %gather3A_1969 = tpu.vector_load_idx %arg15[%get3A_1959] : memref<16xi32, #tpu.memory_space<vmem>>[vector<16xi32>], vector<16xi32>,
    %get3A_1970 = arith.constant 10 : i32
    %get3A_1971 = arith.index_cast %get3A_1970 : i32 to index
    %get3A_1972 = arith.constant 48 : index
    %get3A_1973 = tpu.vector_load %arg12[%get3A_1971, %get3A_1972] {strides = array<i32>} : memref<19x128xi32, #tpu.memory_space<vmem>>, vector<16xi32>,
    %add3A_1974 = arith.addi %mul3A_1827, %gather3A_1969 : vector<16xi32>
    %add3A_1975 = arith.addi %add3A_1974, %get3A_1973 : vector<16xi32>
    %gather3A_1976 = tpu.vector_load_idx %arg9[%add3A_1975] : memref<11520xf32, #tpu.memory_space<vmem>>[vector<16xi32>], vector<16xf32>,
    %get3A_1977 = arith.constant 11 : i32
    %get3A_1978 = arith.index_cast %get3A_1977 : i32 to index
    %get3A_1979 = arith.constant 48 : index
    %get3A_1980 = tpu.vector_load %arg13[%get3A_1978, %get3A_1979] {strides = array<i32>} : memref<20x128xf32, #tpu.memory_space<vmem>>, vector<16xf32>,
    %mul3A_1981 = arith.mulf %gather3A_1976, %get3A_1980 : vector<16xf32>
    %add3A_1982 = arith.addf %add3A_1968, %mul3A_1981 : vector<16xf32>
    %gather3A_1983 = tpu.vector_load_idx %arg15[%get3A_1973] : memref<16xi32, #tpu.memory_space<vmem>>[vector<16xi32>], vector<16xi32>,
    %get3A_1984 = arith.constant 11 : i32
    %get3A_1985 = arith.index_cast %get3A_1984 : i32 to index
    %get3A_1986 = arith.constant 48 : index
    %get3A_1987 = tpu.vector_load %arg12[%get3A_1985, %get3A_1986] {strides = array<i32>} : memref<19x128xi32, #tpu.memory_space<vmem>>, vector<16xi32>,
    %add3A_1988 = arith.addi %mul3A_1827, %gather3A_1983 : vector<16xi32>
    %add3A_1989 = arith.addi %add3A_1988, %get3A_1987 : vector<16xi32>
    %gather3A_1990 = tpu.vector_load_idx %arg9[%add3A_1989] : memref<11520xf32, #tpu.memory_space<vmem>>[vector<16xi32>], vector<16xf32>,
    %get3A_1991 = arith.constant 12 : i32
    %get3A_1992 = arith.index_cast %get3A_1991 : i32 to index
    %get3A_1993 = arith.constant 48 : index
    %get3A_1994 = tpu.vector_load %arg13[%get3A_1992, %get3A_1993] {strides = array<i32>} : memref<20x128xf32, #tpu.memory_space<vmem>>, vector<16xf32>,
    %mul3A_1995 = arith.mulf %gather3A_1990, %get3A_1994 : vector<16xf32>
    %add3A_1996 = arith.addf %add3A_1982, %mul3A_1995 : vector<16xf32>
    %gather3A_1997 = tpu.vector_load_idx %arg15[%get3A_1987] : memref<16xi32, #tpu.memory_space<vmem>>[vector<16xi32>], vector<16xi32>,
    %get3A_1998 = arith.constant 12 : i32
    %get3A_1999 = arith.index_cast %get3A_1998 : i32 to index
    %get3A_2000 = arith.constant 48 : index
    %get3A_2001 = tpu.vector_load %arg12[%get3A_1999, %get3A_2000] {strides = array<i32>} : memref<19x128xi32, #tpu.memory_space<vmem>>, vector<16xi32>,
    %add3A_2002 = arith.addi %mul3A_1827, %gather3A_1997 : vector<16xi32>
    %add3A_2003 = arith.addi %add3A_2002, %get3A_2001 : vector<16xi32>
    %gather3A_2004 = tpu.vector_load_idx %arg9[%add3A_2003] : memref<11520xf32, #tpu.memory_space<vmem>>[vector<16xi32>], vector<16xf32>,
    %get3A_2005 = arith.constant 13 : i32
    %get3A_2006 = arith.index_cast %get3A_2005 : i32 to index
    %get3A_2007 = arith.constant 48 : index
    %get3A_2008 = tpu.vector_load %arg13[%get3A_2006, %get3A_2007] {strides = array<i32>} : memref<20x128xf32, #tpu.memory_space<vmem>>, vector<16xf32>,
    %mul3A_2009 = arith.mulf %gather3A_2004, %get3A_2008 : vector<16xf32>
    %add3A_2010 = arith.addf %add3A_1996, %mul3A_2009 : vector<16xf32>
    %gather3A_2011 = tpu.vector_load_idx %arg15[%get3A_2001] : memref<16xi32, #tpu.memory_space<vmem>>[vector<16xi32>], vector<16xi32>,
    %get3A_2012 = arith.constant 13 : i32
    %get3A_2013 = arith.index_cast %get3A_2012 : i32 to index
    %get3A_2014 = arith.constant 48 : index
    %get3A_2015 = tpu.vector_load %arg12[%get3A_2013, %get3A_2014] {strides = array<i32>} : memref<19x128xi32, #tpu.memory_space<vmem>>, vector<16xi32>,
    %add3A_2016 = arith.addi %mul3A_1827, %gather3A_2011 : vector<16xi32>
    %add3A_2017 = arith.addi %add3A_2016, %get3A_2015 : vector<16xi32>
    %gather3A_2018 = tpu.vector_load_idx %arg9[%add3A_2017] : memref<11520xf32, #tpu.memory_space<vmem>>[vector<16xi32>], vector<16xf32>,
    %get3A_2019 = arith.constant 14 : i32
    %get3A_2020 = arith.index_cast %get3A_2019 : i32 to index
    %get3A_2021 = arith.constant 48 : index
    %get3A_2022 = tpu.vector_load %arg13[%get3A_2020, %get3A_2021] {strides = array<i32>} : memref<20x128xf32, #tpu.memory_space<vmem>>, vector<16xf32>,
    %mul3A_2023 = arith.mulf %gather3A_2018, %get3A_2022 : vector<16xf32>
    %add3A_2024 = arith.addf %add3A_2010, %mul3A_2023 : vector<16xf32>
    %gather3A_2025 = tpu.vector_load_idx %arg15[%get3A_2015] : memref<16xi32, #tpu.memory_space<vmem>>[vector<16xi32>], vector<16xi32>,
    %get3A_2026 = arith.constant 14 : i32
    %get3A_2027 = arith.index_cast %get3A_2026 : i32 to index
    %get3A_2028 = arith.constant 48 : index
    %get3A_2029 = tpu.vector_load %arg12[%get3A_2027, %get3A_2028] {strides = array<i32>} : memref<19x128xi32, #tpu.memory_space<vmem>>, vector<16xi32>,
    %add3A_2030 = arith.addi %mul3A_1827, %gather3A_2025 : vector<16xi32>
    %add3A_2031 = arith.addi %add3A_2030, %get3A_2029 : vector<16xi32>
    %gather3A_2032 = tpu.vector_load_idx %arg9[%add3A_2031] : memref<11520xf32, #tpu.memory_space<vmem>>[vector<16xi32>], vector<16xf32>,
    %get3A_2033 = arith.constant 15 : i32
    %get3A_2034 = arith.index_cast %get3A_2033 : i32 to index
    %get3A_2035 = arith.constant 48 : index
    %get3A_2036 = tpu.vector_load %arg13[%get3A_2034, %get3A_2035] {strides = array<i32>} : memref<20x128xf32, #tpu.memory_space<vmem>>, vector<16xf32>,
    %mul3A_2037 = arith.mulf %gather3A_2032, %get3A_2036 : vector<16xf32>
    %add3A_2038 = arith.addf %add3A_2024, %mul3A_2037 : vector<16xf32>
    %gather3A_2039 = tpu.vector_load_idx %arg15[%get3A_2029] : memref<16xi32, #tpu.memory_space<vmem>>[vector<16xi32>], vector<16xi32>,
    %get3A_2040 = arith.constant 15 : i32
    %get3A_2041 = arith.index_cast %get3A_2040 : i32 to index
    %get3A_2042 = arith.constant 48 : index
    %get3A_2043 = tpu.vector_load %arg12[%get3A_2041, %get3A_2042] {strides = array<i32>} : memref<19x128xi32, #tpu.memory_space<vmem>>, vector<16xi32>,
    %add3A_2044 = arith.addi %mul3A_1827, %gather3A_2039 : vector<16xi32>
    %add3A_2045 = arith.addi %add3A_2044, %get3A_2043 : vector<16xi32>
    %gather3A_2046 = tpu.vector_load_idx %arg9[%add3A_2045] : memref<11520xf32, #tpu.memory_space<vmem>>[vector<16xi32>], vector<16xf32>,
    %get3A_2047 = arith.constant 16 : i32
    %get3A_2048 = arith.index_cast %get3A_2047 : i32 to index
    %get3A_2049 = arith.constant 48 : index
    %get3A_2050 = tpu.vector_load %arg13[%get3A_2048, %get3A_2049] {strides = array<i32>} : memref<20x128xf32, #tpu.memory_space<vmem>>, vector<16xf32>,
    %mul3A_2051 = arith.mulf %gather3A_2046, %get3A_2050 : vector<16xf32>
    %add3A_2052 = arith.addf %add3A_2038, %mul3A_2051 : vector<16xf32>
    %gather3A_2053 = tpu.vector_load_idx %arg15[%get3A_2043] : memref<16xi32, #tpu.memory_space<vmem>>[vector<16xi32>], vector<16xi32>,
    %get3A_2054 = arith.constant 16 : i32
    %get3A_2055 = arith.index_cast %get3A_2054 : i32 to index
    %get3A_2056 = arith.constant 48 : index
    %get3A_2057 = tpu.vector_load %arg12[%get3A_2055, %get3A_2056] {strides = array<i32>} : memref<19x128xi32, #tpu.memory_space<vmem>>, vector<16xi32>,
    %add3A_2058 = arith.addi %mul3A_1827, %gather3A_2053 : vector<16xi32>
    %add3A_2059 = arith.addi %add3A_2058, %get3A_2057 : vector<16xi32>
    %gather3A_2060 = tpu.vector_load_idx %arg9[%add3A_2059] : memref<11520xf32, #tpu.memory_space<vmem>>[vector<16xi32>], vector<16xf32>,
    %get3A_2061 = arith.constant 17 : i32
    %get3A_2062 = arith.index_cast %get3A_2061 : i32 to index
    %get3A_2063 = arith.constant 48 : index
    %get3A_2064 = tpu.vector_load %arg13[%get3A_2062, %get3A_2063] {strides = array<i32>} : memref<20x128xf32, #tpu.memory_space<vmem>>, vector<16xf32>,
    %mul3A_2065 = arith.mulf %gather3A_2060, %get3A_2064 : vector<16xf32>
    %add3A_2066 = arith.addf %add3A_2052, %mul3A_2065 : vector<16xf32>
    %gather3A_2067 = tpu.vector_load_idx %arg15[%get3A_2057] : memref<16xi32, #tpu.memory_space<vmem>>[vector<16xi32>], vector<16xi32>,
    %get3A_2068 = arith.constant 17 : i32
    %get3A_2069 = arith.index_cast %get3A_2068 : i32 to index
    %get3A_2070 = arith.constant 48 : index
    %get3A_2071 = tpu.vector_load %arg12[%get3A_2069, %get3A_2070] {strides = array<i32>} : memref<19x128xi32, #tpu.memory_space<vmem>>, vector<16xi32>,
    %add3A_2072 = arith.addi %mul3A_1827, %gather3A_2067 : vector<16xi32>
    %add3A_2073 = arith.addi %add3A_2072, %get3A_2071 : vector<16xi32>
    %gather3A_2074 = tpu.vector_load_idx %arg9[%add3A_2073] : memref<11520xf32, #tpu.memory_space<vmem>>[vector<16xi32>], vector<16xf32>,
    %get3A_2075 = arith.constant 18 : i32
    %get3A_2076 = arith.index_cast %get3A_2075 : i32 to index
    %get3A_2077 = arith.constant 48 : index
    %get3A_2078 = tpu.vector_load %arg13[%get3A_2076, %get3A_2077] {strides = array<i32>} : memref<20x128xf32, #tpu.memory_space<vmem>>, vector<16xf32>,
    %mul3A_2079 = arith.mulf %gather3A_2074, %get3A_2078 : vector<16xf32>
    %add3A_2080 = arith.addf %add3A_2066, %mul3A_2079 : vector<16xf32>
    %gather3A_2081 = tpu.vector_load_idx %arg15[%get3A_2071] : memref<16xi32, #tpu.memory_space<vmem>>[vector<16xi32>], vector<16xi32>,
    %get3A_2082 = arith.constant 18 : i32
    %get3A_2083 = arith.index_cast %get3A_2082 : i32 to index
    %get3A_2084 = arith.constant 48 : index
    %get3A_2085 = tpu.vector_load %arg12[%get3A_2083, %get3A_2084] {strides = array<i32>} : memref<19x128xi32, #tpu.memory_space<vmem>>, vector<16xi32>,
    %add3A_2086 = arith.addi %mul3A_1827, %gather3A_2081 : vector<16xi32>
    %add3A_2087 = arith.addi %add3A_2086, %get3A_2085 : vector<16xi32>
    %gather3A_2088 = tpu.vector_load_idx %arg9[%add3A_2087] : memref<11520xf32, #tpu.memory_space<vmem>>[vector<16xi32>], vector<16xf32>,
    %get3A_2089 = arith.constant 19 : i32
    %get3A_2090 = arith.index_cast %get3A_2089 : i32 to index
    %get3A_2091 = arith.constant 48 : index
    %get3A_2092 = tpu.vector_load %arg13[%get3A_2090, %get3A_2091] {strides = array<i32>} : memref<20x128xf32, #tpu.memory_space<vmem>>, vector<16xf32>,
    %mul3A_2093 = arith.mulf %gather3A_2088, %get3A_2092 : vector<16xf32>
    %add3A_2094 = arith.addf %add3A_2080, %mul3A_2093 : vector<16xf32>
    %gather3A_2095 = tpu.vector_load_idx %arg15[%get3A_2085] : memref<16xi32, #tpu.memory_space<vmem>>[vector<16xi32>], vector<16xi32>,
    %swap3A_2096 = arith.constant 48 : index
    %swap3A_2097 = tpu.vector_load %arg14[%swap3A_2096] {strides = array<i32>} : memref<128xf32, #tpu.memory_space<vmem>>, vector<16xf32>,
    tpu.vector_store %arg14[%swap3A_2096], %add3A_2094 {strides = array<i32>} : memref<128xf32, #tpu.memory_space<vmem>>, vector<16xf32>,
    %broadcast_in_dim3A_2098 = arith.constant 0 : i32
    %broadcast_in_dim3A_2099 = vector.broadcast %broadcast_in_dim3A_2098 : i32 to vector<16xi32>
    %gather3A_2100 = tpu.vector_load_idx %arg10[%broadcast_in_dim3A_2099] : memref<128xf32, #tpu.memory_space<vmem>>[vector<16xi32>], vector<16xf32>,
    %get3A_2101 = arith.constant 0 : i32
    %get3A_2102 = arith.index_cast %get3A_2101 : i32 to index
    %get3A_2103 = arith.constant 64 : index
    %get3A_2104 = tpu.vector_load %arg11[%get3A_2102, %get3A_2103] {strides = array<i32>} : memref<15x128xf32, #tpu.memory_space<vmem>>, vector<16xf32>,
    %add3A_2105 = arith.addf %gather3A_2100, %get3A_2104 : vector<16xf32>
    %broadcast_in_dim3A_2106 = arith.constant 1 : i32
    %broadcast_in_dim3A_2107 = vector.broadcast %broadcast_in_dim3A_2106 : i32 to vector<16xi32>
    %gather3A_2108 = tpu.vector_load_idx %arg10[%broadcast_in_dim3A_2107] : memref<128xf32, #tpu.memory_space<vmem>>[vector<16xi32>], vector<16xf32>,
    %get3A_2109 = arith.constant 1 : i32
    %get3A_2110 = arith.index_cast %get3A_2109 : i32 to index
    %get3A_2111 = arith.constant 64 : index
    %get3A_2112 = tpu.vector_load %arg11[%get3A_2110, %get3A_2111] {strides = array<i32>} : memref<15x128xf32, #tpu.memory_space<vmem>>, vector<16xf32>,
    %add3A_2113 = arith.addf %gather3A_2108, %get3A_2112 : vector<16xf32>
    %ge3A_2114 = arith.cmpf oge, %add3A_2105, %add3A_2113 : vector<16xf32>
    %broadcast_in_dim3A_2115 = arith.constant 0 : i32
    %broadcast_in_dim3A_2116 = vector.broadcast %broadcast_in_dim3A_2115 : i32 to vector<16xi32>
    %broadcast_in_dim3A_2117 = arith.constant 1 : i32
    %broadcast_in_dim3A_2118 = vector.broadcast %broadcast_in_dim3A_2117 : i32 to vector<16xi32>
    %select_n3A_2119 = arith.select %ge3A_2114, %broadcast_in_dim3A_2116, %broadcast_in_dim3A_2118 : vector<16xi1>, vector<16xi32>
    %broadcast_in_dim3A_2120 = arith.constant 28 : i32
    %broadcast_in_dim3A_2121 = vector.broadcast %broadcast_in_dim3A_2120 : i32 to vector<16xi32>
    %add3A_2122 = arith.addi %broadcast_in_dim3A_2121, %select_n3A_2119 : vector<16xi32>
    %gather3A_2123 = tpu.vector_load_idx %arg10[%add3A_2122] : memref<128xf32, #tpu.memory_space<vmem>>[vector<16xi32>], vector<16xf32>,
    %mul3A_2124 = arith.constant 3 : i32
    %mul3A_2125 = vector.broadcast %mul3A_2124 : i32 to vector<16xi32>
    %mul3A_2126 = arith.muli %select_n3A_2119, %mul3A_2125 : vector<16xi32>
    %broadcast_in_dim3A_2127 = arith.constant 2 : i32
    %broadcast_in_dim3A_2128 = vector.broadcast %broadcast_in_dim3A_2127 : i32 to vector<16xi32>
    %add3A_2129 = arith.addi %broadcast_in_dim3A_2128, %mul3A_2126 : vector<16xi32>
    %gather3A_2130 = tpu.vector_load_idx %arg10[%add3A_2129] : memref<128xf32, #tpu.memory_space<vmem>>[vector<16xi32>], vector<16xf32>,
    %get3A_2131 = arith.constant 2 : i32
    %get3A_2132 = arith.index_cast %get3A_2131 : i32 to index
    %get3A_2133 = arith.constant 64 : index
    %get3A_2134 = tpu.vector_load %arg11[%get3A_2132, %get3A_2133] {strides = array<i32>} : memref<15x128xf32, #tpu.memory_space<vmem>>, vector<16xf32>,
    %add3A_2135 = arith.addf %gather3A_2130, %get3A_2134 : vector<16xf32>
    %broadcast_in_dim3A_2136 = arith.constant 0 : i32
    %broadcast_in_dim3A_2137 = vector.broadcast %broadcast_in_dim3A_2136 : i32 to vector<16xi32>
    %broadcast_in_dim3A_2138 = arith.constant 3 : i32
    %broadcast_in_dim3A_2139 = vector.broadcast %broadcast_in_dim3A_2138 : i32 to vector<16xi32>
    %add3A_2140 = arith.addi %broadcast_in_dim3A_2139, %mul3A_2126 : vector<16xi32>
    %gather3A_2141 = tpu.vector_load_idx %arg10[%add3A_2140] : memref<128xf32, #tpu.memory_space<vmem>>[vector<16xi32>], vector<16xf32>,
    %get3A_2142 = arith.constant 3 : i32
    %get3A_2143 = arith.index_cast %get3A_2142 : i32 to index
    %get3A_2144 = arith.constant 64 : index
    %get3A_2145 = tpu.vector_load %arg11[%get3A_2143, %get3A_2144] {strides = array<i32>} : memref<15x128xf32, #tpu.memory_space<vmem>>, vector<16xf32>,
    %add3A_2146 = arith.addf %gather3A_2141, %get3A_2145 : vector<16xf32>
    %gt3A_2147 = arith.cmpf ogt, %add3A_2146, %add3A_2135 : vector<16xf32>
    %select_n3A_2148 = arith.select %gt3A_2147, %add3A_2146, %add3A_2135 : vector<16xi1>, vector<16xf32>
    %broadcast_in_dim3A_2149 = arith.constant 1 : i32
    %broadcast_in_dim3A_2150 = vector.broadcast %broadcast_in_dim3A_2149 : i32 to vector<16xi32>
    %select_n3A_2151 = arith.select %gt3A_2147, %broadcast_in_dim3A_2150, %broadcast_in_dim3A_2137 : vector<16xi1>, vector<16xi32>
    %broadcast_in_dim3A_2152 = arith.constant 4 : i32
    %broadcast_in_dim3A_2153 = vector.broadcast %broadcast_in_dim3A_2152 : i32 to vector<16xi32>
    %add3A_2154 = arith.addi %broadcast_in_dim3A_2153, %mul3A_2126 : vector<16xi32>
    %gather3A_2155 = tpu.vector_load_idx %arg10[%add3A_2154] : memref<128xf32, #tpu.memory_space<vmem>>[vector<16xi32>], vector<16xf32>,
    %get3A_2156 = arith.constant 4 : i32
    %get3A_2157 = arith.index_cast %get3A_2156 : i32 to index
    %get3A_2158 = arith.constant 64 : index
    %get3A_2159 = tpu.vector_load %arg11[%get3A_2157, %get3A_2158] {strides = array<i32>} : memref<15x128xf32, #tpu.memory_space<vmem>>, vector<16xf32>,
    %add3A_2160 = arith.addf %gather3A_2155, %get3A_2159 : vector<16xf32>
    %gt3A_2161 = arith.cmpf ogt, %add3A_2160, %select_n3A_2148 : vector<16xf32>
    %select_n3A_2162 = arith.select %gt3A_2161, %add3A_2160, %select_n3A_2148 : vector<16xi1>, vector<16xf32>
    %broadcast_in_dim3A_2163 = arith.constant 2 : i32
    %broadcast_in_dim3A_2164 = vector.broadcast %broadcast_in_dim3A_2163 : i32 to vector<16xi32>
    %select_n3A_2165 = arith.select %gt3A_2161, %broadcast_in_dim3A_2164, %select_n3A_2151 : vector<16xi1>, vector<16xi32>
    %broadcast_in_dim3A_2166 = arith.constant 30 : i32
    %broadcast_in_dim3A_2167 = vector.broadcast %broadcast_in_dim3A_2166 : i32 to vector<16xi32>
    %add3A_2168 = arith.addi %broadcast_in_dim3A_2167, %mul3A_2126 : vector<16xi32>
    %add3A_2169 = arith.addi %add3A_2168, %select_n3A_2165 : vector<16xi32>
    %gather3A_2170 = tpu.vector_load_idx %arg10[%add3A_2169] : memref<128xf32, #tpu.memory_space<vmem>>[vector<16xi32>], vector<16xf32>,
    %mul3A_2171 = arith.constant 3 : i32
    %mul3A_2172 = vector.broadcast %mul3A_2171 : i32 to vector<16xi32>
    %mul3A_2173 = arith.muli %select_n3A_2119, %mul3A_2172 : vector<16xi32>
    %broadcast_in_dim3A_2174 = arith.constant 8 : i32
    %broadcast_in_dim3A_2175 = vector.broadcast %broadcast_in_dim3A_2174 : i32 to vector<16xi32>
    %add3A_2176 = arith.addi %broadcast_in_dim3A_2175, %mul3A_2173 : vector<16xi32>
    %gather3A_2177 = tpu.vector_load_idx %arg10[%add3A_2176] : memref<128xf32, #tpu.memory_space<vmem>>[vector<16xi32>], vector<16xf32>,
    %get3A_2178 = arith.constant 5 : i32
    %get3A_2179 = arith.index_cast %get3A_2178 : i32 to index
    %get3A_2180 = arith.constant 64 : index
    %get3A_2181 = tpu.vector_load %arg11[%get3A_2179, %get3A_2180] {strides = array<i32>} : memref<15x128xf32, #tpu.memory_space<vmem>>, vector<16xf32>,
    %add3A_2182 = arith.addf %gather3A_2177, %get3A_2181 : vector<16xf32>
    %broadcast_in_dim3A_2183 = arith.constant 0 : i32
    %broadcast_in_dim3A_2184 = vector.broadcast %broadcast_in_dim3A_2183 : i32 to vector<16xi32>
    %broadcast_in_dim3A_2185 = arith.constant 9 : i32
    %broadcast_in_dim3A_2186 = vector.broadcast %broadcast_in_dim3A_2185 : i32 to vector<16xi32>
    %add3A_2187 = arith.addi %broadcast_in_dim3A_2186, %mul3A_2173 : vector<16xi32>
    %gather3A_2188 = tpu.vector_load_idx %arg10[%add3A_2187] : memref<128xf32, #tpu.memory_space<vmem>>[vector<16xi32>], vector<16xf32>,
    %get3A_2189 = arith.constant 6 : i32
    %get3A_2190 = arith.index_cast %get3A_2189 : i32 to index
    %get3A_2191 = arith.constant 64 : index
    %get3A_2192 = tpu.vector_load %arg11[%get3A_2190, %get3A_2191] {strides = array<i32>} : memref<15x128xf32, #tpu.memory_space<vmem>>, vector<16xf32>,
    %add3A_2193 = arith.addf %gather3A_2188, %get3A_2192 : vector<16xf32>
    %gt3A_2194 = arith.cmpf ogt, %add3A_2193, %add3A_2182 : vector<16xf32>
    %select_n3A_2195 = arith.select %gt3A_2194, %add3A_2193, %add3A_2182 : vector<16xi1>, vector<16xf32>
    %broadcast_in_dim3A_2196 = arith.constant 1 : i32
    %broadcast_in_dim3A_2197 = vector.broadcast %broadcast_in_dim3A_2196 : i32 to vector<16xi32>
    %select_n3A_2198 = arith.select %gt3A_2194, %broadcast_in_dim3A_2197, %broadcast_in_dim3A_2184 : vector<16xi1>, vector<16xi32>
    %broadcast_in_dim3A_2199 = arith.constant 10 : i32
    %broadcast_in_dim3A_2200 = vector.broadcast %broadcast_in_dim3A_2199 : i32 to vector<16xi32>
    %add3A_2201 = arith.addi %broadcast_in_dim3A_2200, %mul3A_2173 : vector<16xi32>
    %gather3A_2202 = tpu.vector_load_idx %arg10[%add3A_2201] : memref<128xf32, #tpu.memory_space<vmem>>[vector<16xi32>], vector<16xf32>,
    %get3A_2203 = arith.constant 7 : i32
    %get3A_2204 = arith.index_cast %get3A_2203 : i32 to index
    %get3A_2205 = arith.constant 64 : index
    %get3A_2206 = tpu.vector_load %arg11[%get3A_2204, %get3A_2205] {strides = array<i32>} : memref<15x128xf32, #tpu.memory_space<vmem>>, vector<16xf32>,
    %add3A_2207 = arith.addf %gather3A_2202, %get3A_2206 : vector<16xf32>
    %gt3A_2208 = arith.cmpf ogt, %add3A_2207, %select_n3A_2195 : vector<16xf32>
    %select_n3A_2209 = arith.select %gt3A_2208, %add3A_2207, %select_n3A_2195 : vector<16xi1>, vector<16xf32>
    %broadcast_in_dim3A_2210 = arith.constant 2 : i32
    %broadcast_in_dim3A_2211 = vector.broadcast %broadcast_in_dim3A_2210 : i32 to vector<16xi32>
    %select_n3A_2212 = arith.select %gt3A_2208, %broadcast_in_dim3A_2211, %select_n3A_2198 : vector<16xi1>, vector<16xi32>
    %broadcast_in_dim3A_2213 = arith.constant 36 : i32
    %broadcast_in_dim3A_2214 = vector.broadcast %broadcast_in_dim3A_2213 : i32 to vector<16xi32>
    %add3A_2215 = arith.addi %broadcast_in_dim3A_2214, %mul3A_2173 : vector<16xi32>
    %add3A_2216 = arith.addi %add3A_2215, %select_n3A_2212 : vector<16xi32>
    %gather3A_2217 = tpu.vector_load_idx %arg10[%add3A_2216] : memref<128xf32, #tpu.memory_space<vmem>>[vector<16xi32>], vector<16xf32>,
    %mul3A_2218 = arith.constant 5 : i32
    %mul3A_2219 = vector.broadcast %mul3A_2218 : i32 to vector<16xi32>
    %mul3A_2220 = arith.muli %select_n3A_2119, %mul3A_2219 : vector<16xi32>
    %broadcast_in_dim3A_2221 = arith.constant 14 : i32
    %broadcast_in_dim3A_2222 = vector.broadcast %broadcast_in_dim3A_2221 : i32 to vector<16xi32>
    %add3A_2223 = arith.addi %broadcast_in_dim3A_2222, %mul3A_2220 : vector<16xi32>
    %gather3A_2224 = tpu.vector_load_idx %arg10[%add3A_2223] : memref<128xf32, #tpu.memory_space<vmem>>[vector<16xi32>], vector<16xf32>,
    %get3A_2225 = arith.constant 8 : i32
    %get3A_2226 = arith.index_cast %get3A_2225 : i32 to index
    %get3A_2227 = arith.constant 64 : index
    %get3A_2228 = tpu.vector_load %arg11[%get3A_2226, %get3A_2227] {strides = array<i32>} : memref<15x128xf32, #tpu.memory_space<vmem>>, vector<16xf32>,
    %add3A_2229 = arith.addf %gather3A_2224, %get3A_2228 : vector<16xf32>
    %broadcast_in_dim3A_2230 = arith.constant 0 : i32
    %broadcast_in_dim3A_2231 = vector.broadcast %broadcast_in_dim3A_2230 : i32 to vector<16xi32>
    %broadcast_in_dim3A_2232 = arith.constant 15 : i32
    %broadcast_in_dim3A_2233 = vector.broadcast %broadcast_in_dim3A_2232 : i32 to vector<16xi32>
    %add3A_2234 = arith.addi %broadcast_in_dim3A_2233, %mul3A_2220 : vector<16xi32>
    %gather3A_2235 = tpu.vector_load_idx %arg10[%add3A_2234] : memref<128xf32, #tpu.memory_space<vmem>>[vector<16xi32>], vector<16xf32>,
    %get3A_2236 = arith.constant 9 : i32
    %get3A_2237 = arith.index_cast %get3A_2236 : i32 to index
    %get3A_2238 = arith.constant 64 : index
    %get3A_2239 = tpu.vector_load %arg11[%get3A_2237, %get3A_2238] {strides = array<i32>} : memref<15x128xf32, #tpu.memory_space<vmem>>, vector<16xf32>,
    %add3A_2240 = arith.addf %gather3A_2235, %get3A_2239 : vector<16xf32>
    %gt3A_2241 = arith.cmpf ogt, %add3A_2240, %add3A_2229 : vector<16xf32>
    %select_n3A_2242 = arith.select %gt3A_2241, %add3A_2240, %add3A_2229 : vector<16xi1>, vector<16xf32>
    %broadcast_in_dim3A_2243 = arith.constant 1 : i32
    %broadcast_in_dim3A_2244 = vector.broadcast %broadcast_in_dim3A_2243 : i32 to vector<16xi32>
    %select_n3A_2245 = arith.select %gt3A_2241, %broadcast_in_dim3A_2244, %broadcast_in_dim3A_2231 : vector<16xi1>, vector<16xi32>
    %broadcast_in_dim3A_2246 = arith.constant 16 : i32
    %broadcast_in_dim3A_2247 = vector.broadcast %broadcast_in_dim3A_2246 : i32 to vector<16xi32>
    %add3A_2248 = arith.addi %broadcast_in_dim3A_2247, %mul3A_2220 : vector<16xi32>
    %gather3A_2249 = tpu.vector_load_idx %arg10[%add3A_2248] : memref<128xf32, #tpu.memory_space<vmem>>[vector<16xi32>], vector<16xf32>,
    %get3A_2250 = arith.constant 10 : i32
    %get3A_2251 = arith.index_cast %get3A_2250 : i32 to index
    %get3A_2252 = arith.constant 64 : index
    %get3A_2253 = tpu.vector_load %arg11[%get3A_2251, %get3A_2252] {strides = array<i32>} : memref<15x128xf32, #tpu.memory_space<vmem>>, vector<16xf32>,
    %add3A_2254 = arith.addf %gather3A_2249, %get3A_2253 : vector<16xf32>
    %gt3A_2255 = arith.cmpf ogt, %add3A_2254, %select_n3A_2242 : vector<16xf32>
    %select_n3A_2256 = arith.select %gt3A_2255, %add3A_2254, %select_n3A_2242 : vector<16xi1>, vector<16xf32>
    %broadcast_in_dim3A_2257 = arith.constant 2 : i32
    %broadcast_in_dim3A_2258 = vector.broadcast %broadcast_in_dim3A_2257 : i32 to vector<16xi32>
    %select_n3A_2259 = arith.select %gt3A_2255, %broadcast_in_dim3A_2258, %select_n3A_2245 : vector<16xi1>, vector<16xi32>
    %broadcast_in_dim3A_2260 = arith.constant 17 : i32
    %broadcast_in_dim3A_2261 = vector.broadcast %broadcast_in_dim3A_2260 : i32 to vector<16xi32>
    %add3A_2262 = arith.addi %broadcast_in_dim3A_2261, %mul3A_2220 : vector<16xi32>
    %gather3A_2263 = tpu.vector_load_idx %arg10[%add3A_2262] : memref<128xf32, #tpu.memory_space<vmem>>[vector<16xi32>], vector<16xf32>,
    %get3A_2264 = arith.constant 11 : i32
    %get3A_2265 = arith.index_cast %get3A_2264 : i32 to index
    %get3A_2266 = arith.constant 64 : index
    %get3A_2267 = tpu.vector_load %arg11[%get3A_2265, %get3A_2266] {strides = array<i32>} : memref<15x128xf32, #tpu.memory_space<vmem>>, vector<16xf32>,
    %add3A_2268 = arith.addf %gather3A_2263, %get3A_2267 : vector<16xf32>
    %gt3A_2269 = arith.cmpf ogt, %add3A_2268, %select_n3A_2256 : vector<16xf32>
    %select_n3A_2270 = arith.select %gt3A_2269, %add3A_2268, %select_n3A_2256 : vector<16xi1>, vector<16xf32>
    %broadcast_in_dim3A_2271 = arith.constant 3 : i32
    %broadcast_in_dim3A_2272 = vector.broadcast %broadcast_in_dim3A_2271 : i32 to vector<16xi32>
    %select_n3A_2273 = arith.select %gt3A_2269, %broadcast_in_dim3A_2272, %select_n3A_2259 : vector<16xi1>, vector<16xi32>
    %broadcast_in_dim3A_2274 = arith.constant 18 : i32
    %broadcast_in_dim3A_2275 = vector.broadcast %broadcast_in_dim3A_2274 : i32 to vector<16xi32>
    %add3A_2276 = arith.addi %broadcast_in_dim3A_2275, %mul3A_2220 : vector<16xi32>
    %gather3A_2277 = tpu.vector_load_idx %arg10[%add3A_2276] : memref<128xf32, #tpu.memory_space<vmem>>[vector<16xi32>], vector<16xf32>,
    %get3A_2278 = arith.constant 12 : i32
    %get3A_2279 = arith.index_cast %get3A_2278 : i32 to index
    %get3A_2280 = arith.constant 64 : index
    %get3A_2281 = tpu.vector_load %arg11[%get3A_2279, %get3A_2280] {strides = array<i32>} : memref<15x128xf32, #tpu.memory_space<vmem>>, vector<16xf32>,
    %add3A_2282 = arith.addf %gather3A_2277, %get3A_2281 : vector<16xf32>
    %gt3A_2283 = arith.cmpf ogt, %add3A_2282, %select_n3A_2270 : vector<16xf32>
    %select_n3A_2284 = arith.select %gt3A_2283, %add3A_2282, %select_n3A_2270 : vector<16xi1>, vector<16xf32>
    %broadcast_in_dim3A_2285 = arith.constant 4 : i32
    %broadcast_in_dim3A_2286 = vector.broadcast %broadcast_in_dim3A_2285 : i32 to vector<16xi32>
    %select_n3A_2287 = arith.select %gt3A_2283, %broadcast_in_dim3A_2286, %select_n3A_2273 : vector<16xi1>, vector<16xi32>
    %broadcast_in_dim3A_2288 = arith.constant 42 : i32
    %broadcast_in_dim3A_2289 = vector.broadcast %broadcast_in_dim3A_2288 : i32 to vector<16xi32>
    %add3A_2290 = arith.addi %broadcast_in_dim3A_2289, %mul3A_2220 : vector<16xi32>
    %add3A_2291 = arith.addi %add3A_2290, %select_n3A_2287 : vector<16xi32>
    %gather3A_2292 = tpu.vector_load_idx %arg10[%add3A_2291] : memref<128xf32, #tpu.memory_space<vmem>>[vector<16xi32>], vector<16xf32>,
    %mul3A_2293 = arith.constant 2 : i32
    %mul3A_2294 = vector.broadcast %mul3A_2293 : i32 to vector<16xi32>
    %mul3A_2295 = arith.muli %select_n3A_2119, %mul3A_2294 : vector<16xi32>
    %broadcast_in_dim3A_2296 = arith.constant 24 : i32
    %broadcast_in_dim3A_2297 = vector.broadcast %broadcast_in_dim3A_2296 : i32 to vector<16xi32>
    %add3A_2298 = arith.addi %broadcast_in_dim3A_2297, %mul3A_2295 : vector<16xi32>
    %gather3A_2299 = tpu.vector_load_idx %arg10[%add3A_2298] : memref<128xf32, #tpu.memory_space<vmem>>[vector<16xi32>], vector<16xf32>,
    %get3A_2300 = arith.constant 13 : i32
    %get3A_2301 = arith.index_cast %get3A_2300 : i32 to index
    %get3A_2302 = arith.constant 64 : index
    %get3A_2303 = tpu.vector_load %arg11[%get3A_2301, %get3A_2302] {strides = array<i32>} : memref<15x128xf32, #tpu.memory_space<vmem>>, vector<16xf32>,
    %add3A_2304 = arith.addf %gather3A_2299, %get3A_2303 : vector<16xf32>
    %broadcast_in_dim3A_2305 = arith.constant 0 : i32
    %broadcast_in_dim3A_2306 = vector.broadcast %broadcast_in_dim3A_2305 : i32 to vector<16xi32>
    %broadcast_in_dim3A_2307 = arith.constant 25 : i32
    %broadcast_in_dim3A_2308 = vector.broadcast %broadcast_in_dim3A_2307 : i32 to vector<16xi32>
    %add3A_2309 = arith.addi %broadcast_in_dim3A_2308, %mul3A_2295 : vector<16xi32>
    %gather3A_2310 = tpu.vector_load_idx %arg10[%add3A_2309] : memref<128xf32, #tpu.memory_space<vmem>>[vector<16xi32>], vector<16xf32>,
    %get3A_2311 = arith.constant 14 : i32
    %get3A_2312 = arith.index_cast %get3A_2311 : i32 to index
    %get3A_2313 = arith.constant 64 : index
    %get3A_2314 = tpu.vector_load %arg11[%get3A_2312, %get3A_2313] {strides = array<i32>} : memref<15x128xf32, #tpu.memory_space<vmem>>, vector<16xf32>,
    %add3A_2315 = arith.addf %gather3A_2310, %get3A_2314 : vector<16xf32>
    %gt3A_2316 = arith.cmpf ogt, %add3A_2315, %add3A_2304 : vector<16xf32>
    %select_n3A_2317 = arith.select %gt3A_2316, %add3A_2315, %add3A_2304 : vector<16xi1>, vector<16xf32>
    %broadcast_in_dim3A_2318 = arith.constant 1 : i32
    %broadcast_in_dim3A_2319 = vector.broadcast %broadcast_in_dim3A_2318 : i32 to vector<16xi32>
    %select_n3A_2320 = arith.select %gt3A_2316, %broadcast_in_dim3A_2319, %broadcast_in_dim3A_2306 : vector<16xi1>, vector<16xi32>
    %broadcast_in_dim3A_2321 = arith.constant 52 : i32
    %broadcast_in_dim3A_2322 = vector.broadcast %broadcast_in_dim3A_2321 : i32 to vector<16xi32>
    %add3A_2323 = arith.addi %broadcast_in_dim3A_2322, %mul3A_2295 : vector<16xi32>
    %add3A_2324 = arith.addi %add3A_2323, %select_n3A_2320 : vector<16xi32>
    %gather3A_2325 = tpu.vector_load_idx %arg10[%add3A_2324] : memref<128xf32, #tpu.memory_space<vmem>>[vector<16xi32>], vector<16xf32>,
    %add3A_2326 = arith.addf %gather3A_2123, %gather3A_2170 : vector<16xf32>
    %add3A_2327 = arith.addf %add3A_2326, %gather3A_2217 : vector<16xf32>
    %add3A_2328 = arith.addf %add3A_2327, %gather3A_2292 : vector<16xf32>
    %add3A_2329 = arith.addf %add3A_2328, %gather3A_2325 : vector<16xf32>
    %get3A_2330 = arith.constant 0 : i32
    %get3A_2331 = arith.index_cast %get3A_2330 : i32 to index
    %get3A_2332 = arith.constant 64 : index
    %get3A_2333 = tpu.vector_load %arg13[%get3A_2331, %get3A_2332] {strides = array<i32>} : memref<20x128xf32, #tpu.memory_space<vmem>>, vector<16xf32>,
    %mul3A_2334 = arith.mulf %add3A_2329, %get3A_2333 : vector<16xf32>
    %mul3A_2335 = arith.constant 3 : i32
    %mul3A_2336 = vector.broadcast %mul3A_2335 : i32 to vector<16xi32>
    %mul3A_2337 = arith.muli %select_n3A_2119, %mul3A_2336 : vector<16xi32>
    %add3A_2338 = arith.addi %mul3A_2337, %select_n3A_2165 : vector<16xi32>
    %mul3A_2339 = arith.constant 3 : i32
    %mul3A_2340 = vector.broadcast %mul3A_2339 : i32 to vector<16xi32>
    %mul3A_2341 = arith.muli %add3A_2338, %mul3A_2340 : vector<16xi32>
    %add3A_2342 = arith.addi %mul3A_2341, %select_n3A_2212 : vector<16xi32>
    %mul3A_2343 = arith.constant 2 : i32
    %mul3A_2344 = vector.broadcast %mul3A_2343 : i32 to vector<16xi32>
    %mul3A_2345 = arith.muli %add3A_2342, %mul3A_2344 : vector<16xi32>
    %add3A_2346 = arith.addi %mul3A_2345, %select_n3A_2320 : vector<16xi32>
    %mul3A_2347 = arith.constant 5 : i32
    %mul3A_2348 = vector.broadcast %mul3A_2347 : i32 to vector<16xi32>
    %mul3A_2349 = arith.muli %add3A_2346, %mul3A_2348 : vector<16xi32>
    %add3A_2350 = arith.addi %mul3A_2349, %select_n3A_2287 : vector<16xi32>
    %mul3A_2351 = arith.constant 64 : i32
    %mul3A_2352 = vector.broadcast %mul3A_2351 : i32 to vector<16xi32>
    %mul3A_2353 = arith.muli %add3A_2350, %mul3A_2352 : vector<16xi32>
    %broadcast_in_dim3A_2354 = arith.constant 0 : i32
    %broadcast_in_dim3A_2355 = vector.broadcast %broadcast_in_dim3A_2354 : i32 to vector<16xi32>
    %get3A_2356 = arith.constant 0 : i32
    %get3A_2357 = arith.index_cast %get3A_2356 : i32 to index
    %get3A_2358 = arith.constant 64 : index
    %get3A_2359 = tpu.vector_load %arg12[%get3A_2357, %get3A_2358] {strides = array<i32>} : memref<19x128xi32, #tpu.memory_space<vmem>>, vector<16xi32>,
    %add3A_2360 = arith.addi %mul3A_2353, %broadcast_in_dim3A_2355 : vector<16xi32>
    %add3A_2361 = arith.addi %add3A_2360, %get3A_2359 : vector<16xi32>
    %gather3A_2362 = tpu.vector_load_idx %arg9[%add3A_2361] : memref<11520xf32, #tpu.memory_space<vmem>>[vector<16xi32>], vector<16xf32>,
    %get3A_2363 = arith.constant 1 : i32
    %get3A_2364 = arith.index_cast %get3A_2363 : i32 to index
    %get3A_2365 = arith.constant 64 : index
    %get3A_2366 = tpu.vector_load %arg13[%get3A_2364, %get3A_2365] {strides = array<i32>} : memref<20x128xf32, #tpu.memory_space<vmem>>, vector<16xf32>,
    %mul3A_2367 = arith.mulf %gather3A_2362, %get3A_2366 : vector<16xf32>
    %add3A_2368 = arith.addf %mul3A_2334, %mul3A_2367 : vector<16xf32>
    %gather3A_2369 = tpu.vector_load_idx %arg15[%get3A_2359] : memref<16xi32, #tpu.memory_space<vmem>>[vector<16xi32>], vector<16xi32>,
    %get3A_2370 = arith.constant 1 : i32
    %get3A_2371 = arith.index_cast %get3A_2370 : i32 to index
    %get3A_2372 = arith.constant 64 : index
    %get3A_2373 = tpu.vector_load %arg12[%get3A_2371, %get3A_2372] {strides = array<i32>} : memref<19x128xi32, #tpu.memory_space<vmem>>, vector<16xi32>,
    %add3A_2374 = arith.addi %mul3A_2353, %gather3A_2369 : vector<16xi32>
    %add3A_2375 = arith.addi %add3A_2374, %get3A_2373 : vector<16xi32>
    %gather3A_2376 = tpu.vector_load_idx %arg9[%add3A_2375] : memref<11520xf32, #tpu.memory_space<vmem>>[vector<16xi32>], vector<16xf32>,
    %get3A_2377 = arith.constant 2 : i32
    %get3A_2378 = arith.index_cast %get3A_2377 : i32 to index
    %get3A_2379 = arith.constant 64 : index
    %get3A_2380 = tpu.vector_load %arg13[%get3A_2378, %get3A_2379] {strides = array<i32>} : memref<20x128xf32, #tpu.memory_space<vmem>>, vector<16xf32>,
    %mul3A_2381 = arith.mulf %gather3A_2376, %get3A_2380 : vector<16xf32>
    %add3A_2382 = arith.addf %add3A_2368, %mul3A_2381 : vector<16xf32>
    %gather3A_2383 = tpu.vector_load_idx %arg15[%get3A_2373] : memref<16xi32, #tpu.memory_space<vmem>>[vector<16xi32>], vector<16xi32>,
    %get3A_2384 = arith.constant 2 : i32
    %get3A_2385 = arith.index_cast %get3A_2384 : i32 to index
    %get3A_2386 = arith.constant 64 : index
    %get3A_2387 = tpu.vector_load %arg12[%get3A_2385, %get3A_2386] {strides = array<i32>} : memref<19x128xi32, #tpu.memory_space<vmem>>, vector<16xi32>,
    %add3A_2388 = arith.addi %mul3A_2353, %gather3A_2383 : vector<16xi32>
    %add3A_2389 = arith.addi %add3A_2388, %get3A_2387 : vector<16xi32>
    %gather3A_2390 = tpu.vector_load_idx %arg9[%add3A_2389] : memref<11520xf32, #tpu.memory_space<vmem>>[vector<16xi32>], vector<16xf32>,
    %get3A_2391 = arith.constant 3 : i32
    %get3A_2392 = arith.index_cast %get3A_2391 : i32 to index
    %get3A_2393 = arith.constant 64 : index
    %get3A_2394 = tpu.vector_load %arg13[%get3A_2392, %get3A_2393] {strides = array<i32>} : memref<20x128xf32, #tpu.memory_space<vmem>>, vector<16xf32>,
    %mul3A_2395 = arith.mulf %gather3A_2390, %get3A_2394 : vector<16xf32>
    %add3A_2396 = arith.addf %add3A_2382, %mul3A_2395 : vector<16xf32>
    %gather3A_2397 = tpu.vector_load_idx %arg15[%get3A_2387] : memref<16xi32, #tpu.memory_space<vmem>>[vector<16xi32>], vector<16xi32>,
    %get3A_2398 = arith.constant 3 : i32
    %get3A_2399 = arith.index_cast %get3A_2398 : i32 to index
    %get3A_2400 = arith.constant 64 : index
    %get3A_2401 = tpu.vector_load %arg12[%get3A_2399, %get3A_2400] {strides = array<i32>} : memref<19x128xi32, #tpu.memory_space<vmem>>, vector<16xi32>,
    %add3A_2402 = arith.addi %mul3A_2353, %gather3A_2397 : vector<16xi32>
    %add3A_2403 = arith.addi %add3A_2402, %get3A_2401 : vector<16xi32>
    %gather3A_2404 = tpu.vector_load_idx %arg9[%add3A_2403] : memref<11520xf32, #tpu.memory_space<vmem>>[vector<16xi32>], vector<16xf32>,
    %get3A_2405 = arith.constant 4 : i32
    %get3A_2406 = arith.index_cast %get3A_2405 : i32 to index
    %get3A_2407 = arith.constant 64 : index
    %get3A_2408 = tpu.vector_load %arg13[%get3A_2406, %get3A_2407] {strides = array<i32>} : memref<20x128xf32, #tpu.memory_space<vmem>>, vector<16xf32>,
    %mul3A_2409 = arith.mulf %gather3A_2404, %get3A_2408 : vector<16xf32>
    %add3A_2410 = arith.addf %add3A_2396, %mul3A_2409 : vector<16xf32>
    %gather3A_2411 = tpu.vector_load_idx %arg15[%get3A_2401] : memref<16xi32, #tpu.memory_space<vmem>>[vector<16xi32>], vector<16xi32>,
    %get3A_2412 = arith.constant 4 : i32
    %get3A_2413 = arith.index_cast %get3A_2412 : i32 to index
    %get3A_2414 = arith.constant 64 : index
    %get3A_2415 = tpu.vector_load %arg12[%get3A_2413, %get3A_2414] {strides = array<i32>} : memref<19x128xi32, #tpu.memory_space<vmem>>, vector<16xi32>,
    %add3A_2416 = arith.addi %mul3A_2353, %gather3A_2411 : vector<16xi32>
    %add3A_2417 = arith.addi %add3A_2416, %get3A_2415 : vector<16xi32>
    %gather3A_2418 = tpu.vector_load_idx %arg9[%add3A_2417] : memref<11520xf32, #tpu.memory_space<vmem>>[vector<16xi32>], vector<16xf32>,
    %get3A_2419 = arith.constant 5 : i32
    %get3A_2420 = arith.index_cast %get3A_2419 : i32 to index
    %get3A_2421 = arith.constant 64 : index
    %get3A_2422 = tpu.vector_load %arg13[%get3A_2420, %get3A_2421] {strides = array<i32>} : memref<20x128xf32, #tpu.memory_space<vmem>>, vector<16xf32>,
    %mul3A_2423 = arith.mulf %gather3A_2418, %get3A_2422 : vector<16xf32>
    %add3A_2424 = arith.addf %add3A_2410, %mul3A_2423 : vector<16xf32>
    %gather3A_2425 = tpu.vector_load_idx %arg15[%get3A_2415] : memref<16xi32, #tpu.memory_space<vmem>>[vector<16xi32>], vector<16xi32>,
    %get3A_2426 = arith.constant 5 : i32
    %get3A_2427 = arith.index_cast %get3A_2426 : i32 to index
    %get3A_2428 = arith.constant 64 : index
    %get3A_2429 = tpu.vector_load %arg12[%get3A_2427, %get3A_2428] {strides = array<i32>} : memref<19x128xi32, #tpu.memory_space<vmem>>, vector<16xi32>,
    %add3A_2430 = arith.addi %mul3A_2353, %gather3A_2425 : vector<16xi32>
    %add3A_2431 = arith.addi %add3A_2430, %get3A_2429 : vector<16xi32>
    %gather3A_2432 = tpu.vector_load_idx %arg9[%add3A_2431] : memref<11520xf32, #tpu.memory_space<vmem>>[vector<16xi32>], vector<16xf32>,
    %get3A_2433 = arith.constant 6 : i32
    %get3A_2434 = arith.index_cast %get3A_2433 : i32 to index
    %get3A_2435 = arith.constant 64 : index
    %get3A_2436 = tpu.vector_load %arg13[%get3A_2434, %get3A_2435] {strides = array<i32>} : memref<20x128xf32, #tpu.memory_space<vmem>>, vector<16xf32>,
    %mul3A_2437 = arith.mulf %gather3A_2432, %get3A_2436 : vector<16xf32>
    %add3A_2438 = arith.addf %add3A_2424, %mul3A_2437 : vector<16xf32>
    %gather3A_2439 = tpu.vector_load_idx %arg15[%get3A_2429] : memref<16xi32, #tpu.memory_space<vmem>>[vector<16xi32>], vector<16xi32>,
    %get3A_2440 = arith.constant 6 : i32
    %get3A_2441 = arith.index_cast %get3A_2440 : i32 to index
    %get3A_2442 = arith.constant 64 : index
    %get3A_2443 = tpu.vector_load %arg12[%get3A_2441, %get3A_2442] {strides = array<i32>} : memref<19x128xi32, #tpu.memory_space<vmem>>, vector<16xi32>,
    %add3A_2444 = arith.addi %mul3A_2353, %gather3A_2439 : vector<16xi32>
    %add3A_2445 = arith.addi %add3A_2444, %get3A_2443 : vector<16xi32>
    %gather3A_2446 = tpu.vector_load_idx %arg9[%add3A_2445] : memref<11520xf32, #tpu.memory_space<vmem>>[vector<16xi32>], vector<16xf32>,
    %get3A_2447 = arith.constant 7 : i32
    %get3A_2448 = arith.index_cast %get3A_2447 : i32 to index
    %get3A_2449 = arith.constant 64 : index
    %get3A_2450 = tpu.vector_load %arg13[%get3A_2448, %get3A_2449] {strides = array<i32>} : memref<20x128xf32, #tpu.memory_space<vmem>>, vector<16xf32>,
    %mul3A_2451 = arith.mulf %gather3A_2446, %get3A_2450 : vector<16xf32>
    %add3A_2452 = arith.addf %add3A_2438, %mul3A_2451 : vector<16xf32>
    %gather3A_2453 = tpu.vector_load_idx %arg15[%get3A_2443] : memref<16xi32, #tpu.memory_space<vmem>>[vector<16xi32>], vector<16xi32>,
    %get3A_2454 = arith.constant 7 : i32
    %get3A_2455 = arith.index_cast %get3A_2454 : i32 to index
    %get3A_2456 = arith.constant 64 : index
    %get3A_2457 = tpu.vector_load %arg12[%get3A_2455, %get3A_2456] {strides = array<i32>} : memref<19x128xi32, #tpu.memory_space<vmem>>, vector<16xi32>,
    %add3A_2458 = arith.addi %mul3A_2353, %gather3A_2453 : vector<16xi32>
    %add3A_2459 = arith.addi %add3A_2458, %get3A_2457 : vector<16xi32>
    %gather3A_2460 = tpu.vector_load_idx %arg9[%add3A_2459] : memref<11520xf32, #tpu.memory_space<vmem>>[vector<16xi32>], vector<16xf32>,
    %get3A_2461 = arith.constant 8 : i32
    %get3A_2462 = arith.index_cast %get3A_2461 : i32 to index
    %get3A_2463 = arith.constant 64 : index
    %get3A_2464 = tpu.vector_load %arg13[%get3A_2462, %get3A_2463] {strides = array<i32>} : memref<20x128xf32, #tpu.memory_space<vmem>>, vector<16xf32>,
    %mul3A_2465 = arith.mulf %gather3A_2460, %get3A_2464 : vector<16xf32>
    %add3A_2466 = arith.addf %add3A_2452, %mul3A_2465 : vector<16xf32>
    %gather3A_2467 = tpu.vector_load_idx %arg15[%get3A_2457] : memref<16xi32, #tpu.memory_space<vmem>>[vector<16xi32>], vector<16xi32>,
    %get3A_2468 = arith.constant 8 : i32
    %get3A_2469 = arith.index_cast %get3A_2468 : i32 to index
    %get3A_2470 = arith.constant 64 : index
    %get3A_2471 = tpu.vector_load %arg12[%get3A_2469, %get3A_2470] {strides = array<i32>} : memref<19x128xi32, #tpu.memory_space<vmem>>, vector<16xi32>,
    %add3A_2472 = arith.addi %mul3A_2353, %gather3A_2467 : vector<16xi32>
    %add3A_2473 = arith.addi %add3A_2472, %get3A_2471 : vector<16xi32>
    %gather3A_2474 = tpu.vector_load_idx %arg9[%add3A_2473] : memref<11520xf32, #tpu.memory_space<vmem>>[vector<16xi32>], vector<16xf32>,
    %get3A_2475 = arith.constant 9 : i32
    %get3A_2476 = arith.index_cast %get3A_2475 : i32 to index
    %get3A_2477 = arith.constant 64 : index
    %get3A_2478 = tpu.vector_load %arg13[%get3A_2476, %get3A_2477] {strides = array<i32>} : memref<20x128xf32, #tpu.memory_space<vmem>>, vector<16xf32>,
    %mul3A_2479 = arith.mulf %gather3A_2474, %get3A_2478 : vector<16xf32>
    %add3A_2480 = arith.addf %add3A_2466, %mul3A_2479 : vector<16xf32>
    %gather3A_2481 = tpu.vector_load_idx %arg15[%get3A_2471] : memref<16xi32, #tpu.memory_space<vmem>>[vector<16xi32>], vector<16xi32>,
    %get3A_2482 = arith.constant 9 : i32
    %get3A_2483 = arith.index_cast %get3A_2482 : i32 to index
    %get3A_2484 = arith.constant 64 : index
    %get3A_2485 = tpu.vector_load %arg12[%get3A_2483, %get3A_2484] {strides = array<i32>} : memref<19x128xi32, #tpu.memory_space<vmem>>, vector<16xi32>,
    %add3A_2486 = arith.addi %mul3A_2353, %gather3A_2481 : vector<16xi32>
    %add3A_2487 = arith.addi %add3A_2486, %get3A_2485 : vector<16xi32>
    %gather3A_2488 = tpu.vector_load_idx %arg9[%add3A_2487] : memref<11520xf32, #tpu.memory_space<vmem>>[vector<16xi32>], vector<16xf32>,
    %get3A_2489 = arith.constant 10 : i32
    %get3A_2490 = arith.index_cast %get3A_2489 : i32 to index
    %get3A_2491 = arith.constant 64 : index
    %get3A_2492 = tpu.vector_load %arg13[%get3A_2490, %get3A_2491] {strides = array<i32>} : memref<20x128xf32, #tpu.memory_space<vmem>>, vector<16xf32>,
    %mul3A_2493 = arith.mulf %gather3A_2488, %get3A_2492 : vector<16xf32>
    %add3A_2494 = arith.addf %add3A_2480, %mul3A_2493 : vector<16xf32>
    %gather3A_2495 = tpu.vector_load_idx %arg15[%get3A_2485] : memref<16xi32, #tpu.memory_space<vmem>>[vector<16xi32>], vector<16xi32>,
    %get3A_2496 = arith.constant 10 : i32
    %get3A_2497 = arith.index_cast %get3A_2496 : i32 to index
    %get3A_2498 = arith.constant 64 : index
    %get3A_2499 = tpu.vector_load %arg12[%get3A_2497, %get3A_2498] {strides = array<i32>} : memref<19x128xi32, #tpu.memory_space<vmem>>, vector<16xi32>,
    %add3A_2500 = arith.addi %mul3A_2353, %gather3A_2495 : vector<16xi32>
    %add3A_2501 = arith.addi %add3A_2500, %get3A_2499 : vector<16xi32>
    %gather3A_2502 = tpu.vector_load_idx %arg9[%add3A_2501] : memref<11520xf32, #tpu.memory_space<vmem>>[vector<16xi32>], vector<16xf32>,
    %get3A_2503 = arith.constant 11 : i32
    %get3A_2504 = arith.index_cast %get3A_2503 : i32 to index
    %get3A_2505 = arith.constant 64 : index
    %get3A_2506 = tpu.vector_load %arg13[%get3A_2504, %get3A_2505] {strides = array<i32>} : memref<20x128xf32, #tpu.memory_space<vmem>>, vector<16xf32>,
    %mul3A_2507 = arith.mulf %gather3A_2502, %get3A_2506 : vector<16xf32>
    %add3A_2508 = arith.addf %add3A_2494, %mul3A_2507 : vector<16xf32>
    %gather3A_2509 = tpu.vector_load_idx %arg15[%get3A_2499] : memref<16xi32, #tpu.memory_space<vmem>>[vector<16xi32>], vector<16xi32>,
    %get3A_2510 = arith.constant 11 : i32
    %get3A_2511 = arith.index_cast %get3A_2510 : i32 to index
    %get3A_2512 = arith.constant 64 : index
    %get3A_2513 = tpu.vector_load %arg12[%get3A_2511, %get3A_2512] {strides = array<i32>} : memref<19x128xi32, #tpu.memory_space<vmem>>, vector<16xi32>,
    %add3A_2514 = arith.addi %mul3A_2353, %gather3A_2509 : vector<16xi32>
    %add3A_2515 = arith.addi %add3A_2514, %get3A_2513 : vector<16xi32>
    %gather3A_2516 = tpu.vector_load_idx %arg9[%add3A_2515] : memref<11520xf32, #tpu.memory_space<vmem>>[vector<16xi32>], vector<16xf32>,
    %get3A_2517 = arith.constant 12 : i32
    %get3A_2518 = arith.index_cast %get3A_2517 : i32 to index
    %get3A_2519 = arith.constant 64 : index
    %get3A_2520 = tpu.vector_load %arg13[%get3A_2518, %get3A_2519] {strides = array<i32>} : memref<20x128xf32, #tpu.memory_space<vmem>>, vector<16xf32>,
    %mul3A_2521 = arith.mulf %gather3A_2516, %get3A_2520 : vector<16xf32>
    %add3A_2522 = arith.addf %add3A_2508, %mul3A_2521 : vector<16xf32>
    %gather3A_2523 = tpu.vector_load_idx %arg15[%get3A_2513] : memref<16xi32, #tpu.memory_space<vmem>>[vector<16xi32>], vector<16xi32>,
    %get3A_2524 = arith.constant 12 : i32
    %get3A_2525 = arith.index_cast %get3A_2524 : i32 to index
    %get3A_2526 = arith.constant 64 : index
    %get3A_2527 = tpu.vector_load %arg12[%get3A_2525, %get3A_2526] {strides = array<i32>} : memref<19x128xi32, #tpu.memory_space<vmem>>, vector<16xi32>,
    %add3A_2528 = arith.addi %mul3A_2353, %gather3A_2523 : vector<16xi32>
    %add3A_2529 = arith.addi %add3A_2528, %get3A_2527 : vector<16xi32>
    %gather3A_2530 = tpu.vector_load_idx %arg9[%add3A_2529] : memref<11520xf32, #tpu.memory_space<vmem>>[vector<16xi32>], vector<16xf32>,
    %get3A_2531 = arith.constant 13 : i32
    %get3A_2532 = arith.index_cast %get3A_2531 : i32 to index
    %get3A_2533 = arith.constant 64 : index
    %get3A_2534 = tpu.vector_load %arg13[%get3A_2532, %get3A_2533] {strides = array<i32>} : memref<20x128xf32, #tpu.memory_space<vmem>>, vector<16xf32>,
    %mul3A_2535 = arith.mulf %gather3A_2530, %get3A_2534 : vector<16xf32>
    %add3A_2536 = arith.addf %add3A_2522, %mul3A_2535 : vector<16xf32>
    %gather3A_2537 = tpu.vector_load_idx %arg15[%get3A_2527] : memref<16xi32, #tpu.memory_space<vmem>>[vector<16xi32>], vector<16xi32>,
    %get3A_2538 = arith.constant 13 : i32
    %get3A_2539 = arith.index_cast %get3A_2538 : i32 to index
    %get3A_2540 = arith.constant 64 : index
    %get3A_2541 = tpu.vector_load %arg12[%get3A_2539, %get3A_2540] {strides = array<i32>} : memref<19x128xi32, #tpu.memory_space<vmem>>, vector<16xi32>,
    %add3A_2542 = arith.addi %mul3A_2353, %gather3A_2537 : vector<16xi32>
    %add3A_2543 = arith.addi %add3A_2542, %get3A_2541 : vector<16xi32>
    %gather3A_2544 = tpu.vector_load_idx %arg9[%add3A_2543] : memref<11520xf32, #tpu.memory_space<vmem>>[vector<16xi32>], vector<16xf32>,
    %get3A_2545 = arith.constant 14 : i32
    %get3A_2546 = arith.index_cast %get3A_2545 : i32 to index
    %get3A_2547 = arith.constant 64 : index
    %get3A_2548 = tpu.vector_load %arg13[%get3A_2546, %get3A_2547] {strides = array<i32>} : memref<20x128xf32, #tpu.memory_space<vmem>>, vector<16xf32>,
    %mul3A_2549 = arith.mulf %gather3A_2544, %get3A_2548 : vector<16xf32>
    %add3A_2550 = arith.addf %add3A_2536, %mul3A_2549 : vector<16xf32>
    %gather3A_2551 = tpu.vector_load_idx %arg15[%get3A_2541] : memref<16xi32, #tpu.memory_space<vmem>>[vector<16xi32>], vector<16xi32>,
    %get3A_2552 = arith.constant 14 : i32
    %get3A_2553 = arith.index_cast %get3A_2552 : i32 to index
    %get3A_2554 = arith.constant 64 : index
    %get3A_2555 = tpu.vector_load %arg12[%get3A_2553, %get3A_2554] {strides = array<i32>} : memref<19x128xi32, #tpu.memory_space<vmem>>, vector<16xi32>,
    %add3A_2556 = arith.addi %mul3A_2353, %gather3A_2551 : vector<16xi32>
    %add3A_2557 = arith.addi %add3A_2556, %get3A_2555 : vector<16xi32>
    %gather3A_2558 = tpu.vector_load_idx %arg9[%add3A_2557] : memref<11520xf32, #tpu.memory_space<vmem>>[vector<16xi32>], vector<16xf32>,
    %get3A_2559 = arith.constant 15 : i32
    %get3A_2560 = arith.index_cast %get3A_2559 : i32 to index
    %get3A_2561 = arith.constant 64 : index
    %get3A_2562 = tpu.vector_load %arg13[%get3A_2560, %get3A_2561] {strides = array<i32>} : memref<20x128xf32, #tpu.memory_space<vmem>>, vector<16xf32>,
    %mul3A_2563 = arith.mulf %gather3A_2558, %get3A_2562 : vector<16xf32>
    %add3A_2564 = arith.addf %add3A_2550, %mul3A_2563 : vector<16xf32>
    %gather3A_2565 = tpu.vector_load_idx %arg15[%get3A_2555] : memref<16xi32, #tpu.memory_space<vmem>>[vector<16xi32>], vector<16xi32>,
    %get3A_2566 = arith.constant 15 : i32
    %get3A_2567 = arith.index_cast %get3A_2566 : i32 to index
    %get3A_2568 = arith.constant 64 : index
    %get3A_2569 = tpu.vector_load %arg12[%get3A_2567, %get3A_2568] {strides = array<i32>} : memref<19x128xi32, #tpu.memory_space<vmem>>, vector<16xi32>,
    %add3A_2570 = arith.addi %mul3A_2353, %gather3A_2565 : vector<16xi32>
    %add3A_2571 = arith.addi %add3A_2570, %get3A_2569 : vector<16xi32>
    %gather3A_2572 = tpu.vector_load_idx %arg9[%add3A_2571] : memref<11520xf32, #tpu.memory_space<vmem>>[vector<16xi32>], vector<16xf32>,
    %get3A_2573 = arith.constant 16 : i32
    %get3A_2574 = arith.index_cast %get3A_2573 : i32 to index
    %get3A_2575 = arith.constant 64 : index
    %get3A_2576 = tpu.vector_load %arg13[%get3A_2574, %get3A_2575] {strides = array<i32>} : memref<20x128xf32, #tpu.memory_space<vmem>>, vector<16xf32>,
    %mul3A_2577 = arith.mulf %gather3A_2572, %get3A_2576 : vector<16xf32>
    %add3A_2578 = arith.addf %add3A_2564, %mul3A_2577 : vector<16xf32>
    %gather3A_2579 = tpu.vector_load_idx %arg15[%get3A_2569] : memref<16xi32, #tpu.memory_space<vmem>>[vector<16xi32>], vector<16xi32>,
    %get3A_2580 = arith.constant 16 : i32
    %get3A_2581 = arith.index_cast %get3A_2580 : i32 to index
    %get3A_2582 = arith.constant 64 : index
    %get3A_2583 = tpu.vector_load %arg12[%get3A_2581, %get3A_2582] {strides = array<i32>} : memref<19x128xi32, #tpu.memory_space<vmem>>, vector<16xi32>,
    %add3A_2584 = arith.addi %mul3A_2353, %gather3A_2579 : vector<16xi32>
    %add3A_2585 = arith.addi %add3A_2584, %get3A_2583 : vector<16xi32>
    %gather3A_2586 = tpu.vector_load_idx %arg9[%add3A_2585] : memref<11520xf32, #tpu.memory_space<vmem>>[vector<16xi32>], vector<16xf32>,
    %get3A_2587 = arith.constant 17 : i32
    %get3A_2588 = arith.index_cast %get3A_2587 : i32 to index
    %get3A_2589 = arith.constant 64 : index
    %get3A_2590 = tpu.vector_load %arg13[%get3A_2588, %get3A_2589] {strides = array<i32>} : memref<20x128xf32, #tpu.memory_space<vmem>>, vector<16xf32>,
    %mul3A_2591 = arith.mulf %gather3A_2586, %get3A_2590 : vector<16xf32>
    %add3A_2592 = arith.addf %add3A_2578, %mul3A_2591 : vector<16xf32>
    %gather3A_2593 = tpu.vector_load_idx %arg15[%get3A_2583] : memref<16xi32, #tpu.memory_space<vmem>>[vector<16xi32>], vector<16xi32>,
    %get3A_2594 = arith.constant 17 : i32
    %get3A_2595 = arith.index_cast %get3A_2594 : i32 to index
    %get3A_2596 = arith.constant 64 : index
    %get3A_2597 = tpu.vector_load %arg12[%get3A_2595, %get3A_2596] {strides = array<i32>} : memref<19x128xi32, #tpu.memory_space<vmem>>, vector<16xi32>,
    %add3A_2598 = arith.addi %mul3A_2353, %gather3A_2593 : vector<16xi32>
    %add3A_2599 = arith.addi %add3A_2598, %get3A_2597 : vector<16xi32>
    %gather3A_2600 = tpu.vector_load_idx %arg9[%add3A_2599] : memref<11520xf32, #tpu.memory_space<vmem>>[vector<16xi32>], vector<16xf32>,
    %get3A_2601 = arith.constant 18 : i32
    %get3A_2602 = arith.index_cast %get3A_2601 : i32 to index
    %get3A_2603 = arith.constant 64 : index
    %get3A_2604 = tpu.vector_load %arg13[%get3A_2602, %get3A_2603] {strides = array<i32>} : memref<20x128xf32, #tpu.memory_space<vmem>>, vector<16xf32>,
    %mul3A_2605 = arith.mulf %gather3A_2600, %get3A_2604 : vector<16xf32>
    %add3A_2606 = arith.addf %add3A_2592, %mul3A_2605 : vector<16xf32>
    %gather3A_2607 = tpu.vector_load_idx %arg15[%get3A_2597] : memref<16xi32, #tpu.memory_space<vmem>>[vector<16xi32>], vector<16xi32>,
    %get3A_2608 = arith.constant 18 : i32
    %get3A_2609 = arith.index_cast %get3A_2608 : i32 to index
    %get3A_2610 = arith.constant 64 : index
    %get3A_2611 = tpu.vector_load %arg12[%get3A_2609, %get3A_2610] {strides = array<i32>} : memref<19x128xi32, #tpu.memory_space<vmem>>, vector<16xi32>,
    %add3A_2612 = arith.addi %mul3A_2353, %gather3A_2607 : vector<16xi32>
    %add3A_2613 = arith.addi %add3A_2612, %get3A_2611 : vector<16xi32>
    %gather3A_2614 = tpu.vector_load_idx %arg9[%add3A_2613] : memref<11520xf32, #tpu.memory_space<vmem>>[vector<16xi32>], vector<16xf32>,
    %get3A_2615 = arith.constant 19 : i32
    %get3A_2616 = arith.index_cast %get3A_2615 : i32 to index
    %get3A_2617 = arith.constant 64 : index
    %get3A_2618 = tpu.vector_load %arg13[%get3A_2616, %get3A_2617] {strides = array<i32>} : memref<20x128xf32, #tpu.memory_space<vmem>>, vector<16xf32>,
    %mul3A_2619 = arith.mulf %gather3A_2614, %get3A_2618 : vector<16xf32>
    %add3A_2620 = arith.addf %add3A_2606, %mul3A_2619 : vector<16xf32>
    %gather3A_2621 = tpu.vector_load_idx %arg15[%get3A_2611] : memref<16xi32, #tpu.memory_space<vmem>>[vector<16xi32>], vector<16xi32>,
    %swap3A_2622 = arith.constant 64 : index
    %swap3A_2623 = tpu.vector_load %arg14[%swap3A_2622] {strides = array<i32>} : memref<128xf32, #tpu.memory_space<vmem>>, vector<16xf32>,
    tpu.vector_store %arg14[%swap3A_2622], %add3A_2620 {strides = array<i32>} : memref<128xf32, #tpu.memory_space<vmem>>, vector<16xf32>,
    %broadcast_in_dim3A_2624 = arith.constant 0 : i32
    %broadcast_in_dim3A_2625 = vector.broadcast %broadcast_in_dim3A_2624 : i32 to vector<16xi32>
    %gather3A_2626 = tpu.vector_load_idx %arg10[%broadcast_in_dim3A_2625] : memref<128xf32, #tpu.memory_space<vmem>>[vector<16xi32>], vector<16xf32>,
    %get3A_2627 = arith.constant 0 : i32
    %get3A_2628 = arith.index_cast %get3A_2627 : i32 to index
    %get3A_2629 = arith.constant 80 : index
    %get3A_2630 = tpu.vector_load %arg11[%get3A_2628, %get3A_2629] {strides = array<i32>} : memref<15x128xf32, #tpu.memory_space<vmem>>, vector<16xf32>,
    %add3A_2631 = arith.addf %gather3A_2626, %get3A_2630 : vector<16xf32>
    %broadcast_in_dim3A_2632 = arith.constant 1 : i32
    %broadcast_in_dim3A_2633 = vector.broadcast %broadcast_in_dim3A_2632 : i32 to vector<16xi32>
    %gather3A_2634 = tpu.vector_load_idx %arg10[%broadcast_in_dim3A_2633] : memref<128xf32, #tpu.memory_space<vmem>>[vector<16xi32>], vector<16xf32>,
    %get3A_2635 = arith.constant 1 : i32
    %get3A_2636 = arith.index_cast %get3A_2635 : i32 to index
    %get3A_2637 = arith.constant 80 : index
    %get3A_2638 = tpu.vector_load %arg11[%get3A_2636, %get3A_2637] {strides = array<i32>} : memref<15x128xf32, #tpu.memory_space<vmem>>, vector<16xf32>,
    %add3A_2639 = arith.addf %gather3A_2634, %get3A_2638 : vector<16xf32>
    %ge3A_2640 = arith.cmpf oge, %add3A_2631, %add3A_2639 : vector<16xf32>
    %broadcast_in_dim3A_2641 = arith.constant 0 : i32
    %broadcast_in_dim3A_2642 = vector.broadcast %broadcast_in_dim3A_2641 : i32 to vector<16xi32>
    %broadcast_in_dim3A_2643 = arith.constant 1 : i32
    %broadcast_in_dim3A_2644 = vector.broadcast %broadcast_in_dim3A_2643 : i32 to vector<16xi32>
    %select_n3A_2645 = arith.select %ge3A_2640, %broadcast_in_dim3A_2642, %broadcast_in_dim3A_2644 : vector<16xi1>, vector<16xi32>
    %broadcast_in_dim3A_2646 = arith.constant 28 : i32
    %broadcast_in_dim3A_2647 = vector.broadcast %broadcast_in_dim3A_2646 : i32 to vector<16xi32>
    %add3A_2648 = arith.addi %broadcast_in_dim3A_2647, %select_n3A_2645 : vector<16xi32>
    %gather3A_2649 = tpu.vector_load_idx %arg10[%add3A_2648] : memref<128xf32, #tpu.memory_space<vmem>>[vector<16xi32>], vector<16xf32>,
    %mul3A_2650 = arith.constant 3 : i32
    %mul3A_2651 = vector.broadcast %mul3A_2650 : i32 to vector<16xi32>
    %mul3A_2652 = arith.muli %select_n3A_2645, %mul3A_2651 : vector<16xi32>
    %broadcast_in_dim3A_2653 = arith.constant 2 : i32
    %broadcast_in_dim3A_2654 = vector.broadcast %broadcast_in_dim3A_2653 : i32 to vector<16xi32>
    %add3A_2655 = arith.addi %broadcast_in_dim3A_2654, %mul3A_2652 : vector<16xi32>
    %gather3A_2656 = tpu.vector_load_idx %arg10[%add3A_2655] : memref<128xf32, #tpu.memory_space<vmem>>[vector<16xi32>], vector<16xf32>,
    %get3A_2657 = arith.constant 2 : i32
    %get3A_2658 = arith.index_cast %get3A_2657 : i32 to index
    %get3A_2659 = arith.constant 80 : index
    %get3A_2660 = tpu.vector_load %arg11[%get3A_2658, %get3A_2659] {strides = array<i32>} : memref<15x128xf32, #tpu.memory_space<vmem>>, vector<16xf32>,
    %add3A_2661 = arith.addf %gather3A_2656, %get3A_2660 : vector<16xf32>
    %broadcast_in_dim3A_2662 = arith.constant 0 : i32
    %broadcast_in_dim3A_2663 = vector.broadcast %broadcast_in_dim3A_2662 : i32 to vector<16xi32>
    %broadcast_in_dim3A_2664 = arith.constant 3 : i32
    %broadcast_in_dim3A_2665 = vector.broadcast %broadcast_in_dim3A_2664 : i32 to vector<16xi32>
    %add3A_2666 = arith.addi %broadcast_in_dim3A_2665, %mul3A_2652 : vector<16xi32>
    %gather3A_2667 = tpu.vector_load_idx %arg10[%add3A_2666] : memref<128xf32, #tpu.memory_space<vmem>>[vector<16xi32>], vector<16xf32>,
    %get3A_2668 = arith.constant 3 : i32
    %get3A_2669 = arith.index_cast %get3A_2668 : i32 to index
    %get3A_2670 = arith.constant 80 : index
    %get3A_2671 = tpu.vector_load %arg11[%get3A_2669, %get3A_2670] {strides = array<i32>} : memref<15x128xf32, #tpu.memory_space<vmem>>, vector<16xf32>,
    %add3A_2672 = arith.addf %gather3A_2667, %get3A_2671 : vector<16xf32>
    %gt3A_2673 = arith.cmpf ogt, %add3A_2672, %add3A_2661 : vector<16xf32>
    %select_n3A_2674 = arith.select %gt3A_2673, %add3A_2672, %add3A_2661 : vector<16xi1>, vector<16xf32>
    %broadcast_in_dim3A_2675 = arith.constant 1 : i32
    %broadcast_in_dim3A_2676 = vector.broadcast %broadcast_in_dim3A_2675 : i32 to vector<16xi32>
    %select_n3A_2677 = arith.select %gt3A_2673, %broadcast_in_dim3A_2676, %broadcast_in_dim3A_2663 : vector<16xi1>, vector<16xi32>
    %broadcast_in_dim3A_2678 = arith.constant 4 : i32
    %broadcast_in_dim3A_2679 = vector.broadcast %broadcast_in_dim3A_2678 : i32 to vector<16xi32>
    %add3A_2680 = arith.addi %broadcast_in_dim3A_2679, %mul3A_2652 : vector<16xi32>
    %gather3A_2681 = tpu.vector_load_idx %arg10[%add3A_2680] : memref<128xf32, #tpu.memory_space<vmem>>[vector<16xi32>], vector<16xf32>,
    %get3A_2682 = arith.constant 4 : i32
    %get3A_2683 = arith.index_cast %get3A_2682 : i32 to index
    %get3A_2684 = arith.constant 80 : index
    %get3A_2685 = tpu.vector_load %arg11[%get3A_2683, %get3A_2684] {strides = array<i32>} : memref<15x128xf32, #tpu.memory_space<vmem>>, vector<16xf32>,
    %add3A_2686 = arith.addf %gather3A_2681, %get3A_2685 : vector<16xf32>
    %gt3A_2687 = arith.cmpf ogt, %add3A_2686, %select_n3A_2674 : vector<16xf32>
    %select_n3A_2688 = arith.select %gt3A_2687, %add3A_2686, %select_n3A_2674 : vector<16xi1>, vector<16xf32>
    %broadcast_in_dim3A_2689 = arith.constant 2 : i32
    %broadcast_in_dim3A_2690 = vector.broadcast %broadcast_in_dim3A_2689 : i32 to vector<16xi32>
    %select_n3A_2691 = arith.select %gt3A_2687, %broadcast_in_dim3A_2690, %select_n3A_2677 : vector<16xi1>, vector<16xi32>
    %broadcast_in_dim3A_2692 = arith.constant 30 : i32
    %broadcast_in_dim3A_2693 = vector.broadcast %broadcast_in_dim3A_2692 : i32 to vector<16xi32>
    %add3A_2694 = arith.addi %broadcast_in_dim3A_2693, %mul3A_2652 : vector<16xi32>
    %add3A_2695 = arith.addi %add3A_2694, %select_n3A_2691 : vector<16xi32>
    %gather3A_2696 = tpu.vector_load_idx %arg10[%add3A_2695] : memref<128xf32, #tpu.memory_space<vmem>>[vector<16xi32>], vector<16xf32>,
    %mul3A_2697 = arith.constant 3 : i32
    %mul3A_2698 = vector.broadcast %mul3A_2697 : i32 to vector<16xi32>
    %mul3A_2699 = arith.muli %select_n3A_2645, %mul3A_2698 : vector<16xi32>
    %broadcast_in_dim3A_2700 = arith.constant 8 : i32
    %broadcast_in_dim3A_2701 = vector.broadcast %broadcast_in_dim3A_2700 : i32 to vector<16xi32>
    %add3A_2702 = arith.addi %broadcast_in_dim3A_2701, %mul3A_2699 : vector<16xi32>
    %gather3A_2703 = tpu.vector_load_idx %arg10[%add3A_2702] : memref<128xf32, #tpu.memory_space<vmem>>[vector<16xi32>], vector<16xf32>,
    %get3A_2704 = arith.constant 5 : i32
    %get3A_2705 = arith.index_cast %get3A_2704 : i32 to index
    %get3A_2706 = arith.constant 80 : index
    %get3A_2707 = tpu.vector_load %arg11[%get3A_2705, %get3A_2706] {strides = array<i32>} : memref<15x128xf32, #tpu.memory_space<vmem>>, vector<16xf32>,
    %add3A_2708 = arith.addf %gather3A_2703, %get3A_2707 : vector<16xf32>
    %broadcast_in_dim3A_2709 = arith.constant 0 : i32
    %broadcast_in_dim3A_2710 = vector.broadcast %broadcast_in_dim3A_2709 : i32 to vector<16xi32>
    %broadcast_in_dim3A_2711 = arith.constant 9 : i32
    %broadcast_in_dim3A_2712 = vector.broadcast %broadcast_in_dim3A_2711 : i32 to vector<16xi32>
    %add3A_2713 = arith.addi %broadcast_in_dim3A_2712, %mul3A_2699 : vector<16xi32>
    %gather3A_2714 = tpu.vector_load_idx %arg10[%add3A_2713] : memref<128xf32, #tpu.memory_space<vmem>>[vector<16xi32>], vector<16xf32>,
    %get3A_2715 = arith.constant 6 : i32
    %get3A_2716 = arith.index_cast %get3A_2715 : i32 to index
    %get3A_2717 = arith.constant 80 : index
    %get3A_2718 = tpu.vector_load %arg11[%get3A_2716, %get3A_2717] {strides = array<i32>} : memref<15x128xf32, #tpu.memory_space<vmem>>, vector<16xf32>,
    %add3A_2719 = arith.addf %gather3A_2714, %get3A_2718 : vector<16xf32>
    %gt3A_2720 = arith.cmpf ogt, %add3A_2719, %add3A_2708 : vector<16xf32>
    %select_n3A_2721 = arith.select %gt3A_2720, %add3A_2719, %add3A_2708 : vector<16xi1>, vector<16xf32>
    %broadcast_in_dim3A_2722 = arith.constant 1 : i32
    %broadcast_in_dim3A_2723 = vector.broadcast %broadcast_in_dim3A_2722 : i32 to vector<16xi32>
    %select_n3A_2724 = arith.select %gt3A_2720, %broadcast_in_dim3A_2723, %broadcast_in_dim3A_2710 : vector<16xi1>, vector<16xi32>
    %broadcast_in_dim3A_2725 = arith.constant 10 : i32
    %broadcast_in_dim3A_2726 = vector.broadcast %broadcast_in_dim3A_2725 : i32 to vector<16xi32>
    %add3A_2727 = arith.addi %broadcast_in_dim3A_2726, %mul3A_2699 : vector<16xi32>
    %gather3A_2728 = tpu.vector_load_idx %arg10[%add3A_2727] : memref<128xf32, #tpu.memory_space<vmem>>[vector<16xi32>], vector<16xf32>,
    %get3A_2729 = arith.constant 7 : i32
    %get3A_2730 = arith.index_cast %get3A_2729 : i32 to index
    %get3A_2731 = arith.constant 80 : index
    %get3A_2732 = tpu.vector_load %arg11[%get3A_2730, %get3A_2731] {strides = array<i32>} : memref<15x128xf32, #tpu.memory_space<vmem>>, vector<16xf32>,
    %add3A_2733 = arith.addf %gather3A_2728, %get3A_2732 : vector<16xf32>
    %gt3A_2734 = arith.cmpf ogt, %add3A_2733, %select_n3A_2721 : vector<16xf32>
    %select_n3A_2735 = arith.select %gt3A_2734, %add3A_2733, %select_n3A_2721 : vector<16xi1>, vector<16xf32>
    %broadcast_in_dim3A_2736 = arith.constant 2 : i32
    %broadcast_in_dim3A_2737 = vector.broadcast %broadcast_in_dim3A_2736 : i32 to vector<16xi32>
    %select_n3A_2738 = arith.select %gt3A_2734, %broadcast_in_dim3A_2737, %select_n3A_2724 : vector<16xi1>, vector<16xi32>
    %broadcast_in_dim3A_2739 = arith.constant 36 : i32
    %broadcast_in_dim3A_2740 = vector.broadcast %broadcast_in_dim3A_2739 : i32 to vector<16xi32>
    %add3A_2741 = arith.addi %broadcast_in_dim3A_2740, %mul3A_2699 : vector<16xi32>
    %add3A_2742 = arith.addi %add3A_2741, %select_n3A_2738 : vector<16xi32>
    %gather3A_2743 = tpu.vector_load_idx %arg10[%add3A_2742] : memref<128xf32, #tpu.memory_space<vmem>>[vector<16xi32>], vector<16xf32>,
    %mul3A_2744 = arith.constant 5 : i32
    %mul3A_2745 = vector.broadcast %mul3A_2744 : i32 to vector<16xi32>
    %mul3A_2746 = arith.muli %select_n3A_2645, %mul3A_2745 : vector<16xi32>
    %broadcast_in_dim3A_2747 = arith.constant 14 : i32
    %broadcast_in_dim3A_2748 = vector.broadcast %broadcast_in_dim3A_2747 : i32 to vector<16xi32>
    %add3A_2749 = arith.addi %broadcast_in_dim3A_2748, %mul3A_2746 : vector<16xi32>
    %gather3A_2750 = tpu.vector_load_idx %arg10[%add3A_2749] : memref<128xf32, #tpu.memory_space<vmem>>[vector<16xi32>], vector<16xf32>,
    %get3A_2751 = arith.constant 8 : i32
    %get3A_2752 = arith.index_cast %get3A_2751 : i32 to index
    %get3A_2753 = arith.constant 80 : index
    %get3A_2754 = tpu.vector_load %arg11[%get3A_2752, %get3A_2753] {strides = array<i32>} : memref<15x128xf32, #tpu.memory_space<vmem>>, vector<16xf32>,
    %add3A_2755 = arith.addf %gather3A_2750, %get3A_2754 : vector<16xf32>
    %broadcast_in_dim3A_2756 = arith.constant 0 : i32
    %broadcast_in_dim3A_2757 = vector.broadcast %broadcast_in_dim3A_2756 : i32 to vector<16xi32>
    %broadcast_in_dim3A_2758 = arith.constant 15 : i32
    %broadcast_in_dim3A_2759 = vector.broadcast %broadcast_in_dim3A_2758 : i32 to vector<16xi32>
    %add3A_2760 = arith.addi %broadcast_in_dim3A_2759, %mul3A_2746 : vector<16xi32>
    %gather3A_2761 = tpu.vector_load_idx %arg10[%add3A_2760] : memref<128xf32, #tpu.memory_space<vmem>>[vector<16xi32>], vector<16xf32>,
    %get3A_2762 = arith.constant 9 : i32
    %get3A_2763 = arith.index_cast %get3A_2762 : i32 to index
    %get3A_2764 = arith.constant 80 : index
    %get3A_2765 = tpu.vector_load %arg11[%get3A_2763, %get3A_2764] {strides = array<i32>} : memref<15x128xf32, #tpu.memory_space<vmem>>, vector<16xf32>,
    %add3A_2766 = arith.addf %gather3A_2761, %get3A_2765 : vector<16xf32>
    %gt3A_2767 = arith.cmpf ogt, %add3A_2766, %add3A_2755 : vector<16xf32>
    %select_n3A_2768 = arith.select %gt3A_2767, %add3A_2766, %add3A_2755 : vector<16xi1>, vector<16xf32>
    %broadcast_in_dim3A_2769 = arith.constant 1 : i32
    %broadcast_in_dim3A_2770 = vector.broadcast %broadcast_in_dim3A_2769 : i32 to vector<16xi32>
    %select_n3A_2771 = arith.select %gt3A_2767, %broadcast_in_dim3A_2770, %broadcast_in_dim3A_2757 : vector<16xi1>, vector<16xi32>
    %broadcast_in_dim3A_2772 = arith.constant 16 : i32
    %broadcast_in_dim3A_2773 = vector.broadcast %broadcast_in_dim3A_2772 : i32 to vector<16xi32>
    %add3A_2774 = arith.addi %broadcast_in_dim3A_2773, %mul3A_2746 : vector<16xi32>
    %gather3A_2775 = tpu.vector_load_idx %arg10[%add3A_2774] : memref<128xf32, #tpu.memory_space<vmem>>[vector<16xi32>], vector<16xf32>,
    %get3A_2776 = arith.constant 10 : i32
    %get3A_2777 = arith.index_cast %get3A_2776 : i32 to index
    %get3A_2778 = arith.constant 80 : index
    %get3A_2779 = tpu.vector_load %arg11[%get3A_2777, %get3A_2778] {strides = array<i32>} : memref<15x128xf32, #tpu.memory_space<vmem>>, vector<16xf32>,
    %add3A_2780 = arith.addf %gather3A_2775, %get3A_2779 : vector<16xf32>
    %gt3A_2781 = arith.cmpf ogt, %add3A_2780, %select_n3A_2768 : vector<16xf32>
    %select_n3A_2782 = arith.select %gt3A_2781, %add3A_2780, %select_n3A_2768 : vector<16xi1>, vector<16xf32>
    %broadcast_in_dim3A_2783 = arith.constant 2 : i32
    %broadcast_in_dim3A_2784 = vector.broadcast %broadcast_in_dim3A_2783 : i32 to vector<16xi32>
    %select_n3A_2785 = arith.select %gt3A_2781, %broadcast_in_dim3A_2784, %select_n3A_2771 : vector<16xi1>, vector<16xi32>
    %broadcast_in_dim3A_2786 = arith.constant 17 : i32
    %broadcast_in_dim3A_2787 = vector.broadcast %broadcast_in_dim3A_2786 : i32 to vector<16xi32>
    %add3A_2788 = arith.addi %broadcast_in_dim3A_2787, %mul3A_2746 : vector<16xi32>
    %gather3A_2789 = tpu.vector_load_idx %arg10[%add3A_2788] : memref<128xf32, #tpu.memory_space<vmem>>[vector<16xi32>], vector<16xf32>,
    %get3A_2790 = arith.constant 11 : i32
    %get3A_2791 = arith.index_cast %get3A_2790 : i32 to index
    %get3A_2792 = arith.constant 80 : index
    %get3A_2793 = tpu.vector_load %arg11[%get3A_2791, %get3A_2792] {strides = array<i32>} : memref<15x128xf32, #tpu.memory_space<vmem>>, vector<16xf32>,
    %add3A_2794 = arith.addf %gather3A_2789, %get3A_2793 : vector<16xf32>
    %gt3A_2795 = arith.cmpf ogt, %add3A_2794, %select_n3A_2782 : vector<16xf32>
    %select_n3A_2796 = arith.select %gt3A_2795, %add3A_2794, %select_n3A_2782 : vector<16xi1>, vector<16xf32>
    %broadcast_in_dim3A_2797 = arith.constant 3 : i32
    %broadcast_in_dim3A_2798 = vector.broadcast %broadcast_in_dim3A_2797 : i32 to vector<16xi32>
    %select_n3A_2799 = arith.select %gt3A_2795, %broadcast_in_dim3A_2798, %select_n3A_2785 : vector<16xi1>, vector<16xi32>
    %broadcast_in_dim3A_2800 = arith.constant 18 : i32
    %broadcast_in_dim3A_2801 = vector.broadcast %broadcast_in_dim3A_2800 : i32 to vector<16xi32>
    %add3A_2802 = arith.addi %broadcast_in_dim3A_2801, %mul3A_2746 : vector<16xi32>
    %gather3A_2803 = tpu.vector_load_idx %arg10[%add3A_2802] : memref<128xf32, #tpu.memory_space<vmem>>[vector<16xi32>], vector<16xf32>,
    %get3A_2804 = arith.constant 12 : i32
    %get3A_2805 = arith.index_cast %get3A_2804 : i32 to index
    %get3A_2806 = arith.constant 80 : index
    %get3A_2807 = tpu.vector_load %arg11[%get3A_2805, %get3A_2806] {strides = array<i32>} : memref<15x128xf32, #tpu.memory_space<vmem>>, vector<16xf32>,
    %add3A_2808 = arith.addf %gather3A_2803, %get3A_2807 : vector<16xf32>
    %gt3A_2809 = arith.cmpf ogt, %add3A_2808, %select_n3A_2796 : vector<16xf32>
    %select_n3A_2810 = arith.select %gt3A_2809, %add3A_2808, %select_n3A_2796 : vector<16xi1>, vector<16xf32>
    %broadcast_in_dim3A_2811 = arith.constant 4 : i32
    %broadcast_in_dim3A_2812 = vector.broadcast %broadcast_in_dim3A_2811 : i32 to vector<16xi32>
    %select_n3A_2813 = arith.select %gt3A_2809, %broadcast_in_dim3A_2812, %select_n3A_2799 : vector<16xi1>, vector<16xi32>
    %broadcast_in_dim3A_2814 = arith.constant 42 : i32
    %broadcast_in_dim3A_2815 = vector.broadcast %broadcast_in_dim3A_2814 : i32 to vector<16xi32>
    %add3A_2816 = arith.addi %broadcast_in_dim3A_2815, %mul3A_2746 : vector<16xi32>
    %add3A_2817 = arith.addi %add3A_2816, %select_n3A_2813 : vector<16xi32>
    %gather3A_2818 = tpu.vector_load_idx %arg10[%add3A_2817] : memref<128xf32, #tpu.memory_space<vmem>>[vector<16xi32>], vector<16xf32>,
    %mul3A_2819 = arith.constant 2 : i32
    %mul3A_2820 = vector.broadcast %mul3A_2819 : i32 to vector<16xi32>
    %mul3A_2821 = arith.muli %select_n3A_2645, %mul3A_2820 : vector<16xi32>
    %broadcast_in_dim3A_2822 = arith.constant 24 : i32
    %broadcast_in_dim3A_2823 = vector.broadcast %broadcast_in_dim3A_2822 : i32 to vector<16xi32>
    %add3A_2824 = arith.addi %broadcast_in_dim3A_2823, %mul3A_2821 : vector<16xi32>
    %gather3A_2825 = tpu.vector_load_idx %arg10[%add3A_2824] : memref<128xf32, #tpu.memory_space<vmem>>[vector<16xi32>], vector<16xf32>,
    %get3A_2826 = arith.constant 13 : i32
    %get3A_2827 = arith.index_cast %get3A_2826 : i32 to index
    %get3A_2828 = arith.constant 80 : index
    %get3A_2829 = tpu.vector_load %arg11[%get3A_2827, %get3A_2828] {strides = array<i32>} : memref<15x128xf32, #tpu.memory_space<vmem>>, vector<16xf32>,
    %add3A_2830 = arith.addf %gather3A_2825, %get3A_2829 : vector<16xf32>
    %broadcast_in_dim3A_2831 = arith.constant 0 : i32
    %broadcast_in_dim3A_2832 = vector.broadcast %broadcast_in_dim3A_2831 : i32 to vector<16xi32>
    %broadcast_in_dim3A_2833 = arith.constant 25 : i32
    %broadcast_in_dim3A_2834 = vector.broadcast %broadcast_in_dim3A_2833 : i32 to vector<16xi32>
    %add3A_2835 = arith.addi %broadcast_in_dim3A_2834, %mul3A_2821 : vector<16xi32>
    %gather3A_2836 = tpu.vector_load_idx %arg10[%add3A_2835] : memref<128xf32, #tpu.memory_space<vmem>>[vector<16xi32>], vector<16xf32>,
    %get3A_2837 = arith.constant 14 : i32
    %get3A_2838 = arith.index_cast %get3A_2837 : i32 to index
    %get3A_2839 = arith.constant 80 : index
    %get3A_2840 = tpu.vector_load %arg11[%get3A_2838, %get3A_2839] {strides = array<i32>} : memref<15x128xf32, #tpu.memory_space<vmem>>, vector<16xf32>,
    %add3A_2841 = arith.addf %gather3A_2836, %get3A_2840 : vector<16xf32>
    %gt3A_2842 = arith.cmpf ogt, %add3A_2841, %add3A_2830 : vector<16xf32>
    %select_n3A_2843 = arith.select %gt3A_2842, %add3A_2841, %add3A_2830 : vector<16xi1>, vector<16xf32>
    %broadcast_in_dim3A_2844 = arith.constant 1 : i32
    %broadcast_in_dim3A_2845 = vector.broadcast %broadcast_in_dim3A_2844 : i32 to vector<16xi32>
    %select_n3A_2846 = arith.select %gt3A_2842, %broadcast_in_dim3A_2845, %broadcast_in_dim3A_2832 : vector<16xi1>, vector<16xi32>
    %broadcast_in_dim3A_2847 = arith.constant 52 : i32
    %broadcast_in_dim3A_2848 = vector.broadcast %broadcast_in_dim3A_2847 : i32 to vector<16xi32>
    %add3A_2849 = arith.addi %broadcast_in_dim3A_2848, %mul3A_2821 : vector<16xi32>
    %add3A_2850 = arith.addi %add3A_2849, %select_n3A_2846 : vector<16xi32>
    %gather3A_2851 = tpu.vector_load_idx %arg10[%add3A_2850] : memref<128xf32, #tpu.memory_space<vmem>>[vector<16xi32>], vector<16xf32>,
    %add3A_2852 = arith.addf %gather3A_2649, %gather3A_2696 : vector<16xf32>
    %add3A_2853 = arith.addf %add3A_2852, %gather3A_2743 : vector<16xf32>
    %add3A_2854 = arith.addf %add3A_2853, %gather3A_2818 : vector<16xf32>
    %add3A_2855 = arith.addf %add3A_2854, %gather3A_2851 : vector<16xf32>
    %get3A_2856 = arith.constant 0 : i32
    %get3A_2857 = arith.index_cast %get3A_2856 : i32 to index
    %get3A_2858 = arith.constant 80 : index
    %get3A_2859 = tpu.vector_load %arg13[%get3A_2857, %get3A_2858] {strides = array<i32>} : memref<20x128xf32, #tpu.memory_space<vmem>>, vector<16xf32>,
    %mul3A_2860 = arith.mulf %add3A_2855, %get3A_2859 : vector<16xf32>
    %mul3A_2861 = arith.constant 3 : i32
    %mul3A_2862 = vector.broadcast %mul3A_2861 : i32 to vector<16xi32>
    %mul3A_2863 = arith.muli %select_n3A_2645, %mul3A_2862 : vector<16xi32>
    %add3A_2864 = arith.addi %mul3A_2863, %select_n3A_2691 : vector<16xi32>
    %mul3A_2865 = arith.constant 3 : i32
    %mul3A_2866 = vector.broadcast %mul3A_2865 : i32 to vector<16xi32>
    %mul3A_2867 = arith.muli %add3A_2864, %mul3A_2866 : vector<16xi32>
    %add3A_2868 = arith.addi %mul3A_2867, %select_n3A_2738 : vector<16xi32>
    %mul3A_2869 = arith.constant 2 : i32
    %mul3A_2870 = vector.broadcast %mul3A_2869 : i32 to vector<16xi32>
    %mul3A_2871 = arith.muli %add3A_2868, %mul3A_2870 : vector<16xi32>
    %add3A_2872 = arith.addi %mul3A_2871, %select_n3A_2846 : vector<16xi32>
    %mul3A_2873 = arith.constant 5 : i32
    %mul3A_2874 = vector.broadcast %mul3A_2873 : i32 to vector<16xi32>
    %mul3A_2875 = arith.muli %add3A_2872, %mul3A_2874 : vector<16xi32>
    %add3A_2876 = arith.addi %mul3A_2875, %select_n3A_2813 : vector<16xi32>
    %mul3A_2877 = arith.constant 64 : i32
    %mul3A_2878 = vector.broadcast %mul3A_2877 : i32 to vector<16xi32>
    %mul3A_2879 = arith.muli %add3A_2876, %mul3A_2878 : vector<16xi32>
    %broadcast_in_dim3A_2880 = arith.constant 0 : i32
    %broadcast_in_dim3A_2881 = vector.broadcast %broadcast_in_dim3A_2880 : i32 to vector<16xi32>
    %get3A_2882 = arith.constant 0 : i32
    %get3A_2883 = arith.index_cast %get3A_2882 : i32 to index
    %get3A_2884 = arith.constant 80 : index
    %get3A_2885 = tpu.vector_load %arg12[%get3A_2883, %get3A_2884] {strides = array<i32>} : memref<19x128xi32, #tpu.memory_space<vmem>>, vector<16xi32>,
    %add3A_2886 = arith.addi %mul3A_2879, %broadcast_in_dim3A_2881 : vector<16xi32>
    %add3A_2887 = arith.addi %add3A_2886, %get3A_2885 : vector<16xi32>
    %gather3A_2888 = tpu.vector_load_idx %arg9[%add3A_2887] : memref<11520xf32, #tpu.memory_space<vmem>>[vector<16xi32>], vector<16xf32>,
    %get3A_2889 = arith.constant 1 : i32
    %get3A_2890 = arith.index_cast %get3A_2889 : i32 to index
    %get3A_2891 = arith.constant 80 : index
    %get3A_2892 = tpu.vector_load %arg13[%get3A_2890, %get3A_2891] {strides = array<i32>} : memref<20x128xf32, #tpu.memory_space<vmem>>, vector<16xf32>,
    %mul3A_2893 = arith.mulf %gather3A_2888, %get3A_2892 : vector<16xf32>
    %add3A_2894 = arith.addf %mul3A_2860, %mul3A_2893 : vector<16xf32>
    %gather3A_2895 = tpu.vector_load_idx %arg15[%get3A_2885] : memref<16xi32, #tpu.memory_space<vmem>>[vector<16xi32>], vector<16xi32>,
    %get3A_2896 = arith.constant 1 : i32
    %get3A_2897 = arith.index_cast %get3A_2896 : i32 to index
    %get3A_2898 = arith.constant 80 : index
    %get3A_2899 = tpu.vector_load %arg12[%get3A_2897, %get3A_2898] {strides = array<i32>} : memref<19x128xi32, #tpu.memory_space<vmem>>, vector<16xi32>,
    %add3A_2900 = arith.addi %mul3A_2879, %gather3A_2895 : vector<16xi32>
    %add3A_2901 = arith.addi %add3A_2900, %get3A_2899 : vector<16xi32>
    %gather3A_2902 = tpu.vector_load_idx %arg9[%add3A_2901] : memref<11520xf32, #tpu.memory_space<vmem>>[vector<16xi32>], vector<16xf32>,
    %get3A_2903 = arith.constant 2 : i32
    %get3A_2904 = arith.index_cast %get3A_2903 : i32 to index
    %get3A_2905 = arith.constant 80 : index
    %get3A_2906 = tpu.vector_load %arg13[%get3A_2904, %get3A_2905] {strides = array<i32>} : memref<20x128xf32, #tpu.memory_space<vmem>>, vector<16xf32>,
    %mul3A_2907 = arith.mulf %gather3A_2902, %get3A_2906 : vector<16xf32>
    %add3A_2908 = arith.addf %add3A_2894, %mul3A_2907 : vector<16xf32>
    %gather3A_2909 = tpu.vector_load_idx %arg15[%get3A_2899] : memref<16xi32, #tpu.memory_space<vmem>>[vector<16xi32>], vector<16xi32>,
    %get3A_2910 = arith.constant 2 : i32
    %get3A_2911 = arith.index_cast %get3A_2910 : i32 to index
    %get3A_2912 = arith.constant 80 : index
    %get3A_2913 = tpu.vector_load %arg12[%get3A_2911, %get3A_2912] {strides = array<i32>} : memref<19x128xi32, #tpu.memory_space<vmem>>, vector<16xi32>,
    %add3A_2914 = arith.addi %mul3A_2879, %gather3A_2909 : vector<16xi32>
    %add3A_2915 = arith.addi %add3A_2914, %get3A_2913 : vector<16xi32>
    %gather3A_2916 = tpu.vector_load_idx %arg9[%add3A_2915] : memref<11520xf32, #tpu.memory_space<vmem>>[vector<16xi32>], vector<16xf32>,
    %get3A_2917 = arith.constant 3 : i32
    %get3A_2918 = arith.index_cast %get3A_2917 : i32 to index
    %get3A_2919 = arith.constant 80 : index
    %get3A_2920 = tpu.vector_load %arg13[%get3A_2918, %get3A_2919] {strides = array<i32>} : memref<20x128xf32, #tpu.memory_space<vmem>>, vector<16xf32>,
    %mul3A_2921 = arith.mulf %gather3A_2916, %get3A_2920 : vector<16xf32>
    %add3A_2922 = arith.addf %add3A_2908, %mul3A_2921 : vector<16xf32>
    %gather3A_2923 = tpu.vector_load_idx %arg15[%get3A_2913] : memref<16xi32, #tpu.memory_space<vmem>>[vector<16xi32>], vector<16xi32>,
    %get3A_2924 = arith.constant 3 : i32
    %get3A_2925 = arith.index_cast %get3A_2924 : i32 to index
    %get3A_2926 = arith.constant 80 : index
    %get3A_2927 = tpu.vector_load %arg12[%get3A_2925, %get3A_2926] {strides = array<i32>} : memref<19x128xi32, #tpu.memory_space<vmem>>, vector<16xi32>,
    %add3A_2928 = arith.addi %mul3A_2879, %gather3A_2923 : vector<16xi32>
    %add3A_2929 = arith.addi %add3A_2928, %get3A_2927 : vector<16xi32>
    %gather3A_2930 = tpu.vector_load_idx %arg9[%add3A_2929] : memref<11520xf32, #tpu.memory_space<vmem>>[vector<16xi32>], vector<16xf32>,
    %get3A_2931 = arith.constant 4 : i32
    %get3A_2932 = arith.index_cast %get3A_2931 : i32 to index
    %get3A_2933 = arith.constant 80 : index
    %get3A_2934 = tpu.vector_load %arg13[%get3A_2932, %get3A_2933] {strides = array<i32>} : memref<20x128xf32, #tpu.memory_space<vmem>>, vector<16xf32>,
    %mul3A_2935 = arith.mulf %gather3A_2930, %get3A_2934 : vector<16xf32>
    %add3A_2936 = arith.addf %add3A_2922, %mul3A_2935 : vector<16xf32>
    %gather3A_2937 = tpu.vector_load_idx %arg15[%get3A_2927] : memref<16xi32, #tpu.memory_space<vmem>>[vector<16xi32>], vector<16xi32>,
    %get3A_2938 = arith.constant 4 : i32
    %get3A_2939 = arith.index_cast %get3A_2938 : i32 to index
    %get3A_2940 = arith.constant 80 : index
    %get3A_2941 = tpu.vector_load %arg12[%get3A_2939, %get3A_2940] {strides = array<i32>} : memref<19x128xi32, #tpu.memory_space<vmem>>, vector<16xi32>,
    %add3A_2942 = arith.addi %mul3A_2879, %gather3A_2937 : vector<16xi32>
    %add3A_2943 = arith.addi %add3A_2942, %get3A_2941 : vector<16xi32>
    %gather3A_2944 = tpu.vector_load_idx %arg9[%add3A_2943] : memref<11520xf32, #tpu.memory_space<vmem>>[vector<16xi32>], vector<16xf32>,
    %get3A_2945 = arith.constant 5 : i32
    %get3A_2946 = arith.index_cast %get3A_2945 : i32 to index
    %get3A_2947 = arith.constant 80 : index
    %get3A_2948 = tpu.vector_load %arg13[%get3A_2946, %get3A_2947] {strides = array<i32>} : memref<20x128xf32, #tpu.memory_space<vmem>>, vector<16xf32>,
    %mul3A_2949 = arith.mulf %gather3A_2944, %get3A_2948 : vector<16xf32>
    %add3A_2950 = arith.addf %add3A_2936, %mul3A_2949 : vector<16xf32>
    %gather3A_2951 = tpu.vector_load_idx %arg15[%get3A_2941] : memref<16xi32, #tpu.memory_space<vmem>>[vector<16xi32>], vector<16xi32>,
    %get3A_2952 = arith.constant 5 : i32
    %get3A_2953 = arith.index_cast %get3A_2952 : i32 to index
    %get3A_2954 = arith.constant 80 : index
    %get3A_2955 = tpu.vector_load %arg12[%get3A_2953, %get3A_2954] {strides = array<i32>} : memref<19x128xi32, #tpu.memory_space<vmem>>, vector<16xi32>,
    %add3A_2956 = arith.addi %mul3A_2879, %gather3A_2951 : vector<16xi32>
    %add3A_2957 = arith.addi %add3A_2956, %get3A_2955 : vector<16xi32>
    %gather3A_2958 = tpu.vector_load_idx %arg9[%add3A_2957] : memref<11520xf32, #tpu.memory_space<vmem>>[vector<16xi32>], vector<16xf32>,
    %get3A_2959 = arith.constant 6 : i32
    %get3A_2960 = arith.index_cast %get3A_2959 : i32 to index
    %get3A_2961 = arith.constant 80 : index
    %get3A_2962 = tpu.vector_load %arg13[%get3A_2960, %get3A_2961] {strides = array<i32>} : memref<20x128xf32, #tpu.memory_space<vmem>>, vector<16xf32>,
    %mul3A_2963 = arith.mulf %gather3A_2958, %get3A_2962 : vector<16xf32>
    %add3A_2964 = arith.addf %add3A_2950, %mul3A_2963 : vector<16xf32>
    %gather3A_2965 = tpu.vector_load_idx %arg15[%get3A_2955] : memref<16xi32, #tpu.memory_space<vmem>>[vector<16xi32>], vector<16xi32>,
    %get3A_2966 = arith.constant 6 : i32
    %get3A_2967 = arith.index_cast %get3A_2966 : i32 to index
    %get3A_2968 = arith.constant 80 : index
    %get3A_2969 = tpu.vector_load %arg12[%get3A_2967, %get3A_2968] {strides = array<i32>} : memref<19x128xi32, #tpu.memory_space<vmem>>, vector<16xi32>,
    %add3A_2970 = arith.addi %mul3A_2879, %gather3A_2965 : vector<16xi32>
    %add3A_2971 = arith.addi %add3A_2970, %get3A_2969 : vector<16xi32>
    %gather3A_2972 = tpu.vector_load_idx %arg9[%add3A_2971] : memref<11520xf32, #tpu.memory_space<vmem>>[vector<16xi32>], vector<16xf32>,
    %get3A_2973 = arith.constant 7 : i32
    %get3A_2974 = arith.index_cast %get3A_2973 : i32 to index
    %get3A_2975 = arith.constant 80 : index
    %get3A_2976 = tpu.vector_load %arg13[%get3A_2974, %get3A_2975] {strides = array<i32>} : memref<20x128xf32, #tpu.memory_space<vmem>>, vector<16xf32>,
    %mul3A_2977 = arith.mulf %gather3A_2972, %get3A_2976 : vector<16xf32>
    %add3A_2978 = arith.addf %add3A_2964, %mul3A_2977 : vector<16xf32>
    %gather3A_2979 = tpu.vector_load_idx %arg15[%get3A_2969] : memref<16xi32, #tpu.memory_space<vmem>>[vector<16xi32>], vector<16xi32>,
    %get3A_2980 = arith.constant 7 : i32
    %get3A_2981 = arith.index_cast %get3A_2980 : i32 to index
    %get3A_2982 = arith.constant 80 : index
    %get3A_2983 = tpu.vector_load %arg12[%get3A_2981, %get3A_2982] {strides = array<i32>} : memref<19x128xi32, #tpu.memory_space<vmem>>, vector<16xi32>,
    %add3A_2984 = arith.addi %mul3A_2879, %gather3A_2979 : vector<16xi32>
    %add3A_2985 = arith.addi %add3A_2984, %get3A_2983 : vector<16xi32>
    %gather3A_2986 = tpu.vector_load_idx %arg9[%add3A_2985] : memref<11520xf32, #tpu.memory_space<vmem>>[vector<16xi32>], vector<16xf32>,
    %get3A_2987 = arith.constant 8 : i32
    %get3A_2988 = arith.index_cast %get3A_2987 : i32 to index
    %get3A_2989 = arith.constant 80 : index
    %get3A_2990 = tpu.vector_load %arg13[%get3A_2988, %get3A_2989] {strides = array<i32>} : memref<20x128xf32, #tpu.memory_space<vmem>>, vector<16xf32>,
    %mul3A_2991 = arith.mulf %gather3A_2986, %get3A_2990 : vector<16xf32>
    %add3A_2992 = arith.addf %add3A_2978, %mul3A_2991 : vector<16xf32>
    %gather3A_2993 = tpu.vector_load_idx %arg15[%get3A_2983] : memref<16xi32, #tpu.memory_space<vmem>>[vector<16xi32>], vector<16xi32>,
    %get3A_2994 = arith.constant 8 : i32
    %get3A_2995 = arith.index_cast %get3A_2994 : i32 to index
    %get3A_2996 = arith.constant 80 : index
    %get3A_2997 = tpu.vector_load %arg12[%get3A_2995, %get3A_2996] {strides = array<i32>} : memref<19x128xi32, #tpu.memory_space<vmem>>, vector<16xi32>,
    %add3A_2998 = arith.addi %mul3A_2879, %gather3A_2993 : vector<16xi32>
    %add3A_2999 = arith.addi %add3A_2998, %get3A_2997 : vector<16xi32>
    %gather3A_3000 = tpu.vector_load_idx %arg9[%add3A_2999] : memref<11520xf32, #tpu.memory_space<vmem>>[vector<16xi32>], vector<16xf32>,
    %get3A_3001 = arith.constant 9 : i32
    %get3A_3002 = arith.index_cast %get3A_3001 : i32 to index
    %get3A_3003 = arith.constant 80 : index
    %get3A_3004 = tpu.vector_load %arg13[%get3A_3002, %get3A_3003] {strides = array<i32>} : memref<20x128xf32, #tpu.memory_space<vmem>>, vector<16xf32>,
    %mul3A_3005 = arith.mulf %gather3A_3000, %get3A_3004 : vector<16xf32>
    %add3A_3006 = arith.addf %add3A_2992, %mul3A_3005 : vector<16xf32>
    %gather3A_3007 = tpu.vector_load_idx %arg15[%get3A_2997] : memref<16xi32, #tpu.memory_space<vmem>>[vector<16xi32>], vector<16xi32>,
    %get3A_3008 = arith.constant 9 : i32
    %get3A_3009 = arith.index_cast %get3A_3008 : i32 to index
    %get3A_3010 = arith.constant 80 : index
    %get3A_3011 = tpu.vector_load %arg12[%get3A_3009, %get3A_3010] {strides = array<i32>} : memref<19x128xi32, #tpu.memory_space<vmem>>, vector<16xi32>,
    %add3A_3012 = arith.addi %mul3A_2879, %gather3A_3007 : vector<16xi32>
    %add3A_3013 = arith.addi %add3A_3012, %get3A_3011 : vector<16xi32>
    %gather3A_3014 = tpu.vector_load_idx %arg9[%add3A_3013] : memref<11520xf32, #tpu.memory_space<vmem>>[vector<16xi32>], vector<16xf32>,
    %get3A_3015 = arith.constant 10 : i32
    %get3A_3016 = arith.index_cast %get3A_3015 : i32 to index
    %get3A_3017 = arith.constant 80 : index
    %get3A_3018 = tpu.vector_load %arg13[%get3A_3016, %get3A_3017] {strides = array<i32>} : memref<20x128xf32, #tpu.memory_space<vmem>>, vector<16xf32>,
    %mul3A_3019 = arith.mulf %gather3A_3014, %get3A_3018 : vector<16xf32>
    %add3A_3020 = arith.addf %add3A_3006, %mul3A_3019 : vector<16xf32>
    %gather3A_3021 = tpu.vector_load_idx %arg15[%get3A_3011] : memref<16xi32, #tpu.memory_space<vmem>>[vector<16xi32>], vector<16xi32>,
    %get3A_3022 = arith.constant 10 : i32
    %get3A_3023 = arith.index_cast %get3A_3022 : i32 to index
    %get3A_3024 = arith.constant 80 : index
    %get3A_3025 = tpu.vector_load %arg12[%get3A_3023, %get3A_3024] {strides = array<i32>} : memref<19x128xi32, #tpu.memory_space<vmem>>, vector<16xi32>,
    %add3A_3026 = arith.addi %mul3A_2879, %gather3A_3021 : vector<16xi32>
    %add3A_3027 = arith.addi %add3A_3026, %get3A_3025 : vector<16xi32>
    %gather3A_3028 = tpu.vector_load_idx %arg9[%add3A_3027] : memref<11520xf32, #tpu.memory_space<vmem>>[vector<16xi32>], vector<16xf32>,
    %get3A_3029 = arith.constant 11 : i32
    %get3A_3030 = arith.index_cast %get3A_3029 : i32 to index
    %get3A_3031 = arith.constant 80 : index
    %get3A_3032 = tpu.vector_load %arg13[%get3A_3030, %get3A_3031] {strides = array<i32>} : memref<20x128xf32, #tpu.memory_space<vmem>>, vector<16xf32>,
    %mul3A_3033 = arith.mulf %gather3A_3028, %get3A_3032 : vector<16xf32>
    %add3A_3034 = arith.addf %add3A_3020, %mul3A_3033 : vector<16xf32>
    %gather3A_3035 = tpu.vector_load_idx %arg15[%get3A_3025] : memref<16xi32, #tpu.memory_space<vmem>>[vector<16xi32>], vector<16xi32>,
    %get3A_3036 = arith.constant 11 : i32
    %get3A_3037 = arith.index_cast %get3A_3036 : i32 to index
    %get3A_3038 = arith.constant 80 : index
    %get3A_3039 = tpu.vector_load %arg12[%get3A_3037, %get3A_3038] {strides = array<i32>} : memref<19x128xi32, #tpu.memory_space<vmem>>, vector<16xi32>,
    %add3A_3040 = arith.addi %mul3A_2879, %gather3A_3035 : vector<16xi32>
    %add3A_3041 = arith.addi %add3A_3040, %get3A_3039 : vector<16xi32>
    %gather3A_3042 = tpu.vector_load_idx %arg9[%add3A_3041] : memref<11520xf32, #tpu.memory_space<vmem>>[vector<16xi32>], vector<16xf32>,
    %get3A_3043 = arith.constant 12 : i32
    %get3A_3044 = arith.index_cast %get3A_3043 : i32 to index
    %get3A_3045 = arith.constant 80 : index
    %get3A_3046 = tpu.vector_load %arg13[%get3A_3044, %get3A_3045] {strides = array<i32>} : memref<20x128xf32, #tpu.memory_space<vmem>>, vector<16xf32>,
    %mul3A_3047 = arith.mulf %gather3A_3042, %get3A_3046 : vector<16xf32>
    %add3A_3048 = arith.addf %add3A_3034, %mul3A_3047 : vector<16xf32>
    %gather3A_3049 = tpu.vector_load_idx %arg15[%get3A_3039] : memref<16xi32, #tpu.memory_space<vmem>>[vector<16xi32>], vector<16xi32>,
    %get3A_3050 = arith.constant 12 : i32
    %get3A_3051 = arith.index_cast %get3A_3050 : i32 to index
    %get3A_3052 = arith.constant 80 : index
    %get3A_3053 = tpu.vector_load %arg12[%get3A_3051, %get3A_3052] {strides = array<i32>} : memref<19x128xi32, #tpu.memory_space<vmem>>, vector<16xi32>,
    %add3A_3054 = arith.addi %mul3A_2879, %gather3A_3049 : vector<16xi32>
    %add3A_3055 = arith.addi %add3A_3054, %get3A_3053 : vector<16xi32>
    %gather3A_3056 = tpu.vector_load_idx %arg9[%add3A_3055] : memref<11520xf32, #tpu.memory_space<vmem>>[vector<16xi32>], vector<16xf32>,
    %get3A_3057 = arith.constant 13 : i32
    %get3A_3058 = arith.index_cast %get3A_3057 : i32 to index
    %get3A_3059 = arith.constant 80 : index
    %get3A_3060 = tpu.vector_load %arg13[%get3A_3058, %get3A_3059] {strides = array<i32>} : memref<20x128xf32, #tpu.memory_space<vmem>>, vector<16xf32>,
    %mul3A_3061 = arith.mulf %gather3A_3056, %get3A_3060 : vector<16xf32>
    %add3A_3062 = arith.addf %add3A_3048, %mul3A_3061 : vector<16xf32>
    %gather3A_3063 = tpu.vector_load_idx %arg15[%get3A_3053] : memref<16xi32, #tpu.memory_space<vmem>>[vector<16xi32>], vector<16xi32>,
    %get3A_3064 = arith.constant 13 : i32
    %get3A_3065 = arith.index_cast %get3A_3064 : i32 to index
    %get3A_3066 = arith.constant 80 : index
    %get3A_3067 = tpu.vector_load %arg12[%get3A_3065, %get3A_3066] {strides = array<i32>} : memref<19x128xi32, #tpu.memory_space<vmem>>, vector<16xi32>,
    %add3A_3068 = arith.addi %mul3A_2879, %gather3A_3063 : vector<16xi32>
    %add3A_3069 = arith.addi %add3A_3068, %get3A_3067 : vector<16xi32>
    %gather3A_3070 = tpu.vector_load_idx %arg9[%add3A_3069] : memref<11520xf32, #tpu.memory_space<vmem>>[vector<16xi32>], vector<16xf32>,
    %get3A_3071 = arith.constant 14 : i32
    %get3A_3072 = arith.index_cast %get3A_3071 : i32 to index
    %get3A_3073 = arith.constant 80 : index
    %get3A_3074 = tpu.vector_load %arg13[%get3A_3072, %get3A_3073] {strides = array<i32>} : memref<20x128xf32, #tpu.memory_space<vmem>>, vector<16xf32>,
    %mul3A_3075 = arith.mulf %gather3A_3070, %get3A_3074 : vector<16xf32>
    %add3A_3076 = arith.addf %add3A_3062, %mul3A_3075 : vector<16xf32>
    %gather3A_3077 = tpu.vector_load_idx %arg15[%get3A_3067] : memref<16xi32, #tpu.memory_space<vmem>>[vector<16xi32>], vector<16xi32>,
    %get3A_3078 = arith.constant 14 : i32
    %get3A_3079 = arith.index_cast %get3A_3078 : i32 to index
    %get3A_3080 = arith.constant 80 : index
    %get3A_3081 = tpu.vector_load %arg12[%get3A_3079, %get3A_3080] {strides = array<i32>} : memref<19x128xi32, #tpu.memory_space<vmem>>, vector<16xi32>,
    %add3A_3082 = arith.addi %mul3A_2879, %gather3A_3077 : vector<16xi32>
    %add3A_3083 = arith.addi %add3A_3082, %get3A_3081 : vector<16xi32>
    %gather3A_3084 = tpu.vector_load_idx %arg9[%add3A_3083] : memref<11520xf32, #tpu.memory_space<vmem>>[vector<16xi32>], vector<16xf32>,
    %get3A_3085 = arith.constant 15 : i32
    %get3A_3086 = arith.index_cast %get3A_3085 : i32 to index
    %get3A_3087 = arith.constant 80 : index
    %get3A_3088 = tpu.vector_load %arg13[%get3A_3086, %get3A_3087] {strides = array<i32>} : memref<20x128xf32, #tpu.memory_space<vmem>>, vector<16xf32>,
    %mul3A_3089 = arith.mulf %gather3A_3084, %get3A_3088 : vector<16xf32>
    %add3A_3090 = arith.addf %add3A_3076, %mul3A_3089 : vector<16xf32>
    %gather3A_3091 = tpu.vector_load_idx %arg15[%get3A_3081] : memref<16xi32, #tpu.memory_space<vmem>>[vector<16xi32>], vector<16xi32>,
    %get3A_3092 = arith.constant 15 : i32
    %get3A_3093 = arith.index_cast %get3A_3092 : i32 to index
    %get3A_3094 = arith.constant 80 : index
    %get3A_3095 = tpu.vector_load %arg12[%get3A_3093, %get3A_3094] {strides = array<i32>} : memref<19x128xi32, #tpu.memory_space<vmem>>, vector<16xi32>,
    %add3A_3096 = arith.addi %mul3A_2879, %gather3A_3091 : vector<16xi32>
    %add3A_3097 = arith.addi %add3A_3096, %get3A_3095 : vector<16xi32>
    %gather3A_3098 = tpu.vector_load_idx %arg9[%add3A_3097] : memref<11520xf32, #tpu.memory_space<vmem>>[vector<16xi32>], vector<16xf32>,
    %get3A_3099 = arith.constant 16 : i32
    %get3A_3100 = arith.index_cast %get3A_3099 : i32 to index
    %get3A_3101 = arith.constant 80 : index
    %get3A_3102 = tpu.vector_load %arg13[%get3A_3100, %get3A_3101] {strides = array<i32>} : memref<20x128xf32, #tpu.memory_space<vmem>>, vector<16xf32>,
    %mul3A_3103 = arith.mulf %gather3A_3098, %get3A_3102 : vector<16xf32>
    %add3A_3104 = arith.addf %add3A_3090, %mul3A_3103 : vector<16xf32>
    %gather3A_3105 = tpu.vector_load_idx %arg15[%get3A_3095] : memref<16xi32, #tpu.memory_space<vmem>>[vector<16xi32>], vector<16xi32>,
    %get3A_3106 = arith.constant 16 : i32
    %get3A_3107 = arith.index_cast %get3A_3106 : i32 to index
    %get3A_3108 = arith.constant 80 : index
    %get3A_3109 = tpu.vector_load %arg12[%get3A_3107, %get3A_3108] {strides = array<i32>} : memref<19x128xi32, #tpu.memory_space<vmem>>, vector<16xi32>,
    %add3A_3110 = arith.addi %mul3A_2879, %gather3A_3105 : vector<16xi32>
    %add3A_3111 = arith.addi %add3A_3110, %get3A_3109 : vector<16xi32>
    %gather3A_3112 = tpu.vector_load_idx %arg9[%add3A_3111] : memref<11520xf32, #tpu.memory_space<vmem>>[vector<16xi32>], vector<16xf32>,
    %get3A_3113 = arith.constant 17 : i32
    %get3A_3114 = arith.index_cast %get3A_3113 : i32 to index
    %get3A_3115 = arith.constant 80 : index
    %get3A_3116 = tpu.vector_load %arg13[%get3A_3114, %get3A_3115] {strides = array<i32>} : memref<20x128xf32, #tpu.memory_space<vmem>>, vector<16xf32>,
    %mul3A_3117 = arith.mulf %gather3A_3112, %get3A_3116 : vector<16xf32>
    %add3A_3118 = arith.addf %add3A_3104, %mul3A_3117 : vector<16xf32>
    %gather3A_3119 = tpu.vector_load_idx %arg15[%get3A_3109] : memref<16xi32, #tpu.memory_space<vmem>>[vector<16xi32>], vector<16xi32>,
    %get3A_3120 = arith.constant 17 : i32
    %get3A_3121 = arith.index_cast %get3A_3120 : i32 to index
    %get3A_3122 = arith.constant 80 : index
    %get3A_3123 = tpu.vector_load %arg12[%get3A_3121, %get3A_3122] {strides = array<i32>} : memref<19x128xi32, #tpu.memory_space<vmem>>, vector<16xi32>,
    %add3A_3124 = arith.addi %mul3A_2879, %gather3A_3119 : vector<16xi32>
    %add3A_3125 = arith.addi %add3A_3124, %get3A_3123 : vector<16xi32>
    %gather3A_3126 = tpu.vector_load_idx %arg9[%add3A_3125] : memref<11520xf32, #tpu.memory_space<vmem>>[vector<16xi32>], vector<16xf32>,
    %get3A_3127 = arith.constant 18 : i32
    %get3A_3128 = arith.index_cast %get3A_3127 : i32 to index
    %get3A_3129 = arith.constant 80 : index
    %get3A_3130 = tpu.vector_load %arg13[%get3A_3128, %get3A_3129] {strides = array<i32>} : memref<20x128xf32, #tpu.memory_space<vmem>>, vector<16xf32>,
    %mul3A_3131 = arith.mulf %gather3A_3126, %get3A_3130 : vector<16xf32>
    %add3A_3132 = arith.addf %add3A_3118, %mul3A_3131 : vector<16xf32>
    %gather3A_3133 = tpu.vector_load_idx %arg15[%get3A_3123] : memref<16xi32, #tpu.memory_space<vmem>>[vector<16xi32>], vector<16xi32>,
    %get3A_3134 = arith.constant 18 : i32
    %get3A_3135 = arith.index_cast %get3A_3134 : i32 to index
    %get3A_3136 = arith.constant 80 : index
    %get3A_3137 = tpu.vector_load %arg12[%get3A_3135, %get3A_3136] {strides = array<i32>} : memref<19x128xi32, #tpu.memory_space<vmem>>, vector<16xi32>,
    %add3A_3138 = arith.addi %mul3A_2879, %gather3A_3133 : vector<16xi32>
    %add3A_3139 = arith.addi %add3A_3138, %get3A_3137 : vector<16xi32>
    %gather3A_3140 = tpu.vector_load_idx %arg9[%add3A_3139] : memref<11520xf32, #tpu.memory_space<vmem>>[vector<16xi32>], vector<16xf32>,
    %get3A_3141 = arith.constant 19 : i32
    %get3A_3142 = arith.index_cast %get3A_3141 : i32 to index
    %get3A_3143 = arith.constant 80 : index
    %get3A_3144 = tpu.vector_load %arg13[%get3A_3142, %get3A_3143] {strides = array<i32>} : memref<20x128xf32, #tpu.memory_space<vmem>>, vector<16xf32>,
    %mul3A_3145 = arith.mulf %gather3A_3140, %get3A_3144 : vector<16xf32>
    %add3A_3146 = arith.addf %add3A_3132, %mul3A_3145 : vector<16xf32>
    %gather3A_3147 = tpu.vector_load_idx %arg15[%get3A_3137] : memref<16xi32, #tpu.memory_space<vmem>>[vector<16xi32>], vector<16xi32>,
    %swap3A_3148 = arith.constant 80 : index
    %swap3A_3149 = tpu.vector_load %arg14[%swap3A_3148] {strides = array<i32>} : memref<128xf32, #tpu.memory_space<vmem>>, vector<16xf32>,
    tpu.vector_store %arg14[%swap3A_3148], %add3A_3146 {strides = array<i32>} : memref<128xf32, #tpu.memory_space<vmem>>, vector<16xf32>,
    %broadcast_in_dim3A_3150 = arith.constant 0 : i32
    %broadcast_in_dim3A_3151 = vector.broadcast %broadcast_in_dim3A_3150 : i32 to vector<16xi32>
    %gather3A_3152 = tpu.vector_load_idx %arg10[%broadcast_in_dim3A_3151] : memref<128xf32, #tpu.memory_space<vmem>>[vector<16xi32>], vector<16xf32>,
    %get3A_3153 = arith.constant 0 : i32
    %get3A_3154 = arith.index_cast %get3A_3153 : i32 to index
    %get3A_3155 = arith.constant 96 : index
    %get3A_3156 = tpu.vector_load %arg11[%get3A_3154, %get3A_3155] {strides = array<i32>} : memref<15x128xf32, #tpu.memory_space<vmem>>, vector<16xf32>,
    %add3A_3157 = arith.addf %gather3A_3152, %get3A_3156 : vector<16xf32>
    %broadcast_in_dim3A_3158 = arith.constant 1 : i32
    %broadcast_in_dim3A_3159 = vector.broadcast %broadcast_in_dim3A_3158 : i32 to vector<16xi32>
    %gather3A_3160 = tpu.vector_load_idx %arg10[%broadcast_in_dim3A_3159] : memref<128xf32, #tpu.memory_space<vmem>>[vector<16xi32>], vector<16xf32>,
    %get3A_3161 = arith.constant 1 : i32
    %get3A_3162 = arith.index_cast %get3A_3161 : i32 to index
    %get3A_3163 = arith.constant 96 : index
    %get3A_3164 = tpu.vector_load %arg11[%get3A_3162, %get3A_3163] {strides = array<i32>} : memref<15x128xf32, #tpu.memory_space<vmem>>, vector<16xf32>,
    %add3A_3165 = arith.addf %gather3A_3160, %get3A_3164 : vector<16xf32>
    %ge3A_3166 = arith.cmpf oge, %add3A_3157, %add3A_3165 : vector<16xf32>
    %broadcast_in_dim3A_3167 = arith.constant 0 : i32
    %broadcast_in_dim3A_3168 = vector.broadcast %broadcast_in_dim3A_3167 : i32 to vector<16xi32>
    %broadcast_in_dim3A_3169 = arith.constant 1 : i32
    %broadcast_in_dim3A_3170 = vector.broadcast %broadcast_in_dim3A_3169 : i32 to vector<16xi32>
    %select_n3A_3171 = arith.select %ge3A_3166, %broadcast_in_dim3A_3168, %broadcast_in_dim3A_3170 : vector<16xi1>, vector<16xi32>
    %broadcast_in_dim3A_3172 = arith.constant 28 : i32
    %broadcast_in_dim3A_3173 = vector.broadcast %broadcast_in_dim3A_3172 : i32 to vector<16xi32>
    %add3A_3174 = arith.addi %broadcast_in_dim3A_3173, %select_n3A_3171 : vector<16xi32>
    %gather3A_3175 = tpu.vector_load_idx %arg10[%add3A_3174] : memref<128xf32, #tpu.memory_space<vmem>>[vector<16xi32>], vector<16xf32>,
    %mul3A_3176 = arith.constant 3 : i32
    %mul3A_3177 = vector.broadcast %mul3A_3176 : i32 to vector<16xi32>
    %mul3A_3178 = arith.muli %select_n3A_3171, %mul3A_3177 : vector<16xi32>
    %broadcast_in_dim3A_3179 = arith.constant 2 : i32
    %broadcast_in_dim3A_3180 = vector.broadcast %broadcast_in_dim3A_3179 : i32 to vector<16xi32>
    %add3A_3181 = arith.addi %broadcast_in_dim3A_3180, %mul3A_3178 : vector<16xi32>
    %gather3A_3182 = tpu.vector_load_idx %arg10[%add3A_3181] : memref<128xf32, #tpu.memory_space<vmem>>[vector<16xi32>], vector<16xf32>,
    %get3A_3183 = arith.constant 2 : i32
    %get3A_3184 = arith.index_cast %get3A_3183 : i32 to index
    %get3A_3185 = arith.constant 96 : index
    %get3A_3186 = tpu.vector_load %arg11[%get3A_3184, %get3A_3185] {strides = array<i32>} : memref<15x128xf32, #tpu.memory_space<vmem>>, vector<16xf32>,
    %add3A_3187 = arith.addf %gather3A_3182, %get3A_3186 : vector<16xf32>
    %broadcast_in_dim3A_3188 = arith.constant 0 : i32
    %broadcast_in_dim3A_3189 = vector.broadcast %broadcast_in_dim3A_3188 : i32 to vector<16xi32>
    %broadcast_in_dim3A_3190 = arith.constant 3 : i32
    %broadcast_in_dim3A_3191 = vector.broadcast %broadcast_in_dim3A_3190 : i32 to vector<16xi32>
    %add3A_3192 = arith.addi %broadcast_in_dim3A_3191, %mul3A_3178 : vector<16xi32>
    %gather3A_3193 = tpu.vector_load_idx %arg10[%add3A_3192] : memref<128xf32, #tpu.memory_space<vmem>>[vector<16xi32>], vector<16xf32>,
    %get3A_3194 = arith.constant 3 : i32
    %get3A_3195 = arith.index_cast %get3A_3194 : i32 to index
    %get3A_3196 = arith.constant 96 : index
    %get3A_3197 = tpu.vector_load %arg11[%get3A_3195, %get3A_3196] {strides = array<i32>} : memref<15x128xf32, #tpu.memory_space<vmem>>, vector<16xf32>,
    %add3A_3198 = arith.addf %gather3A_3193, %get3A_3197 : vector<16xf32>
    %gt3A_3199 = arith.cmpf ogt, %add3A_3198, %add3A_3187 : vector<16xf32>
    %select_n3A_3200 = arith.select %gt3A_3199, %add3A_3198, %add3A_3187 : vector<16xi1>, vector<16xf32>
    %broadcast_in_dim3A_3201 = arith.constant 1 : i32
    %broadcast_in_dim3A_3202 = vector.broadcast %broadcast_in_dim3A_3201 : i32 to vector<16xi32>
    %select_n3A_3203 = arith.select %gt3A_3199, %broadcast_in_dim3A_3202, %broadcast_in_dim3A_3189 : vector<16xi1>, vector<16xi32>
    %broadcast_in_dim3A_3204 = arith.constant 4 : i32
    %broadcast_in_dim3A_3205 = vector.broadcast %broadcast_in_dim3A_3204 : i32 to vector<16xi32>
    %add3A_3206 = arith.addi %broadcast_in_dim3A_3205, %mul3A_3178 : vector<16xi32>
    %gather3A_3207 = tpu.vector_load_idx %arg10[%add3A_3206] : memref<128xf32, #tpu.memory_space<vmem>>[vector<16xi32>], vector<16xf32>,
    %get3A_3208 = arith.constant 4 : i32
    %get3A_3209 = arith.index_cast %get3A_3208 : i32 to index
    %get3A_3210 = arith.constant 96 : index
    %get3A_3211 = tpu.vector_load %arg11[%get3A_3209, %get3A_3210] {strides = array<i32>} : memref<15x128xf32, #tpu.memory_space<vmem>>, vector<16xf32>,
    %add3A_3212 = arith.addf %gather3A_3207, %get3A_3211 : vector<16xf32>
    %gt3A_3213 = arith.cmpf ogt, %add3A_3212, %select_n3A_3200 : vector<16xf32>
    %select_n3A_3214 = arith.select %gt3A_3213, %add3A_3212, %select_n3A_3200 : vector<16xi1>, vector<16xf32>
    %broadcast_in_dim3A_3215 = arith.constant 2 : i32
    %broadcast_in_dim3A_3216 = vector.broadcast %broadcast_in_dim3A_3215 : i32 to vector<16xi32>
    %select_n3A_3217 = arith.select %gt3A_3213, %broadcast_in_dim3A_3216, %select_n3A_3203 : vector<16xi1>, vector<16xi32>
    %broadcast_in_dim3A_3218 = arith.constant 30 : i32
    %broadcast_in_dim3A_3219 = vector.broadcast %broadcast_in_dim3A_3218 : i32 to vector<16xi32>
    %add3A_3220 = arith.addi %broadcast_in_dim3A_3219, %mul3A_3178 : vector<16xi32>
    %add3A_3221 = arith.addi %add3A_3220, %select_n3A_3217 : vector<16xi32>
    %gather3A_3222 = tpu.vector_load_idx %arg10[%add3A_3221] : memref<128xf32, #tpu.memory_space<vmem>>[vector<16xi32>], vector<16xf32>,
    %mul3A_3223 = arith.constant 3 : i32
    %mul3A_3224 = vector.broadcast %mul3A_3223 : i32 to vector<16xi32>
    %mul3A_3225 = arith.muli %select_n3A_3171, %mul3A_3224 : vector<16xi32>
    %broadcast_in_dim3A_3226 = arith.constant 8 : i32
    %broadcast_in_dim3A_3227 = vector.broadcast %broadcast_in_dim3A_3226 : i32 to vector<16xi32>
    %add3A_3228 = arith.addi %broadcast_in_dim3A_3227, %mul3A_3225 : vector<16xi32>
    %gather3A_3229 = tpu.vector_load_idx %arg10[%add3A_3228] : memref<128xf32, #tpu.memory_space<vmem>>[vector<16xi32>], vector<16xf32>,
    %get3A_3230 = arith.constant 5 : i32
    %get3A_3231 = arith.index_cast %get3A_3230 : i32 to index
    %get3A_3232 = arith.constant 96 : index
    %get3A_3233 = tpu.vector_load %arg11[%get3A_3231, %get3A_3232] {strides = array<i32>} : memref<15x128xf32, #tpu.memory_space<vmem>>, vector<16xf32>,
    %add3A_3234 = arith.addf %gather3A_3229, %get3A_3233 : vector<16xf32>
    %broadcast_in_dim3A_3235 = arith.constant 0 : i32
    %broadcast_in_dim3A_3236 = vector.broadcast %broadcast_in_dim3A_3235 : i32 to vector<16xi32>
    %broadcast_in_dim3A_3237 = arith.constant 9 : i32
    %broadcast_in_dim3A_3238 = vector.broadcast %broadcast_in_dim3A_3237 : i32 to vector<16xi32>
    %add3A_3239 = arith.addi %broadcast_in_dim3A_3238, %mul3A_3225 : vector<16xi32>
    %gather3A_3240 = tpu.vector_load_idx %arg10[%add3A_3239] : memref<128xf32, #tpu.memory_space<vmem>>[vector<16xi32>], vector<16xf32>,
    %get3A_3241 = arith.constant 6 : i32
    %get3A_3242 = arith.index_cast %get3A_3241 : i32 to index
    %get3A_3243 = arith.constant 96 : index
    %get3A_3244 = tpu.vector_load %arg11[%get3A_3242, %get3A_3243] {strides = array<i32>} : memref<15x128xf32, #tpu.memory_space<vmem>>, vector<16xf32>,
    %add3A_3245 = arith.addf %gather3A_3240, %get3A_3244 : vector<16xf32>
    %gt3A_3246 = arith.cmpf ogt, %add3A_3245, %add3A_3234 : vector<16xf32>
    %select_n3A_3247 = arith.select %gt3A_3246, %add3A_3245, %add3A_3234 : vector<16xi1>, vector<16xf32>
    %broadcast_in_dim3A_3248 = arith.constant 1 : i32
    %broadcast_in_dim3A_3249 = vector.broadcast %broadcast_in_dim3A_3248 : i32 to vector<16xi32>
    %select_n3A_3250 = arith.select %gt3A_3246, %broadcast_in_dim3A_3249, %broadcast_in_dim3A_3236 : vector<16xi1>, vector<16xi32>
    %broadcast_in_dim3A_3251 = arith.constant 10 : i32
    %broadcast_in_dim3A_3252 = vector.broadcast %broadcast_in_dim3A_3251 : i32 to vector<16xi32>
    %add3A_3253 = arith.addi %broadcast_in_dim3A_3252, %mul3A_3225 : vector<16xi32>
    %gather3A_3254 = tpu.vector_load_idx %arg10[%add3A_3253] : memref<128xf32, #tpu.memory_space<vmem>>[vector<16xi32>], vector<16xf32>,
    %get3A_3255 = arith.constant 7 : i32
    %get3A_3256 = arith.index_cast %get3A_3255 : i32 to index
    %get3A_3257 = arith.constant 96 : index
    %get3A_3258 = tpu.vector_load %arg11[%get3A_3256, %get3A_3257] {strides = array<i32>} : memref<15x128xf32, #tpu.memory_space<vmem>>, vector<16xf32>,
    %add3A_3259 = arith.addf %gather3A_3254, %get3A_3258 : vector<16xf32>
    %gt3A_3260 = arith.cmpf ogt, %add3A_3259, %select_n3A_3247 : vector<16xf32>
    %select_n3A_3261 = arith.select %gt3A_3260, %add3A_3259, %select_n3A_3247 : vector<16xi1>, vector<16xf32>
    %broadcast_in_dim3A_3262 = arith.constant 2 : i32
    %broadcast_in_dim3A_3263 = vector.broadcast %broadcast_in_dim3A_3262 : i32 to vector<16xi32>
    %select_n3A_3264 = arith.select %gt3A_3260, %broadcast_in_dim3A_3263, %select_n3A_3250 : vector<16xi1>, vector<16xi32>
    %broadcast_in_dim3A_3265 = arith.constant 36 : i32
    %broadcast_in_dim3A_3266 = vector.broadcast %broadcast_in_dim3A_3265 : i32 to vector<16xi32>
    %add3A_3267 = arith.addi %broadcast_in_dim3A_3266, %mul3A_3225 : vector<16xi32>
    %add3A_3268 = arith.addi %add3A_3267, %select_n3A_3264 : vector<16xi32>
    %gather3A_3269 = tpu.vector_load_idx %arg10[%add3A_3268] : memref<128xf32, #tpu.memory_space<vmem>>[vector<16xi32>], vector<16xf32>,
    %mul3A_3270 = arith.constant 5 : i32
    %mul3A_3271 = vector.broadcast %mul3A_3270 : i32 to vector<16xi32>
    %mul3A_3272 = arith.muli %select_n3A_3171, %mul3A_3271 : vector<16xi32>
    %broadcast_in_dim3A_3273 = arith.constant 14 : i32
    %broadcast_in_dim3A_3274 = vector.broadcast %broadcast_in_dim3A_3273 : i32 to vector<16xi32>
    %add3A_3275 = arith.addi %broadcast_in_dim3A_3274, %mul3A_3272 : vector<16xi32>
    %gather3A_3276 = tpu.vector_load_idx %arg10[%add3A_3275] : memref<128xf32, #tpu.memory_space<vmem>>[vector<16xi32>], vector<16xf32>,
    %get3A_3277 = arith.constant 8 : i32
    %get3A_3278 = arith.index_cast %get3A_3277 : i32 to index
    %get3A_3279 = arith.constant 96 : index
    %get3A_3280 = tpu.vector_load %arg11[%get3A_3278, %get3A_3279] {strides = array<i32>} : memref<15x128xf32, #tpu.memory_space<vmem>>, vector<16xf32>,
    %add3A_3281 = arith.addf %gather3A_3276, %get3A_3280 : vector<16xf32>
    %broadcast_in_dim3A_3282 = arith.constant 0 : i32
    %broadcast_in_dim3A_3283 = vector.broadcast %broadcast_in_dim3A_3282 : i32 to vector<16xi32>
    %broadcast_in_dim3A_3284 = arith.constant 15 : i32
    %broadcast_in_dim3A_3285 = vector.broadcast %broadcast_in_dim3A_3284 : i32 to vector<16xi32>
    %add3A_3286 = arith.addi %broadcast_in_dim3A_3285, %mul3A_3272 : vector<16xi32>
    %gather3A_3287 = tpu.vector_load_idx %arg10[%add3A_3286] : memref<128xf32, #tpu.memory_space<vmem>>[vector<16xi32>], vector<16xf32>,
    %get3A_3288 = arith.constant 9 : i32
    %get3A_3289 = arith.index_cast %get3A_3288 : i32 to index
    %get3A_3290 = arith.constant 96 : index
    %get3A_3291 = tpu.vector_load %arg11[%get3A_3289, %get3A_3290] {strides = array<i32>} : memref<15x128xf32, #tpu.memory_space<vmem>>, vector<16xf32>,
    %add3A_3292 = arith.addf %gather3A_3287, %get3A_3291 : vector<16xf32>
    %gt3A_3293 = arith.cmpf ogt, %add3A_3292, %add3A_3281 : vector<16xf32>
    %select_n3A_3294 = arith.select %gt3A_3293, %add3A_3292, %add3A_3281 : vector<16xi1>, vector<16xf32>
    %broadcast_in_dim3A_3295 = arith.constant 1 : i32
    %broadcast_in_dim3A_3296 = vector.broadcast %broadcast_in_dim3A_3295 : i32 to vector<16xi32>
    %select_n3A_3297 = arith.select %gt3A_3293, %broadcast_in_dim3A_3296, %broadcast_in_dim3A_3283 : vector<16xi1>, vector<16xi32>
    %broadcast_in_dim3A_3298 = arith.constant 16 : i32
    %broadcast_in_dim3A_3299 = vector.broadcast %broadcast_in_dim3A_3298 : i32 to vector<16xi32>
    %add3A_3300 = arith.addi %broadcast_in_dim3A_3299, %mul3A_3272 : vector<16xi32>
    %gather3A_3301 = tpu.vector_load_idx %arg10[%add3A_3300] : memref<128xf32, #tpu.memory_space<vmem>>[vector<16xi32>], vector<16xf32>,
    %get3A_3302 = arith.constant 10 : i32
    %get3A_3303 = arith.index_cast %get3A_3302 : i32 to index
    %get3A_3304 = arith.constant 96 : index
    %get3A_3305 = tpu.vector_load %arg11[%get3A_3303, %get3A_3304] {strides = array<i32>} : memref<15x128xf32, #tpu.memory_space<vmem>>, vector<16xf32>,
    %add3A_3306 = arith.addf %gather3A_3301, %get3A_3305 : vector<16xf32>
    %gt3A_3307 = arith.cmpf ogt, %add3A_3306, %select_n3A_3294 : vector<16xf32>
    %select_n3A_3308 = arith.select %gt3A_3307, %add3A_3306, %select_n3A_3294 : vector<16xi1>, vector<16xf32>
    %broadcast_in_dim3A_3309 = arith.constant 2 : i32
    %broadcast_in_dim3A_3310 = vector.broadcast %broadcast_in_dim3A_3309 : i32 to vector<16xi32>
    %select_n3A_3311 = arith.select %gt3A_3307, %broadcast_in_dim3A_3310, %select_n3A_3297 : vector<16xi1>, vector<16xi32>
    %broadcast_in_dim3A_3312 = arith.constant 17 : i32
    %broadcast_in_dim3A_3313 = vector.broadcast %broadcast_in_dim3A_3312 : i32 to vector<16xi32>
    %add3A_3314 = arith.addi %broadcast_in_dim3A_3313, %mul3A_3272 : vector<16xi32>
    %gather3A_3315 = tpu.vector_load_idx %arg10[%add3A_3314] : memref<128xf32, #tpu.memory_space<vmem>>[vector<16xi32>], vector<16xf32>,
    %get3A_3316 = arith.constant 11 : i32
    %get3A_3317 = arith.index_cast %get3A_3316 : i32 to index
    %get3A_3318 = arith.constant 96 : index
    %get3A_3319 = tpu.vector_load %arg11[%get3A_3317, %get3A_3318] {strides = array<i32>} : memref<15x128xf32, #tpu.memory_space<vmem>>, vector<16xf32>,
    %add3A_3320 = arith.addf %gather3A_3315, %get3A_3319 : vector<16xf32>
    %gt3A_3321 = arith.cmpf ogt, %add3A_3320, %select_n3A_3308 : vector<16xf32>
    %select_n3A_3322 = arith.select %gt3A_3321, %add3A_3320, %select_n3A_3308 : vector<16xi1>, vector<16xf32>
    %broadcast_in_dim3A_3323 = arith.constant 3 : i32
    %broadcast_in_dim3A_3324 = vector.broadcast %broadcast_in_dim3A_3323 : i32 to vector<16xi32>
    %select_n3A_3325 = arith.select %gt3A_3321, %broadcast_in_dim3A_3324, %select_n3A_3311 : vector<16xi1>, vector<16xi32>
    %broadcast_in_dim3A_3326 = arith.constant 18 : i32
    %broadcast_in_dim3A_3327 = vector.broadcast %broadcast_in_dim3A_3326 : i32 to vector<16xi32>
    %add3A_3328 = arith.addi %broadcast_in_dim3A_3327, %mul3A_3272 : vector<16xi32>
    %gather3A_3329 = tpu.vector_load_idx %arg10[%add3A_3328] : memref<128xf32, #tpu.memory_space<vmem>>[vector<16xi32>], vector<16xf32>,
    %get3A_3330 = arith.constant 12 : i32
    %get3A_3331 = arith.index_cast %get3A_3330 : i32 to index
    %get3A_3332 = arith.constant 96 : index
    %get3A_3333 = tpu.vector_load %arg11[%get3A_3331, %get3A_3332] {strides = array<i32>} : memref<15x128xf32, #tpu.memory_space<vmem>>, vector<16xf32>,
    %add3A_3334 = arith.addf %gather3A_3329, %get3A_3333 : vector<16xf32>
    %gt3A_3335 = arith.cmpf ogt, %add3A_3334, %select_n3A_3322 : vector<16xf32>
    %select_n3A_3336 = arith.select %gt3A_3335, %add3A_3334, %select_n3A_3322 : vector<16xi1>, vector<16xf32>
    %broadcast_in_dim3A_3337 = arith.constant 4 : i32
    %broadcast_in_dim3A_3338 = vector.broadcast %broadcast_in_dim3A_3337 : i32 to vector<16xi32>
    %select_n3A_3339 = arith.select %gt3A_3335, %broadcast_in_dim3A_3338, %select_n3A_3325 : vector<16xi1>, vector<16xi32>
    %broadcast_in_dim3A_3340 = arith.constant 42 : i32
    %broadcast_in_dim3A_3341 = vector.broadcast %broadcast_in_dim3A_3340 : i32 to vector<16xi32>
    %add3A_3342 = arith.addi %broadcast_in_dim3A_3341, %mul3A_3272 : vector<16xi32>
    %add3A_3343 = arith.addi %add3A_3342, %select_n3A_3339 : vector<16xi32>
    %gather3A_3344 = tpu.vector_load_idx %arg10[%add3A_3343] : memref<128xf32, #tpu.memory_space<vmem>>[vector<16xi32>], vector<16xf32>,
    %mul3A_3345 = arith.constant 2 : i32
    %mul3A_3346 = vector.broadcast %mul3A_3345 : i32 to vector<16xi32>
    %mul3A_3347 = arith.muli %select_n3A_3171, %mul3A_3346 : vector<16xi32>
    %broadcast_in_dim3A_3348 = arith.constant 24 : i32
    %broadcast_in_dim3A_3349 = vector.broadcast %broadcast_in_dim3A_3348 : i32 to vector<16xi32>
    %add3A_3350 = arith.addi %broadcast_in_dim3A_3349, %mul3A_3347 : vector<16xi32>
    %gather3A_3351 = tpu.vector_load_idx %arg10[%add3A_3350] : memref<128xf32, #tpu.memory_space<vmem>>[vector<16xi32>], vector<16xf32>,
    %get3A_3352 = arith.constant 13 : i32
    %get3A_3353 = arith.index_cast %get3A_3352 : i32 to index
    %get3A_3354 = arith.constant 96 : index
    %get3A_3355 = tpu.vector_load %arg11[%get3A_3353, %get3A_3354] {strides = array<i32>} : memref<15x128xf32, #tpu.memory_space<vmem>>, vector<16xf32>,
    %add3A_3356 = arith.addf %gather3A_3351, %get3A_3355 : vector<16xf32>
    %broadcast_in_dim3A_3357 = arith.constant 0 : i32
    %broadcast_in_dim3A_3358 = vector.broadcast %broadcast_in_dim3A_3357 : i32 to vector<16xi32>
    %broadcast_in_dim3A_3359 = arith.constant 25 : i32
    %broadcast_in_dim3A_3360 = vector.broadcast %broadcast_in_dim3A_3359 : i32 to vector<16xi32>
    %add3A_3361 = arith.addi %broadcast_in_dim3A_3360, %mul3A_3347 : vector<16xi32>
    %gather3A_3362 = tpu.vector_load_idx %arg10[%add3A_3361] : memref<128xf32, #tpu.memory_space<vmem>>[vector<16xi32>], vector<16xf32>,
    %get3A_3363 = arith.constant 14 : i32
    %get3A_3364 = arith.index_cast %get3A_3363 : i32 to index
    %get3A_3365 = arith.constant 96 : index
    %get3A_3366 = tpu.vector_load %arg11[%get3A_3364, %get3A_3365] {strides = array<i32>} : memref<15x128xf32, #tpu.memory_space<vmem>>, vector<16xf32>,
    %add3A_3367 = arith.addf %gather3A_3362, %get3A_3366 : vector<16xf32>
    %gt3A_3368 = arith.cmpf ogt, %add3A_3367, %add3A_3356 : vector<16xf32>
    %select_n3A_3369 = arith.select %gt3A_3368, %add3A_3367, %add3A_3356 : vector<16xi1>, vector<16xf32>
    %broadcast_in_dim3A_3370 = arith.constant 1 : i32
    %broadcast_in_dim3A_3371 = vector.broadcast %broadcast_in_dim3A_3370 : i32 to vector<16xi32>
    %select_n3A_3372 = arith.select %gt3A_3368, %broadcast_in_dim3A_3371, %broadcast_in_dim3A_3358 : vector<16xi1>, vector<16xi32>
    %broadcast_in_dim3A_3373 = arith.constant 52 : i32
    %broadcast_in_dim3A_3374 = vector.broadcast %broadcast_in_dim3A_3373 : i32 to vector<16xi32>
    %add3A_3375 = arith.addi %broadcast_in_dim3A_3374, %mul3A_3347 : vector<16xi32>
    %add3A_3376 = arith.addi %add3A_3375, %select_n3A_3372 : vector<16xi32>
    %gather3A_3377 = tpu.vector_load_idx %arg10[%add3A_3376] : memref<128xf32, #tpu.memory_space<vmem>>[vector<16xi32>], vector<16xf32>,
    %add3A_3378 = arith.addf %gather3A_3175, %gather3A_3222 : vector<16xf32>
    %add3A_3379 = arith.addf %add3A_3378, %gather3A_3269 : vector<16xf32>
    %add3A_3380 = arith.addf %add3A_3379, %gather3A_3344 : vector<16xf32>
    %add3A_3381 = arith.addf %add3A_3380, %gather3A_3377 : vector<16xf32>
    %get3A_3382 = arith.constant 0 : i32
    %get3A_3383 = arith.index_cast %get3A_3382 : i32 to index
    %get3A_3384 = arith.constant 96 : index
    %get3A_3385 = tpu.vector_load %arg13[%get3A_3383, %get3A_3384] {strides = array<i32>} : memref<20x128xf32, #tpu.memory_space<vmem>>, vector<16xf32>,
    %mul3A_3386 = arith.mulf %add3A_3381, %get3A_3385 : vector<16xf32>
    %mul3A_3387 = arith.constant 3 : i32
    %mul3A_3388 = vector.broadcast %mul3A_3387 : i32 to vector<16xi32>
    %mul3A_3389 = arith.muli %select_n3A_3171, %mul3A_3388 : vector<16xi32>
    %add3A_3390 = arith.addi %mul3A_3389, %select_n3A_3217 : vector<16xi32>
    %mul3A_3391 = arith.constant 3 : i32
    %mul3A_3392 = vector.broadcast %mul3A_3391 : i32 to vector<16xi32>
    %mul3A_3393 = arith.muli %add3A_3390, %mul3A_3392 : vector<16xi32>
    %add3A_3394 = arith.addi %mul3A_3393, %select_n3A_3264 : vector<16xi32>
    %mul3A_3395 = arith.constant 2 : i32
    %mul3A_3396 = vector.broadcast %mul3A_3395 : i32 to vector<16xi32>
    %mul3A_3397 = arith.muli %add3A_3394, %mul3A_3396 : vector<16xi32>
    %add3A_3398 = arith.addi %mul3A_3397, %select_n3A_3372 : vector<16xi32>
    %mul3A_3399 = arith.constant 5 : i32
    %mul3A_3400 = vector.broadcast %mul3A_3399 : i32 to vector<16xi32>
    %mul3A_3401 = arith.muli %add3A_3398, %mul3A_3400 : vector<16xi32>
    %add3A_3402 = arith.addi %mul3A_3401, %select_n3A_3339 : vector<16xi32>
    %mul3A_3403 = arith.constant 64 : i32
    %mul3A_3404 = vector.broadcast %mul3A_3403 : i32 to vector<16xi32>
    %mul3A_3405 = arith.muli %add3A_3402, %mul3A_3404 : vector<16xi32>
    %broadcast_in_dim3A_3406 = arith.constant 0 : i32
    %broadcast_in_dim3A_3407 = vector.broadcast %broadcast_in_dim3A_3406 : i32 to vector<16xi32>
    %get3A_3408 = arith.constant 0 : i32
    %get3A_3409 = arith.index_cast %get3A_3408 : i32 to index
    %get3A_3410 = arith.constant 96 : index
    %get3A_3411 = tpu.vector_load %arg12[%get3A_3409, %get3A_3410] {strides = array<i32>} : memref<19x128xi32, #tpu.memory_space<vmem>>, vector<16xi32>,
    %add3A_3412 = arith.addi %mul3A_3405, %broadcast_in_dim3A_3407 : vector<16xi32>
    %add3A_3413 = arith.addi %add3A_3412, %get3A_3411 : vector<16xi32>
    %gather3A_3414 = tpu.vector_load_idx %arg9[%add3A_3413] : memref<11520xf32, #tpu.memory_space<vmem>>[vector<16xi32>], vector<16xf32>,
    %get3A_3415 = arith.constant 1 : i32
    %get3A_3416 = arith.index_cast %get3A_3415 : i32 to index
    %get3A_3417 = arith.constant 96 : index
    %get3A_3418 = tpu.vector_load %arg13[%get3A_3416, %get3A_3417] {strides = array<i32>} : memref<20x128xf32, #tpu.memory_space<vmem>>, vector<16xf32>,
    %mul3A_3419 = arith.mulf %gather3A_3414, %get3A_3418 : vector<16xf32>
    %add3A_3420 = arith.addf %mul3A_3386, %mul3A_3419 : vector<16xf32>
    %gather3A_3421 = tpu.vector_load_idx %arg15[%get3A_3411] : memref<16xi32, #tpu.memory_space<vmem>>[vector<16xi32>], vector<16xi32>,
    %get3A_3422 = arith.constant 1 : i32
    %get3A_3423 = arith.index_cast %get3A_3422 : i32 to index
    %get3A_3424 = arith.constant 96 : index
    %get3A_3425 = tpu.vector_load %arg12[%get3A_3423, %get3A_3424] {strides = array<i32>} : memref<19x128xi32, #tpu.memory_space<vmem>>, vector<16xi32>,
    %add3A_3426 = arith.addi %mul3A_3405, %gather3A_3421 : vector<16xi32>
    %add3A_3427 = arith.addi %add3A_3426, %get3A_3425 : vector<16xi32>
    %gather3A_3428 = tpu.vector_load_idx %arg9[%add3A_3427] : memref<11520xf32, #tpu.memory_space<vmem>>[vector<16xi32>], vector<16xf32>,
    %get3A_3429 = arith.constant 2 : i32
    %get3A_3430 = arith.index_cast %get3A_3429 : i32 to index
    %get3A_3431 = arith.constant 96 : index
    %get3A_3432 = tpu.vector_load %arg13[%get3A_3430, %get3A_3431] {strides = array<i32>} : memref<20x128xf32, #tpu.memory_space<vmem>>, vector<16xf32>,
    %mul3A_3433 = arith.mulf %gather3A_3428, %get3A_3432 : vector<16xf32>
    %add3A_3434 = arith.addf %add3A_3420, %mul3A_3433 : vector<16xf32>
    %gather3A_3435 = tpu.vector_load_idx %arg15[%get3A_3425] : memref<16xi32, #tpu.memory_space<vmem>>[vector<16xi32>], vector<16xi32>,
    %get3A_3436 = arith.constant 2 : i32
    %get3A_3437 = arith.index_cast %get3A_3436 : i32 to index
    %get3A_3438 = arith.constant 96 : index
    %get3A_3439 = tpu.vector_load %arg12[%get3A_3437, %get3A_3438] {strides = array<i32>} : memref<19x128xi32, #tpu.memory_space<vmem>>, vector<16xi32>,
    %add3A_3440 = arith.addi %mul3A_3405, %gather3A_3435 : vector<16xi32>
    %add3A_3441 = arith.addi %add3A_3440, %get3A_3439 : vector<16xi32>
    %gather3A_3442 = tpu.vector_load_idx %arg9[%add3A_3441] : memref<11520xf32, #tpu.memory_space<vmem>>[vector<16xi32>], vector<16xf32>,
    %get3A_3443 = arith.constant 3 : i32
    %get3A_3444 = arith.index_cast %get3A_3443 : i32 to index
    %get3A_3445 = arith.constant 96 : index
    %get3A_3446 = tpu.vector_load %arg13[%get3A_3444, %get3A_3445] {strides = array<i32>} : memref<20x128xf32, #tpu.memory_space<vmem>>, vector<16xf32>,
    %mul3A_3447 = arith.mulf %gather3A_3442, %get3A_3446 : vector<16xf32>
    %add3A_3448 = arith.addf %add3A_3434, %mul3A_3447 : vector<16xf32>
    %gather3A_3449 = tpu.vector_load_idx %arg15[%get3A_3439] : memref<16xi32, #tpu.memory_space<vmem>>[vector<16xi32>], vector<16xi32>,
    %get3A_3450 = arith.constant 3 : i32
    %get3A_3451 = arith.index_cast %get3A_3450 : i32 to index
    %get3A_3452 = arith.constant 96 : index
    %get3A_3453 = tpu.vector_load %arg12[%get3A_3451, %get3A_3452] {strides = array<i32>} : memref<19x128xi32, #tpu.memory_space<vmem>>, vector<16xi32>,
    %add3A_3454 = arith.addi %mul3A_3405, %gather3A_3449 : vector<16xi32>
    %add3A_3455 = arith.addi %add3A_3454, %get3A_3453 : vector<16xi32>
    %gather3A_3456 = tpu.vector_load_idx %arg9[%add3A_3455] : memref<11520xf32, #tpu.memory_space<vmem>>[vector<16xi32>], vector<16xf32>,
    %get3A_3457 = arith.constant 4 : i32
    %get3A_3458 = arith.index_cast %get3A_3457 : i32 to index
    %get3A_3459 = arith.constant 96 : index
    %get3A_3460 = tpu.vector_load %arg13[%get3A_3458, %get3A_3459] {strides = array<i32>} : memref<20x128xf32, #tpu.memory_space<vmem>>, vector<16xf32>,
    %mul3A_3461 = arith.mulf %gather3A_3456, %get3A_3460 : vector<16xf32>
    %add3A_3462 = arith.addf %add3A_3448, %mul3A_3461 : vector<16xf32>
    %gather3A_3463 = tpu.vector_load_idx %arg15[%get3A_3453] : memref<16xi32, #tpu.memory_space<vmem>>[vector<16xi32>], vector<16xi32>,
    %get3A_3464 = arith.constant 4 : i32
    %get3A_3465 = arith.index_cast %get3A_3464 : i32 to index
    %get3A_3466 = arith.constant 96 : index
    %get3A_3467 = tpu.vector_load %arg12[%get3A_3465, %get3A_3466] {strides = array<i32>} : memref<19x128xi32, #tpu.memory_space<vmem>>, vector<16xi32>,
    %add3A_3468 = arith.addi %mul3A_3405, %gather3A_3463 : vector<16xi32>
    %add3A_3469 = arith.addi %add3A_3468, %get3A_3467 : vector<16xi32>
    %gather3A_3470 = tpu.vector_load_idx %arg9[%add3A_3469] : memref<11520xf32, #tpu.memory_space<vmem>>[vector<16xi32>], vector<16xf32>,
    %get3A_3471 = arith.constant 5 : i32
    %get3A_3472 = arith.index_cast %get3A_3471 : i32 to index
    %get3A_3473 = arith.constant 96 : index
    %get3A_3474 = tpu.vector_load %arg13[%get3A_3472, %get3A_3473] {strides = array<i32>} : memref<20x128xf32, #tpu.memory_space<vmem>>, vector<16xf32>,
    %mul3A_3475 = arith.mulf %gather3A_3470, %get3A_3474 : vector<16xf32>
    %add3A_3476 = arith.addf %add3A_3462, %mul3A_3475 : vector<16xf32>
    %gather3A_3477 = tpu.vector_load_idx %arg15[%get3A_3467] : memref<16xi32, #tpu.memory_space<vmem>>[vector<16xi32>], vector<16xi32>,
    %get3A_3478 = arith.constant 5 : i32
    %get3A_3479 = arith.index_cast %get3A_3478 : i32 to index
    %get3A_3480 = arith.constant 96 : index
    %get3A_3481 = tpu.vector_load %arg12[%get3A_3479, %get3A_3480] {strides = array<i32>} : memref<19x128xi32, #tpu.memory_space<vmem>>, vector<16xi32>,
    %add3A_3482 = arith.addi %mul3A_3405, %gather3A_3477 : vector<16xi32>
    %add3A_3483 = arith.addi %add3A_3482, %get3A_3481 : vector<16xi32>
    %gather3A_3484 = tpu.vector_load_idx %arg9[%add3A_3483] : memref<11520xf32, #tpu.memory_space<vmem>>[vector<16xi32>], vector<16xf32>,
    %get3A_3485 = arith.constant 6 : i32
    %get3A_3486 = arith.index_cast %get3A_3485 : i32 to index
    %get3A_3487 = arith.constant 96 : index
    %get3A_3488 = tpu.vector_load %arg13[%get3A_3486, %get3A_3487] {strides = array<i32>} : memref<20x128xf32, #tpu.memory_space<vmem>>, vector<16xf32>,
    %mul3A_3489 = arith.mulf %gather3A_3484, %get3A_3488 : vector<16xf32>
    %add3A_3490 = arith.addf %add3A_3476, %mul3A_3489 : vector<16xf32>
    %gather3A_3491 = tpu.vector_load_idx %arg15[%get3A_3481] : memref<16xi32, #tpu.memory_space<vmem>>[vector<16xi32>], vector<16xi32>,
    %get3A_3492 = arith.constant 6 : i32
    %get3A_3493 = arith.index_cast %get3A_3492 : i32 to index
    %get3A_3494 = arith.constant 96 : index
    %get3A_3495 = tpu.vector_load %arg12[%get3A_3493, %get3A_3494] {strides = array<i32>} : memref<19x128xi32, #tpu.memory_space<vmem>>, vector<16xi32>,
    %add3A_3496 = arith.addi %mul3A_3405, %gather3A_3491 : vector<16xi32>
    %add3A_3497 = arith.addi %add3A_3496, %get3A_3495 : vector<16xi32>
    %gather3A_3498 = tpu.vector_load_idx %arg9[%add3A_3497] : memref<11520xf32, #tpu.memory_space<vmem>>[vector<16xi32>], vector<16xf32>,
    %get3A_3499 = arith.constant 7 : i32
    %get3A_3500 = arith.index_cast %get3A_3499 : i32 to index
    %get3A_3501 = arith.constant 96 : index
    %get3A_3502 = tpu.vector_load %arg13[%get3A_3500, %get3A_3501] {strides = array<i32>} : memref<20x128xf32, #tpu.memory_space<vmem>>, vector<16xf32>,
    %mul3A_3503 = arith.mulf %gather3A_3498, %get3A_3502 : vector<16xf32>
    %add3A_3504 = arith.addf %add3A_3490, %mul3A_3503 : vector<16xf32>
    %gather3A_3505 = tpu.vector_load_idx %arg15[%get3A_3495] : memref<16xi32, #tpu.memory_space<vmem>>[vector<16xi32>], vector<16xi32>,
    %get3A_3506 = arith.constant 7 : i32
    %get3A_3507 = arith.index_cast %get3A_3506 : i32 to index
    %get3A_3508 = arith.constant 96 : index
    %get3A_3509 = tpu.vector_load %arg12[%get3A_3507, %get3A_3508] {strides = array<i32>} : memref<19x128xi32, #tpu.memory_space<vmem>>, vector<16xi32>,
    %add3A_3510 = arith.addi %mul3A_3405, %gather3A_3505 : vector<16xi32>
    %add3A_3511 = arith.addi %add3A_3510, %get3A_3509 : vector<16xi32>
    %gather3A_3512 = tpu.vector_load_idx %arg9[%add3A_3511] : memref<11520xf32, #tpu.memory_space<vmem>>[vector<16xi32>], vector<16xf32>,
    %get3A_3513 = arith.constant 8 : i32
    %get3A_3514 = arith.index_cast %get3A_3513 : i32 to index
    %get3A_3515 = arith.constant 96 : index
    %get3A_3516 = tpu.vector_load %arg13[%get3A_3514, %get3A_3515] {strides = array<i32>} : memref<20x128xf32, #tpu.memory_space<vmem>>, vector<16xf32>,
    %mul3A_3517 = arith.mulf %gather3A_3512, %get3A_3516 : vector<16xf32>
    %add3A_3518 = arith.addf %add3A_3504, %mul3A_3517 : vector<16xf32>
    %gather3A_3519 = tpu.vector_load_idx %arg15[%get3A_3509] : memref<16xi32, #tpu.memory_space<vmem>>[vector<16xi32>], vector<16xi32>,
    %get3A_3520 = arith.constant 8 : i32
    %get3A_3521 = arith.index_cast %get3A_3520 : i32 to index
    %get3A_3522 = arith.constant 96 : index
    %get3A_3523 = tpu.vector_load %arg12[%get3A_3521, %get3A_3522] {strides = array<i32>} : memref<19x128xi32, #tpu.memory_space<vmem>>, vector<16xi32>,
    %add3A_3524 = arith.addi %mul3A_3405, %gather3A_3519 : vector<16xi32>
    %add3A_3525 = arith.addi %add3A_3524, %get3A_3523 : vector<16xi32>
    %gather3A_3526 = tpu.vector_load_idx %arg9[%add3A_3525] : memref<11520xf32, #tpu.memory_space<vmem>>[vector<16xi32>], vector<16xf32>,
    %get3A_3527 = arith.constant 9 : i32
    %get3A_3528 = arith.index_cast %get3A_3527 : i32 to index
    %get3A_3529 = arith.constant 96 : index
    %get3A_3530 = tpu.vector_load %arg13[%get3A_3528, %get3A_3529] {strides = array<i32>} : memref<20x128xf32, #tpu.memory_space<vmem>>, vector<16xf32>,
    %mul3A_3531 = arith.mulf %gather3A_3526, %get3A_3530 : vector<16xf32>
    %add3A_3532 = arith.addf %add3A_3518, %mul3A_3531 : vector<16xf32>
    %gather3A_3533 = tpu.vector_load_idx %arg15[%get3A_3523] : memref<16xi32, #tpu.memory_space<vmem>>[vector<16xi32>], vector<16xi32>,
    %get3A_3534 = arith.constant 9 : i32
    %get3A_3535 = arith.index_cast %get3A_3534 : i32 to index
    %get3A_3536 = arith.constant 96 : index
    %get3A_3537 = tpu.vector_load %arg12[%get3A_3535, %get3A_3536] {strides = array<i32>} : memref<19x128xi32, #tpu.memory_space<vmem>>, vector<16xi32>,
    %add3A_3538 = arith.addi %mul3A_3405, %gather3A_3533 : vector<16xi32>
    %add3A_3539 = arith.addi %add3A_3538, %get3A_3537 : vector<16xi32>
    %gather3A_3540 = tpu.vector_load_idx %arg9[%add3A_3539] : memref<11520xf32, #tpu.memory_space<vmem>>[vector<16xi32>], vector<16xf32>,
    %get3A_3541 = arith.constant 10 : i32
    %get3A_3542 = arith.index_cast %get3A_3541 : i32 to index
    %get3A_3543 = arith.constant 96 : index
    %get3A_3544 = tpu.vector_load %arg13[%get3A_3542, %get3A_3543] {strides = array<i32>} : memref<20x128xf32, #tpu.memory_space<vmem>>, vector<16xf32>,
    %mul3A_3545 = arith.mulf %gather3A_3540, %get3A_3544 : vector<16xf32>
    %add3A_3546 = arith.addf %add3A_3532, %mul3A_3545 : vector<16xf32>
    %gather3A_3547 = tpu.vector_load_idx %arg15[%get3A_3537] : memref<16xi32, #tpu.memory_space<vmem>>[vector<16xi32>], vector<16xi32>,
    %get3A_3548 = arith.constant 10 : i32
    %get3A_3549 = arith.index_cast %get3A_3548 : i32 to index
    %get3A_3550 = arith.constant 96 : index
    %get3A_3551 = tpu.vector_load %arg12[%get3A_3549, %get3A_3550] {strides = array<i32>} : memref<19x128xi32, #tpu.memory_space<vmem>>, vector<16xi32>,
    %add3A_3552 = arith.addi %mul3A_3405, %gather3A_3547 : vector<16xi32>
    %add3A_3553 = arith.addi %add3A_3552, %get3A_3551 : vector<16xi32>
    %gather3A_3554 = tpu.vector_load_idx %arg9[%add3A_3553] : memref<11520xf32, #tpu.memory_space<vmem>>[vector<16xi32>], vector<16xf32>,
    %get3A_3555 = arith.constant 11 : i32
    %get3A_3556 = arith.index_cast %get3A_3555 : i32 to index
    %get3A_3557 = arith.constant 96 : index
    %get3A_3558 = tpu.vector_load %arg13[%get3A_3556, %get3A_3557] {strides = array<i32>} : memref<20x128xf32, #tpu.memory_space<vmem>>, vector<16xf32>,
    %mul3A_3559 = arith.mulf %gather3A_3554, %get3A_3558 : vector<16xf32>
    %add3A_3560 = arith.addf %add3A_3546, %mul3A_3559 : vector<16xf32>
    %gather3A_3561 = tpu.vector_load_idx %arg15[%get3A_3551] : memref<16xi32, #tpu.memory_space<vmem>>[vector<16xi32>], vector<16xi32>,
    %get3A_3562 = arith.constant 11 : i32
    %get3A_3563 = arith.index_cast %get3A_3562 : i32 to index
    %get3A_3564 = arith.constant 96 : index
    %get3A_3565 = tpu.vector_load %arg12[%get3A_3563, %get3A_3564] {strides = array<i32>} : memref<19x128xi32, #tpu.memory_space<vmem>>, vector<16xi32>,
    %add3A_3566 = arith.addi %mul3A_3405, %gather3A_3561 : vector<16xi32>
    %add3A_3567 = arith.addi %add3A_3566, %get3A_3565 : vector<16xi32>
    %gather3A_3568 = tpu.vector_load_idx %arg9[%add3A_3567] : memref<11520xf32, #tpu.memory_space<vmem>>[vector<16xi32>], vector<16xf32>,
    %get3A_3569 = arith.constant 12 : i32
    %get3A_3570 = arith.index_cast %get3A_3569 : i32 to index
    %get3A_3571 = arith.constant 96 : index
    %get3A_3572 = tpu.vector_load %arg13[%get3A_3570, %get3A_3571] {strides = array<i32>} : memref<20x128xf32, #tpu.memory_space<vmem>>, vector<16xf32>,
    %mul3A_3573 = arith.mulf %gather3A_3568, %get3A_3572 : vector<16xf32>
    %add3A_3574 = arith.addf %add3A_3560, %mul3A_3573 : vector<16xf32>
    %gather3A_3575 = tpu.vector_load_idx %arg15[%get3A_3565] : memref<16xi32, #tpu.memory_space<vmem>>[vector<16xi32>], vector<16xi32>,
    %get3A_3576 = arith.constant 12 : i32
    %get3A_3577 = arith.index_cast %get3A_3576 : i32 to index
    %get3A_3578 = arith.constant 96 : index
    %get3A_3579 = tpu.vector_load %arg12[%get3A_3577, %get3A_3578] {strides = array<i32>} : memref<19x128xi32, #tpu.memory_space<vmem>>, vector<16xi32>,
    %add3A_3580 = arith.addi %mul3A_3405, %gather3A_3575 : vector<16xi32>
    %add3A_3581 = arith.addi %add3A_3580, %get3A_3579 : vector<16xi32>
    %gather3A_3582 = tpu.vector_load_idx %arg9[%add3A_3581] : memref<11520xf32, #tpu.memory_space<vmem>>[vector<16xi32>], vector<16xf32>,
    %get3A_3583 = arith.constant 13 : i32
    %get3A_3584 = arith.index_cast %get3A_3583 : i32 to index
    %get3A_3585 = arith.constant 96 : index
    %get3A_3586 = tpu.vector_load %arg13[%get3A_3584, %get3A_3585] {strides = array<i32>} : memref<20x128xf32, #tpu.memory_space<vmem>>, vector<16xf32>,
    %mul3A_3587 = arith.mulf %gather3A_3582, %get3A_3586 : vector<16xf32>
    %add3A_3588 = arith.addf %add3A_3574, %mul3A_3587 : vector<16xf32>
    %gather3A_3589 = tpu.vector_load_idx %arg15[%get3A_3579] : memref<16xi32, #tpu.memory_space<vmem>>[vector<16xi32>], vector<16xi32>,
    %get3A_3590 = arith.constant 13 : i32
    %get3A_3591 = arith.index_cast %get3A_3590 : i32 to index
    %get3A_3592 = arith.constant 96 : index
    %get3A_3593 = tpu.vector_load %arg12[%get3A_3591, %get3A_3592] {strides = array<i32>} : memref<19x128xi32, #tpu.memory_space<vmem>>, vector<16xi32>,
    %add3A_3594 = arith.addi %mul3A_3405, %gather3A_3589 : vector<16xi32>
    %add3A_3595 = arith.addi %add3A_3594, %get3A_3593 : vector<16xi32>
    %gather3A_3596 = tpu.vector_load_idx %arg9[%add3A_3595] : memref<11520xf32, #tpu.memory_space<vmem>>[vector<16xi32>], vector<16xf32>,
    %get3A_3597 = arith.constant 14 : i32
    %get3A_3598 = arith.index_cast %get3A_3597 : i32 to index
    %get3A_3599 = arith.constant 96 : index
    %get3A_3600 = tpu.vector_load %arg13[%get3A_3598, %get3A_3599] {strides = array<i32>} : memref<20x128xf32, #tpu.memory_space<vmem>>, vector<16xf32>,
    %mul3A_3601 = arith.mulf %gather3A_3596, %get3A_3600 : vector<16xf32>
    %add3A_3602 = arith.addf %add3A_3588, %mul3A_3601 : vector<16xf32>
    %gather3A_3603 = tpu.vector_load_idx %arg15[%get3A_3593] : memref<16xi32, #tpu.memory_space<vmem>>[vector<16xi32>], vector<16xi32>,
    %get3A_3604 = arith.constant 14 : i32
    %get3A_3605 = arith.index_cast %get3A_3604 : i32 to index
    %get3A_3606 = arith.constant 96 : index
    %get3A_3607 = tpu.vector_load %arg12[%get3A_3605, %get3A_3606] {strides = array<i32>} : memref<19x128xi32, #tpu.memory_space<vmem>>, vector<16xi32>,
    %add3A_3608 = arith.addi %mul3A_3405, %gather3A_3603 : vector<16xi32>
    %add3A_3609 = arith.addi %add3A_3608, %get3A_3607 : vector<16xi32>
    %gather3A_3610 = tpu.vector_load_idx %arg9[%add3A_3609] : memref<11520xf32, #tpu.memory_space<vmem>>[vector<16xi32>], vector<16xf32>,
    %get3A_3611 = arith.constant 15 : i32
    %get3A_3612 = arith.index_cast %get3A_3611 : i32 to index
    %get3A_3613 = arith.constant 96 : index
    %get3A_3614 = tpu.vector_load %arg13[%get3A_3612, %get3A_3613] {strides = array<i32>} : memref<20x128xf32, #tpu.memory_space<vmem>>, vector<16xf32>,
    %mul3A_3615 = arith.mulf %gather3A_3610, %get3A_3614 : vector<16xf32>
    %add3A_3616 = arith.addf %add3A_3602, %mul3A_3615 : vector<16xf32>
    %gather3A_3617 = tpu.vector_load_idx %arg15[%get3A_3607] : memref<16xi32, #tpu.memory_space<vmem>>[vector<16xi32>], vector<16xi32>,
    %get3A_3618 = arith.constant 15 : i32
    %get3A_3619 = arith.index_cast %get3A_3618 : i32 to index
    %get3A_3620 = arith.constant 96 : index
    %get3A_3621 = tpu.vector_load %arg12[%get3A_3619, %get3A_3620] {strides = array<i32>} : memref<19x128xi32, #tpu.memory_space<vmem>>, vector<16xi32>,
    %add3A_3622 = arith.addi %mul3A_3405, %gather3A_3617 : vector<16xi32>
    %add3A_3623 = arith.addi %add3A_3622, %get3A_3621 : vector<16xi32>
    %gather3A_3624 = tpu.vector_load_idx %arg9[%add3A_3623] : memref<11520xf32, #tpu.memory_space<vmem>>[vector<16xi32>], vector<16xf32>,
    %get3A_3625 = arith.constant 16 : i32
    %get3A_3626 = arith.index_cast %get3A_3625 : i32 to index
    %get3A_3627 = arith.constant 96 : index
    %get3A_3628 = tpu.vector_load %arg13[%get3A_3626, %get3A_3627] {strides = array<i32>} : memref<20x128xf32, #tpu.memory_space<vmem>>, vector<16xf32>,
    %mul3A_3629 = arith.mulf %gather3A_3624, %get3A_3628 : vector<16xf32>
    %add3A_3630 = arith.addf %add3A_3616, %mul3A_3629 : vector<16xf32>
    %gather3A_3631 = tpu.vector_load_idx %arg15[%get3A_3621] : memref<16xi32, #tpu.memory_space<vmem>>[vector<16xi32>], vector<16xi32>,
    %get3A_3632 = arith.constant 16 : i32
    %get3A_3633 = arith.index_cast %get3A_3632 : i32 to index
    %get3A_3634 = arith.constant 96 : index
    %get3A_3635 = tpu.vector_load %arg12[%get3A_3633, %get3A_3634] {strides = array<i32>} : memref<19x128xi32, #tpu.memory_space<vmem>>, vector<16xi32>,
    %add3A_3636 = arith.addi %mul3A_3405, %gather3A_3631 : vector<16xi32>
    %add3A_3637 = arith.addi %add3A_3636, %get3A_3635 : vector<16xi32>
    %gather3A_3638 = tpu.vector_load_idx %arg9[%add3A_3637] : memref<11520xf32, #tpu.memory_space<vmem>>[vector<16xi32>], vector<16xf32>,
    %get3A_3639 = arith.constant 17 : i32
    %get3A_3640 = arith.index_cast %get3A_3639 : i32 to index
    %get3A_3641 = arith.constant 96 : index
    %get3A_3642 = tpu.vector_load %arg13[%get3A_3640, %get3A_3641] {strides = array<i32>} : memref<20x128xf32, #tpu.memory_space<vmem>>, vector<16xf32>,
    %mul3A_3643 = arith.mulf %gather3A_3638, %get3A_3642 : vector<16xf32>
    %add3A_3644 = arith.addf %add3A_3630, %mul3A_3643 : vector<16xf32>
    %gather3A_3645 = tpu.vector_load_idx %arg15[%get3A_3635] : memref<16xi32, #tpu.memory_space<vmem>>[vector<16xi32>], vector<16xi32>,
    %get3A_3646 = arith.constant 17 : i32
    %get3A_3647 = arith.index_cast %get3A_3646 : i32 to index
    %get3A_3648 = arith.constant 96 : index
    %get3A_3649 = tpu.vector_load %arg12[%get3A_3647, %get3A_3648] {strides = array<i32>} : memref<19x128xi32, #tpu.memory_space<vmem>>, vector<16xi32>,
    %add3A_3650 = arith.addi %mul3A_3405, %gather3A_3645 : vector<16xi32>
    %add3A_3651 = arith.addi %add3A_3650, %get3A_3649 : vector<16xi32>
    %gather3A_3652 = tpu.vector_load_idx %arg9[%add3A_3651] : memref<11520xf32, #tpu.memory_space<vmem>>[vector<16xi32>], vector<16xf32>,
    %get3A_3653 = arith.constant 18 : i32
    %get3A_3654 = arith.index_cast %get3A_3653 : i32 to index
    %get3A_3655 = arith.constant 96 : index
    %get3A_3656 = tpu.vector_load %arg13[%get3A_3654, %get3A_3655] {strides = array<i32>} : memref<20x128xf32, #tpu.memory_space<vmem>>, vector<16xf32>,
    %mul3A_3657 = arith.mulf %gather3A_3652, %get3A_3656 : vector<16xf32>
    %add3A_3658 = arith.addf %add3A_3644, %mul3A_3657 : vector<16xf32>
    %gather3A_3659 = tpu.vector_load_idx %arg15[%get3A_3649] : memref<16xi32, #tpu.memory_space<vmem>>[vector<16xi32>], vector<16xi32>,
    %get3A_3660 = arith.constant 18 : i32
    %get3A_3661 = arith.index_cast %get3A_3660 : i32 to index
    %get3A_3662 = arith.constant 96 : index
    %get3A_3663 = tpu.vector_load %arg12[%get3A_3661, %get3A_3662] {strides = array<i32>} : memref<19x128xi32, #tpu.memory_space<vmem>>, vector<16xi32>,
    %add3A_3664 = arith.addi %mul3A_3405, %gather3A_3659 : vector<16xi32>
    %add3A_3665 = arith.addi %add3A_3664, %get3A_3663 : vector<16xi32>
    %gather3A_3666 = tpu.vector_load_idx %arg9[%add3A_3665] : memref<11520xf32, #tpu.memory_space<vmem>>[vector<16xi32>], vector<16xf32>,
    %get3A_3667 = arith.constant 19 : i32
    %get3A_3668 = arith.index_cast %get3A_3667 : i32 to index
    %get3A_3669 = arith.constant 96 : index
    %get3A_3670 = tpu.vector_load %arg13[%get3A_3668, %get3A_3669] {strides = array<i32>} : memref<20x128xf32, #tpu.memory_space<vmem>>, vector<16xf32>,
    %mul3A_3671 = arith.mulf %gather3A_3666, %get3A_3670 : vector<16xf32>
    %add3A_3672 = arith.addf %add3A_3658, %mul3A_3671 : vector<16xf32>
    %gather3A_3673 = tpu.vector_load_idx %arg15[%get3A_3663] : memref<16xi32, #tpu.memory_space<vmem>>[vector<16xi32>], vector<16xi32>,
    %swap3A_3674 = arith.constant 96 : index
    %swap3A_3675 = tpu.vector_load %arg14[%swap3A_3674] {strides = array<i32>} : memref<128xf32, #tpu.memory_space<vmem>>, vector<16xf32>,
    tpu.vector_store %arg14[%swap3A_3674], %add3A_3672 {strides = array<i32>} : memref<128xf32, #tpu.memory_space<vmem>>, vector<16xf32>,
    %broadcast_in_dim3A_3676 = arith.constant 0 : i32
    %broadcast_in_dim3A_3677 = vector.broadcast %broadcast_in_dim3A_3676 : i32 to vector<16xi32>
    %gather3A_3678 = tpu.vector_load_idx %arg10[%broadcast_in_dim3A_3677] : memref<128xf32, #tpu.memory_space<vmem>>[vector<16xi32>], vector<16xf32>,
    %get3A_3679 = arith.constant 0 : i32
    %get3A_3680 = arith.index_cast %get3A_3679 : i32 to index
    %get3A_3681 = arith.constant 112 : index
    %get3A_3682 = tpu.vector_load %arg11[%get3A_3680, %get3A_3681] {strides = array<i32>} : memref<15x128xf32, #tpu.memory_space<vmem>>, vector<16xf32>,
    %add3A_3683 = arith.addf %gather3A_3678, %get3A_3682 : vector<16xf32>
    %broadcast_in_dim3A_3684 = arith.constant 1 : i32
    %broadcast_in_dim3A_3685 = vector.broadcast %broadcast_in_dim3A_3684 : i32 to vector<16xi32>
    %gather3A_3686 = tpu.vector_load_idx %arg10[%broadcast_in_dim3A_3685] : memref<128xf32, #tpu.memory_space<vmem>>[vector<16xi32>], vector<16xf32>,
    %get3A_3687 = arith.constant 1 : i32
    %get3A_3688 = arith.index_cast %get3A_3687 : i32 to index
    %get3A_3689 = arith.constant 112 : index
    %get3A_3690 = tpu.vector_load %arg11[%get3A_3688, %get3A_3689] {strides = array<i32>} : memref<15x128xf32, #tpu.memory_space<vmem>>, vector<16xf32>,
    %add3A_3691 = arith.addf %gather3A_3686, %get3A_3690 : vector<16xf32>
    %ge3A_3692 = arith.cmpf oge, %add3A_3683, %add3A_3691 : vector<16xf32>
    %broadcast_in_dim3A_3693 = arith.constant 0 : i32
    %broadcast_in_dim3A_3694 = vector.broadcast %broadcast_in_dim3A_3693 : i32 to vector<16xi32>
    %broadcast_in_dim3A_3695 = arith.constant 1 : i32
    %broadcast_in_dim3A_3696 = vector.broadcast %broadcast_in_dim3A_3695 : i32 to vector<16xi32>
    %select_n3A_3697 = arith.select %ge3A_3692, %broadcast_in_dim3A_3694, %broadcast_in_dim3A_3696 : vector<16xi1>, vector<16xi32>
    %broadcast_in_dim3A_3698 = arith.constant 28 : i32
    %broadcast_in_dim3A_3699 = vector.broadcast %broadcast_in_dim3A_3698 : i32 to vector<16xi32>
    %add3A_3700 = arith.addi %broadcast_in_dim3A_3699, %select_n3A_3697 : vector<16xi32>
    %gather3A_3701 = tpu.vector_load_idx %arg10[%add3A_3700] : memref<128xf32, #tpu.memory_space<vmem>>[vector<16xi32>], vector<16xf32>,
    %mul3A_3702 = arith.constant 3 : i32
    %mul3A_3703 = vector.broadcast %mul3A_3702 : i32 to vector<16xi32>
    %mul3A_3704 = arith.muli %select_n3A_3697, %mul3A_3703 : vector<16xi32>
    %broadcast_in_dim3A_3705 = arith.constant 2 : i32
    %broadcast_in_dim3A_3706 = vector.broadcast %broadcast_in_dim3A_3705 : i32 to vector<16xi32>
    %add3A_3707 = arith.addi %broadcast_in_dim3A_3706, %mul3A_3704 : vector<16xi32>
    %gather3A_3708 = tpu.vector_load_idx %arg10[%add3A_3707] : memref<128xf32, #tpu.memory_space<vmem>>[vector<16xi32>], vector<16xf32>,
    %get3A_3709 = arith.constant 2 : i32
    %get3A_3710 = arith.index_cast %get3A_3709 : i32 to index
    %get3A_3711 = arith.constant 112 : index
    %get3A_3712 = tpu.vector_load %arg11[%get3A_3710, %get3A_3711] {strides = array<i32>} : memref<15x128xf32, #tpu.memory_space<vmem>>, vector<16xf32>,
    %add3A_3713 = arith.addf %gather3A_3708, %get3A_3712 : vector<16xf32>
    %broadcast_in_dim3A_3714 = arith.constant 0 : i32
    %broadcast_in_dim3A_3715 = vector.broadcast %broadcast_in_dim3A_3714 : i32 to vector<16xi32>
    %broadcast_in_dim3A_3716 = arith.constant 3 : i32
    %broadcast_in_dim3A_3717 = vector.broadcast %broadcast_in_dim3A_3716 : i32 to vector<16xi32>
    %add3A_3718 = arith.addi %broadcast_in_dim3A_3717, %mul3A_3704 : vector<16xi32>
    %gather3A_3719 = tpu.vector_load_idx %arg10[%add3A_3718] : memref<128xf32, #tpu.memory_space<vmem>>[vector<16xi32>], vector<16xf32>,
    %get3A_3720 = arith.constant 3 : i32
    %get3A_3721 = arith.index_cast %get3A_3720 : i32 to index
    %get3A_3722 = arith.constant 112 : index
    %get3A_3723 = tpu.vector_load %arg11[%get3A_3721, %get3A_3722] {strides = array<i32>} : memref<15x128xf32, #tpu.memory_space<vmem>>, vector<16xf32>,
    %add3A_3724 = arith.addf %gather3A_3719, %get3A_3723 : vector<16xf32>
    %gt3A_3725 = arith.cmpf ogt, %add3A_3724, %add3A_3713 : vector<16xf32>
    %select_n3A_3726 = arith.select %gt3A_3725, %add3A_3724, %add3A_3713 : vector<16xi1>, vector<16xf32>
    %broadcast_in_dim3A_3727 = arith.constant 1 : i32
    %broadcast_in_dim3A_3728 = vector.broadcast %broadcast_in_dim3A_3727 : i32 to vector<16xi32>
    %select_n3A_3729 = arith.select %gt3A_3725, %broadcast_in_dim3A_3728, %broadcast_in_dim3A_3715 : vector<16xi1>, vector<16xi32>
    %broadcast_in_dim3A_3730 = arith.constant 4 : i32
    %broadcast_in_dim3A_3731 = vector.broadcast %broadcast_in_dim3A_3730 : i32 to vector<16xi32>
    %add3A_3732 = arith.addi %broadcast_in_dim3A_3731, %mul3A_3704 : vector<16xi32>
    %gather3A_3733 = tpu.vector_load_idx %arg10[%add3A_3732] : memref<128xf32, #tpu.memory_space<vmem>>[vector<16xi32>], vector<16xf32>,
    %get3A_3734 = arith.constant 4 : i32
    %get3A_3735 = arith.index_cast %get3A_3734 : i32 to index
    %get3A_3736 = arith.constant 112 : index
    %get3A_3737 = tpu.vector_load %arg11[%get3A_3735, %get3A_3736] {strides = array<i32>} : memref<15x128xf32, #tpu.memory_space<vmem>>, vector<16xf32>,
    %add3A_3738 = arith.addf %gather3A_3733, %get3A_3737 : vector<16xf32>
    %gt3A_3739 = arith.cmpf ogt, %add3A_3738, %select_n3A_3726 : vector<16xf32>
    %select_n3A_3740 = arith.select %gt3A_3739, %add3A_3738, %select_n3A_3726 : vector<16xi1>, vector<16xf32>
    %broadcast_in_dim3A_3741 = arith.constant 2 : i32
    %broadcast_in_dim3A_3742 = vector.broadcast %broadcast_in_dim3A_3741 : i32 to vector<16xi32>
    %select_n3A_3743 = arith.select %gt3A_3739, %broadcast_in_dim3A_3742, %select_n3A_3729 : vector<16xi1>, vector<16xi32>
    %broadcast_in_dim3A_3744 = arith.constant 30 : i32
    %broadcast_in_dim3A_3745 = vector.broadcast %broadcast_in_dim3A_3744 : i32 to vector<16xi32>
    %add3A_3746 = arith.addi %broadcast_in_dim3A_3745, %mul3A_3704 : vector<16xi32>
    %add3A_3747 = arith.addi %add3A_3746, %select_n3A_3743 : vector<16xi32>
    %gather3A_3748 = tpu.vector_load_idx %arg10[%add3A_3747] : memref<128xf32, #tpu.memory_space<vmem>>[vector<16xi32>], vector<16xf32>,
    %mul3A_3749 = arith.constant 3 : i32
    %mul3A_3750 = vector.broadcast %mul3A_3749 : i32 to vector<16xi32>
    %mul3A_3751 = arith.muli %select_n3A_3697, %mul3A_3750 : vector<16xi32>
    %broadcast_in_dim3A_3752 = arith.constant 8 : i32
    %broadcast_in_dim3A_3753 = vector.broadcast %broadcast_in_dim3A_3752 : i32 to vector<16xi32>
    %add3A_3754 = arith.addi %broadcast_in_dim3A_3753, %mul3A_3751 : vector<16xi32>
    %gather3A_3755 = tpu.vector_load_idx %arg10[%add3A_3754] : memref<128xf32, #tpu.memory_space<vmem>>[vector<16xi32>], vector<16xf32>,
    %get3A_3756 = arith.constant 5 : i32
    %get3A_3757 = arith.index_cast %get3A_3756 : i32 to index
    %get3A_3758 = arith.constant 112 : index
    %get3A_3759 = tpu.vector_load %arg11[%get3A_3757, %get3A_3758] {strides = array<i32>} : memref<15x128xf32, #tpu.memory_space<vmem>>, vector<16xf32>,
    %add3A_3760 = arith.addf %gather3A_3755, %get3A_3759 : vector<16xf32>
    %broadcast_in_dim3A_3761 = arith.constant 0 : i32
    %broadcast_in_dim3A_3762 = vector.broadcast %broadcast_in_dim3A_3761 : i32 to vector<16xi32>
    %broadcast_in_dim3A_3763 = arith.constant 9 : i32
    %broadcast_in_dim3A_3764 = vector.broadcast %broadcast_in_dim3A_3763 : i32 to vector<16xi32>
    %add3A_3765 = arith.addi %broadcast_in_dim3A_3764, %mul3A_3751 : vector<16xi32>
    %gather3A_3766 = tpu.vector_load_idx %arg10[%add3A_3765] : memref<128xf32, #tpu.memory_space<vmem>>[vector<16xi32>], vector<16xf32>,
    %get3A_3767 = arith.constant 6 : i32
    %get3A_3768 = arith.index_cast %get3A_3767 : i32 to index
    %get3A_3769 = arith.constant 112 : index
    %get3A_3770 = tpu.vector_load %arg11[%get3A_3768, %get3A_3769] {strides = array<i32>} : memref<15x128xf32, #tpu.memory_space<vmem>>, vector<16xf32>,
    %add3A_3771 = arith.addf %gather3A_3766, %get3A_3770 : vector<16xf32>
    %gt3A_3772 = arith.cmpf ogt, %add3A_3771, %add3A_3760 : vector<16xf32>
    %select_n3A_3773 = arith.select %gt3A_3772, %add3A_3771, %add3A_3760 : vector<16xi1>, vector<16xf32>
    %broadcast_in_dim3A_3774 = arith.constant 1 : i32
    %broadcast_in_dim3A_3775 = vector.broadcast %broadcast_in_dim3A_3774 : i32 to vector<16xi32>
    %select_n3A_3776 = arith.select %gt3A_3772, %broadcast_in_dim3A_3775, %broadcast_in_dim3A_3762 : vector<16xi1>, vector<16xi32>
    %broadcast_in_dim3A_3777 = arith.constant 10 : i32
    %broadcast_in_dim3A_3778 = vector.broadcast %broadcast_in_dim3A_3777 : i32 to vector<16xi32>
    %add3A_3779 = arith.addi %broadcast_in_dim3A_3778, %mul3A_3751 : vector<16xi32>
    %gather3A_3780 = tpu.vector_load_idx %arg10[%add3A_3779] : memref<128xf32, #tpu.memory_space<vmem>>[vector<16xi32>], vector<16xf32>,
    %get3A_3781 = arith.constant 7 : i32
    %get3A_3782 = arith.index_cast %get3A_3781 : i32 to index
    %get3A_3783 = arith.constant 112 : index
    %get3A_3784 = tpu.vector_load %arg11[%get3A_3782, %get3A_3783] {strides = array<i32>} : memref<15x128xf32, #tpu.memory_space<vmem>>, vector<16xf32>,
    %add3A_3785 = arith.addf %gather3A_3780, %get3A_3784 : vector<16xf32>
    %gt3A_3786 = arith.cmpf ogt, %add3A_3785, %select_n3A_3773 : vector<16xf32>
    %select_n3A_3787 = arith.select %gt3A_3786, %add3A_3785, %select_n3A_3773 : vector<16xi1>, vector<16xf32>
    %broadcast_in_dim3A_3788 = arith.constant 2 : i32
    %broadcast_in_dim3A_3789 = vector.broadcast %broadcast_in_dim3A_3788 : i32 to vector<16xi32>
    %select_n3A_3790 = arith.select %gt3A_3786, %broadcast_in_dim3A_3789, %select_n3A_3776 : vector<16xi1>, vector<16xi32>
    %broadcast_in_dim3A_3791 = arith.constant 36 : i32
    %broadcast_in_dim3A_3792 = vector.broadcast %broadcast_in_dim3A_3791 : i32 to vector<16xi32>
    %add3A_3793 = arith.addi %broadcast_in_dim3A_3792, %mul3A_3751 : vector<16xi32>
    %add3A_3794 = arith.addi %add3A_3793, %select_n3A_3790 : vector<16xi32>
    %gather3A_3795 = tpu.vector_load_idx %arg10[%add3A_3794] : memref<128xf32, #tpu.memory_space<vmem>>[vector<16xi32>], vector<16xf32>,
    %mul3A_3796 = arith.constant 5 : i32
    %mul3A_3797 = vector.broadcast %mul3A_3796 : i32 to vector<16xi32>
    %mul3A_3798 = arith.muli %select_n3A_3697, %mul3A_3797 : vector<16xi32>
    %broadcast_in_dim3A_3799 = arith.constant 14 : i32
    %broadcast_in_dim3A_3800 = vector.broadcast %broadcast_in_dim3A_3799 : i32 to vector<16xi32>
    %add3A_3801 = arith.addi %broadcast_in_dim3A_3800, %mul3A_3798 : vector<16xi32>
    %gather3A_3802 = tpu.vector_load_idx %arg10[%add3A_3801] : memref<128xf32, #tpu.memory_space<vmem>>[vector<16xi32>], vector<16xf32>,
    %get3A_3803 = arith.constant 8 : i32
    %get3A_3804 = arith.index_cast %get3A_3803 : i32 to index
    %get3A_3805 = arith.constant 112 : index
    %get3A_3806 = tpu.vector_load %arg11[%get3A_3804, %get3A_3805] {strides = array<i32>} : memref<15x128xf32, #tpu.memory_space<vmem>>, vector<16xf32>,
    %add3A_3807 = arith.addf %gather3A_3802, %get3A_3806 : vector<16xf32>
    %broadcast_in_dim3A_3808 = arith.constant 0 : i32
    %broadcast_in_dim3A_3809 = vector.broadcast %broadcast_in_dim3A_3808 : i32 to vector<16xi32>
    %broadcast_in_dim3A_3810 = arith.constant 15 : i32
    %broadcast_in_dim3A_3811 = vector.broadcast %broadcast_in_dim3A_3810 : i32 to vector<16xi32>
    %add3A_3812 = arith.addi %broadcast_in_dim3A_3811, %mul3A_3798 : vector<16xi32>
    %gather3A_3813 = tpu.vector_load_idx %arg10[%add3A_3812] : memref<128xf32, #tpu.memory_space<vmem>>[vector<16xi32>], vector<16xf32>,
    %get3A_3814 = arith.constant 9 : i32
    %get3A_3815 = arith.index_cast %get3A_3814 : i32 to index
    %get3A_3816 = arith.constant 112 : index
    %get3A_3817 = tpu.vector_load %arg11[%get3A_3815, %get3A_3816] {strides = array<i32>} : memref<15x128xf32, #tpu.memory_space<vmem>>, vector<16xf32>,
    %add3A_3818 = arith.addf %gather3A_3813, %get3A_3817 : vector<16xf32>
    %gt3A_3819 = arith.cmpf ogt, %add3A_3818, %add3A_3807 : vector<16xf32>
    %select_n3A_3820 = arith.select %gt3A_3819, %add3A_3818, %add3A_3807 : vector<16xi1>, vector<16xf32>
    %broadcast_in_dim3A_3821 = arith.constant 1 : i32
    %broadcast_in_dim3A_3822 = vector.broadcast %broadcast_in_dim3A_3821 : i32 to vector<16xi32>
    %select_n3A_3823 = arith.select %gt3A_3819, %broadcast_in_dim3A_3822, %broadcast_in_dim3A_3809 : vector<16xi1>, vector<16xi32>
    %broadcast_in_dim3A_3824 = arith.constant 16 : i32
    %broadcast_in_dim3A_3825 = vector.broadcast %broadcast_in_dim3A_3824 : i32 to vector<16xi32>
    %add3A_3826 = arith.addi %broadcast_in_dim3A_3825, %mul3A_3798 : vector<16xi32>
    %gather3A_3827 = tpu.vector_load_idx %arg10[%add3A_3826] : memref<128xf32, #tpu.memory_space<vmem>>[vector<16xi32>], vector<16xf32>,
    %get3A_3828 = arith.constant 10 : i32
    %get3A_3829 = arith.index_cast %get3A_3828 : i32 to index
    %get3A_3830 = arith.constant 112 : index
    %get3A_3831 = tpu.vector_load %arg11[%get3A_3829, %get3A_3830] {strides = array<i32>} : memref<15x128xf32, #tpu.memory_space<vmem>>, vector<16xf32>,
    %add3A_3832 = arith.addf %gather3A_3827, %get3A_3831 : vector<16xf32>
    %gt3A_3833 = arith.cmpf ogt, %add3A_3832, %select_n3A_3820 : vector<16xf32>
    %select_n3A_3834 = arith.select %gt3A_3833, %add3A_3832, %select_n3A_3820 : vector<16xi1>, vector<16xf32>
    %broadcast_in_dim3A_3835 = arith.constant 2 : i32
    %broadcast_in_dim3A_3836 = vector.broadcast %broadcast_in_dim3A_3835 : i32 to vector<16xi32>
    %select_n3A_3837 = arith.select %gt3A_3833, %broadcast_in_dim3A_3836, %select_n3A_3823 : vector<16xi1>, vector<16xi32>
    %broadcast_in_dim3A_3838 = arith.constant 17 : i32
    %broadcast_in_dim3A_3839 = vector.broadcast %broadcast_in_dim3A_3838 : i32 to vector<16xi32>
    %add3A_3840 = arith.addi %broadcast_in_dim3A_3839, %mul3A_3798 : vector<16xi32>
    %gather3A_3841 = tpu.vector_load_idx %arg10[%add3A_3840] : memref<128xf32, #tpu.memory_space<vmem>>[vector<16xi32>], vector<16xf32>,
    %get3A_3842 = arith.constant 11 : i32
    %get3A_3843 = arith.index_cast %get3A_3842 : i32 to index
    %get3A_3844 = arith.constant 112 : index
    %get3A_3845 = tpu.vector_load %arg11[%get3A_3843, %get3A_3844] {strides = array<i32>} : memref<15x128xf32, #tpu.memory_space<vmem>>, vector<16xf32>,
    %add3A_3846 = arith.addf %gather3A_3841, %get3A_3845 : vector<16xf32>
    %gt3A_3847 = arith.cmpf ogt, %add3A_3846, %select_n3A_3834 : vector<16xf32>
    %select_n3A_3848 = arith.select %gt3A_3847, %add3A_3846, %select_n3A_3834 : vector<16xi1>, vector<16xf32>
    %broadcast_in_dim3A_3849 = arith.constant 3 : i32
    %broadcast_in_dim3A_3850 = vector.broadcast %broadcast_in_dim3A_3849 : i32 to vector<16xi32>
    %select_n3A_3851 = arith.select %gt3A_3847, %broadcast_in_dim3A_3850, %select_n3A_3837 : vector<16xi1>, vector<16xi32>
    %broadcast_in_dim3A_3852 = arith.constant 18 : i32
    %broadcast_in_dim3A_3853 = vector.broadcast %broadcast_in_dim3A_3852 : i32 to vector<16xi32>
    %add3A_3854 = arith.addi %broadcast_in_dim3A_3853, %mul3A_3798 : vector<16xi32>
    %gather3A_3855 = tpu.vector_load_idx %arg10[%add3A_3854] : memref<128xf32, #tpu.memory_space<vmem>>[vector<16xi32>], vector<16xf32>,
    %get3A_3856 = arith.constant 12 : i32
    %get3A_3857 = arith.index_cast %get3A_3856 : i32 to index
    %get3A_3858 = arith.constant 112 : index
    %get3A_3859 = tpu.vector_load %arg11[%get3A_3857, %get3A_3858] {strides = array<i32>} : memref<15x128xf32, #tpu.memory_space<vmem>>, vector<16xf32>,
    %add3A_3860 = arith.addf %gather3A_3855, %get3A_3859 : vector<16xf32>
    %gt3A_3861 = arith.cmpf ogt, %add3A_3860, %select_n3A_3848 : vector<16xf32>
    %select_n3A_3862 = arith.select %gt3A_3861, %add3A_3860, %select_n3A_3848 : vector<16xi1>, vector<16xf32>
    %broadcast_in_dim3A_3863 = arith.constant 4 : i32
    %broadcast_in_dim3A_3864 = vector.broadcast %broadcast_in_dim3A_3863 : i32 to vector<16xi32>
    %select_n3A_3865 = arith.select %gt3A_3861, %broadcast_in_dim3A_3864, %select_n3A_3851 : vector<16xi1>, vector<16xi32>
    %broadcast_in_dim3A_3866 = arith.constant 42 : i32
    %broadcast_in_dim3A_3867 = vector.broadcast %broadcast_in_dim3A_3866 : i32 to vector<16xi32>
    %add3A_3868 = arith.addi %broadcast_in_dim3A_3867, %mul3A_3798 : vector<16xi32>
    %add3A_3869 = arith.addi %add3A_3868, %select_n3A_3865 : vector<16xi32>
    %gather3A_3870 = tpu.vector_load_idx %arg10[%add3A_3869] : memref<128xf32, #tpu.memory_space<vmem>>[vector<16xi32>], vector<16xf32>,
    %mul3A_3871 = arith.constant 2 : i32
    %mul3A_3872 = vector.broadcast %mul3A_3871 : i32 to vector<16xi32>
    %mul3A_3873 = arith.muli %select_n3A_3697, %mul3A_3872 : vector<16xi32>
    %broadcast_in_dim3A_3874 = arith.constant 24 : i32
    %broadcast_in_dim3A_3875 = vector.broadcast %broadcast_in_dim3A_3874 : i32 to vector<16xi32>
    %add3A_3876 = arith.addi %broadcast_in_dim3A_3875, %mul3A_3873 : vector<16xi32>
    %gather3A_3877 = tpu.vector_load_idx %arg10[%add3A_3876] : memref<128xf32, #tpu.memory_space<vmem>>[vector<16xi32>], vector<16xf32>,
    %get3A_3878 = arith.constant 13 : i32
    %get3A_3879 = arith.index_cast %get3A_3878 : i32 to index
    %get3A_3880 = arith.constant 112 : index
    %get3A_3881 = tpu.vector_load %arg11[%get3A_3879, %get3A_3880] {strides = array<i32>} : memref<15x128xf32, #tpu.memory_space<vmem>>, vector<16xf32>,
    %add3A_3882 = arith.addf %gather3A_3877, %get3A_3881 : vector<16xf32>
    %broadcast_in_dim3A_3883 = arith.constant 0 : i32
    %broadcast_in_dim3A_3884 = vector.broadcast %broadcast_in_dim3A_3883 : i32 to vector<16xi32>
    %broadcast_in_dim3A_3885 = arith.constant 25 : i32
    %broadcast_in_dim3A_3886 = vector.broadcast %broadcast_in_dim3A_3885 : i32 to vector<16xi32>
    %add3A_3887 = arith.addi %broadcast_in_dim3A_3886, %mul3A_3873 : vector<16xi32>
    %gather3A_3888 = tpu.vector_load_idx %arg10[%add3A_3887] : memref<128xf32, #tpu.memory_space<vmem>>[vector<16xi32>], vector<16xf32>,
    %get3A_3889 = arith.constant 14 : i32
    %get3A_3890 = arith.index_cast %get3A_3889 : i32 to index
    %get3A_3891 = arith.constant 112 : index
    %get3A_3892 = tpu.vector_load %arg11[%get3A_3890, %get3A_3891] {strides = array<i32>} : memref<15x128xf32, #tpu.memory_space<vmem>>, vector<16xf32>,
    %add3A_3893 = arith.addf %gather3A_3888, %get3A_3892 : vector<16xf32>
    %gt3A_3894 = arith.cmpf ogt, %add3A_3893, %add3A_3882 : vector<16xf32>
    %select_n3A_3895 = arith.select %gt3A_3894, %add3A_3893, %add3A_3882 : vector<16xi1>, vector<16xf32>
    %broadcast_in_dim3A_3896 = arith.constant 1 : i32
    %broadcast_in_dim3A_3897 = vector.broadcast %broadcast_in_dim3A_3896 : i32 to vector<16xi32>
    %select_n3A_3898 = arith.select %gt3A_3894, %broadcast_in_dim3A_3897, %broadcast_in_dim3A_3884 : vector<16xi1>, vector<16xi32>
    %broadcast_in_dim3A_3899 = arith.constant 52 : i32
    %broadcast_in_dim3A_3900 = vector.broadcast %broadcast_in_dim3A_3899 : i32 to vector<16xi32>
    %add3A_3901 = arith.addi %broadcast_in_dim3A_3900, %mul3A_3873 : vector<16xi32>
    %add3A_3902 = arith.addi %add3A_3901, %select_n3A_3898 : vector<16xi32>
    %gather3A_3903 = tpu.vector_load_idx %arg10[%add3A_3902] : memref<128xf32, #tpu.memory_space<vmem>>[vector<16xi32>], vector<16xf32>,
    %add3A_3904 = arith.addf %gather3A_3701, %gather3A_3748 : vector<16xf32>
    %add3A_3905 = arith.addf %add3A_3904, %gather3A_3795 : vector<16xf32>
    %add3A_3906 = arith.addf %add3A_3905, %gather3A_3870 : vector<16xf32>
    %add3A_3907 = arith.addf %add3A_3906, %gather3A_3903 : vector<16xf32>
    %get3A_3908 = arith.constant 0 : i32
    %get3A_3909 = arith.index_cast %get3A_3908 : i32 to index
    %get3A_3910 = arith.constant 112 : index
    %get3A_3911 = tpu.vector_load %arg13[%get3A_3909, %get3A_3910] {strides = array<i32>} : memref<20x128xf32, #tpu.memory_space<vmem>>, vector<16xf32>,
    %mul3A_3912 = arith.mulf %add3A_3907, %get3A_3911 : vector<16xf32>
    %mul3A_3913 = arith.constant 3 : i32
    %mul3A_3914 = vector.broadcast %mul3A_3913 : i32 to vector<16xi32>
    %mul3A_3915 = arith.muli %select_n3A_3697, %mul3A_3914 : vector<16xi32>
    %add3A_3916 = arith.addi %mul3A_3915, %select_n3A_3743 : vector<16xi32>
    %mul3A_3917 = arith.constant 3 : i32
    %mul3A_3918 = vector.broadcast %mul3A_3917 : i32 to vector<16xi32>
    %mul3A_3919 = arith.muli %add3A_3916, %mul3A_3918 : vector<16xi32>
    %add3A_3920 = arith.addi %mul3A_3919, %select_n3A_3790 : vector<16xi32>
    %mul3A_3921 = arith.constant 2 : i32
    %mul3A_3922 = vector.broadcast %mul3A_3921 : i32 to vector<16xi32>
    %mul3A_3923 = arith.muli %add3A_3920, %mul3A_3922 : vector<16xi32>
    %add3A_3924 = arith.addi %mul3A_3923, %select_n3A_3898 : vector<16xi32>
    %mul3A_3925 = arith.constant 5 : i32
    %mul3A_3926 = vector.broadcast %mul3A_3925 : i32 to vector<16xi32>
    %mul3A_3927 = arith.muli %add3A_3924, %mul3A_3926 : vector<16xi32>
    %add3A_3928 = arith.addi %mul3A_3927, %select_n3A_3865 : vector<16xi32>
    %mul3A_3929 = arith.constant 64 : i32
    %mul3A_3930 = vector.broadcast %mul3A_3929 : i32 to vector<16xi32>
    %mul3A_3931 = arith.muli %add3A_3928, %mul3A_3930 : vector<16xi32>
    %broadcast_in_dim3A_3932 = arith.constant 0 : i32
    %broadcast_in_dim3A_3933 = vector.broadcast %broadcast_in_dim3A_3932 : i32 to vector<16xi32>
    %get3A_3934 = arith.constant 0 : i32
    %get3A_3935 = arith.index_cast %get3A_3934 : i32 to index
    %get3A_3936 = arith.constant 112 : index
    %get3A_3937 = tpu.vector_load %arg12[%get3A_3935, %get3A_3936] {strides = array<i32>} : memref<19x128xi32, #tpu.memory_space<vmem>>, vector<16xi32>,
    %add3A_3938 = arith.addi %mul3A_3931, %broadcast_in_dim3A_3933 : vector<16xi32>
    %add3A_3939 = arith.addi %add3A_3938, %get3A_3937 : vector<16xi32>
    %gather3A_3940 = tpu.vector_load_idx %arg9[%add3A_3939] : memref<11520xf32, #tpu.memory_space<vmem>>[vector<16xi32>], vector<16xf32>,
    %get3A_3941 = arith.constant 1 : i32
    %get3A_3942 = arith.index_cast %get3A_3941 : i32 to index
    %get3A_3943 = arith.constant 112 : index
    %get3A_3944 = tpu.vector_load %arg13[%get3A_3942, %get3A_3943] {strides = array<i32>} : memref<20x128xf32, #tpu.memory_space<vmem>>, vector<16xf32>,
    %mul3A_3945 = arith.mulf %gather3A_3940, %get3A_3944 : vector<16xf32>
    %add3A_3946 = arith.addf %mul3A_3912, %mul3A_3945 : vector<16xf32>
    %gather3A_3947 = tpu.vector_load_idx %arg15[%get3A_3937] : memref<16xi32, #tpu.memory_space<vmem>>[vector<16xi32>], vector<16xi32>,
    %get3A_3948 = arith.constant 1 : i32
    %get3A_3949 = arith.index_cast %get3A_3948 : i32 to index
    %get3A_3950 = arith.constant 112 : index
    %get3A_3951 = tpu.vector_load %arg12[%get3A_3949, %get3A_3950] {strides = array<i32>} : memref<19x128xi32, #tpu.memory_space<vmem>>, vector<16xi32>,
    %add3A_3952 = arith.addi %mul3A_3931, %gather3A_3947 : vector<16xi32>
    %add3A_3953 = arith.addi %add3A_3952, %get3A_3951 : vector<16xi32>
    %gather3A_3954 = tpu.vector_load_idx %arg9[%add3A_3953] : memref<11520xf32, #tpu.memory_space<vmem>>[vector<16xi32>], vector<16xf32>,
    %get3A_3955 = arith.constant 2 : i32
    %get3A_3956 = arith.index_cast %get3A_3955 : i32 to index
    %get3A_3957 = arith.constant 112 : index
    %get3A_3958 = tpu.vector_load %arg13[%get3A_3956, %get3A_3957] {strides = array<i32>} : memref<20x128xf32, #tpu.memory_space<vmem>>, vector<16xf32>,
    %mul3A_3959 = arith.mulf %gather3A_3954, %get3A_3958 : vector<16xf32>
    %add3A_3960 = arith.addf %add3A_3946, %mul3A_3959 : vector<16xf32>
    %gather3A_3961 = tpu.vector_load_idx %arg15[%get3A_3951] : memref<16xi32, #tpu.memory_space<vmem>>[vector<16xi32>], vector<16xi32>,
    %get3A_3962 = arith.constant 2 : i32
    %get3A_3963 = arith.index_cast %get3A_3962 : i32 to index
    %get3A_3964 = arith.constant 112 : index
    %get3A_3965 = tpu.vector_load %arg12[%get3A_3963, %get3A_3964] {strides = array<i32>} : memref<19x128xi32, #tpu.memory_space<vmem>>, vector<16xi32>,
    %add3A_3966 = arith.addi %mul3A_3931, %gather3A_3961 : vector<16xi32>
    %add3A_3967 = arith.addi %add3A_3966, %get3A_3965 : vector<16xi32>
    %gather3A_3968 = tpu.vector_load_idx %arg9[%add3A_3967] : memref<11520xf32, #tpu.memory_space<vmem>>[vector<16xi32>], vector<16xf32>,
    %get3A_3969 = arith.constant 3 : i32
    %get3A_3970 = arith.index_cast %get3A_3969 : i32 to index
    %get3A_3971 = arith.constant 112 : index
    %get3A_3972 = tpu.vector_load %arg13[%get3A_3970, %get3A_3971] {strides = array<i32>} : memref<20x128xf32, #tpu.memory_space<vmem>>, vector<16xf32>,
    %mul3A_3973 = arith.mulf %gather3A_3968, %get3A_3972 : vector<16xf32>
    %add3A_3974 = arith.addf %add3A_3960, %mul3A_3973 : vector<16xf32>
    %gather3A_3975 = tpu.vector_load_idx %arg15[%get3A_3965] : memref<16xi32, #tpu.memory_space<vmem>>[vector<16xi32>], vector<16xi32>,
    %get3A_3976 = arith.constant 3 : i32
    %get3A_3977 = arith.index_cast %get3A_3976 : i32 to index
    %get3A_3978 = arith.constant 112 : index
    %get3A_3979 = tpu.vector_load %arg12[%get3A_3977, %get3A_3978] {strides = array<i32>} : memref<19x128xi32, #tpu.memory_space<vmem>>, vector<16xi32>,
    %add3A_3980 = arith.addi %mul3A_3931, %gather3A_3975 : vector<16xi32>
    %add3A_3981 = arith.addi %add3A_3980, %get3A_3979 : vector<16xi32>
    %gather3A_3982 = tpu.vector_load_idx %arg9[%add3A_3981] : memref<11520xf32, #tpu.memory_space<vmem>>[vector<16xi32>], vector<16xf32>,
    %get3A_3983 = arith.constant 4 : i32
    %get3A_3984 = arith.index_cast %get3A_3983 : i32 to index
    %get3A_3985 = arith.constant 112 : index
    %get3A_3986 = tpu.vector_load %arg13[%get3A_3984, %get3A_3985] {strides = array<i32>} : memref<20x128xf32, #tpu.memory_space<vmem>>, vector<16xf32>,
    %mul3A_3987 = arith.mulf %gather3A_3982, %get3A_3986 : vector<16xf32>
    %add3A_3988 = arith.addf %add3A_3974, %mul3A_3987 : vector<16xf32>
    %gather3A_3989 = tpu.vector_load_idx %arg15[%get3A_3979] : memref<16xi32, #tpu.memory_space<vmem>>[vector<16xi32>], vector<16xi32>,
    %get3A_3990 = arith.constant 4 : i32
    %get3A_3991 = arith.index_cast %get3A_3990 : i32 to index
    %get3A_3992 = arith.constant 112 : index
    %get3A_3993 = tpu.vector_load %arg12[%get3A_3991, %get3A_3992] {strides = array<i32>} : memref<19x128xi32, #tpu.memory_space<vmem>>, vector<16xi32>,
    %add3A_3994 = arith.addi %mul3A_3931, %gather3A_3989 : vector<16xi32>
    %add3A_3995 = arith.addi %add3A_3994, %get3A_3993 : vector<16xi32>
    %gather3A_3996 = tpu.vector_load_idx %arg9[%add3A_3995] : memref<11520xf32, #tpu.memory_space<vmem>>[vector<16xi32>], vector<16xf32>,
    %get3A_3997 = arith.constant 5 : i32
    %get3A_3998 = arith.index_cast %get3A_3997 : i32 to index
    %get3A_3999 = arith.constant 112 : index
    %get3A_4000 = tpu.vector_load %arg13[%get3A_3998, %get3A_3999] {strides = array<i32>} : memref<20x128xf32, #tpu.memory_space<vmem>>, vector<16xf32>,
    %mul3A_4001 = arith.mulf %gather3A_3996, %get3A_4000 : vector<16xf32>
    %add3A_4002 = arith.addf %add3A_3988, %mul3A_4001 : vector<16xf32>
    %gather3A_4003 = tpu.vector_load_idx %arg15[%get3A_3993] : memref<16xi32, #tpu.memory_space<vmem>>[vector<16xi32>], vector<16xi32>,
    %get3A_4004 = arith.constant 5 : i32
    %get3A_4005 = arith.index_cast %get3A_4004 : i32 to index
    %get3A_4006 = arith.constant 112 : index
    %get3A_4007 = tpu.vector_load %arg12[%get3A_4005, %get3A_4006] {strides = array<i32>} : memref<19x128xi32, #tpu.memory_space<vmem>>, vector<16xi32>,
    %add3A_4008 = arith.addi %mul3A_3931, %gather3A_4003 : vector<16xi32>
    %add3A_4009 = arith.addi %add3A_4008, %get3A_4007 : vector<16xi32>
    %gather3A_4010 = tpu.vector_load_idx %arg9[%add3A_4009] : memref<11520xf32, #tpu.memory_space<vmem>>[vector<16xi32>], vector<16xf32>,
    %get3A_4011 = arith.constant 6 : i32
    %get3A_4012 = arith.index_cast %get3A_4011 : i32 to index
    %get3A_4013 = arith.constant 112 : index
    %get3A_4014 = tpu.vector_load %arg13[%get3A_4012, %get3A_4013] {strides = array<i32>} : memref<20x128xf32, #tpu.memory_space<vmem>>, vector<16xf32>,
    %mul3A_4015 = arith.mulf %gather3A_4010, %get3A_4014 : vector<16xf32>
    %add3A_4016 = arith.addf %add3A_4002, %mul3A_4015 : vector<16xf32>
    %gather3A_4017 = tpu.vector_load_idx %arg15[%get3A_4007] : memref<16xi32, #tpu.memory_space<vmem>>[vector<16xi32>], vector<16xi32>,
    %get3A_4018 = arith.constant 6 : i32
    %get3A_4019 = arith.index_cast %get3A_4018 : i32 to index
    %get3A_4020 = arith.constant 112 : index
    %get3A_4021 = tpu.vector_load %arg12[%get3A_4019, %get3A_4020] {strides = array<i32>} : memref<19x128xi32, #tpu.memory_space<vmem>>, vector<16xi32>,
    %add3A_4022 = arith.addi %mul3A_3931, %gather3A_4017 : vector<16xi32>
    %add3A_4023 = arith.addi %add3A_4022, %get3A_4021 : vector<16xi32>
    %gather3A_4024 = tpu.vector_load_idx %arg9[%add3A_4023] : memref<11520xf32, #tpu.memory_space<vmem>>[vector<16xi32>], vector<16xf32>,
    %get3A_4025 = arith.constant 7 : i32
    %get3A_4026 = arith.index_cast %get3A_4025 : i32 to index
    %get3A_4027 = arith.constant 112 : index
    %get3A_4028 = tpu.vector_load %arg13[%get3A_4026, %get3A_4027] {strides = array<i32>} : memref<20x128xf32, #tpu.memory_space<vmem>>, vector<16xf32>,
    %mul3A_4029 = arith.mulf %gather3A_4024, %get3A_4028 : vector<16xf32>
    %add3A_4030 = arith.addf %add3A_4016, %mul3A_4029 : vector<16xf32>
    %gather3A_4031 = tpu.vector_load_idx %arg15[%get3A_4021] : memref<16xi32, #tpu.memory_space<vmem>>[vector<16xi32>], vector<16xi32>,
    %get3A_4032 = arith.constant 7 : i32
    %get3A_4033 = arith.index_cast %get3A_4032 : i32 to index
    %get3A_4034 = arith.constant 112 : index
    %get3A_4035 = tpu.vector_load %arg12[%get3A_4033, %get3A_4034] {strides = array<i32>} : memref<19x128xi32, #tpu.memory_space<vmem>>, vector<16xi32>,
    %add3A_4036 = arith.addi %mul3A_3931, %gather3A_4031 : vector<16xi32>
    %add3A_4037 = arith.addi %add3A_4036, %get3A_4035 : vector<16xi32>
    %gather3A_4038 = tpu.vector_load_idx %arg9[%add3A_4037] : memref<11520xf32, #tpu.memory_space<vmem>>[vector<16xi32>], vector<16xf32>,
    %get3A_4039 = arith.constant 8 : i32
    %get3A_4040 = arith.index_cast %get3A_4039 : i32 to index
    %get3A_4041 = arith.constant 112 : index
    %get3A_4042 = tpu.vector_load %arg13[%get3A_4040, %get3A_4041] {strides = array<i32>} : memref<20x128xf32, #tpu.memory_space<vmem>>, vector<16xf32>,
    %mul3A_4043 = arith.mulf %gather3A_4038, %get3A_4042 : vector<16xf32>
    %add3A_4044 = arith.addf %add3A_4030, %mul3A_4043 : vector<16xf32>
    %gather3A_4045 = tpu.vector_load_idx %arg15[%get3A_4035] : memref<16xi32, #tpu.memory_space<vmem>>[vector<16xi32>], vector<16xi32>,
    %get3A_4046 = arith.constant 8 : i32
    %get3A_4047 = arith.index_cast %get3A_4046 : i32 to index
    %get3A_4048 = arith.constant 112 : index
    %get3A_4049 = tpu.vector_load %arg12[%get3A_4047, %get3A_4048] {strides = array<i32>} : memref<19x128xi32, #tpu.memory_space<vmem>>, vector<16xi32>,
    %add3A_4050 = arith.addi %mul3A_3931, %gather3A_4045 : vector<16xi32>
    %add3A_4051 = arith.addi %add3A_4050, %get3A_4049 : vector<16xi32>
    %gather3A_4052 = tpu.vector_load_idx %arg9[%add3A_4051] : memref<11520xf32, #tpu.memory_space<vmem>>[vector<16xi32>], vector<16xf32>,
    %get3A_4053 = arith.constant 9 : i32
    %get3A_4054 = arith.index_cast %get3A_4053 : i32 to index
    %get3A_4055 = arith.constant 112 : index
    %get3A_4056 = tpu.vector_load %arg13[%get3A_4054, %get3A_4055] {strides = array<i32>} : memref<20x128xf32, #tpu.memory_space<vmem>>, vector<16xf32>,
    %mul3A_4057 = arith.mulf %gather3A_4052, %get3A_4056 : vector<16xf32>
    %add3A_4058 = arith.addf %add3A_4044, %mul3A_4057 : vector<16xf32>
    %gather3A_4059 = tpu.vector_load_idx %arg15[%get3A_4049] : memref<16xi32, #tpu.memory_space<vmem>>[vector<16xi32>], vector<16xi32>,
    %get3A_4060 = arith.constant 9 : i32
    %get3A_4061 = arith.index_cast %get3A_4060 : i32 to index
    %get3A_4062 = arith.constant 112 : index
    %get3A_4063 = tpu.vector_load %arg12[%get3A_4061, %get3A_4062] {strides = array<i32>} : memref<19x128xi32, #tpu.memory_space<vmem>>, vector<16xi32>,
    %add3A_4064 = arith.addi %mul3A_3931, %gather3A_4059 : vector<16xi32>
    %add3A_4065 = arith.addi %add3A_4064, %get3A_4063 : vector<16xi32>
    %gather3A_4066 = tpu.vector_load_idx %arg9[%add3A_4065] : memref<11520xf32, #tpu.memory_space<vmem>>[vector<16xi32>], vector<16xf32>,
    %get3A_4067 = arith.constant 10 : i32
    %get3A_4068 = arith.index_cast %get3A_4067 : i32 to index
    %get3A_4069 = arith.constant 112 : index
    %get3A_4070 = tpu.vector_load %arg13[%get3A_4068, %get3A_4069] {strides = array<i32>} : memref<20x128xf32, #tpu.memory_space<vmem>>, vector<16xf32>,
    %mul3A_4071 = arith.mulf %gather3A_4066, %get3A_4070 : vector<16xf32>
    %add3A_4072 = arith.addf %add3A_4058, %mul3A_4071 : vector<16xf32>
    %gather3A_4073 = tpu.vector_load_idx %arg15[%get3A_4063] : memref<16xi32, #tpu.memory_space<vmem>>[vector<16xi32>], vector<16xi32>,
    %get3A_4074 = arith.constant 10 : i32
    %get3A_4075 = arith.index_cast %get3A_4074 : i32 to index
    %get3A_4076 = arith.constant 112 : index
    %get3A_4077 = tpu.vector_load %arg12[%get3A_4075, %get3A_4076] {strides = array<i32>} : memref<19x128xi32, #tpu.memory_space<vmem>>, vector<16xi32>,
    %add3A_4078 = arith.addi %mul3A_3931, %gather3A_4073 : vector<16xi32>
    %add3A_4079 = arith.addi %add3A_4078, %get3A_4077 : vector<16xi32>
    %gather3A_4080 = tpu.vector_load_idx %arg9[%add3A_4079] : memref<11520xf32, #tpu.memory_space<vmem>>[vector<16xi32>], vector<16xf32>,
    %get3A_4081 = arith.constant 11 : i32
    %get3A_4082 = arith.index_cast %get3A_4081 : i32 to index
    %get3A_4083 = arith.constant 112 : index
    %get3A_4084 = tpu.vector_load %arg13[%get3A_4082, %get3A_4083] {strides = array<i32>} : memref<20x128xf32, #tpu.memory_space<vmem>>, vector<16xf32>,
    %mul3A_4085 = arith.mulf %gather3A_4080, %get3A_4084 : vector<16xf32>
    %add3A_4086 = arith.addf %add3A_4072, %mul3A_4085 : vector<16xf32>
    %gather3A_4087 = tpu.vector_load_idx %arg15[%get3A_4077] : memref<16xi32, #tpu.memory_space<vmem>>[vector<16xi32>], vector<16xi32>,
    %get3A_4088 = arith.constant 11 : i32
    %get3A_4089 = arith.index_cast %get3A_4088 : i32 to index
    %get3A_4090 = arith.constant 112 : index
    %get3A_4091 = tpu.vector_load %arg12[%get3A_4089, %get3A_4090] {strides = array<i32>} : memref<19x128xi32, #tpu.memory_space<vmem>>, vector<16xi32>,
    %add3A_4092 = arith.addi %mul3A_3931, %gather3A_4087 : vector<16xi32>
    %add3A_4093 = arith.addi %add3A_4092, %get3A_4091 : vector<16xi32>
    %gather3A_4094 = tpu.vector_load_idx %arg9[%add3A_4093] : memref<11520xf32, #tpu.memory_space<vmem>>[vector<16xi32>], vector<16xf32>,
    %get3A_4095 = arith.constant 12 : i32
    %get3A_4096 = arith.index_cast %get3A_4095 : i32 to index
    %get3A_4097 = arith.constant 112 : index
    %get3A_4098 = tpu.vector_load %arg13[%get3A_4096, %get3A_4097] {strides = array<i32>} : memref<20x128xf32, #tpu.memory_space<vmem>>, vector<16xf32>,
    %mul3A_4099 = arith.mulf %gather3A_4094, %get3A_4098 : vector<16xf32>
    %add3A_4100 = arith.addf %add3A_4086, %mul3A_4099 : vector<16xf32>
    %gather3A_4101 = tpu.vector_load_idx %arg15[%get3A_4091] : memref<16xi32, #tpu.memory_space<vmem>>[vector<16xi32>], vector<16xi32>,
    %get3A_4102 = arith.constant 12 : i32
    %get3A_4103 = arith.index_cast %get3A_4102 : i32 to index
    %get3A_4104 = arith.constant 112 : index
    %get3A_4105 = tpu.vector_load %arg12[%get3A_4103, %get3A_4104] {strides = array<i32>} : memref<19x128xi32, #tpu.memory_space<vmem>>, vector<16xi32>,
    %add3A_4106 = arith.addi %mul3A_3931, %gather3A_4101 : vector<16xi32>
    %add3A_4107 = arith.addi %add3A_4106, %get3A_4105 : vector<16xi32>
    %gather3A_4108 = tpu.vector_load_idx %arg9[%add3A_4107] : memref<11520xf32, #tpu.memory_space<vmem>>[vector<16xi32>], vector<16xf32>,
    %get3A_4109 = arith.constant 13 : i32
    %get3A_4110 = arith.index_cast %get3A_4109 : i32 to index
    %get3A_4111 = arith.constant 112 : index
    %get3A_4112 = tpu.vector_load %arg13[%get3A_4110, %get3A_4111] {strides = array<i32>} : memref<20x128xf32, #tpu.memory_space<vmem>>, vector<16xf32>,
    %mul3A_4113 = arith.mulf %gather3A_4108, %get3A_4112 : vector<16xf32>
    %add3A_4114 = arith.addf %add3A_4100, %mul3A_4113 : vector<16xf32>
    %gather3A_4115 = tpu.vector_load_idx %arg15[%get3A_4105] : memref<16xi32, #tpu.memory_space<vmem>>[vector<16xi32>], vector<16xi32>,
    %get3A_4116 = arith.constant 13 : i32
    %get3A_4117 = arith.index_cast %get3A_4116 : i32 to index
    %get3A_4118 = arith.constant 112 : index
    %get3A_4119 = tpu.vector_load %arg12[%get3A_4117, %get3A_4118] {strides = array<i32>} : memref<19x128xi32, #tpu.memory_space<vmem>>, vector<16xi32>,
    %add3A_4120 = arith.addi %mul3A_3931, %gather3A_4115 : vector<16xi32>
    %add3A_4121 = arith.addi %add3A_4120, %get3A_4119 : vector<16xi32>
    %gather3A_4122 = tpu.vector_load_idx %arg9[%add3A_4121] : memref<11520xf32, #tpu.memory_space<vmem>>[vector<16xi32>], vector<16xf32>,
    %get3A_4123 = arith.constant 14 : i32
    %get3A_4124 = arith.index_cast %get3A_4123 : i32 to index
    %get3A_4125 = arith.constant 112 : index
    %get3A_4126 = tpu.vector_load %arg13[%get3A_4124, %get3A_4125] {strides = array<i32>} : memref<20x128xf32, #tpu.memory_space<vmem>>, vector<16xf32>,
    %mul3A_4127 = arith.mulf %gather3A_4122, %get3A_4126 : vector<16xf32>
    %add3A_4128 = arith.addf %add3A_4114, %mul3A_4127 : vector<16xf32>
    %gather3A_4129 = tpu.vector_load_idx %arg15[%get3A_4119] : memref<16xi32, #tpu.memory_space<vmem>>[vector<16xi32>], vector<16xi32>,
    %get3A_4130 = arith.constant 14 : i32
    %get3A_4131 = arith.index_cast %get3A_4130 : i32 to index
    %get3A_4132 = arith.constant 112 : index
    %get3A_4133 = tpu.vector_load %arg12[%get3A_4131, %get3A_4132] {strides = array<i32>} : memref<19x128xi32, #tpu.memory_space<vmem>>, vector<16xi32>,
    %add3A_4134 = arith.addi %mul3A_3931, %gather3A_4129 : vector<16xi32>
    %add3A_4135 = arith.addi %add3A_4134, %get3A_4133 : vector<16xi32>
    %gather3A_4136 = tpu.vector_load_idx %arg9[%add3A_4135] : memref<11520xf32, #tpu.memory_space<vmem>>[vector<16xi32>], vector<16xf32>,
    %get3A_4137 = arith.constant 15 : i32
    %get3A_4138 = arith.index_cast %get3A_4137 : i32 to index
    %get3A_4139 = arith.constant 112 : index
    %get3A_4140 = tpu.vector_load %arg13[%get3A_4138, %get3A_4139] {strides = array<i32>} : memref<20x128xf32, #tpu.memory_space<vmem>>, vector<16xf32>,
    %mul3A_4141 = arith.mulf %gather3A_4136, %get3A_4140 : vector<16xf32>
    %add3A_4142 = arith.addf %add3A_4128, %mul3A_4141 : vector<16xf32>
    %gather3A_4143 = tpu.vector_load_idx %arg15[%get3A_4133] : memref<16xi32, #tpu.memory_space<vmem>>[vector<16xi32>], vector<16xi32>,
    %get3A_4144 = arith.constant 15 : i32
    %get3A_4145 = arith.index_cast %get3A_4144 : i32 to index
    %get3A_4146 = arith.constant 112 : index
    %get3A_4147 = tpu.vector_load %arg12[%get3A_4145, %get3A_4146] {strides = array<i32>} : memref<19x128xi32, #tpu.memory_space<vmem>>, vector<16xi32>,
    %add3A_4148 = arith.addi %mul3A_3931, %gather3A_4143 : vector<16xi32>
    %add3A_4149 = arith.addi %add3A_4148, %get3A_4147 : vector<16xi32>
    %gather3A_4150 = tpu.vector_load_idx %arg9[%add3A_4149] : memref<11520xf32, #tpu.memory_space<vmem>>[vector<16xi32>], vector<16xf32>,
    %get3A_4151 = arith.constant 16 : i32
    %get3A_4152 = arith.index_cast %get3A_4151 : i32 to index
    %get3A_4153 = arith.constant 112 : index
    %get3A_4154 = tpu.vector_load %arg13[%get3A_4152, %get3A_4153] {strides = array<i32>} : memref<20x128xf32, #tpu.memory_space<vmem>>, vector<16xf32>,
    %mul3A_4155 = arith.mulf %gather3A_4150, %get3A_4154 : vector<16xf32>
    %add3A_4156 = arith.addf %add3A_4142, %mul3A_4155 : vector<16xf32>
    %gather3A_4157 = tpu.vector_load_idx %arg15[%get3A_4147] : memref<16xi32, #tpu.memory_space<vmem>>[vector<16xi32>], vector<16xi32>,
    %get3A_4158 = arith.constant 16 : i32
    %get3A_4159 = arith.index_cast %get3A_4158 : i32 to index
    %get3A_4160 = arith.constant 112 : index
    %get3A_4161 = tpu.vector_load %arg12[%get3A_4159, %get3A_4160] {strides = array<i32>} : memref<19x128xi32, #tpu.memory_space<vmem>>, vector<16xi32>,
    %add3A_4162 = arith.addi %mul3A_3931, %gather3A_4157 : vector<16xi32>
    %add3A_4163 = arith.addi %add3A_4162, %get3A_4161 : vector<16xi32>
    %gather3A_4164 = tpu.vector_load_idx %arg9[%add3A_4163] : memref<11520xf32, #tpu.memory_space<vmem>>[vector<16xi32>], vector<16xf32>,
    %get3A_4165 = arith.constant 17 : i32
    %get3A_4166 = arith.index_cast %get3A_4165 : i32 to index
    %get3A_4167 = arith.constant 112 : index
    %get3A_4168 = tpu.vector_load %arg13[%get3A_4166, %get3A_4167] {strides = array<i32>} : memref<20x128xf32, #tpu.memory_space<vmem>>, vector<16xf32>,
    %mul3A_4169 = arith.mulf %gather3A_4164, %get3A_4168 : vector<16xf32>
    %add3A_4170 = arith.addf %add3A_4156, %mul3A_4169 : vector<16xf32>
    %gather3A_4171 = tpu.vector_load_idx %arg15[%get3A_4161] : memref<16xi32, #tpu.memory_space<vmem>>[vector<16xi32>], vector<16xi32>,
    %get3A_4172 = arith.constant 17 : i32
    %get3A_4173 = arith.index_cast %get3A_4172 : i32 to index
    %get3A_4174 = arith.constant 112 : index
    %get3A_4175 = tpu.vector_load %arg12[%get3A_4173, %get3A_4174] {strides = array<i32>} : memref<19x128xi32, #tpu.memory_space<vmem>>, vector<16xi32>,
    %add3A_4176 = arith.addi %mul3A_3931, %gather3A_4171 : vector<16xi32>
    %add3A_4177 = arith.addi %add3A_4176, %get3A_4175 : vector<16xi32>
    %gather3A_4178 = tpu.vector_load_idx %arg9[%add3A_4177] : memref<11520xf32, #tpu.memory_space<vmem>>[vector<16xi32>], vector<16xf32>,
    %get3A_4179 = arith.constant 18 : i32
    %get3A_4180 = arith.index_cast %get3A_4179 : i32 to index
    %get3A_4181 = arith.constant 112 : index
    %get3A_4182 = tpu.vector_load %arg13[%get3A_4180, %get3A_4181] {strides = array<i32>} : memref<20x128xf32, #tpu.memory_space<vmem>>, vector<16xf32>,
    %mul3A_4183 = arith.mulf %gather3A_4178, %get3A_4182 : vector<16xf32>
    %add3A_4184 = arith.addf %add3A_4170, %mul3A_4183 : vector<16xf32>
    %gather3A_4185 = tpu.vector_load_idx %arg15[%get3A_4175] : memref<16xi32, #tpu.memory_space<vmem>>[vector<16xi32>], vector<16xi32>,
    %get3A_4186 = arith.constant 18 : i32
    %get3A_4187 = arith.index_cast %get3A_4186 : i32 to index
    %get3A_4188 = arith.constant 112 : index
    %get3A_4189 = tpu.vector_load %arg12[%get3A_4187, %get3A_4188] {strides = array<i32>} : memref<19x128xi32, #tpu.memory_space<vmem>>, vector<16xi32>,
    %add3A_4190 = arith.addi %mul3A_3931, %gather3A_4185 : vector<16xi32>
    %add3A_4191 = arith.addi %add3A_4190, %get3A_4189 : vector<16xi32>
    %gather3A_4192 = tpu.vector_load_idx %arg9[%add3A_4191] : memref<11520xf32, #tpu.memory_space<vmem>>[vector<16xi32>], vector<16xf32>,
    %get3A_4193 = arith.constant 19 : i32
    %get3A_4194 = arith.index_cast %get3A_4193 : i32 to index
    %get3A_4195 = arith.constant 112 : index
    %get3A_4196 = tpu.vector_load %arg13[%get3A_4194, %get3A_4195] {strides = array<i32>} : memref<20x128xf32, #tpu.memory_space<vmem>>, vector<16xf32>,
    %mul3A_4197 = arith.mulf %gather3A_4192, %get3A_4196 : vector<16xf32>
    %add3A_4198 = arith.addf %add3A_4184, %mul3A_4197 : vector<16xf32>
    %gather3A_4199 = tpu.vector_load_idx %arg15[%get3A_4189] : memref<16xi32, #tpu.memory_space<vmem>>[vector<16xi32>], vector<16xi32>,
    %swap3A_4200 = arith.constant 112 : index
    %swap3A_4201 = tpu.vector_load %arg14[%swap3A_4200] {strides = array<i32>} : memref<128xf32, #tpu.memory_space<vmem>>, vector<16xf32>,
    tpu.vector_store %arg14[%swap3A_4200], %add3A_4198 {strides = array<i32>} : memref<128xf32, #tpu.memory_space<vmem>>, vector<16xf32>,
    %mul3A_4202 = arith.constant 128 : i32
    %mul3A_4203 = arith.muli %add3A, %mul3A_4202 : i32
    "tpu.region"() ({
      %run_scoped3A = tpu.sem_alloc : memref<!tpu.dma_semaphore, #tpu.memory_space<semaphore_mem>>
      %dma_start3A = tpu.memref_slice %arg8[%mul3A_4203] : memref<4096xf32, #tpu.memory_space<hbm>> -> memref<128xf32, #tpu.memory_space<hbm>>
      %dma_start3A_4204 = tpu.memref_slice %arg8[%mul3A_4203] : memref<4096xf32, #tpu.memory_space<hbm>> -> memref<128xf32, #tpu.memory_space<hbm>>
      tpu.enqueue_dma source(%arg14 : memref<128xf32, #tpu.memory_space<vmem>>) target(%dma_start3A_4204 : memref<128xf32, #tpu.memory_space<hbm>>) target_semaphore(%run_scoped3A : memref<!tpu.dma_semaphore, #tpu.memory_space<semaphore_mem>>)
      %dma_wait3A = tpu.memref_slice %arg8[%mul3A_4203] : memref<4096xf32, #tpu.memory_space<hbm>> -> memref<128xf32, #tpu.memory_space<hbm>>
      %dma_wait3A_4205 = tpu.memref_slice %arg8[%mul3A_4203] : memref<4096xf32, #tpu.memory_space<hbm>> -> memref<128xf32, #tpu.memory_space<hbm>>
      tpu.wait_dma2 semaphore(%run_scoped3A : memref<!tpu.dma_semaphore, #tpu.memory_space<semaphore_mem>>) src(%arg14 : memref<128xf32, #tpu.memory_space<vmem>>) dst(%dma_wait3A_4205 : memref<128xf32, #tpu.memory_space<hbm>>)
      tpu.yield
    }) : () -> ()
    return
  }
}

module attributes {stable_mosaic.version = 14 : i64} {
  func.func @_ls_body(%arg0: memref<1456x8xf32, #tpu.memory_space<vmem>>, %arg1: memref<1456x8xf32, #tpu.memory_space<vmem>>) attributes {dimension_semantics = [], scalar_prefetch = 0 : i64, scratch_operands = 0 : i64, tpu.core_type = #tpu.core_type<tc>} {
    %get3A = arith.constant 0 : index
    %get3A_0 = arith.constant 0 : index
    %get3A_1 = vector.load %arg0[%get3A, %get3A_0] : memref<1456x8xf32, #tpu.memory_space<vmem>>, vector<1456x8xf32>
    %reduce_max3A = arith.constant dense<0xFF800000> : vector<1456xf32>
    %reduce_max3A_2 = vector.multi_reduction <maximumf>, %get3A_1, %reduce_max3A [1] : vector<1456x8xf32> to vector<1456xf32>
    %broadcast_in_dim3A = vector.shape_cast %reduce_max3A_2 : vector<1456xf32> to vector<1456x1xf32>
    %sub3A = vector.broadcast %broadcast_in_dim3A : vector<1456x1xf32> to vector<1456x8xf32>
    %sub3A_3 = arith.subf %get3A_1, %sub3A : vector<1456x8xf32>
    %exp3A = math.exp %sub3A_3 : vector<1456x8xf32>
    %reduce_sum3A = arith.constant dense<0.000000e+00> : vector<1456xf32>
    %reduce_sum3A_4 = vector.multi_reduction <add>, %exp3A, %reduce_sum3A [1] : vector<1456x8xf32> to vector<1456xf32>
    %broadcast_in_dim3A_5 = vector.shape_cast %reduce_sum3A_4 : vector<1456xf32> to vector<1456x1xf32>
    %log3A = math.log %broadcast_in_dim3A_5 : vector<1456x1xf32>
    %add3A = arith.addf %log3A, %broadcast_in_dim3A : vector<1456x1xf32>
    %sub3A_6 = vector.broadcast %add3A : vector<1456x1xf32> to vector<1456x8xf32>
    %sub3A_7 = arith.subf %get3A_1, %sub3A_6 : vector<1456x8xf32>
    %swap3A = arith.constant 0 : index
    %swap3A_8 = arith.constant 0 : index
    %swap3A_9 = vector.load %arg1[%swap3A, %swap3A_8] : memref<1456x8xf32, #tpu.memory_space<vmem>>, vector<1456x8xf32>
    tpu.vector_store %arg1[%swap3A, %swap3A_8], %sub3A_7 {strides = array<i32>} : memref<1456x8xf32, #tpu.memory_space<vmem>>, vector<1456x8xf32>,
    return
  }
}

</mosaic_0001>

<sc_bundles>
// kernel: kernel.4.cloned.1.call-start
scs
__scs_entry_jumppad:
0x0: {  	(pc) =	sbr.rel $0x88, $3  }
0x1: {  	(tag) =	ssettag $0x0;
	lr =	simm.s32 $0x1  }
0x2: {  	[smem:$0x3F99] =	sst lr;
	_ =	strace $0xD0000000  }
0x3: {  	_ = 	snop  }
0x4: {  	_ = 	snop  }
0x5: {  	_ = 	snop  }
0x6: {  	_ = 	snop  }
0x7: {  	_ = 	snop  }
__scs_overlays_trampoline_lowered:
0x8: {  	[smem:$0x3FA8] =	sst s0  }
0x9: {  	[smem:$0x3FA9] =	sst s1  }
0xa: {  	[smem:$0x3FAA] =	sst s2  }
0xb: {  	[smem:$0x3FAB] =	sst s3  }
0xc: {  	[smem:$0x3FAC] =	sst s4  }
0xd: {  	[smem:$0x3FAD] =	sst s5  }
0xe: {  	[smem:$0x3FAE] =	sst s6  }
0xf: {  	[smem:$0x3FAF] =	sst s7  }
0x10: {  	[smem:$0x3FB0] =	sst s8  }
0x11: {  	[smem:$0x3FB1] =	sst s9;
	s0 =	simm.s32 @!p0 $0x0  }
0x12: {  	s1 =	sld [smem:$0x3F97];
	s0 =	simm.s32 @p0 $0x1  }
0x13: {  	[smem:$0x3FB2] =	sst s0;
	s0 =	simm.s32 @!p1 $0x0  }
0x14: {  	s2 =	sld [smem:$0x3F96];
	s0 =	simm.s32 @p1 $0x1  }
0x15: {  	[smem:$0x3FB3] =	sst s0;
	s0 =	simm.s32 @!p2 $0x0  }
0x16: {  	s3 =	sld [smem:$0x3FDB];
	s0 =	simm.s32 @p2 $0x1  }
0x17: {  	s4 =	simm.s32 $0x1BF5;
	[smem:$0x3FB5] =	sst s0  }
0x18: {  	s0 =	sld [smem:$0x3F98];
	_ =	swait.ge [sflag:s4], $0x0  }
0x19: {  	s7 =	sld [smem:$0x3F99]  }
0x1a: {  	s8 =	sadd.s32 $0xFFFFE003, lr  }
0x1b: {  	s9 =	sadd.s32 $0xFFFFFEF7, lr;
	s5 =	simm.s32 $0xFFFFFFFF;
	p2 =	slt.u32 s8, $0xFFFFF086  }
0x1c: {  	p1 =	slt.u32 s9, $0xF7A;
	s5 =	simm.s32 @!p2 $0x0  }
0x1d: {  	s5 =	simm.s32 @p1 $0x1;
	p0 =	seq.s32 s7, s2  }
0x1e: {  	s7 =	smul.u32 @!p0 $0xF7A, s2;
	p2 =	seq.s32 @!p0 s5, $0x0  }
0x1f: {  	s9 =	smul.u32 $0xF7A, s1;
	s8 =	simm.s32 @!p0 $0x1BF5;
	p2 =	por !p2, p0  }
0x20: {  	[sflag:s8] =	ssyncset.s32 @!p0 $0xFFFFF086;
	s6 =	sadd.s32 @!p0 s3, s7;
	s7 =	simm.s32 @!p0 $0x108  }
0x21: {  	s3 =	sadd.s32 s3, s9;
	s6 =	sadd.s32 @!p0 $0x88, s6;
	s7 =	simm.s32 @p2 $0x1082  }
0x22: {  	[simem:s7], [sflag:s8] =	dma.local @!p0 [hbm:s6], $0xF7A  }
0x23: {  	s9 =	sor.u32 $0xD0000000, s2;
	s6 =	simm.s32 $0x108;
	_ =	swait.ge @!p0 [sflag:s8], $0x0  }
0x24: {  	s3 =	sadd.s32 $0x88, s3;
	s6 =	simm.s32 @!p1 $0x1082;
	[sflag:s4] =	ssyncset.s32 $0xFFFFF086  }
0x25: {  	[simem:s6], [sflag:s4] =	dma.local [hbm:s3], $0xF7A  }
0x26: {  	[smem:$0x3F99] =	sst s1;
	(tag) =	ssettag s2;
	_ =	strace s9  }
0x27: {  	s1 =	sld [smem:$0x3FA9]  }
0x28: {  	s2 =	sld [smem:$0x3FAA]  }
0x29: {  	s4 =	sld [smem:$0x3FAC]  }
0x2a: {  	p0 =	seq.s32 s5, $0x0;
	s5 =	sld [smem:$0x3FAD]  }
0x2b: {  	s6 =	sld [smem:$0x3FAE]  }
0x2c: {  	s7 =	sld [smem:$0x3FAF]  }
0x2d: {  	s3 =	simm.s32 $0x108;
	s8 =	sld [smem:$0x3FB0]  }
0x2e: {  	s3 =	simm.s32 @!p0 $0x1082;
	s9 =	sld [smem:$0x3FB1]  }
0x2f: {  	lr =	sadd.s32 s0, s3;
	s0 =	sld [smem:$0x3FA8]  }
0x30: {  	s3 =	sld [smem:$0x3FAB]  }
0x31: {  	[smem:$0x3FB4] =	sst s10  }
0x32: {  	s10 =	sld [smem:$0x3FB2];
	_ =	sdelay $0x3  }
0x33: {  	p0 =	seq.s32 s10, $0x1;
	s10 =	sld [smem:$0x3FB4];
	_ =	sdelay $0x3  }
0x34: {  	[smem:$0x3FB4] =	sst s10  }
0x35: {  	s10 =	sld [smem:$0x3FB3];
	_ =	sdelay $0x3  }
0x36: {  	p1 =	seq.s32 s10, $0x1;
	s10 =	sld [smem:$0x3FB4];
	_ =	sdelay $0x3  }
0x37: {  	[smem:$0x3FB4] =	sst s10  }
0x38: {  	s10 =	sld [smem:$0x3FB5]  }
0x39: {  	_ = 	snop;
	(pc) =	sbr.ind lr, $3  }
0x3a: {  	_ = 	snop  }
0x3b: {  	_ = 	snop  }
0x3c: {  	p2 =	seq.s32 s10, $0x1;
	s10 =	sld [smem:$0x3FB4]  }
0x3d: {  	_ =	shalt  }
0x3e: {  	_ =	shalt  }
0x3f: {  	_ =	shalt  }
0x40: {  	_ =	shalt  }
0x41: {  	_ =	shalt  }
0x42: {  	_ =	shalt  }
0x43: {  	_ =	shalt  }
0x44: {  	_ =	shalt  }
0x45: {  	_ =	shalt  }
0x46: {  	_ =	shalt  }
0x47: {  	_ =	shalt  }
0x48: {  	_ =	shalt  }
0x49: {  	_ =	shalt  }
0x4a: {  	_ =	shalt  }
0x4b: {  	_ =	shalt  }
0x4c: {  	_ =	shalt  }
0x4d: {  	_ =	shalt  }
0x4e: {  	_ =	shalt  }
0x4f: {  	_ =	shalt  }
0x50: {  	_ =	shalt  }
0x51: {  	_ =	shalt  }
0x52: {  	_ =	shalt  }
0x53: {  	_ =	shalt  }
0x54: {  	_ =	shalt  }
0x55: {  	_ =	shalt  }
0x56: {  	_ =	shalt  }
0x57: {  	_ =	shalt  }
0x58: {  	_ =	shalt  }
0x59: {  	_ =	shalt  }
0x5a: {  	_ =	shalt  }
0x5b: {  	_ =	shalt  }
0x5c: {  	_ =	shalt  }
0x5d: {  	_ =	shalt  }
0x5e: {  	_ =	shalt  }
0x5f: {  	_ =	shalt  }
0x60: {  	_ =	shalt  }
0x61: {  	_ =	shalt  }
0x62: {  	_ =	shalt  }
0x63: {  	_ =	shalt  }
0x64: {  	_ =	shalt  }
0x65: {  	_ =	shalt  }
0x66: {  	_ =	shalt  }
0x67: {  	_ =	shalt  }
0x68: {  	_ =	shalt  }
0x69: {  	_ =	shalt  }
0x6a: {  	_ =	shalt  }
0x6b: {  	_ =	shalt  }
0x6c: {  	_ =	shalt  }
0x6d: {  	_ =	shalt  }
0x6e: {  	_ =	shalt  }
0x6f: {  	_ =	shalt  }
0x70: {  	_ =	shalt  }
0x71: {  	_ =	shalt  }
0x72: {  	_ =	shalt  }
0x73: {  	_ =	shalt  }
0x74: {  	_ =	shalt  }
0x75: {  	_ =	shalt  }
0x76: {  	_ =	shalt  }
0x77: {  	_ =	shalt  }
0x78: {  	_ =	shalt  }
0x79: {  	_ =	shalt  }
0x7a: {  	_ =	shalt  }
0x7b: {  	_ =	shalt  }
0x7c: {  	_ =	shalt  }
0x7d: {  	_ =	shalt  }
0x7e: {  	_ =	shalt  }
0x7f: {  	_ =	shalt  }
0x80: {  	_ =	shalt  }
0x81: {  	_ =	shalt  }
0x82: {  	_ =	shalt  }
0x83: {  	_ =	shalt  }
0x84: {  	_ =	shalt  }
0x85: {  	_ =	shalt  }
0x86: {  	_ =	shalt  }
0x87: {  	_ =	shalt  }
.Lfunc_end0:
.L_simem_size_0:
called_computation_lowered:
.L_overlay_start_0:
0x88: {  	s2 =	sld [smem:$0x3FD9]  }
0x89: {  	s3 =	sld [smem:$0x3FFE];
	_ =	sdelay $0x1  }
0x8a: {  	s1 =	srdreg.scid  }
0x8b: {  	s0 =	sand.u32 $0x1, s1  }
0x8c: {  	s17 =	sshll.u32 s0, $0xA;
	s2 =	sadd.s32 s3, s2  }
0x8d: {  	s2 =	sadd.s32 s2, s17  }
0x8e: {  	[smem:$0x3FC0] =	sst s2  }
0x8f: {  	_ = 	snop  }
0x90: {  	s2 =	sld [smem:$0x3FD0];
	(tm) =	ssettm $0x1  }
0x91: {  	s18 =	sld [smem:$0x3FFB];
	_ =	sdelay $0x3  }
0x92: {  	_ =	strace s18  }
0x93: {  	s3 =	sld [smem:$0x3FFC];
	_ =	sdelay $0x3  }
0x94: {  	_ =	strace s3  }
0x95: {  	s3 =	sld [smem:$0x3FFD];
	_ =	sdelay $0x3  }
0x96: {  	_ =	strace s3  }
0x97: {  	_ =	strace $0x8FFFFFFF  }
0x98: {  	s19 =	sld [smem:$0x3FDB];
	_ =	sdelay $0x1  }
0x99: {  	s4 =	simm.s32 $_scs_section_size  }
0x9a: {  	s5 =	simm.s32 $_size__tile_overlayer_lowered;
	s6 =	simm.s32 $_tile_overlayer_lowered  }
0x9b: {  	s22 =	simm.s32 $0x1BFF;
	s21 =	sshll.u32 s6, $0x1;
	s3 =	sadd.s32 s4, s19  }
0x9c: {  	s7 =	simm.s32 $0x0;
	s20 =	sshll.u32 s5, $0x1;
	s5 =	sadd.s32 s21, s3  }
0x9d: {  	[timem:s7], [sflag:s22] =	dma.local [hbm:s5], s20  }
0x9e: {  	_ =	swait.ge [sflag:s22], s20  }
0x9f: {  	s4 =	ssub.s32 $0x0, s20;
	[sflag:s22] =	ssyncset.done $0x0  }
0xa0: {  	[sflag:s22] =	ssyncadd.s32 s4;
	_ =	sdelay $0x1  }
0xa1: {  	s23 =	simm.s32 $0x1B8B  }
0xa2: {  	_ =	swait.ge [sflag:s23], $0x1  }
0xa3: {  	[sflag:s23] =	ssyncset.done $0x0  }
0xa4: {  	s25 =	simm.s32 $0x1B8E;
	s24 =	sld [smem:$0x3FFE];
	[sflag:s23] =	ssyncadd.s32 $0xFFFFFFFF  }
0xa5: {  	s26 =	simm.s32 $execute0_lowered;
	[smem:$0x3FD2] =	sst s25  }
0xa6: {  	s5 =	sshll.u32 s26, $0x1;
	_ =	strace $0x80000046;
	[dreg:$0x1] =	wrdreg $0xFFFFFFFF  }
0xa7: {  	s28 =	simm.s32 $_size_execute0_lowered;
	s3 =	sadd.s32 s3, s5;
	[dreg:$0x0] =	wrdreg $0x0  }
0xa8: {  	s5 =	sshll.u32 s28, $0x1;
	[dreg:$0x2] =	wrdreg s3  }
0xa9: {  	[dreg:$0x3] =	wrdreg s5  }
0xaa: {  	[dreg:$0x4] =	wrdreg $0xC0  }
0xab: {  	_ =	task [dreg:s7], $0x5FFFF  }
0xac: {  	[dreg:$0x1] =	wrdreg $0xFFFFFFFF  }
0xad: {  	[dreg:$0x0] =	wrdreg $0x60  }
0xae: {  	[dreg:$0x2] =	wrdreg s24  }
0xaf: {  	[dreg:$0x3] =	wrdreg s2  }
0xb0: {  	[dreg:$0x4] =	wrdreg $0x9  }
0xb1: {  	_ =	task.clear_ibuf [dreg:s7], $0x5FFFF;
	_ =	strace $0x90000046  }
0xb2: {  	s29 =	simm.s32 $0x9;
	_ =	strace $0x80000048  }
0xb3: {  	_ =	swait.ge [sflag:s29], $0x1  }
0xb4: {  	[sflag:s29] =	ssyncadd.s32 $0xFFFFFFFF  }
0xb5: {  	_ =	strace $0x90000048  }
0xb6: {  	_ =	sfence  }
0xb7: {  	s30 =	sld [smem:$0x0];
	_ =	sdelay $0x2  }
0xb8: {  	s31 =	sshll.u32 s1, $0xD;
	s1 =	sshrl.u32 s1, $0x2  }
0xb9: {  	s3 =	sand.u32 $0x4000, s31;
	s1 =	sadd.s32 s1, s30  }
0xba: {  	s0 =	sor.u32 s3, s0;
	s1 =	sshll.u32 s1, $0x11  }
0xbb: {  	s0 =	sor.u32 s1, s0  }
0xbc: {  	s0 =	sadd.s32 $0x8F2B, s0  }
0xbd: {  	[sflag:s0] =	ssyncadd.remote.s32 $0x1  }
0xbe: {  	_ =	sfence.sel $0xFFFF  }
0xbf: {  	[dreg:$0x0] =	wrdreg $0xFFFFFFFF;
	(pc) =	sbr.abs _section_cstart, $3  }
0xc0: {  	[dreg:$0x1] =	wrdreg $0xFFFFFFFF  }
0xc1: {  	_ =	task.clear_ibuf [dreg:s7], $0x2FFFF;
	_ =	strace $0x9FFFFFFF  }
0xc2: {  	(tm) =	ssettm $0x7FFFFFFF  }
0xc3: {  	_ =	shalt  }
tec
execute0_lowered:
.L_overlay_start_1:
0x0: {  	(tag) =	ssettag $0x1  }
0x1: {  	s5 =	rddreg [dreg:$0x0]  }
0x2: {  	s9 =	rddreg [dreg:$0x1]  }
0x3: {  	s0 =	rddreg [dreg:$0x2];
	s3 =	srdreg.scid  }
0x4: {  	s1 =	stileid.u32;
	s2 =	simm.s32 $0x0;
	s13 =	simm.s32 $0x2D80  }
0x5: {  	s14 =	simm.s32 $0x3580;
	s15 =	simm.s32 $0x4180;
	s16 =	simm.s32 $0x4E00  }
0x6: {  	s17 =	simm.s32 $0x4D80;
	s6 =	sand.u32 $0x1, s3;
	s30 =	sshll.u32 s1, $0x1  }
0x7: {  	[smem:$0x7FF] =	sst s2;
	s3 =	sadd.s32 $0x3400, s5;
	s4 =	sadd.s32 $0xBA00, s5  }
0x8: {  	s10 =	sor.u32 s6, s30;
	_ =	strace $0x80000047;
	s6 =	ssub.s32 $0x2, s6  }
0x9: {  	s7 =	smul.u32 $0x180, s10;
	s8 =	sshll.u32 s10, $0x8;
	s31 =	sshrl.u32 s6, $0x1  }
0xa: {  	s10 =	sshll.u32 s10, $0x4;
	s8 =	sadd.s32 s8, s5;
	s12 =	ssub.s32 s6, s31  }
0xb: {  	s9 =	sadd.s32 s9, s10;
	s11 =	sadd.s32 s7, s5;
	s5 =	sadd.s32 $0xBC00, s5  }
0xc: {  	s6 =	sadd.s32 $0x3A00, s8;
	s10 =	smax.u32 s12, $0x1;
	s12 =	simm.s32 $0x2D00  }
0xd: {  	v0 =	vimm.s32 $0x0;
	v1 =	vimm.s32 $0x1;
	v2 =	vimm.s32 $0x1C;
	s7 =	sadd.s32 $0x5A00, s11;
	s8 =	sadd.s32 $0x8A00, s11;
	s11 =	simm.s32 $0x1  }
.LBB2_1:
0xe: {  	[tilespmem:s2], [sflag:$0x1] =	stream.linear.gather [hbm4b:s3+s2], $0x2D00, $0x38;
	[tilespmem:$0x4E80] =	vst v63  }
0xf: {  	_ =	swait.ge [sflag:s11], $0x2D00  }
0x10: {  	[sflag:s11] =	ssyncset.done $0x0  }
0x11: {  	[sflag:s11] =	ssyncadd.s32 $0xFFFFD300  }
0x12: {  	[tilespmem:s12], [sflag:$0x1] =	stream.linear.gather [hbm4b:s4+s2], $0x80, $0x38;
	[tilespmem:$0x4E80] =	vst v63  }
0x13: {  	_ =	swait.ge [sflag:s11], $0x80  }
0x14: {  	[sflag:s11] =	ssyncset.done $0x0  }
0x15: {  	[sflag:s11] =	ssyncadd.s32 $0xFFFFFF80  }
0x16: {  	[tilespmem:s13], [sflag:$0x1] =	stream.linear.gather [hbm4b:s6+s2], $0x780, $0x38;
	[tilespmem:$0x4E80] =	vst v63  }
0x17: {  	_ =	swait.ge [sflag:s11], $0x780  }
0x18: {  	[sflag:s11] =	ssyncset.done $0x0  }
0x19: {  	[sflag:s11] =	ssyncadd.s32 $0xFFFFF880  }
0x1a: {  	[tilespmem:s14], [sflag:$0x1] =	stream.linear.gather [hbm4b:s7+s2], $0x980, $0x38;
	[tilespmem:$0x4E80] =	vst v63  }
0x1b: {  	_ =	swait.ge [sflag:s11], $0x980  }
0x1c: {  	[sflag:s11] =	ssyncset.done $0x0  }
0x1d: {  	[sflag:s11] =	ssyncadd.s32 $0xFFFFF680  }
0x1e: {  	[tilespmem:s15], [sflag:$0x1] =	stream.linear.gather [hbm4b:s8+s2], $0xA00, $0x38;
	[tilespmem:$0x4E80] =	vst v63  }
0x1f: {  	_ =	swait.ge [sflag:s11], $0xA00  }
0x20: {  	[sflag:s11] =	ssyncset.done $0x0  }
0x21: {  	[sflag:s11] =	ssyncadd.s32 $0xFFFFF600  }
0x22: {  	[tilespmem:s16], [sflag:$0x1] =	stream.linear.gather [hbm4b:s5+s2], $0x80, $0x38;
	[tilespmem:$0x4E80] =	vst v63  }
0x23: {  	_ =	swait.ge [sflag:s11], $0x80  }
0x24: {  	[sflag:s11] =	ssyncset.done $0x0  }
0x25: {  	[sflag:s11] =	ssyncadd.s32 $0xFFFFFF80  }
0x26: {  	v3 =	vld.msk [tilespmem:s12+$0x0], $0xffff  }
0x27: {  	v4 =	vld [tilespmem:$0x2D80]  }
0x28: {  	v5 =	vld.idx.msk [tilespmem:v1+s12+$0x0], $0xffff  }
0x29: {  	v6 =	vld [tilespmem:$0x2E00]  }
0x2a: {  	v7 =	vld [tilespmem:$0x2E80]  }
0x2b: {  	v9 =	vld [tilespmem:$0x2F00]  }
0x2c: {  	v11 =	vld [tilespmem:$0x2F80]  }
0x2d: {  	v14 =	vld [tilespmem:$0x3000]  }
0x2e: {  	v16 =	vld [tilespmem:$0x3080]  }
0x2f: {  	v18 =	vld [tilespmem:$0x3100]  }
0x30: {  	v20 =	vld [tilespmem:$0x3180]  }
0x31: {  	v22 =	vld [tilespmem:$0x3200]  }
0x32: {  	v37 =	vld [tilespmem:$0x3280]  }
0x33: {  	v39 =	vld [tilespmem:$0x3300]  }
0x34: {  	v44 =	vld [tilespmem:$0x3380];
	v3 =	vadd.f32 v4, v3;
	v31 =	vadd.f32 v6, v5  }
0x35: {  	v47 =	vld [tilespmem:$0x3400]  }
0x36: {  	v51 =	vld [tilespmem:$0x3480];
	vm0 =	vge.f32 v3, v31  }
0x37: {  	v58 =	vld [tilespmem:$0x3580];
	vm0 =	vmneg vm0  }
0x38: {  	v61 =	vld [tilespmem:$0x3600];
	v3 =	vsel vm0, $0x3, v0;
	v25 =	vsel vm0, $0x1D, v2  }
0x39: {  	v27 =	vld [tilespmem:$0x4480];
	v32 =	vadd.s32 $0x2, v3  }
0x3a: {  	v29 =	vld [tilespmem:$0x4500];
	v33 =	vadd.s32 $0x3, v3  }
0x3b: {  	v30 =	vld [tilespmem:$0x4600];
	v34 =	vor.u32 $0x4, v3  }
0x3c: {  	v31 =	vld [tilespmem:$0x3B80];
	v8 =	vor.u32 $0x8, v3  }
0x3d: {  	v10 =	vadd.s32 $0x9, v3;
	v62 =	vld.idx.msk [tilespmem:v25+s12+$0x0], $0xffff  }
0x3e: {  	v13 =	vsel vm0, $0x5, v0;
	v12 =	vadd.s32 $0xA, v3;
	v4 =	vld.idx.msk [tilespmem:v32+s12+$0x0], $0xffff  }
0x3f: {  	v15 =	vadd.s32 $0xE, v13;
	v5 =	vld.idx.msk [tilespmem:v33+s12+$0x0], $0xffff  }
0x40: {  	v17 =	vadd.s32 $0xF, v13;
	v6 =	vld.idx.msk [tilespmem:v34+s12+$0x0], $0xffff  }
0x41: {  	v19 =	vor.u32 $0x10, v13;
	v8 =	vld.idx.msk [tilespmem:v8+s12+$0x0], $0xffff  }
0x42: {  	v21 =	vadd.s32 $0x11, v13;
	v10 =	vld.idx.msk [tilespmem:v10+s12+$0x0], $0xffff  }
0x43: {  	v36 =	vsel vm0, $0x2, v0;
	v23 =	vor.u32 $0x12, v13;
	v12 =	vld.idx.msk [tilespmem:v12+s12+$0x0], $0xffff  }
0x44: {  	v24 =	vor.u32 $0x18, v36;
	v15 =	vld.idx.msk [tilespmem:v15+s12+$0x0], $0xffff  }
0x45: {  	v40 =	vor.u32 $0x19, v36;
	v17 =	vld.idx.msk [tilespmem:v17+s12+$0x0], $0xffff  }
0x46: {  	v35 =	vld.idx.msk [tilespmem:v19+s12+$0x0], $0xffff  }
0x47: {  	v21 =	vld.idx.msk [tilespmem:v21+s12+$0x0], $0xffff  }
0x48: {  	v41 =	vld.idx.msk [tilespmem:v23+s12+$0x0], $0xffff  }
0x49: {  	v46 =	vld.idx.msk [tilespmem:v24+s12+$0x0], $0xffff  }
0x4a: {  	v49 =	vld.idx.msk [tilespmem:v40+s12+$0x0], $0xffff  }
0x4b: {  	v32 =	vld [tilespmem:$0x3680]  }
0x4c: {  	v34 =	vld.idx.msk [tilespmem:v58+s16+$0x0], $0xffff;
	v4 =	vadd.f32 v7, v4;
	v5 =	vadd.f32 v9, v5  }
0x4d: {  	v38 =	vadd.f32 v11, v6;
	v7 =	vadd.f32 v37, v35;
	v35 =	vld [tilespmem:$0x3700]  }
0x4e: {  	v15 =	vadd.f32 v20, v15;
	v17 =	vadd.f32 v22, v17;
	v37 =	vld [tilespmem:$0x4180]  }
0x4f: {  	v42 =	vadd.f32 v14, v8;
	v8 =	vadd.f32 v44, v41;
	v41 =	vld [tilespmem:$0x3780]  }
0x50: {  	v43 =	vadd.f32 v16, v10;
	v48 =	vadd.f32 v39, v21;
	v44 =	vld [tilespmem:$0x4280]  }
0x51: {  	v12 =	vadd.f32 v18, v12;
	v56 =	vadd.f32 v47, v46;
	v47 =	vld [tilespmem:$0x3880]  }
0x52: {  	v6 =	vadd.f32 v51, v49;
	v51 =	vld [tilespmem:$0x3980];
	vm11 =	vgt.f32 v5, v4;
	vm13 =	vgt.f32 v17, v15  }
0x53: {  	vm1 =	vgt.f32 v43, v42;
	v4 =	vsel vm11, v5, v4;
	v26 =	vsel vm11, $0x1, v0;
	v40 =	vld.idx.msk [tilespmem:v32+s16+$0x0], $0xffff  }
0x54: {  	v15 =	vsel vm13, v17, v15;
	v50 =	vsel vm1, $0x1, v0;
	vm12 =	vgt.f32 v38, v4;
	v38 =	vld [tilespmem:$0x4200]  }
0x55: {  	v4 =	vsel vm1, v43, v42;
	vm2 =	vgt.f32 v7, v15;
	v43 =	vld [tilespmem:$0x3800];
	v45 =	vsel vm12, $0x2, v26  }
0x56: {  	v7 =	vsel vm2, v7, v15;
	vm15 =	vgt.f32 v12, v4;
	v10 =	vadd.s32 v3, v45;
	v45 =	vld [tilespmem:$0x4300]  }
0x57: {  	v52 =	vsel vm13, $0x1, v0;
	vm14 =	vgt.f32 v48, v7;
	v54 =	vsel vm15, $0x2, v50;
	v50 =	vld [tilespmem:$0x4380]  }
0x58: {  	v53 =	vsel vm2, $0x2, v52;
	v5 =	vsel vm14, v48, v7;
	v55 =	vadd.s32 $0x1E, v10;
	v48 =	vld [tilespmem:$0x3900]  }
0x59: {  	v4 =	vsel vm14, $0x3, v53;
	v53 =	vld [tilespmem:$0x3A00];
	vm4 =	vgt.f32 v8, v5  }
0x5a: {  	v3 =	vadd.s32 v3, v54;
	v42 =	vld.idx.msk [tilespmem:v35+s16+$0x0], $0xffff;
	v4 =	vsel vm4, $0x4, v4  }
0x5b: {  	v3 =	vadd.s32 $0x24, v3;
	v52 =	vld.idx.msk [tilespmem:v47+s16+$0x0], $0xffff;
	v57 =	vadd.s32 v13, v4  }
0x5c: {  	v11 =	vadd.s32 $0x2A, v57;
	v57 =	vld.idx.msk [tilespmem:v51+s16+$0x0], $0xffff  }
0x5d: {  	v10 =	vmul.u32 $0x3, v10;
	v5 =	vld.idx.msk [tilespmem:v55+s12+$0x0], $0xffff  }
0x5e: {  	v49 =	vld.idx.msk [tilespmem:v43+s16+$0x0], $0xffff  }
0x5f: {  	vm5 =	vgt.f32 v6, v56;
	v59 =	vadd.s32 v10, v54;
	v55 =	vld [tilespmem:$0x4400]  }
0x60: {  	v60 =	vsel vm5, $0x1, v0;
	v6 =	vshll.u32 v59, $0x1;
	v63 =	vld.idx.msk [tilespmem:v3+s12+$0x0], $0xffff  }
0x61: {  	v6 =	vor.u32 v60, v6;
	v3 =	vor.u32 v60, v36;
	v36 =	vld.idx.msk [tilespmem:v61+s16+$0x0], $0xffff  }
0x62: {  	v6 =	vmul.u32 $0x5, v6;
	v60 =	vld [tilespmem:$0x4580]  }
0x63: {  	v54 =	vld.idx.msk [tilespmem:v48+s16+$0x0], $0xffff  }
0x64: {  	v9 =	vor.u32 $0x34, v3;
	v3 =	vadd.s32 v4, v6;
	v28 =	vld.idx.msk [tilespmem:v53+s16+$0x0], $0xffff  }
0x65: {  	v3 =	vshll.u32 v3, $0x6;
	v7 =	vld.idx.msk [tilespmem:v11+s12+$0x0], $0xffff  }
0x66: {  	v33 =	vadd.s32 v58, v3;
	v58 =	vld [tilespmem:$0x3A80]  }
0x67: {  	v11 =	vadd.s32 v34, v3;
	v46 =	vadd.s32 v3, v42;
	v42 =	vld [tilespmem:$0x3D00]  }
0x68: {  	v14 =	vadd.s32 v3, v40;
	v8 =	vadd.s32 v61, v11;
	v11 =	vld.idx.msk [tilespmem:v41+s16+$0x0], $0xffff  }
0x69: {  	v24 =	vadd.s32 v3, v52;
	v12 =	vadd.s32 v35, v14;
	v14 =	vadd.s32 v41, v46;
	v41 =	vld.idx.msk [tilespmem:v31+s16+$0x0], $0xffff  }
0x6a: {  	v21 =	vadd.s32 v48, v24;
	v48 =	vld [tilespmem:$0x3E00]  }
0x6b: {  	v39 =	vadd.s32 v3, v36;
	v36 =	vld [tilespmem:$0x3C00]  }
0x6c: {  	v9 =	vld.idx.msk [tilespmem:v9+s12+$0x0], $0xffff  }
0x6d: {  	v5 =	vadd.f32 v5, v62;
	v4 =	vadd.s32 v32, v39;
	v32 =	vld [tilespmem:$0x4680]  }
0x6e: {  	v39 =	vld [tilespmem:$0x3C80]  }
0x6f: {  	v5 =	vadd.f32 v63, v5;
	v63 =	vadd.s32 v3, v28;
	v28 =	vld [tilespmem:$0x3B00]  }
0x70: {  	v22 =	vadd.s32 v3, v49;
	v6 =	vld.idx.msk [tilespmem:v33+s2+$0x0], $0xffff  }
0x71: {  	v17 =	vadd.s32 v47, v22;
	v5 =	vadd.f32 v7, v5;
	v22 =	vadd.s32 v58, v63;
	v63 =	vld [tilespmem:$0x4880]  }
0x72: {  	v8 =	vld.idx.msk [tilespmem:v8+s2+$0x0], $0xffff  }
0x73: {  	v12 =	vld.idx.msk [tilespmem:v12+s2+$0x0], $0xffff;
	v5 =	vadd.f32 v9, v5  }
0x74: {  	v56 =	vadd.s32 v3, v54;
	v11 =	vadd.s32 v3, v11;
	v4 =	vld.idx.msk [tilespmem:v4+s2+$0x0], $0xffff  }
0x75: {  	v14 =	vld.idx.msk [tilespmem:v14+s2+$0x0], $0xffff;
	v11 =	vadd.s32 v43, v11;
	v5 =	vmul.f32 v37, v5;
	v6 =	vmul.f32 v38, v6  }
0x76: {  	v25 =	vadd.s32 v3, v57;
	v18 =	vadd.s32 v51, v56;
	v59 =	vld.idx.msk [tilespmem:v21+s2+$0x0], $0xffff  }
0x77: {  	v62 =	vadd.s32 v53, v25;
	v17 =	vld.idx.msk [tilespmem:v17+s2+$0x0], $0xffff;
	v34 =	vmul.f32 v44, v8;
	v5 =	vadd.f32 v6, v5  }
0x78: {  	v24 =	vld.idx.msk [tilespmem:v58+s16+$0x0], $0xffff  }
0x79: {  	v53 =	vld.idx.msk [tilespmem:v42+s16+$0x0], $0xffff;
	v4 =	vmul.f32 v45, v4;
	v5 =	vadd.f32 v34, v5  }
0x7a: {  	v11 =	vld.idx.msk [tilespmem:v11+s2+$0x0], $0xffff  }
0x7b: {  	v61 =	vld.idx.msk [tilespmem:v18+s2+$0x0], $0xffff;
	v40 =	vmul.f32 v50, v12;
	v4 =	vadd.f32 v4, v5  }
0x7c: {  	v18 =	vld.idx.msk [tilespmem:v62+s2+$0x0], $0xffff  }
0x7d: {  	v43 =	vmul.f32 v55, v14;
	v37 =	vld.idx.msk [tilespmem:v28+s16+$0x0], $0xffff;
	v4 =	vadd.f32 v40, v4  }
0x7e: {  	v33 =	vld.idx.msk [tilespmem:v22+s2+$0x0], $0xffff  }
0x7f: {  	v45 =	vld [tilespmem:$0x3D80];
	v46 =	vmul.f32 v27, v11;
	v4 =	vadd.f32 v43, v4  }
0x80: {  	v38 =	vld [tilespmem:$0x4700];
	v35 =	vadd.s32 v3, v24  }
0x81: {  	v47 =	vld.idx.msk [tilespmem:v36+s16+$0x0], $0xffff;
	v49 =	vmul.f32 v29, v17;
	v8 =	vadd.s32 v28, v35;
	v4 =	vadd.f32 v46, v4  }
0x82: {  	v62 =	vld [tilespmem:$0x3E80];
	v44 =	vadd.s32 v3, v37  }
0x83: {  	v51 =	vld.idx.msk [tilespmem:v39+s16+$0x0], $0xffff;
	v52 =	vmul.f32 v60, v59;
	v9 =	vadd.s32 v31, v44;
	v4 =	vadd.f32 v49, v4  }
0x84: {  	v50 =	vld [tilespmem:$0x4780];
	v12 =	vadd.s32 v3, v41  }
0x85: {  	v55 =	vld [tilespmem:$0x4800];
	v12 =	vadd.s32 v36, v12;
	v54 =	vmul.f32 v30, v61;
	v4 =	vadd.f32 v52, v4  }
0x86: {  	v11 =	vadd.s32 v3, v47;
	v8 =	vld.idx.msk [tilespmem:v8+s2+$0x0], $0xffff  }
0x87: {  	v57 =	vmul.f32 v32, v18;
	v11 =	vadd.s32 v39, v11;
	v56 =	vld.idx.msk [tilespmem:v45+s16+$0x0], $0xffff;
	v4 =	vadd.f32 v54, v4  }
0x88: {  	v58 =	vadd.s32 v3, v51;
	v9 =	vld.idx.msk [tilespmem:v9+s2+$0x0], $0xffff  }
0x89: {  	v59 =	vld.idx.msk [tilespmem:v48+s16+$0x0], $0xffff;
	v60 =	vmul.f32 v38, v33;
	v15 =	vadd.s32 v42, v58;
	v4 =	vadd.f32 v57, v4  }
0x8a: {  	v61 =	vadd.s32 v3, v53;
	v12 =	vld.idx.msk [tilespmem:v12+s2+$0x0], $0xffff  }
0x8b: {  	v24 =	vld [tilespmem:$0x4900];
	v6 =	vadd.s32 v45, v61;
	v20 =	vmul.f32 v50, v8;
	v4 =	vadd.f32 v60, v4  }
0x8c: {  	v21 =	vld.idx.msk [tilespmem:v11+s2+$0x0], $0xffff;
	v23 =	vadd.s32 v3, v56  }
0x8d: {  	v27 =	vld [tilespmem:$0x4980];
	v11 =	vadd.s32 v48, v23;
	v25 =	vmul.f32 v55, v9;
	v4 =	vadd.f32 v20, v4  }
0x8e: {  	v26 =	vld.idx.msk [tilespmem:v15+s2+$0x0], $0xffff;
	v3 =	vadd.s32 v3, v59  }
0x8f: {  	v29 =	vld [tilespmem:$0x4A00];
	v28 =	vmul.f32 v63, v12;
	v3 =	vadd.s32 v62, v3;
	v4 =	vadd.f32 v25, v4  }
0x90: {  	v6 =	vld.idx.msk [tilespmem:v6+s2+$0x0], $0xffff  }
0x91: {  	v32 =	vld [tilespmem:$0x4A80];
	v30 =	vmul.f32 v24, v21;
	v4 =	vadd.f32 v28, v4  }
0x92: {  	v31 =	vld.idx.msk [tilespmem:v11+s2+$0x0], $0xffff  }
0x93: {  	v34 =	vld [tilespmem:$0x4B00];
	v33 =	vmul.f32 v27, v26;
	v4 =	vadd.f32 v30, v4  }
0x94: {  	v3 =	vld.idx.msk [tilespmem:v3+s2+$0x0], $0xffff  }
0x95: {  	v35 =	vmul.f32 v29, v6;
	v4 =	vadd.f32 v33, v4;
	_ =	sdelay $0x1  }
0x96: {  	v36 =	vmul.f32 v32, v31;
	v4 =	vadd.f32 v35, v4;
	_ =	sdelay $0x1  }
0x97: {  	v3 =	vmul.f32 v34, v3;
	v4 =	vadd.f32 v36, v4;
	_ =	sdelay $0x1  }
0x98: {  	v3 =	vadd.f32 v3, v4  }
0x99: {  	v37 =	vld [tilespmem:$0x2D90]  }
0x9a: {  	v39 =	vld [tilespmem:$0x2E10];
	[tilespmem:$0x4D80] =	vst v3  }
0x9b: {  	v3 =	vld.msk [tilespmem:s12+$0x0], $0xffff  }
0x9c: {  	v38 =	vld.idx.msk [tilespmem:v1+s12+$0x0], $0xffff;
	_ =	sdelay $0x2  }
0x9d: {  	v53 =	vld [tilespmem:$0x3090]  }
0x9e: {  	v51 =	vld [tilespmem:$0x3010]  }
0x9f: {  	v44 =	vld [tilespmem:$0x2E90];
	v3 =	vadd.f32 v37, v3;
	v40 =	vadd.f32 v39, v38  }
0xa0: {  	v46 =	vld [tilespmem:$0x2F10]  }
0xa1: {  	v63 =	vld [tilespmem:$0x3290];
	vm6 =	vge.f32 v3, v40  }
0xa2: {  	v59 =	vld [tilespmem:$0x3210];
	vm0 =	vmneg vm6  }
0xa3: {  	v48 =	vld [tilespmem:$0x2F90];
	v3 =	vsel vm0, $0x3, v0  }
0xa4: {  	v55 =	vld [tilespmem:$0x3110];
	v41 =	vadd.s32 $0x2, v3  }
0xa5: {  	v57 =	vld [tilespmem:$0x3190];
	v42 =	vadd.s32 $0x3, v3  }
0xa6: {  	v31 =	vld [tilespmem:$0x3310];
	v43 =	vor.u32 $0x4, v3  }
0xa7: {  	v37 =	vld [tilespmem:$0x3390];
	v45 =	vor.u32 $0x8, v3  }
0xa8: {  	v40 =	vld [tilespmem:$0x3410];
	v47 =	vadd.s32 $0x9, v3  }
0xa9: {  	v50 =	vsel vm0, $0x5, v0;
	v49 =	vadd.s32 $0xA, v3;
	v4 =	vld.idx.msk [tilespmem:v41+s12+$0x0], $0xffff  }
0xaa: {  	v52 =	vadd.s32 $0xE, v50;
	v5 =	vld.idx.msk [tilespmem:v42+s12+$0x0], $0xffff  }
0xab: {  	v54 =	vadd.s32 $0xF, v50;
	v6 =	vld.idx.msk [tilespmem:v43+s12+$0x0], $0xffff  }
0xac: {  	v56 =	vor.u32 $0x10, v50;
	v8 =	vld.idx.msk [tilespmem:v45+s12+$0x0], $0xffff  }
0xad: {  	v58 =	vadd.s32 $0x11, v50;
	v10 =	vld.idx.msk [tilespmem:v47+s12+$0x0], $0xffff  }
0xae: {  	v62 =	vsel vm0, $0x2, v0;
	v60 =	vor.u32 $0x12, v50;
	v12 =	vld.idx.msk [tilespmem:v49+s12+$0x0], $0xffff  }
0xaf: {  	v28 =	vor.u32 $0x18, v62;
	v15 =	vld.idx.msk [tilespmem:v52+s12+$0x0], $0xffff  }
0xb0: {  	v32 =	vor.u32 $0x19, v62;
	v17 =	vld.idx.msk [tilespmem:v54+s12+$0x0], $0xffff  }
0xb1: {  	v61 =	vld.idx.msk [tilespmem:v56+s12+$0x0], $0xffff  }
0xb2: {  	v21 =	vld.idx.msk [tilespmem:v58+s12+$0x0], $0xffff  }
0xb3: {  	v34 =	vld.idx.msk [tilespmem:v60+s12+$0x0], $0xffff  }
0xb4: {  	v39 =	vld.idx.msk [tilespmem:v28+s12+$0x0], $0xffff  }
0xb5: {  	v42 =	vld.idx.msk [tilespmem:v32+s12+$0x0], $0xffff  }
0xb6: {  	v29 =	vsel vm0, $0x1D, v2;
	v54 =	vld [tilespmem:$0x3610]  }
0xb7: {  	v60 =	vld [tilespmem:$0x3710]  }
0xb8: {  	v32 =	vld [tilespmem:$0x3790]  }
0xb9: {  	v4 =	vadd.f32 v44, v4;
	v44 =	vld [tilespmem:$0x3490]  }
0xba: {  	v35 =	vadd.f32 v51, v8;
	v51 =	vld [tilespmem:$0x3590]  }
0xbb: {  	v12 =	vadd.f32 v55, v12;
	v55 =	vld.idx.msk [tilespmem:v29+s12+$0x0], $0xffff  }
0xbc: {  	v15 =	vadd.f32 v57, v15;
	v57 =	vld [tilespmem:$0x3690]  }
0xbd: {  	v5 =	vadd.f32 v46, v5;
	v7 =	vadd.f32 v63, v61;
	v63 =	vld [tilespmem:$0x4210]  }
0xbe: {  	v36 =	vadd.f32 v53, v10;
	v8 =	vadd.f32 v37, v34;
	v34 =	vld [tilespmem:$0x3810]  }
0xbf: {  	v30 =	vadd.f32 v48, v6;
	v49 =	vadd.f32 v40, v39;
	v39 =	vld [tilespmem:$0x3910];
	vm7 =	vgt.f32 v5, v4  }
0xc0: {  	v17 =	vadd.f32 v59, v17;
	vm10 =	vgt.f32 v36, v35;
	v4 =	vsel vm7, v5, v4;
	v61 =	vld.idx.msk [tilespmem:v54+s16+$0x0], $0xffff  }
0xc1: {  	vm8 =	vgt.f32 v30, v4;
	v4 =	vsel vm10, v36, v35;
	v35 =	vld [tilespmem:$0x4290]  }
0xc2: {  	vm9 =	vgt.f32 v17, v15;
	v33 =	vsel vm7, $0x1, v0;
	v36 =	vld [tilespmem:$0x4310]  }
0xc3: {  	v15 =	vsel vm9, v17, v15;
	v38 =	vsel vm8, $0x2, v33;
	v33 =	vld.idx.msk [tilespmem:v60+s16+$0x0], $0xffff  }
0xc4: {  	v41 =	vadd.f32 v31, v21;
	vm11 =	vgt.f32 v7, v15;
	v6 =	vadd.f32 v44, v42;
	v42 =	vld [tilespmem:$0x3990]  }
0xc5: {  	v7 =	vsel vm11, v7, v15;
	v44 =	vld [tilespmem:$0x3A10]  }
0xc6: {  	v45 =	vsel vm9, $0x1, v0;
	v10 =	vadd.s32 v3, v38;
	vm12 =	vgt.f32 v41, v7;
	v38 =	vld [tilespmem:$0x3890]  }
0xc7: {  	v46 =	vsel vm11, $0x2, v45;
	v5 =	vsel vm12, v41, v7;
	v41 =	vld [tilespmem:$0x4390]  }
0xc8: {  	vm13 =	vgt.f32 v12, v4;
	v4 =	vsel vm12, $0x3, v46;
	v46 =	vld [tilespmem:$0x4410]  }
0xc9: {  	v43 =	vsel vm10, $0x1, v0;
	v59 =	vld.idx.msk [tilespmem:v51+s16+$0x0], $0xffff  }
0xca: {  	v47 =	vsel vm13, $0x2, v43;
	v31 =	vld.idx.msk [tilespmem:v57+s16+$0x0], $0xffff  }
0xcb: {  	v48 =	vadd.s32 $0x1E, v10;
	v3 =	vadd.s32 v3, v47;
	v10 =	vmul.u32 $0x3, v10;
	v40 =	vld.idx.msk [tilespmem:v34+s16+$0x0], $0xffff  }
0xcc: {  	vm14 =	vgt.f32 v8, v5;
	v3 =	vadd.s32 $0x24, v3;
	v45 =	vld.idx.msk [tilespmem:v39+s16+$0x0], $0xffff  }
0xcd: {  	v4 =	vsel vm14, $0x4, v4;
	v52 =	vadd.s32 v10, v47;
	v47 =	vld [tilespmem:$0x4490]  }
0xce: {  	vm15 =	vgt.f32 v6, v49;
	v50 =	vadd.s32 v50, v4;
	v6 =	vshll.u32 v52, $0x1;
	v52 =	vld [tilespmem:$0x4510]  }
0xcf: {  	v11 =	vadd.s32 $0x2A, v50;
	v50 =	vld [tilespmem:$0x3A90]  }
0xd0: {  	v53 =	vsel vm15, $0x1, v0;
	v5 =	vld.idx.msk [tilespmem:v48+s12+$0x0], $0xffff  }
0xd1: {  	v6 =	vor.u32 v53, v6;
	v56 =	vld.idx.msk [tilespmem:v3+s12+$0x0], $0xffff  }
0xd2: {  	v6 =	vmul.u32 $0x5, v6;
	v3 =	vor.u32 v53, v62;
	v62 =	vld [tilespmem:$0x4190]  }
0xd3: {  	v49 =	vld.idx.msk [tilespmem:v42+s16+$0x0], $0xffff  }
0xd4: {  	v9 =	vor.u32 $0x34, v3;
	v3 =	vadd.s32 v4, v6;
	v43 =	vld.idx.msk [tilespmem:v38+s16+$0x0], $0xffff  }
0xd5: {  	v3 =	vshll.u32 v3, $0x6;
	v7 =	vld.idx.msk [tilespmem:v11+s12+$0x0], $0xffff  }
0xd6: {  	v58 =	vadd.s32 v51, v3;
	v51 =	vld.idx.msk [tilespmem:v44+s16+$0x0], $0xffff  }
0xd7: {  	v11 =	vadd.s32 v59, v3;
	v59 =	vld [tilespmem:$0x4610]  }
0xd8: {  	v30 =	vadd.s32 v3, v61;
	v61 =	vld [tilespmem:$0x4690]  }
0xd9: {  	v37 =	vadd.s32 v3, v33;
	v33 =	vld [tilespmem:$0x3C90]  }
0xda: {  	v8 =	vadd.s32 v54, v11;
	v11 =	vld.idx.msk [tilespmem:v32+s16+$0x0], $0xffff  }
0xdb: {  	v14 =	vadd.s32 v3, v31;
	v54 =	vld [tilespmem:$0x4590]  }
0xdc: {  	v12 =	vadd.s32 v60, v14;
	v60 =	vld [tilespmem:$0x3B90]  }
0xdd: {  	v4 =	vadd.s32 v57, v30;
	v30 =	vld [tilespmem:$0x3C10]  }
0xde: {  	v48 =	vadd.s32 v3, v45;
	v14 =	vadd.s32 v32, v37;
	v32 =	vld [tilespmem:$0x4710]  }
0xdf: {  	v18 =	vadd.s32 v42, v48;
	v42 =	vld [tilespmem:$0x3E10]  }
0xe0: {  	v5 =	vadd.f32 v5, v55;
	v25 =	vadd.s32 v3, v49;
	v49 =	vld [tilespmem:$0x4810]  }
0xe1: {  	v9 =	vld.idx.msk [tilespmem:v9+s12+$0x0], $0xffff  }
0xe2: {  	v5 =	vadd.f32 v56, v5;
	v56 =	vadd.s32 v44, v25;
	v44 =	vld [tilespmem:$0x4790]  }
0xe3: {  	v24 =	vadd.s32 v3, v43;
	v6 =	vld.idx.msk [tilespmem:v58+s2+$0x0], $0xffff  }
0xe4: {  	v21 =	vadd.s32 v39, v24;
	v24 =	vld.idx.msk [tilespmem:v50+s16+$0x0], $0xffff;
	v5 =	vadd.f32 v7, v5  }
0xe5: {  	v22 =	vadd.s32 v3, v40;
	v8 =	vld.idx.msk [tilespmem:v8+s2+$0x0], $0xffff  }
0xe6: {  	v17 =	vadd.s32 v38, v22;
	v39 =	vld [tilespmem:$0x3D90];
	v5 =	vadd.f32 v9, v5  }
0xe7: {  	v4 =	vld.idx.msk [tilespmem:v4+s2+$0x0], $0xffff;
	v11 =	vadd.s32 v3, v11  }
0xe8: {  	v58 =	vld [tilespmem:$0x3B10];
	v11 =	vadd.s32 v34, v11;
	v5 =	vmul.f32 v62, v5;
	v6 =	vmul.f32 v63, v6  }
0xe9: {  	v12 =	vld.idx.msk [tilespmem:v12+s2+$0x0], $0xffff  }
0xea: {  	v14 =	vld.idx.msk [tilespmem:v14+s2+$0x0], $0xffff;
	v63 =	vmul.f32 v35, v8;
	v5 =	vadd.f32 v6, v5  }
0xeb: {  	v17 =	vld.idx.msk [tilespmem:v17+s2+$0x0], $0xffff  }
0xec: {  	v55 =	vld.idx.msk [tilespmem:v18+s2+$0x0], $0xffff;
	v4 =	vmul.f32 v36, v4;
	v5 =	vadd.f32 v63, v5  }
0xed: {  	v57 =	vadd.s32 v3, v51;
	v11 =	vld.idx.msk [tilespmem:v11+s2+$0x0], $0xffff  }
0xee: {  	v22 =	vadd.s32 v50, v57;
	v57 =	vld [tilespmem:$0x4890];
	v34 =	vmul.f32 v41, v12;
	v4 =	vadd.f32 v4, v5  }
0xef: {  	v36 =	vld [tilespmem:$0x3D10]  }
0xf0: {  	v37 =	vmul.f32 v46, v14;
	v31 =	vld.idx.msk [tilespmem:v58+s16+$0x0], $0xffff;
	v4 =	vadd.f32 v34, v4  }
0xf1: {  	v53 =	vld.idx.msk [tilespmem:v21+s2+$0x0], $0xffff  }
0xf2: {  	v35 =	vld.idx.msk [tilespmem:v60+s16+$0x0], $0xffff;
	v40 =	vmul.f32 v47, v11;
	v4 =	vadd.f32 v37, v4  }
0xf3: {  	v18 =	vld.idx.msk [tilespmem:v56+s2+$0x0], $0xffff;
	v28 =	vadd.s32 v3, v24  }
0xf4: {  	v8 =	vadd.s32 v58, v28;
	v41 =	vld.idx.msk [tilespmem:v30+s16+$0x0], $0xffff;
	v43 =	vmul.f32 v52, v17;
	v4 =	vadd.f32 v40, v4  }
0xf5: {  	v45 =	vld.idx.msk [tilespmem:v33+s16+$0x0], $0xffff;
	v38 =	vadd.s32 v3, v31  }
0xf6: {  	v56 =	vld [tilespmem:$0x3E90];
	v46 =	vmul.f32 v54, v53;
	v9 =	vadd.s32 v60, v38;
	v4 =	vadd.f32 v43, v4  }
0xf7: {  	v62 =	vld.idx.msk [tilespmem:v22+s2+$0x0], $0xffff;
	v12 =	vadd.s32 v3, v35  }
0xf8: {  	v48 =	vmul.f32 v59, v55;
	v12 =	vadd.s32 v30, v12;
	v47 =	vld.idx.msk [tilespmem:v36+s16+$0x0], $0xffff;
	v4 =	vadd.f32 v46, v4  }
0xf9: {  	v8 =	vld.idx.msk [tilespmem:v8+s2+$0x0], $0xffff;
	v11 =	vadd.s32 v3, v41  }
0xfa: {  	v50 =	vld.idx.msk [tilespmem:v39+s16+$0x0], $0xffff;
	v51 =	vmul.f32 v61, v18;
	v11 =	vadd.s32 v33, v11;
	v4 =	vadd.f32 v48, v4  }
0xfb: {  	v52 =	vadd.s32 v3, v45;
	v9 =	vld.idx.msk [tilespmem:v9+s2+$0x0], $0xffff  }
0xfc: {  	v53 =	vld.idx.msk [tilespmem:v42+s16+$0x0], $0xffff;
	v15 =	vadd.s32 v36, v52;
	v54 =	vmul.f32 v32, v62;
	v4 =	vadd.f32 v51, v4  }
0xfd: {  	v12 =	vld.idx.msk [tilespmem:v12+s2+$0x0], $0xffff;
	v55 =	vadd.s32 v3, v47  }
0xfe: {  	v61 =	vld [tilespmem:$0x4910];
	v58 =	vmul.f32 v44, v8;
	v6 =	vadd.s32 v39, v55;
	v4 =	vadd.f32 v54, v4  }
0xff: {  	v60 =	vadd.s32 v3, v50;
	v59 =	vld.idx.msk [tilespmem:v11+s2+$0x0], $0xffff  }
0x100: {  	v14 =	vld [tilespmem:$0x4990];
	v11 =	vadd.s32 v42, v60;
	v62 =	vmul.f32 v49, v9;
	v4 =	vadd.f32 v58, v4  }
0x101: {  	v63 =	vld.idx.msk [tilespmem:v15+s2+$0x0], $0xffff;
	v3 =	vadd.s32 v3, v53  }
0x102: {  	v16 =	vld [tilespmem:$0x4A10];
	v3 =	vadd.s32 v56, v3;
	v15 =	vmul.f32 v57, v12;
	v4 =	vadd.f32 v62, v4  }
0x103: {  	v6 =	vld.idx.msk [tilespmem:v6+s2+$0x0], $0xffff  }
0x104: {  	v19 =	vld [tilespmem:$0x4A90];
	v17 =	vmul.f32 v61, v59;
	v4 =	vadd.f32 v15, v4  }
0x105: {  	v18 =	vld.idx.msk [tilespmem:v11+s2+$0x0], $0xffff  }
0x106: {  	v21 =	vld [tilespmem:$0x4B10];
	v20 =	vmul.f32 v14, v63;
	v4 =	vadd.f32 v17, v4  }
0x107: {  	v3 =	vld.idx.msk [tilespmem:v3+s2+$0x0], $0xffff  }
0x108: {  	v22 =	vmul.f32 v16, v6;
	v4 =	vadd.f32 v20, v4;
	_ =	sdelay $0x1  }
0x109: {  	v23 =	vmul.f32 v19, v18;
	v4 =	vadd.f32 v22, v4;
	_ =	sdelay $0x1  }
0x10a: {  	v3 =	vmul.f32 v21, v3;
	v4 =	vadd.f32 v23, v4;
	_ =	sdelay $0x1  }
0x10b: {  	v3 =	vadd.f32 v3, v4  }
0x10c: {  	v26 =	vld [tilespmem:$0x2E20]  }
0x10d: {  	v24 =	vld [tilespmem:$0x2DA0];
	[tilespmem:$0x4D90] =	vst v3  }
0x10e: {  	v3 =	vld.msk [tilespmem:s12+$0x0], $0xffff  }
0x10f: {  	v25 =	vld.idx.msk [tilespmem:v1+s12+$0x0], $0xffff;
	_ =	sdelay $0x1  }
0x110: {  	v35 =	vld [tilespmem:$0x2FA0]  }
0x111: {  	v31 =	vld [tilespmem:$0x2EA0]  }
0x112: {  	v33 =	vld [tilespmem:$0x2F20]  }
0x113: {  	v38 =	vld [tilespmem:$0x3020];
	v3 =	vadd.f32 v24, v3;
	v27 =	vadd.f32 v26, v25  }
0x114: {  	v50 =	vld [tilespmem:$0x32A0]  }
0x115: {  	v44 =	vld [tilespmem:$0x31A0];
	vm4 =	vge.f32 v3, v27  }
0x116: {  	v40 =	vld [tilespmem:$0x30A0];
	vm0 =	vmneg vm4  }
0x117: {  	v42 =	vld [tilespmem:$0x3120];
	v3 =	vsel vm0, $0x3, v0  }
0x118: {  	v60 =	vld [tilespmem:$0x33A0];
	v28 =	vadd.s32 $0x2, v3  }
0x119: {  	v46 =	vld [tilespmem:$0x3220];
	v29 =	vadd.s32 $0x3, v3  }
0x11a: {  	v63 =	vld [tilespmem:$0x3420];
	v30 =	vor.u32 $0x4, v3  }
0x11b: {  	v54 =	vld [tilespmem:$0x3320];
	v32 =	vor.u32 $0x8, v3  }
0x11c: {  	v24 =	vld [tilespmem:$0x34A0];
	v34 =	vadd.s32 $0x9, v3  }
0x11d: {  	v37 =	vsel vm0, $0x5, v0;
	v36 =	vadd.s32 $0xA, v3;
	v4 =	vld.idx.msk [tilespmem:v28+s12+$0x0], $0xffff  }
0x11e: {  	v39 =	vadd.s32 $0xE, v37;
	v5 =	vld.idx.msk [tilespmem:v29+s12+$0x0], $0xffff  }
0x11f: {  	v41 =	vadd.s32 $0xF, v37;
	v6 =	vld.idx.msk [tilespmem:v30+s12+$0x0], $0xffff  }
0x120: {  	v43 =	vor.u32 $0x10, v37;
	v8 =	vld.idx.msk [tilespmem:v32+s12+$0x0], $0xffff  }
0x121: {  	v45 =	vadd.s32 $0x11, v37;
	v10 =	vld.idx.msk [tilespmem:v34+s12+$0x0], $0xffff  }
0x122: {  	v49 =	vsel vm0, $0x2, v0;
	v47 =	vor.u32 $0x12, v37;
	v12 =	vld.idx.msk [tilespmem:v36+s12+$0x0], $0xffff  }
0x123: {  	v51 =	vor.u32 $0x18, v49;
	v15 =	vld.idx.msk [tilespmem:v39+s12+$0x0], $0xffff  }
0x124: {  	v55 =	vor.u32 $0x19, v49;
	v17 =	vld.idx.msk [tilespmem:v41+s12+$0x0], $0xffff  }
0x125: {  	v48 =	vld.idx.msk [tilespmem:v43+s12+$0x0], $0xffff  }
0x126: {  	v52 =	vsel vm0, $0x1D, v2;
	v21 =	vld.idx.msk [tilespmem:v45+s12+$0x0], $0xffff  }
0x127: {  	v57 =	vld.idx.msk [tilespmem:v47+s12+$0x0], $0xffff  }
0x128: {  	v62 =	vld.idx.msk [tilespmem:v51+s12+$0x0], $0xffff  }
0x129: {  	v22 =	vld.idx.msk [tilespmem:v55+s12+$0x0], $0xffff  }
0x12a: {  	v32 =	vld [tilespmem:$0x35A0]  }
0x12b: {  	v36 =	vld.idx.msk [tilespmem:v52+s12+$0x0], $0xffff  }
0x12c: {  	v41 =	vld [tilespmem:$0x3720]  }
0x12d: {  	v43 =	vld [tilespmem:$0x4220]  }
0x12e: {  	v52 =	vld [tilespmem:$0x38A0]  }
0x12f: {  	v55 =	vld [tilespmem:$0x43A0]  }
0x130: {  	v53 =	vadd.f32 v35, v6;
	v35 =	vld [tilespmem:$0x3620]  }
0x131: {  	v58 =	vadd.f32 v38, v8;
	v38 =	vld [tilespmem:$0x36A0]  }
0x132: {  	v17 =	vadd.f32 v46, v17;
	v46 =	vld [tilespmem:$0x37A0]  }
0x133: {  	v7 =	vadd.f32 v50, v48;
	v48 =	vld [tilespmem:$0x3820]  }
0x134: {  	v4 =	vadd.f32 v31, v4;
	v50 =	vld [tilespmem:$0x4320]  }
0x135: {  	v5 =	vadd.f32 v33, v5;
	v8 =	vadd.f32 v60, v57;
	v60 =	vld [tilespmem:$0x4420]  }
0x136: {  	v15 =	vadd.f32 v44, v15;
	v59 =	vadd.f32 v40, v10;
	v40 =	vld.idx.msk [tilespmem:v32+s16+$0x0], $0xffff  }
0x137: {  	v12 =	vadd.f32 v42, v12;
	vm5 =	vgt.f32 v5, v4;
	v47 =	vld.idx.msk [tilespmem:v41+s16+$0x0], $0xffff  }
0x138: {  	vm7 =	vgt.f32 v17, v15;
	vm8 =	vgt.f32 v59, v58;
	v4 =	vsel vm5, v5, v4;
	v57 =	vld.idx.msk [tilespmem:v52+s16+$0x0], $0xffff  }
0x139: {  	v56 =	vsel vm5, $0x1, v0;
	v15 =	vsel vm7, v17, v15;
	vm6 =	vgt.f32 v53, v4;
	v53 =	vld [tilespmem:$0x3920]  }
0x13a: {  	v4 =	vsel vm8, v59, v58;
	vm9 =	vgt.f32 v7, v15;
	v58 =	vld [tilespmem:$0x3A20];
	v61 =	vsel vm6, $0x2, v56  }
0x13b: {  	v21 =	vadd.f32 v54, v21;
	v7 =	vsel vm9, v7, v15;
	v15 =	vld [tilespmem:$0x41A0];
	v10 =	vadd.s32 v3, v61  }
0x13c: {  	v23 =	vsel vm8, $0x1, v0;
	vm11 =	vgt.f32 v12, v4;
	v56 =	vld [tilespmem:$0x39A0];
	v29 =	vadd.s32 $0x1E, v10  }
0x13d: {  	v30 =	vadd.f32 v63, v62;
	v6 =	vadd.f32 v24, v22;
	v28 =	vsel vm11, $0x2, v23;
	v61 =	vld [tilespmem:$0x44A0]  }
0x13e: {  	v26 =	vsel vm7, $0x1, v0;
	vm10 =	vgt.f32 v21, v7;
	v3 =	vadd.s32 v3, v28;
	v42 =	vld.idx.msk [tilespmem:v35+s16+$0x0], $0xffff  }
0x13f: {  	v27 =	vsel vm9, $0x2, v26;
	v5 =	vsel vm10, v21, v7;
	v3 =	vadd.s32 $0x24, v3;
	v45 =	vld.idx.msk [tilespmem:v38+s16+$0x0], $0xffff  }
0x140: {  	v4 =	vsel vm10, $0x3, v27;
	v10 =	vmul.u32 $0x3, v10;
	vm12 =	vgt.f32 v8, v5;
	v54 =	vld.idx.msk [tilespmem:v48+s16+$0x0], $0xffff  }
0x141: {  	v4 =	vsel vm12, $0x4, v4;
	v5 =	vld.idx.msk [tilespmem:v29+s12+$0x0], $0xffff  }
0x142: {  	vm13 =	vgt.f32 v6, v30;
	v33 =	vadd.s32 v10, v28;
	v31 =	vadd.s32 v37, v4;
	v59 =	vld.idx.msk [tilespmem:v53+s16+$0x0], $0xffff  }
0x143: {  	v34 =	vsel vm13, $0x1, v0;
	v6 =	vshll.u32 v33, $0x1;
	v11 =	vadd.s32 $0x2A, v31;
	v33 =	vld.idx.msk [tilespmem:v58+s16+$0x0], $0xffff  }
0x144: {  	v6 =	vor.u32 v34, v6;
	v37 =	vld.idx.msk [tilespmem:v3+s12+$0x0], $0xffff  }
0x145: {  	v6 =	vmul.u32 $0x5, v6;
	v3 =	vor.u32 v34, v49;
	v49 =	vld [tilespmem:$0x42A0]  }
0x146: {  	v63 =	vld.idx.msk [tilespmem:v56+s16+$0x0], $0xffff  }
0x147: {  	v34 =	vld [tilespmem:$0x4520];
	v9 =	vor.u32 $0x34, v3;
	v3 =	vadd.s32 v4, v6  }
0x148: {  	v3 =	vshll.u32 v3, $0x6;
	v7 =	vld.idx.msk [tilespmem:v11+s12+$0x0], $0xffff  }
0x149: {  	v39 =	vadd.s32 v32, v3;
	v32 =	vld [tilespmem:$0x3AA0]  }
0x14a: {  	v11 =	vadd.s32 v40, v3;
	v40 =	vld [tilespmem:$0x3B20]  }
0x14b: {  	v44 =	vadd.s32 v3, v42;
	v42 =	vld [tilespmem:$0x3BA0]  }
0x14c: {  	v51 =	vadd.s32 v3, v47;
	v47 =	vld [tilespmem:$0x3C20]  }
0x14d: {  	v8 =	vadd.s32 v35, v11;
	v11 =	vld.idx.msk [tilespmem:v46+s16+$0x0], $0xffff  }
0x14e: {  	v14 =	vadd.s32 v3, v45;
	v5 =	vadd.f32 v5, v36;
	v36 =	vld [tilespmem:$0x45A0]  }
0x14f: {  	v24 =	vadd.s32 v3, v57;
	v12 =	vadd.s32 v41, v14;
	v41 =	vld [tilespmem:$0x4620]  }
0x150: {  	v21 =	vadd.s32 v53, v24;
	v53 =	vld [tilespmem:$0x3D20]  }
0x151: {  	v62 =	vadd.s32 v3, v59;
	v59 =	vld [tilespmem:$0x3E20]  }
0x152: {  	v18 =	vadd.s32 v56, v62;
	v56 =	vld [tilespmem:$0x3DA0]  }
0x153: {  	v4 =	vadd.s32 v38, v44;
	v25 =	vadd.s32 v3, v63;
	v9 =	vld.idx.msk [tilespmem:v9+s12+$0x0], $0xffff  }
0x154: {  	v38 =	vadd.s32 v58, v25;
	v25 =	vld [tilespmem:$0x4820]  }
0x155: {  	v22 =	vadd.s32 v3, v54;
	v14 =	vadd.s32 v46, v51;
	v5 =	vadd.f32 v37, v5;
	v6 =	vld.idx.msk [tilespmem:v39+s2+$0x0], $0xffff  }
0x156: {  	v17 =	vadd.s32 v52, v22;
	v39 =	vadd.s32 v3, v33;
	v33 =	vld [tilespmem:$0x48A0]  }
0x157: {  	v5 =	vadd.f32 v7, v5;
	v8 =	vld.idx.msk [tilespmem:v8+s2+$0x0], $0xffff  }
0x158: {  	v4 =	vld.idx.msk [tilespmem:v4+s2+$0x0], $0xffff  }
0x159: {  	v12 =	vld.idx.msk [tilespmem:v12+s2+$0x0], $0xffff;
	v5 =	vadd.f32 v9, v5  }
0x15a: {  	v14 =	vld.idx.msk [tilespmem:v14+s2+$0x0], $0xffff;
	v11 =	vadd.s32 v3, v11  }
0x15b: {  	v17 =	vld.idx.msk [tilespmem:v17+s2+$0x0], $0xffff;
	v11 =	vadd.s32 v48, v11;
	v5 =	vmul.f32 v15, v5;
	v6 =	vmul.f32 v43, v6  }
0x15c: {  	v35 =	vld.idx.msk [tilespmem:v21+s2+$0x0], $0xffff  }
0x15d: {  	v37 =	vld.idx.msk [tilespmem:v18+s2+$0x0], $0xffff;
	v45 =	vmul.f32 v49, v8;
	v5 =	vadd.f32 v6, v5  }
0x15e: {  	v24 =	vld.idx.msk [tilespmem:v32+s16+$0x0], $0xffff  }
0x15f: {  	v18 =	vld.idx.msk [tilespmem:v38+s2+$0x0], $0xffff;
	v4 =	vmul.f32 v50, v4;
	v5 =	vadd.f32 v45, v5  }
0x160: {  	v11 =	vld.idx.msk [tilespmem:v11+s2+$0x0], $0xffff  }
0x161: {  	v50 =	vld [tilespmem:$0x3CA0];
	v51 =	vmul.f32 v55, v12;
	v4 =	vadd.f32 v4, v5  }
0x162: {  	v48 =	vld.idx.msk [tilespmem:v40+s16+$0x0], $0xffff  }
0x163: {  	v22 =	vadd.s32 v32, v39;
	v52 =	vld.idx.msk [tilespmem:v42+s16+$0x0], $0xffff;
	v54 =	vmul.f32 v60, v14;
	v4 =	vadd.f32 v51, v4  }
0x164: {  	v58 =	vld.idx.msk [tilespmem:v47+s16+$0x0], $0xffff  }
0x165: {  	v32 =	vld [tilespmem:$0x3EA0];
	v57 =	vmul.f32 v61, v11;
	v4 =	vadd.f32 v54, v4  }
0x166: {  	v21 =	vld.idx.msk [tilespmem:v53+s16+$0x0], $0xffff;
	v46 =	vadd.s32 v3, v24  }
0x167: {  	v43 =	vld [tilespmem:$0x46A0];
	v60 =	vmul.f32 v34, v17;
	v8 =	vadd.s32 v40, v46;
	v4 =	vadd.f32 v57, v4  }
0x168: {  	v44 =	vld.idx.msk [tilespmem:v22+s2+$0x0], $0xffff;
	v55 =	vadd.s32 v3, v48  }
0x169: {  	v63 =	vmul.f32 v36, v35;
	v9 =	vadd.s32 v42, v55;
	v62 =	vld.idx.msk [tilespmem:v50+s16+$0x0], $0xffff;
	v4 =	vadd.f32 v60, v4  }
0x16a: {  	v49 =	vld [tilespmem:$0x4720];
	v12 =	vadd.s32 v3, v52  }
0x16b: {  	v24 =	vmul.f32 v41, v37;
	v12 =	vadd.s32 v47, v12;
	v61 =	vld [tilespmem:$0x47A0];
	v4 =	vadd.f32 v63, v4  }
0x16c: {  	v11 =	vadd.s32 v3, v58;
	v8 =	vld.idx.msk [tilespmem:v8+s2+$0x0], $0xffff  }
0x16d: {  	v26 =	vld.idx.msk [tilespmem:v56+s16+$0x0], $0xffff;
	v27 =	vmul.f32 v43, v18;
	v11 =	vadd.s32 v50, v11;
	v4 =	vadd.f32 v24, v4  }
0x16e: {  	v9 =	vld.idx.msk [tilespmem:v9+s2+$0x0], $0xffff;
	v28 =	vadd.s32 v3, v62  }
0x16f: {  	v29 =	vld.idx.msk [tilespmem:v59+s16+$0x0], $0xffff;
	v30 =	vmul.f32 v49, v44;
	v15 =	vadd.s32 v53, v28;
	v4 =	vadd.f32 v27, v4  }
0x170: {  	v31 =	vadd.s32 v3, v21;
	v12 =	vld.idx.msk [tilespmem:v12+s2+$0x0], $0xffff  }
0x171: {  	v37 =	vld [tilespmem:$0x4920];
	v6 =	vadd.s32 v56, v31;
	v34 =	vmul.f32 v61, v8;
	v4 =	vadd.f32 v30, v4  }
0x172: {  	v36 =	vadd.s32 v3, v26;
	v35 =	vld.idx.msk [tilespmem:v11+s2+$0x0], $0xffff  }
0x173: {  	v40 =	vld [tilespmem:$0x49A0];
	v11 =	vadd.s32 v59, v36;
	v38 =	vmul.f32 v25, v9;
	v4 =	vadd.f32 v34, v4  }
0x174: {  	v3 =	vadd.s32 v3, v29;
	v39 =	vld.idx.msk [tilespmem:v15+s2+$0x0], $0xffff  }
0x175: {  	v42 =	vld [tilespmem:$0x4A20];
	v41 =	vmul.f32 v33, v12;
	v3 =	vadd.s32 v32, v3;
	v4 =	vadd.f32 v38, v4  }
0x176: {  	v6 =	vld.idx.msk [tilespmem:v6+s2+$0x0], $0xffff  }
0x177: {  	v45 =	vld [tilespmem:$0x4AA0];
	v43 =	vmul.f32 v37, v35;
	v4 =	vadd.f32 v41, v4  }
0x178: {  	v44 =	vld.idx.msk [tilespmem:v11+s2+$0x0], $0xffff  }
0x179: {  	v47 =	vld [tilespmem:$0x4B20];
	v46 =	vmul.f32 v40, v39;
	v4 =	vadd.f32 v43, v4  }
0x17a: {  	v3 =	vld.idx.msk [tilespmem:v3+s2+$0x0], $0xffff  }
0x17b: {  	v48 =	vmul.f32 v42, v6;
	v4 =	vadd.f32 v46, v4;
	_ =	sdelay $0x1  }
0x17c: {  	v49 =	vmul.f32 v45, v44;
	v4 =	vadd.f32 v48, v4;
	_ =	sdelay $0x1  }
0x17d: {  	v3 =	vmul.f32 v47, v3;
	v4 =	vadd.f32 v49, v4;
	_ =	sdelay $0x1  }
0x17e: {  	v3 =	vadd.f32 v3, v4  }
0x17f: {  	v52 =	vld [tilespmem:$0x2E30]  }
0x180: {  	v50 =	vld [tilespmem:$0x2DB0];
	[tilespmem:$0x4DA0] =	vst v3  }
0x181: {  	v3 =	vld.msk [tilespmem:s12+$0x0], $0xffff  }
0x182: {  	v51 =	vld.idx.msk [tilespmem:v1+s12+$0x0], $0xffff;
	_ =	sdelay $0x1  }
0x183: {  	v57 =	vld [tilespmem:$0x2EB0]  }
0x184: {  	v59 =	vld [tilespmem:$0x2F30]  }
0x185: {  	v36 =	vld [tilespmem:$0x3230]  }
0x186: {  	v61 =	vld [tilespmem:$0x2FB0];
	v3 =	vadd.f32 v50, v3;
	v53 =	vadd.f32 v52, v51  }
0x187: {  	v28 =	vld [tilespmem:$0x3030]  }
0x188: {  	v32 =	vld [tilespmem:$0x3130];
	vm14 =	vge.f32 v3, v53  }
0x189: {  	v30 =	vld [tilespmem:$0x30B0];
	vm0 =	vmneg vm14  }
0x18a: {  	v44 =	vld [tilespmem:$0x3330];
	v3 =	vsel vm0, $0x3, v0  }
0x18b: {  	v34 =	vld [tilespmem:$0x31B0];
	v54 =	vadd.s32 $0x2, v3  }
0x18c: {  	v39 =	vld [tilespmem:$0x32B0];
	v55 =	vadd.s32 $0x3, v3  }
0x18d: {  	v47 =	vld [tilespmem:$0x33B0];
	v56 =	vor.u32 $0x4, v3  }
0x18e: {  	v50 =	vld [tilespmem:$0x3430];
	v58 =	vor.u32 $0x8, v3  }
0x18f: {  	v53 =	vld [tilespmem:$0x34B0];
	v60 =	vadd.s32 $0x9, v3  }
0x190: {  	v63 =	vsel vm0, $0x5, v0;
	v62 =	vadd.s32 $0xA, v3;
	v4 =	vld.idx.msk [tilespmem:v54+s12+$0x0], $0xffff  }
0x191: {  	v29 =	vadd.s32 $0xE, v63;
	v5 =	vld.idx.msk [tilespmem:v55+s12+$0x0], $0xffff  }
0x192: {  	v31 =	vadd.s32 $0xF, v63;
	v6 =	vld.idx.msk [tilespmem:v56+s12+$0x0], $0xffff  }
0x193: {  	v33 =	vor.u32 $0x10, v63;
	v8 =	vld.idx.msk [tilespmem:v58+s12+$0x0], $0xffff  }
0x194: {  	v35 =	vadd.s32 $0x11, v63;
	v10 =	vld.idx.msk [tilespmem:v60+s12+$0x0], $0xffff  }
0x195: {  	v38 =	vsel vm0, $0x2, v0;
	v37 =	vor.u32 $0x12, v63;
	v12 =	vld.idx.msk [tilespmem:v62+s12+$0x0], $0xffff  }
0x196: {  	v40 =	vor.u32 $0x18, v38;
	v15 =	vld.idx.msk [tilespmem:v29+s12+$0x0], $0xffff  }
0x197: {  	v45 =	vor.u32 $0x19, v38;
	v17 =	vld.idx.msk [tilespmem:v31+s12+$0x0], $0xffff  }
0x198: {  	v19 =	vld.idx.msk [tilespmem:v33+s12+$0x0], $0xffff  }
0x199: {  	v42 =	vld.idx.msk [tilespmem:v35+s12+$0x0], $0xffff  }
0x19a: {  	v9 =	vld.idx.msk [tilespmem:v37+s12+$0x0], $0xffff  }
0x19b: {  	v49 =	vld.idx.msk [tilespmem:v40+s12+$0x0], $0xffff  }
0x19c: {  	v51 =	vld.idx.msk [tilespmem:v45+s12+$0x0], $0xffff;
	v4 =	vadd.f32 v57, v4;
	v5 =	vadd.f32 v59, v5  }
0x19d: {  	v62 =	vld [tilespmem:$0x3630];
	v6 =	vadd.f32 v61, v6;
	v15 =	vadd.f32 v34, v15  }
0x19e: {  	v37 =	vld [tilespmem:$0x41B0];
	v7 =	vadd.f32 v36, v17;
	v8 =	vadd.f32 v28, v8  }
0x19f: {  	v40 =	vld [tilespmem:$0x4230];
	v10 =	vadd.f32 v30, v10;
	v11 =	vadd.f32 v39, v19  }
0x1a0: {  	v41 =	vsel vm0, $0x1D, v2;
	v45 =	vld [tilespmem:$0x4330];
	v12 =	vadd.f32 v32, v12;
	v9 =	vadd.f32 v47, v9  }
0x1a1: {  	v56 =	vadd.f32 v50, v49;
	v57 =	vld [tilespmem:$0x35B0];
	vm15 =	vgt.f32 v5, v4;
	vm5 =	vgt.f32 v7, v15  }
0x1a2: {  	v30 =	vld [tilespmem:$0x36B0];
	vm6 =	vgt.f32 v10, v8;
	v4 =	vsel vm15, v5, v4;
	v43 =	vsel vm15, $0x1, v0  }
0x1a3: {  	v32 =	vld [tilespmem:$0x3730];
	v7 =	vsel vm5, v7, v15;
	v8 =	vsel vm6, v10, v8;
	v52 =	vsel vm6, $0x1, v0  }
0x1a4: {  	v34 =	vld [tilespmem:$0x37B0];
	v54 =	vsel vm5, $0x1, v0;
	vm4 =	vgt.f32 v6, v4;
	vm8 =	vgt.f32 v12, v8  }
0x1a5: {  	v36 =	vld [tilespmem:$0x3830];
	vm7 =	vgt.f32 v11, v7;
	v21 =	vsel vm4, $0x2, v43;
	v6 =	vsel vm8, $0x2, v52  }
0x1a6: {  	v47 =	vld [tilespmem:$0x4430];
	v4 =	vadd.f32 v44, v42;
	v46 =	vadd.s32 v3, v21;
	v3 =	vadd.s32 v3, v6  }
0x1a7: {  	v49 =	vld [tilespmem:$0x4530];
	v5 =	vadd.f32 v53, v51;
	v7 =	vsel vm7, v11, v7;
	v3 =	vadd.s32 $0x24, v3  }
0x1a8: {  	v35 =	vld.idx.msk [tilespmem:v62+s16+$0x0], $0xffff;
	v10 =	vsel vm7, $0x2, v54;
	vm9 =	vgt.f32 v4, v7  }
0x1a9: {  	v44 =	vld [tilespmem:$0x42B0];
	vm11 =	vgt.f32 v5, v56;
	v4 =	vsel vm9, v4, v7;
	v58 =	vmul.u32 $0x3, v46  }
0x1aa: {  	v43 =	vld [tilespmem:$0x38B0];
	v60 =	vsel vm11, $0x1, v0;
	v55 =	vsel vm9, $0x3, v10;
	vm10 =	vgt.f32 v9, v4  }
0x1ab: {  	v10 =	vld.idx.msk [tilespmem:v41+s12+$0x0], $0xffff;
	v61 =	vor.u32 v60, v38;
	v4 =	vsel vm10, $0x4, v55;
	v5 =	vadd.s32 v58, v6  }
0x1ac: {  	v7 =	vadd.s32 v63, v4;
	v5 =	vshll.u32 v5, $0x1;
	v63 =	vld.idx.msk [tilespmem:v3+s12+$0x0], $0xffff;
	v3 =	vor.u32 $0x34, v61  }
0x1ad: {  	v31 =	vld.idx.msk [tilespmem:v57+s16+$0x0], $0xffff;
	v5 =	vor.u32 v60, v5  }
0x1ae: {  	v38 =	vld.idx.msk [tilespmem:v30+s16+$0x0], $0xffff;
	v5 =	vmul.u32 $0x5, v5  }
0x1af: {  	v48 =	vadd.s32 $0x1E, v46;
	v39 =	vld.idx.msk [tilespmem:v32+s16+$0x0], $0xffff  }
0x1b0: {  	v41 =	vld.idx.msk [tilespmem:v34+s16+$0x0], $0xffff;
	v4 =	vadd.s32 v4, v5  }
0x1b1: {  	v7 =	vadd.s32 $0x2A, v7;
	v33 =	vld.idx.msk [tilespmem:v3+s12+$0x0], $0xffff;
	v3 =	vshll.u32 v4, $0x6  }
0x1b2: {  	v42 =	vld.idx.msk [tilespmem:v36+s16+$0x0], $0xffff;
	v4 =	vadd.s32 v57, v3;
	v12 =	vadd.s32 v31, v3  }
0x1b3: {  	v46 =	vld [tilespmem:$0x43B0];
	v15 =	vadd.s32 v3, v35;
	v6 =	vadd.s32 v62, v12  }
0x1b4: {  	v59 =	vld.idx.msk [tilespmem:v48+s12+$0x0], $0xffff;
	v18 =	vadd.s32 v3, v39;
	v11 =	vadd.s32 v30, v15  }
0x1b5: {  	v48 =	vld [tilespmem:$0x44B0];
	v12 =	vadd.s32 v3, v38;
	v8 =	vadd.s32 v34, v18  }
0x1b6: {  	v7 =	vld.idx.msk [tilespmem:v7+s12+$0x0], $0xffff;
	v15 =	vadd.s32 v3, v41;
	v5 =	vadd.s32 v32, v12  }
0x1b7: {  	v15 =	vadd.s32 v36, v15;
	v12 =	vadd.s32 v3, v42;
	v4 =	vld.idx.msk [tilespmem:v4+s2+$0x0], $0xffff  }
0x1b8: {  	v12 =	vadd.s32 v43, v12;
	v6 =	vld.idx.msk [tilespmem:v6+s2+$0x0], $0xffff  }
0x1b9: {  	v11 =	vld.idx.msk [tilespmem:v11+s2+$0x0], $0xffff  }
0x1ba: {  	v8 =	vld.idx.msk [tilespmem:v8+s2+$0x0], $0xffff  }
0x1bb: {  	v5 =	vld.idx.msk [tilespmem:v5+s2+$0x0], $0xffff  }
0x1bc: {  	v15 =	vld.idx.msk [tilespmem:v15+s2+$0x0], $0xffff  }
0x1bd: {  	v12 =	vld.idx.msk [tilespmem:v12+s2+$0x0], $0xffff  }
0x1be: {  	v20 =	vld.idx.msk [tilespmem:v43+s16+$0x0], $0xffff  }
0x1bf: {  	v50 =	vld [tilespmem:$0x3930]  }
0x1c0: {  	v51 =	vld [tilespmem:$0x39B0]  }
0x1c1: {  	v9 =	vadd.f32 v59, v10;
	v52 =	vld [tilespmem:$0x3A30]  }
0x1c2: {  	v56 =	vld [tilespmem:$0x3AB0]  }
0x1c3: {  	v9 =	vadd.f32 v63, v9;
	v59 =	vld [tilespmem:$0x45B0]  }
0x1c4: {  	v63 =	vld [tilespmem:$0x3B30]  }
0x1c5: {  	v7 =	vadd.f32 v7, v9;
	v31 =	vld [tilespmem:$0x4630]  }
0x1c6: {  	v32 =	vld [tilespmem:$0x3BB0]  }
0x1c7: {  	v7 =	vadd.f32 v33, v7;
	v33 =	vld [tilespmem:$0x46B0]  }
0x1c8: {  	v36 =	vld [tilespmem:$0x3C30]  }
0x1c9: {  	v39 =	vld [tilespmem:$0x4730]  }
0x1ca: {  	v42 =	vld [tilespmem:$0x3D30]  }
0x1cb: {  	v4 =	vmul.f32 v40, v4;
	v40 =	vld [tilespmem:$0x3CB0]  }
0x1cc: {  	v38 =	vmul.f32 v45, v11;
	v45 =	vld [tilespmem:$0x3DB0]  }
0x1cd: {  	v5 =	vmul.f32 v46, v5;
	v46 =	vmul.f32 v48, v15;
	v48 =	vld [tilespmem:$0x3E30]  }
0x1ce: {  	v7 =	vmul.f32 v37, v7;
	v53 =	vld.idx.msk [tilespmem:v50+s16+$0x0], $0xffff  }
0x1cf: {  	v55 =	vld.idx.msk [tilespmem:v51+s16+$0x0], $0xffff  }
0x1d0: {  	v6 =	vmul.f32 v44, v6;
	v4 =	vadd.f32 v4, v7;
	v20 =	vadd.s32 v3, v20;
	v57 =	vld.idx.msk [tilespmem:v52+s16+$0x0], $0xffff  }
0x1d1: {  	v20 =	vadd.s32 v50, v20;
	v26 =	vld.idx.msk [tilespmem:v56+s16+$0x0], $0xffff  }
0x1d2: {  	v4 =	vadd.f32 v6, v4;
	v37 =	vld.idx.msk [tilespmem:v63+s16+$0x0], $0xffff  }
0x1d3: {  	v41 =	vld.idx.msk [tilespmem:v32+s16+$0x0], $0xffff;
	v54 =	vadd.s32 v3, v53  }
0x1d4: {  	v43 =	vmul.f32 v47, v8;
	v4 =	vadd.f32 v38, v4;
	v47 =	vld.idx.msk [tilespmem:v36+s16+$0x0], $0xffff;
	v25 =	vadd.s32 v51, v54  }
0x1d5: {  	v50 =	vld [tilespmem:$0x47B0];
	v28 =	vadd.s32 v3, v55  }
0x1d6: {  	v4 =	vadd.f32 v5, v4;
	v58 =	vld.idx.msk [tilespmem:v20+s2+$0x0], $0xffff;
	v61 =	vadd.s32 v52, v28  }
0x1d7: {  	v62 =	vadd.s32 v3, v57;
	v53 =	vld.idx.msk [tilespmem:v42+s16+$0x0], $0xffff  }
0x1d8: {  	v4 =	vadd.f32 v43, v4;
	v55 =	vld [tilespmem:$0x4830];
	v27 =	vadd.s32 v56, v62  }
0x1d9: {  	v35 =	vadd.s32 v3, v26;
	v60 =	vld.idx.msk [tilespmem:v25+s2+$0x0], $0xffff  }
0x1da: {  	v49 =	vmul.f32 v49, v12;
	v57 =	vld.idx.msk [tilespmem:v45+s16+$0x0], $0xffff;
	v7 =	vadd.s32 v63, v35;
	v4 =	vadd.f32 v46, v4  }
0x1db: {  	v44 =	vadd.s32 v3, v37;
	v25 =	vld.idx.msk [tilespmem:v61+s2+$0x0], $0xffff  }
0x1dc: {  	v8 =	vadd.s32 v32, v44;
	v51 =	vld.idx.msk [tilespmem:v40+s16+$0x0], $0xffff;
	v4 =	vadd.f32 v49, v4;
	v52 =	vmul.f32 v59, v58  }
0x1dd: {  	v6 =	vadd.s32 v3, v41;
	v34 =	vld.idx.msk [tilespmem:v27+s2+$0x0], $0xffff  }
0x1de: {  	v6 =	vadd.s32 v36, v6;
	v62 =	vld [tilespmem:$0x3EB0];
	v4 =	vadd.f32 v52, v4;
	v54 =	vmul.f32 v31, v60  }
0x1df: {  	v56 =	vadd.s32 v3, v47;
	v7 =	vld.idx.msk [tilespmem:v7+s2+$0x0], $0xffff  }
0x1e0: {  	v63 =	vld [tilespmem:$0x48B0];
	v13 =	vadd.s32 v40, v56;
	v58 =	vmul.f32 v33, v25;
	v4 =	vadd.f32 v54, v4  }
0x1e1: {  	v8 =	vld.idx.msk [tilespmem:v8+s2+$0x0], $0xffff;
	v59 =	vadd.s32 v3, v51  }
0x1e2: {  	v16 =	vadd.s32 v42, v59;
	v60 =	vld.idx.msk [tilespmem:v48+s16+$0x0], $0xffff;
	v61 =	vmul.f32 v39, v34;
	v4 =	vadd.f32 v58, v4  }
0x1e3: {  	v10 =	vadd.s32 v3, v53;
	v6 =	vld.idx.msk [tilespmem:v6+s2+$0x0], $0xffff  }
0x1e4: {  	v23 =	vld [tilespmem:$0x4930];
	v10 =	vadd.s32 v45, v10;
	v19 =	vmul.f32 v50, v7;
	v4 =	vadd.f32 v61, v4  }
0x1e5: {  	v21 =	vadd.s32 v3, v57;
	v20 =	vld.idx.msk [tilespmem:v13+s2+$0x0], $0xffff  }
0x1e6: {  	v26 =	vld [tilespmem:$0x49B0];
	v12 =	vadd.s32 v48, v21;
	v24 =	vmul.f32 v55, v8;
	v4 =	vadd.f32 v19, v4  }
0x1e7: {  	v25 =	vld.idx.msk [tilespmem:v16+s2+$0x0], $0xffff;
	v3 =	vadd.s32 v3, v60  }
0x1e8: {  	v29 =	vld [tilespmem:$0x4A30];
	v27 =	vmul.f32 v63, v6;
	v3 =	vadd.s32 v62, v3;
	v4 =	vadd.f32 v24, v4  }
0x1e9: {  	v28 =	vld.idx.msk [tilespmem:v10+s2+$0x0], $0xffff  }
0x1ea: {  	v32 =	vld [tilespmem:$0x4AB0];
	v30 =	vmul.f32 v23, v20;
	v4 =	vadd.f32 v27, v4  }
0x1eb: {  	v31 =	vld.idx.msk [tilespmem:v12+s2+$0x0], $0xffff  }
0x1ec: {  	v34 =	vld [tilespmem:$0x4B30];
	v33 =	vmul.f32 v26, v25;
	v4 =	vadd.f32 v30, v4  }
0x1ed: {  	v3 =	vld.idx.msk [tilespmem:v3+s2+$0x0], $0xffff  }
0x1ee: {  	v35 =	vmul.f32 v29, v28;
	v4 =	vadd.f32 v33, v4;
	_ =	sdelay $0x1  }
0x1ef: {  	v36 =	vmul.f32 v32, v31;
	v4 =	vadd.f32 v35, v4;
	_ =	sdelay $0x1  }
0x1f0: {  	v3 =	vmul.f32 v34, v3;
	v4 =	vadd.f32 v36, v4;
	_ =	sdelay $0x1  }
0x1f1: {  	v3 =	vadd.f32 v3, v4  }
0x1f2: {  	v37 =	vld [tilespmem:$0x2DC0]  }
0x1f3: {  	v39 =	vld [tilespmem:$0x2E40];
	[tilespmem:$0x4DB0] =	vst v3  }
0x1f4: {  	v3 =	vld.msk [tilespmem:s12+$0x0], $0xffff  }
0x1f5: {  	v38 =	vld.idx.msk [tilespmem:v1+s12+$0x0], $0xffff;
	_ =	sdelay $0x2  }
0x1f6: {  	v44 =	vld [tilespmem:$0x2EC0]  }
0x1f7: {  	v46 =	vld [tilespmem:$0x2F40]  }
0x1f8: {  	v53 =	vld [tilespmem:$0x30C0];
	v3 =	vadd.f32 v37, v3;
	v40 =	vadd.f32 v39, v38  }
0x1f9: {  	v57 =	vld [tilespmem:$0x31C0]  }
0x1fa: {  	v51 =	vld [tilespmem:$0x3040];
	vm12 =	vge.f32 v3, v40  }
0x1fb: {  	v59 =	vld [tilespmem:$0x3240];
	vm0 =	vmneg vm12  }
0x1fc: {  	v48 =	vld [tilespmem:$0x2FC0];
	v3 =	vsel vm0, $0x3, v0  }
0x1fd: {  	v55 =	vld [tilespmem:$0x3140];
	v41 =	vadd.s32 $0x2, v3  }
0x1fe: {  	v63 =	vld [tilespmem:$0x32C0];
	v42 =	vadd.s32 $0x3, v3  }
0x1ff: {  	v31 =	vld [tilespmem:$0x3340];
	v43 =	vor.u32 $0x4, v3  }
0x200: {  	v37 =	vld [tilespmem:$0x33C0];
	v45 =	vor.u32 $0x8, v3  }
0x201: {  	v40 =	vld [tilespmem:$0x3440];
	v47 =	vadd.s32 $0x9, v3  }
0x202: {  	v50 =	vsel vm0, $0x5, v0;
	v49 =	vadd.s32 $0xA, v3;
	v4 =	vld.idx.msk [tilespmem:v41+s12+$0x0], $0xffff  }
0x203: {  	v52 =	vadd.s32 $0xE, v50;
	v5 =	vld.idx.msk [tilespmem:v42+s12+$0x0], $0xffff  }
0x204: {  	v54 =	vadd.s32 $0xF, v50;
	v6 =	vld.idx.msk [tilespmem:v43+s12+$0x0], $0xffff  }
0x205: {  	v56 =	vor.u32 $0x10, v50;
	v8 =	vld.idx.msk [tilespmem:v45+s12+$0x0], $0xffff  }
0x206: {  	v58 =	vadd.s32 $0x11, v50;
	v10 =	vld.idx.msk [tilespmem:v47+s12+$0x0], $0xffff  }
0x207: {  	v62 =	vsel vm0, $0x2, v0;
	v60 =	vor.u32 $0x12, v50;
	v12 =	vld.idx.msk [tilespmem:v49+s12+$0x0], $0xffff  }
0x208: {  	v28 =	vor.u32 $0x18, v62;
	v15 =	vld.idx.msk [tilespmem:v52+s12+$0x0], $0xffff  }
0x209: {  	v32 =	vor.u32 $0x19, v62;
	v17 =	vld.idx.msk [tilespmem:v54+s12+$0x0], $0xffff  }
0x20a: {  	v61 =	vld.idx.msk [tilespmem:v56+s12+$0x0], $0xffff  }
0x20b: {  	v21 =	vld.idx.msk [tilespmem:v58+s12+$0x0], $0xffff  }
0x20c: {  	v34 =	vld.idx.msk [tilespmem:v60+s12+$0x0], $0xffff  }
0x20d: {  	v39 =	vld.idx.msk [tilespmem:v28+s12+$0x0], $0xffff  }
0x20e: {  	v42 =	vld.idx.msk [tilespmem:v32+s12+$0x0], $0xffff  }
0x20f: {  	v29 =	vsel vm0, $0x1D, v2;
	v54 =	vld [tilespmem:$0x3640]  }
0x210: {  	v60 =	vld [tilespmem:$0x3740]  }
0x211: {  	v32 =	vld [tilespmem:$0x37C0]  }
0x212: {  	v4 =	vadd.f32 v44, v4;
	v44 =	vld [tilespmem:$0x34C0]  }
0x213: {  	v35 =	vadd.f32 v51, v8;
	v51 =	vld [tilespmem:$0x35C0]  }
0x214: {  	v12 =	vadd.f32 v55, v12;
	v55 =	vld.idx.msk [tilespmem:v29+s12+$0x0], $0xffff  }
0x215: {  	v15 =	vadd.f32 v57, v15;
	v57 =	vld [tilespmem:$0x36C0]  }
0x216: {  	v5 =	vadd.f32 v46, v5;
	v7 =	vadd.f32 v63, v61;
	v63 =	vld [tilespmem:$0x4240]  }
0x217: {  	v36 =	vadd.f32 v53, v10;
	v8 =	vadd.f32 v37, v34;
	v34 =	vld [tilespmem:$0x3840]  }
0x218: {  	v30 =	vadd.f32 v48, v6;
	v49 =	vadd.f32 v40, v39;
	v39 =	vld [tilespmem:$0x3940];
	vm13 =	vgt.f32 v5, v4  }
0x219: {  	v17 =	vadd.f32 v59, v17;
	vm4 =	vgt.f32 v36, v35;
	v4 =	vsel vm13, v5, v4;
	v61 =	vld.idx.msk [tilespmem:v54+s16+$0x0], $0xffff  }
0x21a: {  	vm14 =	vgt.f32 v30, v4;
	v4 =	vsel vm4, v36, v35;
	v35 =	vld [tilespmem:$0x42C0]  }
0x21b: {  	vm15 =	vgt.f32 v17, v15;
	v33 =	vsel vm13, $0x1, v0;
	v36 =	vld [tilespmem:$0x4340]  }
0x21c: {  	v15 =	vsel vm15, v17, v15;
	v38 =	vsel vm14, $0x2, v33;
	v33 =	vld.idx.msk [tilespmem:v60+s16+$0x0], $0xffff  }
0x21d: {  	v41 =	vadd.f32 v31, v21;
	vm5 =	vgt.f32 v7, v15;
	v6 =	vadd.f32 v44, v42;
	v42 =	vld [tilespmem:$0x39C0]  }
0x21e: {  	v7 =	vsel vm5, v7, v15;
	v44 =	vld [tilespmem:$0x3A40]  }
0x21f: {  	v45 =	vsel vm15, $0x1, v0;
	v10 =	vadd.s32 v3, v38;
	vm6 =	vgt.f32 v41, v7;
	v38 =	vld [tilespmem:$0x38C0]  }
0x220: {  	v46 =	vsel vm5, $0x2, v45;
	v5 =	vsel vm6, v41, v7;
	v41 =	vld [tilespmem:$0x43C0]  }
0x221: {  	vm7 =	vgt.f32 v12, v4;
	v4 =	vsel vm6, $0x3, v46;
	v46 =	vld [tilespmem:$0x4440]  }
0x222: {  	v43 =	vsel vm4, $0x1, v0;
	v59 =	vld.idx.msk [tilespmem:v51+s16+$0x0], $0xffff  }
0x223: {  	v47 =	vsel vm7, $0x2, v43;
	v31 =	vld.idx.msk [tilespmem:v57+s16+$0x0], $0xffff  }
0x224: {  	v48 =	vadd.s32 $0x1E, v10;
	v3 =	vadd.s32 v3, v47;
	v10 =	vmul.u32 $0x3, v10;
	v40 =	vld.idx.msk [tilespmem:v34+s16+$0x0], $0xffff  }
0x225: {  	vm8 =	vgt.f32 v8, v5;
	v3 =	vadd.s32 $0x24, v3;
	v45 =	vld.idx.msk [tilespmem:v39+s16+$0x0], $0xffff  }
0x226: {  	v4 =	vsel vm8, $0x4, v4;
	v52 =	vadd.s32 v10, v47;
	v47 =	vld [tilespmem:$0x44C0]  }
0x227: {  	vm9 =	vgt.f32 v6, v49;
	v50 =	vadd.s32 v50, v4;
	v6 =	vshll.u32 v52, $0x1;
	v52 =	vld [tilespmem:$0x4540]  }
0x228: {  	v11 =	vadd.s32 $0x2A, v50;
	v50 =	vld [tilespmem:$0x3AC0]  }
0x229: {  	v53 =	vsel vm9, $0x1, v0;
	v5 =	vld.idx.msk [tilespmem:v48+s12+$0x0], $0xffff  }
0x22a: {  	v6 =	vor.u32 v53, v6;
	v56 =	vld.idx.msk [tilespmem:v3+s12+$0x0], $0xffff  }
0x22b: {  	v6 =	vmul.u32 $0x5, v6;
	v3 =	vor.u32 v53, v62;
	v62 =	vld [tilespmem:$0x41C0]  }
0x22c: {  	v49 =	vld.idx.msk [tilespmem:v42+s16+$0x0], $0xffff  }
0x22d: {  	v9 =	vor.u32 $0x34, v3;
	v3 =	vadd.s32 v4, v6;
	v43 =	vld.idx.msk [tilespmem:v38+s16+$0x0], $0xffff  }
0x22e: {  	v3 =	vshll.u32 v3, $0x6;
	v7 =	vld.idx.msk [tilespmem:v11+s12+$0x0], $0xffff  }
0x22f: {  	v58 =	vadd.s32 v51, v3;
	v51 =	vld.idx.msk [tilespmem:v44+s16+$0x0], $0xffff  }
0x230: {  	v11 =	vadd.s32 v59, v3;
	v59 =	vld [tilespmem:$0x4640]  }
0x231: {  	v30 =	vadd.s32 v3, v61;
	v61 =	vld [tilespmem:$0x46C0]  }
0x232: {  	v14 =	vadd.s32 v3, v31;
	v31 =	vld [tilespmem:$0x3CC0]  }
0x233: {  	v22 =	vadd.s32 v3, v40;
	v40 =	vld [tilespmem:$0x3E40]  }
0x234: {  	v8 =	vadd.s32 v54, v11;
	v11 =	vld.idx.msk [tilespmem:v32+s16+$0x0], $0xffff  }
0x235: {  	v54 =	vld [tilespmem:$0x45C0]  }
0x236: {  	v12 =	vadd.s32 v60, v14;
	v60 =	vld [tilespmem:$0x3BC0]  }
0x237: {  	v37 =	vadd.s32 v3, v33;
	v4 =	vadd.s32 v57, v30;
	v30 =	vld [tilespmem:$0x4740]  }
0x238: {  	v48 =	vadd.s32 v3, v45;
	v14 =	vadd.s32 v32, v37;
	v37 =	vld [tilespmem:$0x3DC0]  }
0x239: {  	v18 =	vadd.s32 v42, v48;
	v5 =	vadd.f32 v5, v55;
	v42 =	vld [tilespmem:$0x47C0]  }
0x23a: {  	v9 =	vld.idx.msk [tilespmem:v9+s12+$0x0], $0xffff;
	v24 =	vadd.s32 v3, v43  }
0x23b: {  	v5 =	vadd.f32 v56, v5;
	v21 =	vadd.s32 v39, v24;
	v24 =	vld.idx.msk [tilespmem:v50+s16+$0x0], $0xffff  }
0x23c: {  	v6 =	vld.idx.msk [tilespmem:v58+s2+$0x0], $0xffff  }
0x23d: {  	v17 =	vadd.s32 v38, v22;
	v58 =	vld [tilespmem:$0x3B40];
	v5 =	vadd.f32 v7, v5  }
0x23e: {  	v57 =	vadd.s32 v3, v51;
	v8 =	vld.idx.msk [tilespmem:v8+s2+$0x0], $0xffff  }
0x23f: {  	v4 =	vld.idx.msk [tilespmem:v4+s2+$0x0], $0xffff;
	v22 =	vadd.s32 v50, v57;
	v5 =	vadd.f32 v9, v5  }
0x240: {  	v12 =	vld.idx.msk [tilespmem:v12+s2+$0x0], $0xffff;
	v11 =	vadd.s32 v3, v11  }
0x241: {  	v14 =	vld.idx.msk [tilespmem:v14+s2+$0x0], $0xffff;
	v11 =	vadd.s32 v34, v11;
	v5 =	vmul.f32 v62, v5;
	v6 =	vmul.f32 v63, v6  }
0x242: {  	v25 =	vadd.s32 v3, v49;
	v17 =	vld.idx.msk [tilespmem:v17+s2+$0x0], $0xffff  }
0x243: {  	v56 =	vadd.s32 v44, v25;
	v55 =	vld.idx.msk [tilespmem:v18+s2+$0x0], $0xffff;
	v63 =	vmul.f32 v35, v8;
	v5 =	vadd.f32 v6, v5  }
0x244: {  	v62 =	vld.idx.msk [tilespmem:v22+s2+$0x0], $0xffff  }
0x245: {  	v22 =	vadd.s32 v3, v24;
	v24 =	vld [tilespmem:$0x3C40];
	v4 =	vmul.f32 v36, v4;
	v5 =	vadd.f32 v63, v5  }
0x246: {  	v11 =	vld.idx.msk [tilespmem:v11+s2+$0x0], $0xffff  }
0x247: {  	v34 =	vld [tilespmem:$0x3D40];
	v32 =	vmul.f32 v41, v12;
	v4 =	vadd.f32 v4, v5  }
0x248: {  	v18 =	vld.idx.msk [tilespmem:v56+s2+$0x0], $0xffff  }
0x249: {  	v35 =	vmul.f32 v46, v14;
	v28 =	vld.idx.msk [tilespmem:v58+s16+$0x0], $0xffff;
	v4 =	vadd.f32 v32, v4  }
0x24a: {  	v53 =	vld.idx.msk [tilespmem:v21+s2+$0x0], $0xffff  }
0x24b: {  	v33 =	vld.idx.msk [tilespmem:v60+s16+$0x0], $0xffff;
	v38 =	vmul.f32 v47, v11;
	v4 =	vadd.f32 v35, v4  }
0x24c: {  	v43 =	vld.idx.msk [tilespmem:v31+s16+$0x0], $0xffff  }
0x24d: {  	v41 =	vmul.f32 v52, v17;
	v8 =	vadd.s32 v58, v22;
	v39 =	vld.idx.msk [tilespmem:v24+s16+$0x0], $0xffff;
	v4 =	vadd.f32 v38, v4  }
0x24e: {  	v51 =	vld.idx.msk [tilespmem:v40+s16+$0x0], $0xffff;
	v36 =	vadd.s32 v3, v28  }
0x24f: {  	v48 =	vld.idx.msk [tilespmem:v37+s16+$0x0], $0xffff;
	v44 =	vmul.f32 v54, v53;
	v9 =	vadd.s32 v60, v36;
	v4 =	vadd.f32 v41, v4  }
0x250: {  	v12 =	vadd.s32 v3, v33;
	v45 =	vld.idx.msk [tilespmem:v34+s16+$0x0], $0xffff  }
0x251: {  	v46 =	vmul.f32 v59, v55;
	v55 =	vld [tilespmem:$0x48C0];
	v12 =	vadd.s32 v24, v12;
	v4 =	vadd.f32 v44, v4  }
0x252: {  	v49 =	vmul.f32 v61, v18;
	v8 =	vld.idx.msk [tilespmem:v8+s2+$0x0], $0xffff;
	v11 =	vadd.s32 v3, v39  }
0x253: {  	v50 =	vadd.s32 v3, v43;
	v47 =	vld [tilespmem:$0x4840];
	v11 =	vadd.s32 v31, v11;
	v4 =	vadd.f32 v46, v4  }
0x254: {  	v15 =	vadd.s32 v34, v50;
	v9 =	vld.idx.msk [tilespmem:v9+s2+$0x0], $0xffff  }
0x255: {  	v54 =	vld [tilespmem:$0x3EC0];
	v52 =	vmul.f32 v30, v62;
	v53 =	vadd.s32 v3, v45;
	v4 =	vadd.f32 v49, v4  }
0x256: {  	v12 =	vld.idx.msk [tilespmem:v12+s2+$0x0], $0xffff;
	v6 =	vadd.s32 v37, v53  }
0x257: {  	v59 =	vld [tilespmem:$0x4940];
	v56 =	vmul.f32 v42, v8;
	v4 =	vadd.f32 v52, v4  }
0x258: {  	v58 =	vadd.s32 v3, v48;
	v57 =	vld.idx.msk [tilespmem:v11+s2+$0x0], $0xffff  }
0x259: {  	v62 =	vld [tilespmem:$0x49C0];
	v60 =	vmul.f32 v47, v9;
	v11 =	vadd.s32 v40, v58;
	v4 =	vadd.f32 v56, v4  }
0x25a: {  	v61 =	vld.idx.msk [tilespmem:v15+s2+$0x0], $0xffff;
	v3 =	vadd.s32 v3, v51  }
0x25b: {  	v3 =	vadd.s32 v54, v3;
	v63 =	vmul.f32 v55, v12;
	v6 =	vld.idx.msk [tilespmem:v6+s2+$0x0], $0xffff;
	v4 =	vadd.f32 v60, v4  }
0x25c: {  	v12 =	vld [tilespmem:$0x4A40]  }
0x25d: {  	v15 =	vld [tilespmem:$0x4AC0];
	v13 =	vmul.f32 v59, v57;
	v4 =	vadd.f32 v63, v4  }
0x25e: {  	v14 =	vld.idx.msk [tilespmem:v11+s2+$0x0], $0xffff  }
0x25f: {  	v17 =	vld [tilespmem:$0x4B40];
	v16 =	vmul.f32 v62, v61;
	v4 =	vadd.f32 v13, v4  }
0x260: {  	v3 =	vld.idx.msk [tilespmem:v3+s2+$0x0], $0xffff  }
0x261: {  	v18 =	vmul.f32 v12, v6;
	v4 =	vadd.f32 v16, v4;
	_ =	sdelay $0x1  }
0x262: {  	v19 =	vmul.f32 v15, v14;
	v4 =	vadd.f32 v18, v4;
	_ =	sdelay $0x1  }
0x263: {  	v3 =	vmul.f32 v17, v3;
	v4 =	vadd.f32 v19, v4;
	_ =	sdelay $0x1  }
0x264: {  	v3 =	vadd.f32 v3, v4  }
0x265: {  	v20 =	vld [tilespmem:$0x2DD0]  }
0x266: {  	v22 =	vld [tilespmem:$0x2E50];
	[tilespmem:$0x4DC0] =	vst v3  }
0x267: {  	v3 =	vld.msk [tilespmem:s12+$0x0], $0xffff  }
0x268: {  	v21 =	vld.idx.msk [tilespmem:v1+s12+$0x0], $0xffff;
	_ =	sdelay $0x1  }
0x269: {  	v27 =	vld [tilespmem:$0x2ED0]  }
0x26a: {  	v29 =	vld [tilespmem:$0x2F50]  }
0x26b: {  	v50 =	vld [tilespmem:$0x3350]  }
0x26c: {  	v34 =	vld [tilespmem:$0x3050];
	v3 =	vadd.f32 v20, v3;
	v23 =	vadd.f32 v22, v21  }
0x26d: {  	v36 =	vld [tilespmem:$0x30D0]  }
0x26e: {  	v38 =	vld [tilespmem:$0x3150];
	vm10 =	vge.f32 v3, v23  }
0x26f: {  	v42 =	vld [tilespmem:$0x3250];
	vm0 =	vmneg vm10  }
0x270: {  	v31 =	vld [tilespmem:$0x2FD0];
	v3 =	vsel vm0, $0x3, v0  }
0x271: {  	v46 =	vld [tilespmem:$0x32D0];
	v24 =	vadd.s32 $0x2, v3  }
0x272: {  	v40 =	vld [tilespmem:$0x31D0];
	v25 =	vadd.s32 $0x3, v3  }
0x273: {  	v56 =	vld [tilespmem:$0x33D0];
	v26 =	vor.u32 $0x4, v3  }
0x274: {  	v59 =	vld [tilespmem:$0x3450];
	v28 =	vor.u32 $0x8, v3  }
0x275: {  	v63 =	vld [tilespmem:$0x34D0];
	v30 =	vadd.s32 $0x9, v3  }
0x276: {  	v33 =	vsel vm0, $0x5, v0;
	v32 =	vadd.s32 $0xA, v3;
	v4 =	vld.idx.msk [tilespmem:v24+s12+$0x0], $0xffff  }
0x277: {  	v35 =	vadd.s32 $0xE, v33;
	v5 =	vld.idx.msk [tilespmem:v25+s12+$0x0], $0xffff  }
0x278: {  	v37 =	vadd.s32 $0xF, v33;
	v6 =	vld.idx.msk [tilespmem:v26+s12+$0x0], $0xffff  }
0x279: {  	v39 =	vor.u32 $0x10, v33;
	v8 =	vld.idx.msk [tilespmem:v28+s12+$0x0], $0xffff  }
0x27a: {  	v41 =	vadd.s32 $0x11, v33;
	v10 =	vld.idx.msk [tilespmem:v30+s12+$0x0], $0xffff  }
0x27b: {  	v45 =	vsel vm0, $0x2, v0;
	v43 =	vor.u32 $0x12, v33;
	v12 =	vld.idx.msk [tilespmem:v32+s12+$0x0], $0xffff  }
0x27c: {  	v47 =	vor.u32 $0x18, v45;
	v15 =	vld.idx.msk [tilespmem:v35+s12+$0x0], $0xffff  }
0x27d: {  	v51 =	vor.u32 $0x19, v45;
	v17 =	vld.idx.msk [tilespmem:v37+s12+$0x0], $0xffff  }
0x27e: {  	v44 =	vld.idx.msk [tilespmem:v39+s12+$0x0], $0xffff  }
0x27f: {  	v48 =	vsel vm0, $0x1D, v2;
	v21 =	vld.idx.msk [tilespmem:v41+s12+$0x0], $0xffff  }
0x280: {  	v53 =	vld.idx.msk [tilespmem:v43+s12+$0x0], $0xffff  }
0x281: {  	v58 =	vld.idx.msk [tilespmem:v47+s12+$0x0], $0xffff  }
0x282: {  	v61 =	vld.idx.msk [tilespmem:v51+s12+$0x0], $0xffff  }
0x283: {  	v28 =	vld [tilespmem:$0x35D0]  }
0x284: {  	v32 =	vld.idx.msk [tilespmem:v48+s12+$0x0], $0xffff  }
0x285: {  	v37 =	vld [tilespmem:$0x3750]  }
0x286: {  	v39 =	vld [tilespmem:$0x41D0]  }
0x287: {  	v43 =	vld [tilespmem:$0x37D0]  }
0x288: {  	v47 =	vld [tilespmem:$0x4350]  }
0x289: {  	v49 =	vadd.f32 v31, v6;
	v31 =	vld [tilespmem:$0x3650]  }
0x28a: {  	v54 =	vadd.f32 v34, v8;
	v34 =	vld [tilespmem:$0x36D0]  }
0x28b: {  	v15 =	vadd.f32 v40, v15;
	v40 =	vld [tilespmem:$0x4250]  }
0x28c: {  	v7 =	vadd.f32 v46, v44;
	v46 =	vld [tilespmem:$0x42D0]  }
0x28d: {  	v60 =	vadd.f32 v50, v21;
	v50 =	vld [tilespmem:$0x3950]  }
0x28e: {  	v8 =	vadd.f32 v56, v53;
	v53 =	vld [tilespmem:$0x39D0]  }
0x28f: {  	v4 =	vadd.f32 v27, v4;
	v26 =	vadd.f32 v59, v58;
	v58 =	vld [tilespmem:$0x44D0]  }
0x290: {  	v5 =	vadd.f32 v29, v5;
	v6 =	vadd.f32 v63, v61;
	v61 =	vld [tilespmem:$0x3AD0]  }
0x291: {  	v17 =	vadd.f32 v42, v17;
	v55 =	vadd.f32 v36, v10;
	v63 =	vld [tilespmem:$0x4550]  }
0x292: {  	v12 =	vadd.f32 v38, v12;
	vm11 =	vgt.f32 v5, v4;
	v36 =	vld.idx.msk [tilespmem:v28+s16+$0x0], $0xffff  }
0x293: {  	vm13 =	vgt.f32 v17, v15;
	vm14 =	vgt.f32 v55, v54;
	v4 =	vsel vm11, v5, v4;
	v44 =	vld.idx.msk [tilespmem:v37+s16+$0x0], $0xffff  }
0x294: {  	v52 =	vsel vm11, $0x1, v0;
	v15 =	vsel vm13, v17, v15;
	vm12 =	vgt.f32 v49, v4;
	v49 =	vld [tilespmem:$0x38D0]  }
0x295: {  	v62 =	vsel vm14, $0x1, v0;
	v4 =	vsel vm14, v55, v54;
	vm15 =	vgt.f32 v7, v15;
	v55 =	vld [tilespmem:$0x3A50]  }
0x296: {  	v21 =	vsel vm13, $0x1, v0;
	v57 =	vsel vm12, $0x2, v52;
	v7 =	vsel vm15, v7, v15;
	v52 =	vld [tilespmem:$0x43D0]  }
0x297: {  	vm5 =	vgt.f32 v12, v4;
	v10 =	vadd.s32 v3, v57;
	vm4 =	vgt.f32 v60, v7;
	v57 =	vld [tilespmem:$0x4450]  }
0x298: {  	v22 =	vsel vm15, $0x2, v21;
	v5 =	vsel vm4, v60, v7;
	v24 =	vadd.s32 $0x1E, v10;
	v38 =	vld.idx.msk [tilespmem:v31+s16+$0x0], $0xffff  }
0x299: {  	v23 =	vsel vm5, $0x2, v62;
	v4 =	vsel vm4, $0x3, v22;
	vm6 =	vgt.f32 v8, v5;
	v42 =	vld.idx.msk [tilespmem:v34+s16+$0x0], $0xffff  }
0x29a: {  	v3 =	vadd.s32 v3, v23;
	v10 =	vmul.u32 $0x3, v10;
	v56 =	vld.idx.msk [tilespmem:v50+s16+$0x0], $0xffff;
	v4 =	vsel vm6, $0x4, v4  }
0x29b: {  	v3 =	vadd.s32 $0x24, v3;
	v60 =	vld.idx.msk [tilespmem:v53+s16+$0x0], $0xffff;
	v27 =	vadd.s32 v33, v4  }
0x29c: {  	vm7 =	vgt.f32 v6, v26;
	v29 =	vadd.s32 v10, v23;
	v11 =	vadd.s32 $0x2A, v27;
	v27 =	vld [tilespmem:$0x3ED0]  }
0x29d: {  	v30 =	vsel vm7, $0x1, v0;
	v6 =	vshll.u32 v29, $0x1;
	v5 =	vld.idx.msk [tilespmem:v24+s12+$0x0], $0xffff  }
0x29e: {  	v6 =	vor.u32 v30, v6;
	v54 =	vld.idx.msk [tilespmem:v49+s16+$0x0], $0xffff  }
0x29f: {  	v6 =	vmul.u32 $0x5, v6;
	v62 =	vld.idx.msk [tilespmem:v55+s16+$0x0], $0xffff  }
0x2a0: {  	v33 =	vld.idx.msk [tilespmem:v3+s12+$0x0], $0xffff;
	v3 =	vor.u32 v30, v45  }
0x2a1: {  	v45 =	vld [tilespmem:$0x3850];
	v9 =	vor.u32 $0x34, v3;
	v3 =	vadd.s32 v4, v6  }
0x2a2: {  	v3 =	vshll.u32 v3, $0x6;
	v7 =	vld.idx.msk [tilespmem:v11+s12+$0x0], $0xffff  }
0x2a3: {  	v11 =	vadd.s32 v36, v3;
	v36 =	vld [tilespmem:$0x4650]  }
0x2a4: {  	v41 =	vadd.s32 v3, v38;
	v38 =	vld [tilespmem:$0x46D0]  }
0x2a5: {  	v14 =	vadd.s32 v3, v42;
	v42 =	vld [tilespmem:$0x3C50]  }
0x2a6: {  	v48 =	vadd.s32 v3, v44;
	v44 =	vld [tilespmem:$0x4750]  }
0x2a7: {  	v59 =	vadd.s32 v3, v56;
	v56 =	vld [tilespmem:$0x47D0]  }
0x2a8: {  	v35 =	vadd.s32 v28, v3;
	v28 =	vld [tilespmem:$0x48D0]  }
0x2a9: {  	v8 =	vadd.s32 v31, v11;
	v11 =	vld.idx.msk [tilespmem:v43+s16+$0x0], $0xffff  }
0x2aa: {  	v31 =	vld [tilespmem:$0x45D0]  }
0x2ab: {  	v12 =	vadd.s32 v37, v14;
	v37 =	vld [tilespmem:$0x3BD0]  }
0x2ac: {  	v14 =	vadd.s32 v43, v48;
	v5 =	vadd.f32 v5, v32;
	v48 =	vld [tilespmem:$0x3D50]  }
0x2ad: {  	v9 =	vld.idx.msk [tilespmem:v9+s12+$0x0], $0xffff  }
0x2ae: {  	v4 =	vadd.s32 v34, v41;
	v24 =	vadd.s32 v3, v54;
	v54 =	vld [tilespmem:$0x3E50];
	v5 =	vadd.f32 v33, v5  }
0x2af: {  	v6 =	vld.idx.msk [tilespmem:v35+s2+$0x0], $0xffff  }
0x2b0: {  	v51 =	vld.idx.msk [tilespmem:v45+s16+$0x0], $0xffff;
	v5 =	vadd.f32 v7, v5  }
0x2b1: {  	v8 =	vld.idx.msk [tilespmem:v8+s2+$0x0], $0xffff  }
0x2b2: {  	v18 =	vadd.s32 v53, v59;
	v21 =	vadd.s32 v50, v24;
	v24 =	vld.idx.msk [tilespmem:v61+s16+$0x0], $0xffff;
	v5 =	vadd.f32 v9, v5  }
0x2b3: {  	v4 =	vld.idx.msk [tilespmem:v4+s2+$0x0], $0xffff;
	v11 =	vadd.s32 v3, v11  }
0x2b4: {  	v35 =	vld [tilespmem:$0x3B50];
	v11 =	vadd.s32 v45, v11;
	v5 =	vmul.f32 v39, v5;
	v6 =	vmul.f32 v40, v6  }
0x2b5: {  	v12 =	vld.idx.msk [tilespmem:v12+s2+$0x0], $0xffff;
	v22 =	vadd.s32 v3, v51  }
0x2b6: {  	v14 =	vld.idx.msk [tilespmem:v14+s2+$0x0], $0xffff;
	v17 =	vadd.s32 v49, v22;
	v40 =	vmul.f32 v46, v8;
	v5 =	vadd.f32 v6, v5  }
0x2b7: {  	v32 =	vld.idx.msk [tilespmem:v18+s2+$0x0], $0xffff  }
0x2b8: {  	v30 =	vld.idx.msk [tilespmem:v21+s2+$0x0], $0xffff;
	v4 =	vmul.f32 v47, v4;
	v5 =	vadd.f32 v40, v5  }
0x2b9: {  	v25 =	vadd.s32 v3, v60;
	v11 =	vld.idx.msk [tilespmem:v11+s2+$0x0], $0xffff  }
0x2ba: {  	v33 =	vadd.s32 v55, v25;
	v45 =	vld [tilespmem:$0x3CD0];
	v46 =	vmul.f32 v52, v12;
	v4 =	vadd.f32 v4, v5  }
0x2bb: {  	v17 =	vld.idx.msk [tilespmem:v17+s2+$0x0], $0xffff  }
0x2bc: {  	v49 =	vmul.f32 v57, v14;
	v43 =	vld.idx.msk [tilespmem:v35+s16+$0x0], $0xffff;
	v4 =	vadd.f32 v46, v4  }
0x2bd: {  	v34 =	vadd.s32 v3, v62;
	v51 =	vld [tilespmem:$0x3DD0]  }
0x2be: {  	v22 =	vadd.s32 v61, v34;
	v47 =	vld.idx.msk [tilespmem:v37+s16+$0x0], $0xffff;
	v52 =	vmul.f32 v58, v11;
	v4 =	vadd.f32 v49, v4  }
0x2bf: {  	v41 =	vadd.s32 v3, v24;
	v18 =	vld.idx.msk [tilespmem:v33+s2+$0x0], $0xffff  }
0x2c0: {  	v53 =	vld.idx.msk [tilespmem:v42+s16+$0x0], $0xffff;
	v8 =	vadd.s32 v35, v41;
	v55 =	vmul.f32 v63, v17;
	v4 =	vadd.f32 v52, v4  }
0x2c1: {  	v59 =	vld.idx.msk [tilespmem:v48+s16+$0x0], $0xffff;
	v50 =	vadd.s32 v3, v43  }
0x2c2: {  	v57 =	vld.idx.msk [tilespmem:v45+s16+$0x0], $0xffff;
	v58 =	vmul.f32 v31, v30;
	v9 =	vadd.s32 v37, v50;
	v4 =	vadd.f32 v55, v4  }
0x2c3: {  	v39 =	vld.idx.msk [tilespmem:v22+s2+$0x0], $0xffff;
	v12 =	vadd.s32 v3, v47  }
0x2c4: {  	v60 =	vmul.f32 v36, v32;
	v61 =	vld [tilespmem:$0x4850];
	v12 =	vadd.s32 v42, v12;
	v4 =	vadd.f32 v58, v4  }
0x2c5: {  	v8 =	vld.idx.msk [tilespmem:v8+s2+$0x0], $0xffff;
	v11 =	vadd.s32 v3, v53  }
0x2c6: {  	v11 =	vadd.s32 v45, v11;
	v62 =	vld.idx.msk [tilespmem:v51+s16+$0x0], $0xffff;
	v63 =	vmul.f32 v38, v18;
	v4 =	vadd.f32 v60, v4  }
0x2c7: {  	v21 =	vadd.s32 v3, v57;
	v9 =	vld.idx.msk [tilespmem:v9+s2+$0x0], $0xffff  }
0x2c8: {  	v24 =	vld.idx.msk [tilespmem:v54+s16+$0x0], $0xffff;
	v15 =	vadd.s32 v48, v21;
	v25 =	vmul.f32 v44, v39;
	v4 =	vadd.f32 v63, v4  }
0x2c9: {  	v26 =	vadd.s32 v3, v59;
	v12 =	vld.idx.msk [tilespmem:v12+s2+$0x0], $0xffff  }
0x2ca: {  	v32 =	vld [tilespmem:$0x4950];
	v6 =	vadd.s32 v51, v26;
	v29 =	vmul.f32 v56, v8;
	v4 =	vadd.f32 v25, v4  }
0x2cb: {  	v30 =	vld.idx.msk [tilespmem:v11+s2+$0x0], $0xffff;
	v31 =	vadd.s32 v3, v62  }
0x2cc: {  	v35 =	vld [tilespmem:$0x49D0];
	v11 =	vadd.s32 v54, v31;
	v33 =	vmul.f32 v61, v9;
	v4 =	vadd.f32 v29, v4  }
0x2cd: {  	v3 =	vadd.s32 v3, v24;
	v34 =	vld.idx.msk [tilespmem:v15+s2+$0x0], $0xffff  }
0x2ce: {  	v37 =	vld [tilespmem:$0x4A50];
	v3 =	vadd.s32 v27, v3;
	v36 =	vmul.f32 v28, v12;
	v4 =	vadd.f32 v33, v4  }
0x2cf: {  	v6 =	vld.idx.msk [tilespmem:v6+s2+$0x0], $0xffff  }
0x2d0: {  	v40 =	vld [tilespmem:$0x4AD0];
	v38 =	vmul.f32 v32, v30;
	v4 =	vadd.f32 v36, v4  }
0x2d1: {  	v39 =	vld.idx.msk [tilespmem:v11+s2+$0x0], $0xffff  }
0x2d2: {  	v42 =	vld [tilespmem:$0x4B50];
	v41 =	vmul.f32 v35, v34;
	v4 =	vadd.f32 v38, v4  }
0x2d3: {  	v3 =	vld.idx.msk [tilespmem:v3+s2+$0x0], $0xffff  }
0x2d4: {  	v43 =	vmul.f32 v37, v6;
	v4 =	vadd.f32 v41, v4;
	_ =	sdelay $0x1  }
0x2d5: {  	v44 =	vmul.f32 v40, v39;
	v4 =	vadd.f32 v43, v4;
	_ =	sdelay $0x1  }
0x2d6: {  	v3 =	vmul.f32 v42, v3;
	v4 =	vadd.f32 v44, v4;
	_ =	sdelay $0x1  }
0x2d7: {  	v3 =	vadd.f32 v3, v4  }
0x2d8: {  	v47 =	vld [tilespmem:$0x2E60]  }
0x2d9: {  	v45 =	vld [tilespmem:$0x2DE0];
	[tilespmem:$0x4DD0] =	vst v3  }
0x2da: {  	v3 =	vld.msk [tilespmem:s12+$0x0], $0xffff  }
0x2db: {  	v46 =	vld.idx.msk [tilespmem:v1+s12+$0x0], $0xffff;
	_ =	sdelay $0x2  }
0x2dc: {  	v59 =	vld [tilespmem:$0x3060]  }
0x2dd: {  	v56 =	vld [tilespmem:$0x2FE0]  }
0x2de: {  	v52 =	vld [tilespmem:$0x2EE0];
	v3 =	vadd.f32 v45, v3;
	v48 =	vadd.f32 v47, v46  }
0x2df: {  	v54 =	vld [tilespmem:$0x2F60]  }
0x2e0: {  	v28 =	vld [tilespmem:$0x31E0];
	vm8 =	vge.f32 v3, v48  }
0x2e1: {  	v30 =	vld [tilespmem:$0x3260];
	vm0 =	vmneg vm8  }
0x2e2: {  	v61 =	vld [tilespmem:$0x30E0];
	v3 =	vsel vm0, $0x3, v0  }
0x2e3: {  	v63 =	vld [tilespmem:$0x3160];
	v49 =	vadd.s32 $0x2, v3  }
0x2e4: {  	v34 =	vld [tilespmem:$0x32E0];
	v50 =	vadd.s32 $0x3, v3  }
0x2e5: {  	v38 =	vld [tilespmem:$0x3360];
	v51 =	vor.u32 $0x4, v3  }
0x2e6: {  	v44 =	vld [tilespmem:$0x33E0];
	v53 =	vor.u32 $0x8, v3  }
0x2e7: {  	v47 =	vld [tilespmem:$0x3460];
	v55 =	vadd.s32 $0x9, v3  }
0x2e8: {  	v58 =	vsel vm0, $0x5, v0;
	v57 =	vadd.s32 $0xA, v3;
	v4 =	vld.idx.msk [tilespmem:v49+s12+$0x0], $0xffff  }
0x2e9: {  	v60 =	vadd.s32 $0xE, v58;
	v5 =	vld.idx.msk [tilespmem:v50+s12+$0x0], $0xffff  }
0x2ea: {  	v62 =	vadd.s32 $0xF, v58;
	v6 =	vld.idx.msk [tilespmem:v51+s12+$0x0], $0xffff  }
0x2eb: {  	v27 =	vor.u32 $0x10, v58;
	v8 =	vld.idx.msk [tilespmem:v53+s12+$0x0], $0xffff  }
0x2ec: {  	v29 =	vadd.s32 $0x11, v58;
	v10 =	vld.idx.msk [tilespmem:v55+s12+$0x0], $0xffff  }
0x2ed: {  	v33 =	vsel vm0, $0x2, v0;
	v31 =	vor.u32 $0x12, v58;
	v12 =	vld.idx.msk [tilespmem:v57+s12+$0x0], $0xffff  }
0x2ee: {  	v35 =	vor.u32 $0x18, v33;
	v15 =	vld.idx.msk [tilespmem:v60+s12+$0x0], $0xffff  }
0x2ef: {  	v39 =	vor.u32 $0x19, v33;
	v17 =	vld.idx.msk [tilespmem:v62+s12+$0x0], $0xffff  }
0x2f0: {  	v32 =	vld.idx.msk [tilespmem:v27+s12+$0x0], $0xffff  }
0x2f1: {  	v36 =	vsel vm0, $0x1D, v2;
	v21 =	vld.idx.msk [tilespmem:v29+s12+$0x0], $0xffff  }
0x2f2: {  	v41 =	vld.idx.msk [tilespmem:v31+s12+$0x0], $0xffff  }
0x2f3: {  	v46 =	vld.idx.msk [tilespmem:v35+s12+$0x0], $0xffff  }
0x2f4: {  	v49 =	vld.idx.msk [tilespmem:v39+s12+$0x0], $0xffff  }
0x2f5: {  	v51 =	vld [tilespmem:$0x34E0]  }
0x2f6: {  	v62 =	vld.idx.msk [tilespmem:v36+s12+$0x0], $0xffff  }
0x2f7: {  	v29 =	vld [tilespmem:$0x36E0]  }
0x2f8: {  	v35 =	vld [tilespmem:$0x4260]  }
0x2f9: {  	v43 =	vadd.f32 v61, v10;
	v61 =	vld [tilespmem:$0x3660]  }
0x2fa: {  	v7 =	vadd.f32 v34, v32;
	v32 =	vld [tilespmem:$0x3760]  }
0x2fb: {  	v34 =	vld [tilespmem:$0x41E0]  }
0x2fc: {  	v4 =	vadd.f32 v52, v4;
	v48 =	vadd.f32 v38, v21;
	v38 =	vld [tilespmem:$0x37E0]  }
0x2fd: {  	v42 =	vadd.f32 v59, v8;
	v8 =	vadd.f32 v44, v41;
	v41 =	vld [tilespmem:$0x42E0]  }
0x2fe: {  	v5 =	vadd.f32 v54, v5;
	v37 =	vadd.f32 v56, v6;
	v44 =	vld [tilespmem:$0x38E0]  }
0x2ff: {  	v56 =	vadd.f32 v47, v46;
	v6 =	vadd.f32 v51, v49;
	v47 =	vld [tilespmem:$0x43E0]  }
0x300: {  	v15 =	vadd.f32 v28, v15;
	v17 =	vadd.f32 v30, v17;
	v28 =	vld [tilespmem:$0x3B60];
	vm9 =	vgt.f32 v5, v4  }
0x301: {  	v12 =	vadd.f32 v63, v12;
	vm5 =	vgt.f32 v6, v56;
	v56 =	vld [tilespmem:$0x3AE0];
	v4 =	vsel vm9, v5, v4  }
0x302: {  	vm11 =	vgt.f32 v17, v15;
	vm12 =	vgt.f32 v43, v42;
	vm10 =	vgt.f32 v37, v4;
	v37 =	vld.idx.msk [tilespmem:v29+s16+$0x0], $0xffff  }
0x303: {  	v40 =	vsel vm9, $0x1, v0;
	v15 =	vsel vm11, v17, v15;
	v4 =	vsel vm12, v43, v42;
	v42 =	vld [tilespmem:$0x4360]  }
0x304: {  	v52 =	vsel vm11, $0x1, v0;
	vm13 =	vgt.f32 v7, v15;
	v45 =	vsel vm10, $0x2, v40;
	v40 =	vld [tilespmem:$0x3860]  }
0x305: {  	v50 =	vsel vm12, $0x1, v0;
	v53 =	vsel vm13, $0x2, v52;
	v52 =	vld [tilespmem:$0x4460]  }
0x306: {  	v7 =	vsel vm13, v7, v15;
	vm15 =	vgt.f32 v12, v4;
	v10 =	vadd.s32 v3, v45;
	v45 =	vld [tilespmem:$0x3960]  }
0x307: {  	vm14 =	vgt.f32 v48, v7;
	v54 =	vsel vm15, $0x2, v50;
	v50 =	vld [tilespmem:$0x3A60]  }
0x308: {  	v5 =	vsel vm14, v48, v7;
	v55 =	vadd.s32 $0x1E, v10;
	v3 =	vadd.s32 v3, v54;
	v48 =	vld [tilespmem:$0x39E0]  }
0x309: {  	v4 =	vsel vm14, $0x3, v53;
	v53 =	vld [tilespmem:$0x44E0];
	v3 =	vadd.s32 $0x24, v3  }
0x30a: {  	vm4 =	vgt.f32 v8, v5;
	v39 =	vld.idx.msk [tilespmem:v32+s16+$0x0], $0xffff  }
0x30b: {  	v49 =	vld.idx.msk [tilespmem:v44+s16+$0x0], $0xffff;
	v4 =	vsel vm4, $0x4, v4  }
0x30c: {  	v57 =	vadd.s32 v58, v4;
	v58 =	vld [tilespmem:$0x35E0]  }
0x30d: {  	v10 =	vmul.u32 $0x3, v10;
	v5 =	vld.idx.msk [tilespmem:v55+s12+$0x0], $0xffff  }
0x30e: {  	v60 =	vsel vm5, $0x1, v0;
	v63 =	vld.idx.msk [tilespmem:v3+s12+$0x0], $0xffff  }
0x30f: {  	v59 =	vadd.s32 v10, v54;
	v3 =	vor.u32 v60, v33;
	v33 =	vld.idx.msk [tilespmem:v61+s16+$0x0], $0xffff  }
0x310: {  	v6 =	vshll.u32 v59, $0x1;
	v11 =	vadd.s32 $0x2A, v57;
	v46 =	vld.idx.msk [tilespmem:v40+s16+$0x0], $0xffff  }
0x311: {  	v6 =	vor.u32 v60, v6;
	v60 =	vld [tilespmem:$0x45E0]  }
0x312: {  	v6 =	vmul.u32 $0x5, v6;
	v51 =	vld.idx.msk [tilespmem:v45+s16+$0x0], $0xffff  }
0x313: {  	v57 =	vld.idx.msk [tilespmem:v50+s16+$0x0], $0xffff  }
0x314: {  	v9 =	vor.u32 $0x34, v3;
	v3 =	vadd.s32 v4, v6;
	v55 =	vld.idx.msk [tilespmem:v48+s16+$0x0], $0xffff  }
0x315: {  	v3 =	vshll.u32 v3, $0x6;
	v7 =	vld.idx.msk [tilespmem:v11+s12+$0x0], $0xffff  }
0x316: {  	v14 =	vadd.s32 v3, v37;
	v37 =	vld.idx.msk [tilespmem:v28+s16+$0x0], $0xffff  }
0x317: {  	v43 =	vadd.s32 v3, v39;
	v24 =	vadd.s32 v3, v49;
	v39 =	vld [tilespmem:$0x3CE0]  }
0x318: {  	v21 =	vadd.s32 v45, v24;
	v24 =	vld.idx.msk [tilespmem:v56+s16+$0x0], $0xffff  }
0x319: {  	v31 =	vld.idx.msk [tilespmem:v58+s16+$0x0], $0xffff  }
0x31a: {  	v12 =	vadd.s32 v32, v14;
	v32 =	vld [tilespmem:$0x46E0]  }
0x31b: {  	v45 =	vld [tilespmem:$0x3DE0]  }
0x31c: {  	v30 =	vadd.s32 v58, v3;
	v58 =	vld [tilespmem:$0x4560]  }
0x31d: {  	v36 =	vadd.s32 v3, v33;
	v9 =	vld.idx.msk [tilespmem:v9+s12+$0x0], $0xffff  }
0x31e: {  	v4 =	vadd.s32 v29, v36;
	v54 =	vadd.s32 v3, v51;
	v36 =	vld [tilespmem:$0x3C60];
	v11 =	vadd.s32 v31, v3  }
0x31f: {  	v5 =	vadd.f32 v5, v62;
	v18 =	vadd.s32 v48, v54;
	v48 =	vld [tilespmem:$0x3E60];
	v8 =	vadd.s32 v61, v11  }
0x320: {  	v25 =	vadd.s32 v3, v55;
	v55 =	vld [tilespmem:$0x4860]  }
0x321: {  	v5 =	vadd.f32 v63, v5;
	v11 =	vld.idx.msk [tilespmem:v38+s16+$0x0], $0xffff  }
0x322: {  	v22 =	vadd.s32 v3, v46;
	v63 =	vadd.s32 v3, v57;
	v6 =	vld.idx.msk [tilespmem:v30+s2+$0x0], $0xffff  }
0x323: {  	v17 =	vadd.s32 v44, v22;
	v22 =	vadd.s32 v56, v63;
	v63 =	vld [tilespmem:$0x48E0];
	v5 =	vadd.f32 v7, v5  }
0x324: {  	v8 =	vld.idx.msk [tilespmem:v8+s2+$0x0], $0xffff  }
0x325: {  	v14 =	vadd.s32 v38, v43;
	v30 =	vld [tilespmem:$0x4660];
	v5 =	vadd.f32 v9, v5  }
0x326: {  	v62 =	vadd.s32 v50, v25;
	v4 =	vld.idx.msk [tilespmem:v4+s2+$0x0], $0xffff;
	v11 =	vadd.s32 v3, v11  }
0x327: {  	v50 =	vld [tilespmem:$0x47E0];
	v5 =	vmul.f32 v34, v5;
	v6 =	vmul.f32 v35, v6;
	v11 =	vadd.s32 v40, v11  }
0x328: {  	v12 =	vld.idx.msk [tilespmem:v12+s2+$0x0], $0xffff  }
0x329: {  	v31 =	vld [tilespmem:$0x3BE0];
	v5 =	vadd.f32 v6, v5;
	v34 =	vmul.f32 v41, v8  }
0x32a: {  	v14 =	vld.idx.msk [tilespmem:v14+s2+$0x0], $0xffff  }
0x32b: {  	v59 =	vld.idx.msk [tilespmem:v21+s2+$0x0], $0xffff;
	v4 =	vmul.f32 v42, v4;
	v5 =	vadd.f32 v34, v5  }
0x32c: {  	v11 =	vld.idx.msk [tilespmem:v11+s2+$0x0], $0xffff  }
0x32d: {  	v17 =	vld.idx.msk [tilespmem:v17+s2+$0x0], $0xffff;
	v40 =	vmul.f32 v47, v12;
	v4 =	vadd.f32 v4, v5  }
0x32e: {  	v38 =	vld [tilespmem:$0x4760]  }
0x32f: {  	v43 =	vmul.f32 v52, v14;
	v42 =	vld [tilespmem:$0x3D60];
	v4 =	vadd.f32 v40, v4  }
0x330: {  	v51 =	vld.idx.msk [tilespmem:v39+s16+$0x0], $0xffff  }
0x331: {  	v41 =	vld.idx.msk [tilespmem:v31+s16+$0x0], $0xffff;
	v46 =	vmul.f32 v53, v11;
	v4 =	vadd.f32 v43, v4  }
0x332: {  	v61 =	vld.idx.msk [tilespmem:v18+s2+$0x0], $0xffff;
	v35 =	vadd.s32 v3, v24  }
0x333: {  	v49 =	vmul.f32 v58, v17;
	v47 =	vld.idx.msk [tilespmem:v36+s16+$0x0], $0xffff;
	v8 =	vadd.s32 v28, v35;
	v4 =	vadd.f32 v46, v4  }
0x334: {  	v44 =	vadd.s32 v3, v37;
	v18 =	vld.idx.msk [tilespmem:v62+s2+$0x0], $0xffff  }
0x335: {  	v33 =	vld.idx.msk [tilespmem:v22+s2+$0x0], $0xffff;
	v52 =	vmul.f32 v60, v59;
	v9 =	vadd.s32 v31, v44;
	v4 =	vadd.f32 v49, v4  }
0x336: {  	v56 =	vld.idx.msk [tilespmem:v45+s16+$0x0], $0xffff;
	v12 =	vadd.s32 v3, v41  }
0x337: {  	v54 =	vmul.f32 v30, v61;
	v12 =	vadd.s32 v36, v12;
	v53 =	vld.idx.msk [tilespmem:v42+s16+$0x0], $0xffff;
	v4 =	vadd.f32 v52, v4  }
0x338: {  	v8 =	vld.idx.msk [tilespmem:v8+s2+$0x0], $0xffff;
	v11 =	vadd.s32 v3, v47  }
0x339: {  	v62 =	vld [tilespmem:$0x3EE0];
	v57 =	vmul.f32 v32, v18;
	v11 =	vadd.s32 v39, v11;
	v4 =	vadd.f32 v54, v4  }
0x33a: {  	v58 =	vadd.s32 v3, v51;
	v9 =	vld.idx.msk [tilespmem:v9+s2+$0x0], $0xffff  }
0x33b: {  	v59 =	vld.idx.msk [tilespmem:v48+s16+$0x0], $0xffff;
	v60 =	vmul.f32 v38, v33;
	v15 =	vadd.s32 v42, v58;
	v4 =	vadd.f32 v57, v4  }
0x33c: {  	v12 =	vld.idx.msk [tilespmem:v12+s2+$0x0], $0xffff;
	v61 =	vadd.s32 v3, v53  }
0x33d: {  	v21 =	vld [tilespmem:$0x4960];
	v17 =	vmul.f32 v50, v8;
	v6 =	vadd.s32 v45, v61;
	v4 =	vadd.f32 v60, v4  }
0x33e: {  	v20 =	vadd.s32 v3, v56;
	v19 =	vld.idx.msk [tilespmem:v11+s2+$0x0], $0xffff  }
0x33f: {  	v24 =	vld [tilespmem:$0x49E0];
	v22 =	vmul.f32 v55, v9;
	v11 =	vadd.s32 v48, v20;
	v4 =	vadd.f32 v17, v4  }
0x340: {  	v23 =	vld.idx.msk [tilespmem:v15+s2+$0x0], $0xffff;
	v3 =	vadd.s32 v3, v59  }
0x341: {  	v26 =	vld [tilespmem:$0x4A60];
	v3 =	vadd.s32 v62, v3;
	v25 =	vmul.f32 v63, v12;
	v4 =	vadd.f32 v22, v4  }
0x342: {  	v6 =	vld.idx.msk [tilespmem:v6+s2+$0x0], $0xffff  }
0x343: {  	v29 =	vld [tilespmem:$0x4AE0];
	v27 =	vmul.f32 v21, v19;
	v4 =	vadd.f32 v25, v4  }
0x344: {  	v28 =	vld.idx.msk [tilespmem:v11+s2+$0x0], $0xffff  }
0x345: {  	v31 =	vld [tilespmem:$0x4B60];
	v30 =	vmul.f32 v24, v23;
	v4 =	vadd.f32 v27, v4  }
0x346: {  	v3 =	vld.idx.msk [tilespmem:v3+s2+$0x0], $0xffff  }
0x347: {  	v32 =	vmul.f32 v26, v6;
	v4 =	vadd.f32 v30, v4;
	_ =	sdelay $0x1  }
0x348: {  	v33 =	vmul.f32 v29, v28;
	v4 =	vadd.f32 v32, v4;
	_ =	sdelay $0x1  }
0x349: {  	v3 =	vmul.f32 v31, v3;
	v4 =	vadd.f32 v33, v4;
	_ =	sdelay $0x1  }
0x34a: {  	v3 =	vadd.f32 v3, v4  }
0x34b: {  	v34 =	vld [tilespmem:$0x2DF0]  }
0x34c: {  	v36 =	vld [tilespmem:$0x2E70];
	[tilespmem:$0x4DE0] =	vst v3  }
0x34d: {  	v3 =	vld.msk [tilespmem:s12+$0x0], $0xffff  }
0x34e: {  	v35 =	vld.idx.msk [tilespmem:v1+s12+$0x0], $0xffff;
	_ =	sdelay $0x2  }
0x34f: {  	v56 =	vld [tilespmem:$0x3270]  }
0x350: {  	v41 =	vld [tilespmem:$0x2EF0]  }
0x351: {  	v43 =	vld [tilespmem:$0x2F70];
	v3 =	vadd.f32 v34, v3;
	v37 =	vadd.f32 v36, v35  }
0x352: {  	v50 =	vld [tilespmem:$0x30F0]  }
0x353: {  	v45 =	vld [tilespmem:$0x2FF0];
	vm6 =	vge.f32 v3, v37  }
0x354: {  	v48 =	vld [tilespmem:$0x3070];
	vm0 =	vmneg vm6  }
0x355: {  	v52 =	vld [tilespmem:$0x3170];
	v3 =	vsel vm0, $0x3, v0  }
0x356: {  	v54 =	vld [tilespmem:$0x31F0];
	v38 =	vadd.s32 $0x2, v3  }
0x357: {  	v63 =	vld [tilespmem:$0x3370];
	v39 =	vadd.s32 $0x3, v3  }
0x358: {  	v60 =	vld [tilespmem:$0x32F0];
	v40 =	vor.u32 $0x4, v3  }
0x359: {  	v31 =	vld [tilespmem:$0x33F0];
	v42 =	vor.u32 $0x8, v3  }
0x35a: {  	v35 =	vld [tilespmem:$0x3470];
	v44 =	vadd.s32 $0x9, v3  }
0x35b: {  	v47 =	vsel vm0, $0x5, v0;
	v46 =	vadd.s32 $0xA, v3;
	v4 =	vld.idx.msk [tilespmem:v38+s12+$0x0], $0xffff  }
0x35c: {  	v49 =	vadd.s32 $0xE, v47;
	v5 =	vld.idx.msk [tilespmem:v39+s12+$0x0], $0xffff  }
0x35d: {  	v51 =	vadd.s32 $0xF, v47;
	v6 =	vld.idx.msk [tilespmem:v40+s12+$0x0], $0xffff  }
0x35e: {  	v53 =	vor.u32 $0x10, v47;
	v8 =	vld.idx.msk [tilespmem:v42+s12+$0x0], $0xffff  }
0x35f: {  	v55 =	vadd.s32 $0x11, v47;
	v10 =	vld.idx.msk [tilespmem:v44+s12+$0x0], $0xffff  }
0x360: {  	v59 =	vsel vm0, $0x2, v0;
	v57 =	vor.u32 $0x12, v47;
	v12 =	vld.idx.msk [tilespmem:v46+s12+$0x0], $0xffff  }
0x361: {  	v61 =	vor.u32 $0x18, v59;
	v15 =	vld.idx.msk [tilespmem:v49+s12+$0x0], $0xffff  }
0x362: {  	v25 =	vor.u32 $0x19, v59;
	v17 =	vld.idx.msk [tilespmem:v51+s12+$0x0], $0xffff  }
0x363: {  	v58 =	vld.idx.msk [tilespmem:v53+s12+$0x0], $0xffff  }
0x364: {  	v62 =	vld.idx.msk [tilespmem:v55+s12+$0x0], $0xffff  }
0x365: {  	v28 =	vld.idx.msk [tilespmem:v57+s12+$0x0], $0xffff  }
0x366: {  	v33 =	vld.idx.msk [tilespmem:v61+s12+$0x0], $0xffff  }
0x367: {  	v37 =	vld.idx.msk [tilespmem:v25+s12+$0x0], $0xffff  }
0x368: {  	v29 =	vsel vm0, $0x1D, v2;
	v39 =	vld [tilespmem:$0x34F0]  }
0x369: {  	v53 =	vld [tilespmem:$0x3770]  }
0x36a: {  	v55 =	vld [tilespmem:$0x41F0]  }
0x36b: {  	v61 =	vld [tilespmem:$0x3870]  }
0x36c: {  	v6 =	vadd.f32 v45, v6;
	v45 =	vld [tilespmem:$0x35F0]  }
0x36d: {  	v8 =	vadd.f32 v48, v8;
	v48 =	vld.idx.msk [tilespmem:v29+s12+$0x0], $0xffff  }
0x36e: {  	v10 =	vadd.f32 v50, v10;
	v50 =	vld [tilespmem:$0x36F0]  }
0x36f: {  	v27 =	vadd.f32 v56, v17;
	v56 =	vld [tilespmem:$0x4270]  }
0x370: {  	v11 =	vadd.f32 v63, v62;
	v62 =	vld [tilespmem:$0x42F0]  }
0x371: {  	v4 =	vadd.f32 v41, v4;
	v5 =	vadd.f32 v43, v5;
	v63 =	vld [tilespmem:$0x4370]  }
0x372: {  	v7 =	vadd.f32 v35, v33;
	v35 =	vld [tilespmem:$0x39F0]  }
0x373: {  	v32 =	vadd.f32 v60, v58;
	vm7 =	vgt.f32 v5, v4;
	v60 =	vld.idx.msk [tilespmem:v53+s16+$0x0], $0xffff  }
0x374: {  	v26 =	vadd.f32 v54, v15;
	v4 =	vsel vm7, v5, v4;
	v33 =	vld.idx.msk [tilespmem:v61+s16+$0x0], $0xffff  }
0x375: {  	v12 =	vadd.f32 v52, v12;
	vm8 =	vgt.f32 v6, v4;
	v4 =	vadd.f32 v31, v28;
	v31 =	vld [tilespmem:$0x38F0]  }
0x376: {  	vm9 =	vgt.f32 v10, v8;
	vm10 =	vgt.f32 v27, v26;
	v6 =	vadd.f32 v39, v37;
	v37 =	vld [tilespmem:$0x3A70]  }
0x377: {  	v30 =	vsel vm7, $0x1, v0;
	v8 =	vsel vm9, v10, v8;
	v5 =	vsel vm10, v27, v26;
	v39 =	vld [tilespmem:$0x4470]  }
0x378: {  	v36 =	vsel vm9, $0x1, v0;
	v40 =	vsel vm10, $0x1, v0;
	vm11 =	vgt.f32 v32, v5;
	v28 =	vld [tilespmem:$0x3DF0]  }
0x379: {  	vm13 =	vgt.f32 v12, v8;
	v34 =	vsel vm8, $0x2, v30;
	v5 =	vsel vm11, v32, v5;
	v32 =	vld [tilespmem:$0x3970]  }
0x37a: {  	v41 =	vsel vm11, $0x2, v40;
	v8 =	vsel vm13, $0x2, v36;
	v40 =	vld [tilespmem:$0x44F0];
	v38 =	vadd.s32 v3, v34  }
0x37b: {  	vm12 =	vgt.f32 v11, v5;
	v3 =	vadd.s32 v3, v8;
	v34 =	vld [tilespmem:$0x43F0];
	v43 =	vadd.s32 $0x1E, v38  }
0x37c: {  	v5 =	vsel vm12, v11, v5;
	v3 =	vadd.s32 $0x24, v3;
	v52 =	vld.idx.msk [tilespmem:v45+s16+$0x0], $0xffff  }
0x37d: {  	v42 =	vsel vm12, $0x3, v41;
	vm14 =	vgt.f32 v4, v5;
	v58 =	vld.idx.msk [tilespmem:v50+s16+$0x0], $0xffff  }
0x37e: {  	v5 =	vsel vm14, $0x4, v42;
	v42 =	vld.idx.msk [tilespmem:v35+s16+$0x0], $0xffff  }
0x37f: {  	v44 =	vmul.u32 $0x3, v38;
	v11 =	vadd.s32 v47, v5;
	v47 =	vld [tilespmem:$0x3670]  }
0x380: {  	vm15 =	vgt.f32 v6, v7;
	v4 =	vld.idx.msk [tilespmem:v43+s12+$0x0], $0xffff  }
0x381: {  	v7 =	vsel vm15, $0x1, v0;
	v46 =	vadd.s32 v44, v8;
	v49 =	vld.idx.msk [tilespmem:v3+s12+$0x0], $0xffff  }
0x382: {  	v6 =	vshll.u32 v46, $0x1;
	v11 =	vadd.s32 $0x2A, v11;
	v3 =	vor.u32 v7, v59;
	v59 =	vld [tilespmem:$0x37F0]  }
0x383: {  	v6 =	vor.u32 v7, v6;
	v36 =	vld.idx.msk [tilespmem:v31+s16+$0x0], $0xffff  }
0x384: {  	v6 =	vmul.u32 $0x5, v6;
	v43 =	vld [tilespmem:$0x3AF0]  }
0x385: {  	v44 =	vld.idx.msk [tilespmem:v37+s16+$0x0], $0xffff  }
0x386: {  	v9 =	vor.u32 $0x34, v3;
	v38 =	vld.idx.msk [tilespmem:v32+s16+$0x0], $0xffff;
	v3 =	vadd.s32 v5, v6  }
0x387: {  	v3 =	vshll.u32 v3, $0x6;
	v7 =	vld.idx.msk [tilespmem:v11+s12+$0x0], $0xffff  }
0x388: {  	v51 =	vadd.s32 v45, v3;
	v45 =	vld [tilespmem:$0x4570]  }
0x389: {  	v11 =	vadd.s32 v52, v3;
	v52 =	vld [tilespmem:$0x4670]  }
0x38a: {  	v14 =	vadd.s32 v3, v58;
	v58 =	vld [tilespmem:$0x3C70]  }
0x38b: {  	v30 =	vadd.s32 v3, v60;
	v60 =	vld [tilespmem:$0x4770]  }
0x38c: {  	v12 =	vadd.s32 v53, v14;
	v53 =	vld [tilespmem:$0x3BF0]  }
0x38d: {  	v54 =	vld.idx.msk [tilespmem:v47+s16+$0x0], $0xffff  }
0x38e: {  	v9 =	vld.idx.msk [tilespmem:v9+s12+$0x0], $0xffff  }
0x38f: {  	v8 =	vadd.s32 v47, v11;
	v24 =	vadd.s32 v3, v36;
	v47 =	vld [tilespmem:$0x45F0]  }
0x390: {  	v21 =	vadd.s32 v32, v24;
	v32 =	vld [tilespmem:$0x3E70]  }
0x391: {  	v11 =	vld.idx.msk [tilespmem:v59+s16+$0x0], $0xffff  }
0x392: {  	v22 =	vadd.s32 v3, v33;
	v14 =	vadd.s32 v59, v30;
	v4 =	vadd.f32 v4, v48;
	v24 =	vld.idx.msk [tilespmem:v43+s16+$0x0], $0xffff  }
0x393: {  	v17 =	vadd.s32 v31, v22;
	v6 =	vld.idx.msk [tilespmem:v51+s2+$0x0], $0xffff;
	v57 =	vadd.s32 v3, v54  }
0x394: {  	v4 =	vadd.f32 v49, v4;
	v51 =	vld [tilespmem:$0x3B70];
	v5 =	vadd.s32 v50, v57  }
0x395: {  	v8 =	vld.idx.msk [tilespmem:v8+s2+$0x0], $0xffff  }
0x396: {  	v41 =	vadd.s32 v3, v38;
	v4 =	vadd.f32 v7, v4;
	v12 =	vld.idx.msk [tilespmem:v12+s2+$0x0], $0xffff  }
0x397: {  	v25 =	vadd.s32 v3, v42;
	v18 =	vadd.s32 v35, v41;
	v14 =	vld.idx.msk [tilespmem:v14+s2+$0x0], $0xffff  }
0x398: {  	v49 =	vadd.s32 v37, v25;
	v17 =	vld.idx.msk [tilespmem:v17+s2+$0x0], $0xffff;
	v4 =	vadd.f32 v9, v4  }
0x399: {  	v11 =	vadd.s32 v3, v11;
	v5 =	vld.idx.msk [tilespmem:v5+s2+$0x0], $0xffff  }
0x39a: {  	v46 =	vld.idx.msk [tilespmem:v21+s2+$0x0], $0xffff;
	v4 =	vmul.f32 v55, v4;
	v11 =	vadd.s32 v61, v11;
	v6 =	vmul.f32 v56, v6  }
0x39b: {  	v54 =	vld [tilespmem:$0x46F0]  }
0x39c: {  	v48 =	vld.idx.msk [tilespmem:v18+s2+$0x0], $0xffff;
	v56 =	vmul.f32 v62, v8;
	v4 =	vadd.f32 v6, v4  }
0x39d: {  	v18 =	vld.idx.msk [tilespmem:v49+s2+$0x0], $0xffff  }
0x39e: {  	v31 =	vld.idx.msk [tilespmem:v58+s16+$0x0], $0xffff;
	v4 =	vadd.f32 v56, v4;
	v5 =	vmul.f32 v63, v5  }
0x39f: {  	v11 =	vld.idx.msk [tilespmem:v11+s2+$0x0], $0xffff  }
0x3a0: {  	v61 =	vld [tilespmem:$0x3CF0];
	v62 =	vmul.f32 v34, v12;
	v4 =	vadd.f32 v5, v4  }
0x3a1: {  	v57 =	vadd.s32 v3, v24;
	v24 =	vld [tilespmem:$0x3D70]  }
0x3a2: {  	v50 =	vadd.s32 v3, v44;
	v25 =	vmul.f32 v39, v14;
	v59 =	vld.idx.msk [tilespmem:v51+s16+$0x0], $0xffff;
	v4 =	vadd.f32 v62, v4  }
0x3a3: {  	v22 =	vadd.s32 v43, v50;
	v43 =	vld.idx.msk [tilespmem:v32+s16+$0x0], $0xffff  }
0x3a4: {  	v63 =	vld.idx.msk [tilespmem:v53+s16+$0x0], $0xffff;
	v30 =	vmul.f32 v40, v11;
	v4 =	vadd.f32 v25, v4  }
0x3a5: {  	v34 =	vld [tilespmem:$0x47F0]  }
0x3a6: {  	v8 =	vadd.s32 v51, v57;
	v33 =	vmul.f32 v45, v17;
	v39 =	vld [tilespmem:$0x4870];
	v4 =	vadd.f32 v30, v4  }
0x3a7: {  	v36 =	vmul.f32 v47, v46;
	v46 =	vld [tilespmem:$0x3EF0];
	v26 =	vadd.s32 v3, v59  }
0x3a8: {  	v35 =	vld.idx.msk [tilespmem:v61+s16+$0x0], $0xffff;
	v9 =	vadd.s32 v53, v26;
	v4 =	vadd.f32 v33, v4  }
0x3a9: {  	v55 =	vld.idx.msk [tilespmem:v22+s2+$0x0], $0xffff;
	v12 =	vadd.s32 v3, v63  }
0x3aa: {  	v38 =	vmul.f32 v52, v48;
	v37 =	vld.idx.msk [tilespmem:v24+s16+$0x0], $0xffff;
	v12 =	vadd.s32 v58, v12;
	v4 =	vadd.f32 v36, v4  }
0x3ab: {  	v8 =	vld.idx.msk [tilespmem:v8+s2+$0x0], $0xffff;
	v11 =	vadd.s32 v3, v31  }
0x3ac: {  	v41 =	vmul.f32 v54, v18;
	v40 =	vld.idx.msk [tilespmem:v28+s16+$0x0], $0xffff;
	v11 =	vadd.s32 v61, v11;
	v4 =	vadd.f32 v38, v4  }
0x3ad: {  	v42 =	vadd.s32 v3, v35;
	v9 =	vld.idx.msk [tilespmem:v9+s2+$0x0], $0xffff  }
0x3ae: {  	v47 =	vld [tilespmem:$0x48F0];
	v44 =	vmul.f32 v60, v55;
	v15 =	vadd.s32 v24, v42;
	v4 =	vadd.f32 v41, v4  }
0x3af: {  	v45 =	vadd.s32 v3, v37;
	v12 =	vld.idx.msk [tilespmem:v12+s2+$0x0], $0xffff  }
0x3b0: {  	v51 =	vld [tilespmem:$0x4970];
	v48 =	vmul.f32 v34, v8;
	v6 =	vadd.s32 v28, v45;
	v4 =	vadd.f32 v44, v4  }
0x3b1: {  	v50 =	vadd.s32 v3, v40;
	v49 =	vld.idx.msk [tilespmem:v11+s2+$0x0], $0xffff  }
0x3b2: {  	v54 =	vld [tilespmem:$0x49F0];
	v11 =	vadd.s32 v32, v50;
	v52 =	vmul.f32 v39, v9;
	v4 =	vadd.f32 v48, v4  }
0x3b3: {  	v3 =	vadd.s32 v3, v43;
	v53 =	vld.idx.msk [tilespmem:v15+s2+$0x0], $0xffff  }
0x3b4: {  	v56 =	vld [tilespmem:$0x4A70];
	v3 =	vadd.s32 v46, v3;
	v55 =	vmul.f32 v47, v12;
	v4 =	vadd.f32 v52, v4  }
0x3b5: {  	v6 =	vld.idx.msk [tilespmem:v6+s2+$0x0], $0xffff  }
0x3b6: {  	v59 =	vld [tilespmem:$0x4AF0];
	v57 =	vmul.f32 v51, v49;
	v4 =	vadd.f32 v55, v4  }
0x3b7: {  	v58 =	vld.idx.msk [tilespmem:v11+s2+$0x0], $0xffff  }
0x3b8: {  	v61 =	vld [tilespmem:$0x4B70];
	v60 =	vmul.f32 v54, v53;
	v4 =	vadd.f32 v57, v4  }
0x3b9: {  	v3 =	vld.idx.msk [tilespmem:v3+s2+$0x0], $0xffff  }
0x3ba: {  	v62 =	vmul.f32 v56, v6;
	v4 =	vadd.f32 v60, v4;
	_ =	sdelay $0x1  }
0x3bb: {  	v63 =	vmul.f32 v59, v58;
	v4 =	vadd.f32 v62, v4;
	_ =	sdelay $0x1  }
0x3bc: {  	v3 =	vmul.f32 v61, v3;
	v4 =	vadd.f32 v63, v4;
	_ =	sdelay $0x1  }
0x3bd: {  	v3 =	vadd.f32 v3, v4  }
0x3be: {  	p0 =	sne.s32 s10, $0x1  }
.Ltmp0:
0x3bf: {  	[tilespmem:$0x4DF0] =	vst v3;
	(pc) =	sbr.rel @p0 .LBB2_1-.Ltmp0, $4  }
0x3c0: {  	[hbm4b:s9+s2] =	stream.linear.scatter [tilespmem:s17], [sflag:$0x1], $0x80, $0x38;
	[tilespmem:$0x4E80] =	vst v63  }
0x3c1: {  	_ =	swait.ge [sflag:s11], $0x80  }
0x3c2: {  	[sflag:s11] =	ssyncset.done $0x0  }
0x3c3: {  	s10 =	sadd.s32 $0xFFFFFFFF, s10;
	[sflag:s11] =	ssyncadd.s32 $0xFFFFFF80  }
0x3c4: {  	_ =	sfence.sel $0x180000  }
0x3c5: {  	[bflag:$0x0] =	sbarrier.arrive $0xFFFF  }
0x3c6: {  	p0 =	sne.s32 s1, $0x0;
	_ =	strace $0x90000047  }
0x3c7: {  	s0 =	sadd.s32 @!p0 $0x100000, s0;
	[bflag:$0x2] =	sbarrier.arrive $0xFFFF  }
0x3c8: {  	[sflag:s0] =	ssyncadd.tile.s32 @!p0 $0x1;
	_ =	shalt  }
.Lfunc_end2:
_tile_overlayer_lowered:
.L_overlay_start_2:
0x3c9: {  	(tag) =	ssettag $0x2  }
0x3ca: {  	s0 =	rddreg [dreg:$0x0];
	s2 =	stileid.u32  }
0x3cb: {  	s1 =	rddreg [dreg:$0x1];
	p0 =	sne.s32 s2, $0x0  }
0x3cc: {  	s3 =	rddreg [dreg:$0x2];
	[bflag:$0x3] =	sbarrier.arrive $0xFFFF;
	s2 =	simm.s32 @!p0 $0x1C01  }
0x3cd: {  	[timem:s3], [sflag:s2] =	dma.local @!p0 [hbm:s0], s1  }
0x3ce: {  	s0 =	simm.s32 @!p0 $0x1  }
0x3cf: {  	_ =	swait.ge @!p0 [sflag:s0], s1  }
0x3d0: {  	s1 =	ssub.s32 @!p0 $0x0, s1;
	[sflag:s0] =	ssyncset.done @!p0 $0x0  }
0x3d1: {  	[sflag:s0] =	ssyncadd.s32 @!p0 s1  }
0x3d2: {  	[bflag:$0x3] =	sbarrier.arrive $0xFFFF  }
0x3d3: {  	_ =	shalt  }

</sc_bundles>
